<compile_context>
chip_gen: v7x
topology: tpu7x:2x2x1
jax: 0.10.2.dev20260603
libtpu: 0.0.44.dev20260713+nightly
codegen_flags: <defaults>
</compile_context>

<pallas_src>
import functools

import jax
import jax.numpy as jnp
from jax import lax
from jax.experimental import pallas as pl
from jax.experimental.pallas import tpu as pltpu
from jax.experimental.pallas import tpu_sc as plsc

N = 10000
E = 320000
NC = 2
NS = 16
NW = NC * NS
EPW = E // NW
NP = 10112
RPS = NP // NS



def _tc_in_body(x_ref, wm_ref, wd_ref, om_ref, od_ref):
    x = x_ref[...]
    om_ref[...] = jnp.dot(x, wm_ref[...], preferred_element_type=jnp.float32)
    od_ref[...] = jnp.dot(x, wd_ref[...], preferred_element_type=jnp.float32)


def _tc_in(x, w_main, w_ad):
    return pl.pallas_call(
        _tc_in_body,
        out_shape=[
            jax.ShapeDtypeStruct((N, w_main.shape[1]), jnp.float32),
            jax.ShapeDtypeStruct((N, 16), jnp.float32),
        ],
    )(x, w_main, w_ad)


def _tc_mid_body(fp, acc_ref, r_ref, b_ref, wm_ref, wd_ref, om_ref, od_ref):
    a = acc_ref[0, :N] + acc_ref[1, :N]
    num = a[:, :fp]
    sv = a[:, fp:fp + 16]
    den = jnp.dot(sv, r_ref[...], preferred_element_type=jnp.float32)
    h = num / (den + 1e-16) + b_ref[...]
    h = jnp.maximum(h, 0.0)
    om_ref[...] = jnp.dot(h, wm_ref[...], preferred_element_type=jnp.float32)
    od_ref[...] = jnp.dot(h, wd_ref[...], preferred_element_type=jnp.float32)


def _tc_mid(acc, r_mat, b, w_main, w_ad, fp):
    return pl.pallas_call(
        functools.partial(_tc_mid_body, fp),
        out_shape=[
            jax.ShapeDtypeStruct((N, w_main.shape[1]), jnp.float32),
            jax.ShapeDtypeStruct((N, 16), jnp.float32),
        ],
    )(acc, r_mat, b[None, :], w_main, w_ad)


def _tc_out_body(acc_ref, b_ref, o_ref):
    a = acc_ref[0, :N] + acc_ref[1, :N]
    o_ref[...] = a[:, 0:1] / (a[:, 16:17] + 1e-16) + b_ref[...]


def _tc_out(acc, b3):
    return pl.pallas_call(
        _tc_out_body,
        out_shape=jax.ShapeDtypeStruct((N, 1), jnp.float32),
    )(acc, b3[None, :])



def _lane_gather(x, idx):
    dnums = lax.GatherDimensionNumbers(
        offset_dims=(), collapsed_slice_dims=(0,), start_index_map=(0,))
    return lax.gather(x, idx[:, None], dnums, slice_sizes=(1,),
                      mode=lax.GatherScatterMode.PROMISE_IN_BOUNDS)


@functools.lru_cache(maxsize=None)
def _make_sc_edge(fp, c_log2, g, amsg):
    t = fp + 16
    w_out = fp + 16
    nchunk = EPW // g
    assert nchunk % 2 == 0
    npairs = nchunk // 2
    mesh = plsc.VectorSubcoreMesh(core_axis_name="c", subcore_axis_name="s")

    scratch = [
        pltpu.VMEM((nchunk, g), jnp.int32),
        pltpu.VMEM((nchunk, g), jnp.int32),
        pltpu.VMEM((g, t), jnp.float32),
        pltpu.VMEM((g, t), jnp.float32),
        pltpu.VMEM((g, 16), jnp.float32),
        pltpu.VMEM((g, 16), jnp.float32),
    ]
    scratch += [pltpu.VMEM((g, w_out), jnp.float32)] * (2 if amsg else 1)
    scratch += [pltpu.VMEM_SHARED((NP, w_out), jnp.float32)]
    scratch += [pltpu.SemaphoreType.DMA] * (6 if amsg else 4)

    @functools.partial(
        pl.kernel,
        mesh=mesh,
        compiler_params=pltpu.CompilerParams(use_tc_tiling_on_sc=False),
        out_type=jax.ShapeDtypeStruct((NC, NP, w_out), jnp.float32),
        scratch_types=scratch,
    )
    def sc_edge(src_hbm, dst_hbm, hs_hbm, ad_hbm, z_hbm, out_hbm, *sc):
        if amsg:
            (isa, ida, hs0, hs1, ad0, ad1, msg0, msg1, acc_sh,
             sh0, sh1, sa0, sa1, sm0, sm1) = sc
            msgs, sms = (msg0, msg1), (sm0, sm1)
        else:
            (isa, ida, hs0, hs1, ad0, ad1, msg0, acc_sh,
             sh0, sh1, sa0, sa1) = sc
            msgs, sms = (msg0, msg0), (None, None)
        cid = lax.axis_index("c")
        sid = lax.axis_index("s")
        w = sid * NC + cid
        pltpu.sync_copy(z_hbm, acc_sh.at[pl.ds(sid * RPS, RPS)])
        pltpu.sync_copy(src_hbm.at[w], isa)
        pltpu.sync_copy(dst_hbm.at[w], ida)
        plsc.subcore_barrier()

        bufs = ((hs0, ad0, sh0, sa0), (hs1, ad1, sh1, sa1))

        def issue(b, gi):
            h_v, a_v, s_h, s_a = bufs[b]
            pltpu.async_copy(hs_hbm.at[isa.at[gi]], h_v, s_h)
            pltpu.async_copy(ad_hbm.at[ida.at[gi]], a_v, s_a)

        def wait(b, gi):
            h_v, a_v, s_h, s_a = bufs[b]
            pltpu.make_async_copy(hs_hbm.at[isa.at[gi]], h_v, s_h).wait()
            pltpu.make_async_copy(ad_hbm.at[ida.at[gi]], a_v, s_a).wait()

        def compute_scatter(b, gi, p):
            h_v, a_v, s_h, s_a = bufs[b]
            msg_v = msgs[b]

            if amsg:
                @pl.when(p > 0)
                def _():
                    pltpu.make_async_copy(
                        msg_v, acc_sh.at[ida.at[gi]], sms[b]).wait()

            @plsc.parallel_loop(0, g, 1, unroll=8)
            def edge_body(e):
                asv = h_v[e, pl.ds(fp, 16)]
                adv = a_v[e, :]
                z = asv + adv
                z = jnp.where(z >= 0.0, z, 0.2 * z)
                wv = jnp.exp(z)
                msg_v[e, pl.ds(fp, 16)] = wv
                for k in range(fp // 16):
                    if c_log2 == 0:
                        wk = wv
                    else:
                        idxk = lax.shift_right_logical(
                            lax.iota(jnp.int32, 16) + 16 * k, c_log2)
                        wk = _lane_gather(wv, idxk)
                    msg_v[e, pl.ds(16 * k, 16)] = (
                        h_v[e, pl.ds(16 * k, 16)] * wk)

            if amsg:
                pltpu.async_copy(msg_v, acc_sh.at[ida.at[gi]], sms[b],
                                 add=True)
            else:
                pltpu.sync_copy(msg_v, acc_sh.at[ida.at[gi]], add=True)

        issue(0, 0)

        def pair_body(p, carry):
            gi = 2 * p
            wait(0, gi)
            issue(1, gi + 1)
            compute_scatter(0, gi, p)
            wait(1, gi + 1)

            @pl.when(p < npairs - 1)
            def _():
                issue(0, gi + 2)

            compute_scatter(1, gi + 1, p)
            return carry

        lax.fori_loop(0, npairs, pair_body, 0)
        if amsg:
            pltpu.make_async_copy(
                msgs[0], acc_sh.at[ida.at[nchunk - 2]], sms[0]).wait()
            pltpu.make_async_copy(
                msgs[1], acc_sh.at[ida.at[nchunk - 1]], sms[1]).wait()
        plsc.subcore_barrier()
        pltpu.sync_copy(acc_sh.at[pl.ds(sid * RPS, RPS)],
                        out_hbm.at[cid, pl.ds(sid * RPS, RPS)])

    return sc_edge



def _fold(w, a_src, a_dst, fp):
    d, f = w.shape
    h, c = a_src.shape
    rows = jnp.arange(f)
    s_src = jnp.zeros((f, 16), jnp.float32).at[rows, rows // c].set(
        a_src.reshape(-1))
    s_dst = jnp.zeros((f, 16), jnp.float32).at[rows, rows // c].set(
        a_dst.reshape(-1))
    w_pad = jnp.pad(w, ((0, 0), (0, fp - f)))
    return jnp.concatenate([w_pad, w @ s_src], axis=1), w @ s_dst


def _rmat(c, f):
    cols = jnp.arange(f)
    return (jnp.arange(16)[:, None] == (cols[None, :] // c)).astype(
        jnp.float32)


def kernel(x, edge_index, W1, a_src1, a_dst1, b1, W2, a_src2, a_dst2, b2,
           W3, a_src3, a_dst3, b3):
    src = edge_index[0].astype(jnp.int32)
    dst = edge_index[1].astype(jnp.int32)

    wm1, wd1 = _fold(W1, a_src1, a_dst1, 128)
    wm2, wd2 = _fold(W2, a_src2, a_dst2, 64)
    wm3, wd3 = _fold(W3, a_src3, a_dst3, 16)
    r1 = _rmat(16, 128)
    r2 = _rmat(8, 64)

    z1 = jnp.zeros((RPS, 128 + 16), jnp.float32)
    z2 = jnp.zeros((RPS, 64 + 16), jnp.float32)
    z3 = jnp.zeros((RPS, 16 + 16), jnp.float32)

    g1, g2, g3 = 40, 100, 200
    sc_l1 = _make_sc_edge(128, 4, g1, False)
    sc_l2 = _make_sc_edge(64, 3, g2, True)
    sc_l3 = _make_sc_edge(16, 0, g3, True)

    def chunked(a, g):
        return a.reshape(NW, EPW // g, g)

    hs1, ad1t = _tc_in(x, wm1, wd1)
    acc1 = sc_l1(chunked(src, g1), chunked(dst, g1), hs1, ad1t, z1)
    hs2, ad2t = _tc_mid(acc1, r1, b1, wm2, wd2, 128)
    acc2 = sc_l2(chunked(src, g2), chunked(dst, g2), hs2, ad2t, z2)
    hs3, ad3t = _tc_mid(acc2, r2, b2, wm3, wd3, 64)
    acc3 = sc_l3(chunked(src, g3), chunked(dst, g3), hs3, ad3t, z3)
    return _tc_out(acc3, b3)

# --- scband reference (transcript-rebuilt; emitter-appended) ---
"""Pipeline reference for scband-gatfor-multiple-choice-18073222381706 (READ-ONLY COPY).

The authoritative reference and input builder live on the scoring server;
editing this copy changes nothing except your own understanding.
"""

import jax, jax.numpy as jnp
import numpy as np

N = 10000
E = 320000
D_IN = 128


def gat_layer(x, edge_index, W, a_src, a_dst, b, heads, out_ch, concat):
    n = x.shape[0]
    h = (x @ W).reshape(n, heads, out_ch)
    src = edge_index[0]
    dst = edge_index[1]
    alpha_s = jnp.sum(h * a_src, axis=-1)  # [N, H]
    alpha_d = jnp.sum(h * a_dst, axis=-1)  # [N, H]
    e = alpha_s[src] + alpha_d[dst]        # [E, H]
    e = jax.nn.leaky_relu(e, negative_slope=0.2)
    m = jax.ops.segment_max(e, dst, num_segments=n)
    m = jnp.where(jnp.isfinite(m), m, 0.0)
    m = jax.lax.stop_gradient(m)
    ex = jnp.exp(e - m[dst])
    s = jax.ops.segment_sum(ex, dst, num_segments=n)
    alpha = ex / (s[dst] + 1e-16)          # [E, H]
    msg = h[src] * alpha[:, :, None]       # [E, H, C]
    out = jax.ops.segment_sum(msg, dst, num_segments=n)  # [N, H, C]
    if concat:
        out = out.reshape(n, heads * out_ch)
    else:
        out = out.mean(axis=1)
    return out + b


def setup_inputs(seed: int = 0) -> dict:
    key = jax.random.key(seed)
    ks = jax.random.split(key, 16)
    x = jax.random.normal(ks[0], (N, D_IN), dtype=jnp.float32)
    edge_index = jax.random.randint(ks[1], (2, E), 0, N, dtype=jnp.int64)
    # Layer 1: GATConv(128 -> 16, heads=8, concat) => out dim 128
    W1 = jax.random.normal(ks[2], (128, 8 * 16), dtype=jnp.float32) * 0.1
    a_src1 = jax.random.normal(ks[3], (8, 16), dtype=jnp.float32) * 0.1
    a_dst1 = jax.random.normal(ks[4], (8, 16), dtype=jnp.float32) * 0.1
    b1 = jnp.zeros((128,), dtype=jnp.float32)
    # Layer 2: GATConv(128 -> 8, heads=8, concat) => out dim 64
    W2 = jax.random.normal(ks[5], (128, 8 * 8), dtype=jnp.float32) * 0.1
    a_src2 = jax.random.normal(ks[6], (8, 8), dtype=jnp.float32) * 0.1
    a_dst2 = jax.random.normal(ks[7], (8, 8), dtype=jnp.float32) * 0.1
    b2 = jnp.zeros((64,), dtype=jnp.float32)
    # Layer 3: GATConv(64 -> 1, heads=1, concat=False) => out dim 1
    W3 = jax.random.normal(ks[8], (64, 1), dtype=jnp.float32) * 0.1
    a_src3 = jax.random.normal(ks[9], (1, 1), dtype=jnp.float32) * 0.1
    a_dst3 = jax.random.normal(ks[10], (1, 1), dtype=jnp.float32) * 0.1
    b3 = jnp.zeros((1,), dtype=jnp.float32)
    return {"x": x, "edge_index": edge_index,
            "W1": W1, "a_src1": a_src1, "a_dst1": a_dst1, "b1": b1,
            "W2": W2, "a_src2": a_src2, "a_dst2": a_dst2, "b2": b2,
            "W3": W3, "a_src3": a_src3, "a_dst3": a_dst3, "b3": b3}


def reference(x, edge_index, W1, a_src1, a_dst1, b1, W2, a_src2, a_dst2, b2, W3, a_src3, a_dst3, b3):
    h = gat_layer(x, edge_index, W1, a_src1, a_dst1, b1, heads=8, out_ch=16, concat=True)
    h = jax.nn.relu(h)
    h = gat_layer(h, edge_index, W2, a_src2, a_dst2, b2, heads=8, out_ch=8, concat=True)
    h = jax.nn.relu(h)
    h = gat_layer(h, edge_index, W3, a_src3, a_dst3, b3, heads=1, out_ch=1, concat=False)
    return h  # [N, 1] per-node logits; wrapper takes mean over nodes per answer

if __name__ == "__main__":
    import jax
    _d = setup_inputs()
    print(jax.jit(kernel)(*tuple(_d.values())))

</pallas_src>

<mosaic_0001>
#map = affine_map<(d0, d1) -> (0, 0, 0)>
#map1 = affine_map<(d0, d1) -> (0, 0)>
module attributes {stable_mosaic.version = 14 : i64} {
  func.func @sc_edge(%arg0: i32, %arg1: i32, %arg2: memref<32x100x100xi32, #tpu.memory_space<hbm>>, %arg3: memref<32x100x100xi32, #tpu.memory_space<hbm>>, %arg4: memref<10000x80xf32, #tpu.memory_space<hbm>>, %arg5: memref<10000x16xf32, #tpu.memory_space<hbm>>, %arg6: memref<632x80xf32, #tpu.memory_space<hbm>>, %arg7: memref<2x10112x80xf32, #tpu.memory_space<hbm>>, %arg8: memref<100x100xi32, #tpu.memory_space<vmem>>, %arg9: memref<100x100xi32, #tpu.memory_space<vmem>>, %arg10: memref<100x80xf32, #tpu.memory_space<vmem>>, %arg11: memref<100x80xf32, #tpu.memory_space<vmem>>, %arg12: memref<100x16xf32, #tpu.memory_space<vmem>>, %arg13: memref<100x16xf32, #tpu.memory_space<vmem>>, %arg14: memref<100x80xf32, #tpu.memory_space<vmem>>, %arg15: memref<100x80xf32, #tpu.memory_space<vmem>>, %arg16: memref<10112x80xf32, #tpu.memory_space<vmem_shared>>, %arg17: memref<!tpu.dma_semaphore, #tpu.memory_space<semaphore_mem>>, %arg18: memref<!tpu.dma_semaphore, #tpu.memory_space<semaphore_mem>>, %arg19: memref<!tpu.dma_semaphore, #tpu.memory_space<semaphore_mem>>, %arg20: memref<!tpu.dma_semaphore, #tpu.memory_space<semaphore_mem>>, %arg21: memref<!tpu.dma_semaphore, #tpu.memory_space<semaphore_mem>>, %arg22: memref<!tpu.dma_semaphore, #tpu.memory_space<semaphore_mem>>) attributes {dimension_semantics = [#tpu.dimension_semantics<core_parallel>, #tpu.dimension_semantics<subcore_parallel>], iteration_bounds = array<i64: 2, 16>, scalar_prefetch = 0 : i64, scratch_operands = 15 : i64, tpu.core_type = #tpu.core_type<sc_vector_subcore>, window_params = [{transform_indices = #map}, {transform_indices = #map}, {transform_indices = #map1}, {transform_indices = #map1}, {transform_indices = #map1}, {transform_indices = #map}]} {
    %mul3A = arith.constant 2 : i32
    %mul3A_0 = arith.muli %arg1, %mul3A : i32
    %add3A = arith.addi %mul3A_0, %arg0 : i32
    %mul3A_1 = arith.constant 632 : i32
    %mul3A_2 = arith.muli %arg1, %mul3A_1 : i32
    "tpu.region"() ({
      %run_scoped3A = tpu.sem_alloc : memref<!tpu.dma_semaphore, #tpu.memory_space<semaphore_mem>>
      %dma_start3A_39 = arith.constant 0 : i32
      %dma_start3A_40 = tpu.memref_slice %arg16[%mul3A_2, %dma_start3A_39] : memref<10112x80xf32, #tpu.memory_space<vmem_shared>> -> memref<632x80xf32, #tpu.memory_space<vmem_shared>>
      tpu.enqueue_dma source(%arg6 : memref<632x80xf32, #tpu.memory_space<hbm>>) target(%dma_start3A_40 : memref<632x80xf32, #tpu.memory_space<vmem_shared>>) target_semaphore(%run_scoped3A : memref<!tpu.dma_semaphore, #tpu.memory_space<semaphore_mem>>)
      %dma_wait3A_41 = arith.constant 0 : i32
      %dma_wait3A_42 = tpu.memref_slice %arg16[%mul3A_2, %dma_wait3A_41] : memref<10112x80xf32, #tpu.memory_space<vmem_shared>> -> memref<632x80xf32, #tpu.memory_space<vmem_shared>>
      tpu.wait_dma2 semaphore(%run_scoped3A : memref<!tpu.dma_semaphore, #tpu.memory_space<semaphore_mem>>) src(%arg6 : memref<632x80xf32, #tpu.memory_space<hbm>>) dst(%dma_wait3A_42 : memref<632x80xf32, #tpu.memory_space<vmem_shared>>)
      tpu.yield
    }) : () -> ()
    "tpu.region"() ({
      %run_scoped3A = tpu.sem_alloc : memref<!tpu.dma_semaphore, #tpu.memory_space<semaphore_mem>>
      %dma_start3A_39 = arith.constant 0 : i32
      %dma_start3A_40 = arith.constant 0 : i32
      %dma_start3A_41 = tpu.memref_slice %arg2[%add3A, %dma_start3A_39, %dma_start3A_40] : memref<32x100x100xi32, #tpu.memory_space<hbm>> -> memref<1x100x100xi32, #tpu.memory_space<hbm>>
      %dma_start3A_42 = tpu.memref_squeeze %dma_start3A_41 : memref<1x100x100xi32, #tpu.memory_space<hbm>> -> memref<100x100xi32, #tpu.memory_space<hbm>>
      %dma_start3A_43 = arith.constant 0 : i32
      %dma_start3A_44 = arith.constant 0 : i32
      %dma_start3A_45 = tpu.memref_slice %arg2[%add3A, %dma_start3A_43, %dma_start3A_44] : memref<32x100x100xi32, #tpu.memory_space<hbm>> -> memref<1x100x100xi32, #tpu.memory_space<hbm>>
      %dma_start3A_46 = tpu.memref_squeeze %dma_start3A_45 : memref<1x100x100xi32, #tpu.memory_space<hbm>> -> memref<100x100xi32, #tpu.memory_space<hbm>>
      tpu.enqueue_dma source(%dma_start3A_46 : memref<100x100xi32, #tpu.memory_space<hbm>>) target(%arg8 : memref<100x100xi32, #tpu.memory_space<vmem>>) target_semaphore(%run_scoped3A : memref<!tpu.dma_semaphore, #tpu.memory_space<semaphore_mem>>)
      %dma_wait3A_47 = arith.constant 0 : i32
      %dma_wait3A_48 = arith.constant 0 : i32
      %dma_wait3A_49 = tpu.memref_slice %arg2[%add3A, %dma_wait3A_47, %dma_wait3A_48] : memref<32x100x100xi32, #tpu.memory_space<hbm>> -> memref<1x100x100xi32, #tpu.memory_space<hbm>>
      %dma_wait3A_50 = tpu.memref_squeeze %dma_wait3A_49 : memref<1x100x100xi32, #tpu.memory_space<hbm>> -> memref<100x100xi32, #tpu.memory_space<hbm>>
      %dma_wait3A_51 = arith.constant 0 : i32
      %dma_wait3A_52 = arith.constant 0 : i32
      %dma_wait3A_53 = tpu.memref_slice %arg2[%add3A, %dma_wait3A_51, %dma_wait3A_52] : memref<32x100x100xi32, #tpu.memory_space<hbm>> -> memref<1x100x100xi32, #tpu.memory_space<hbm>>
      %dma_wait3A_54 = tpu.memref_squeeze %dma_wait3A_53 : memref<1x100x100xi32, #tpu.memory_space<hbm>> -> memref<100x100xi32, #tpu.memory_space<hbm>>
      tpu.wait_dma2 semaphore(%run_scoped3A : memref<!tpu.dma_semaphore, #tpu.memory_space<semaphore_mem>>) src(%dma_wait3A_54 : memref<100x100xi32, #tpu.memory_space<hbm>>) dst(%arg8 : memref<100x100xi32, #tpu.memory_space<vmem>>)
      tpu.yield
    }) : () -> ()
    "tpu.region"() ({
      %run_scoped3A = tpu.sem_alloc : memref<!tpu.dma_semaphore, #tpu.memory_space<semaphore_mem>>
      %dma_start3A_39 = arith.constant 0 : i32
      %dma_start3A_40 = arith.constant 0 : i32
      %dma_start3A_41 = tpu.memref_slice %arg3[%add3A, %dma_start3A_39, %dma_start3A_40] : memref<32x100x100xi32, #tpu.memory_space<hbm>> -> memref<1x100x100xi32, #tpu.memory_space<hbm>>
      %dma_start3A_42 = tpu.memref_squeeze %dma_start3A_41 : memref<1x100x100xi32, #tpu.memory_space<hbm>> -> memref<100x100xi32, #tpu.memory_space<hbm>>
      %dma_start3A_43 = arith.constant 0 : i32
      %dma_start3A_44 = arith.constant 0 : i32
      %dma_start3A_45 = tpu.memref_slice %arg3[%add3A, %dma_start3A_43, %dma_start3A_44] : memref<32x100x100xi32, #tpu.memory_space<hbm>> -> memref<1x100x100xi32, #tpu.memory_space<hbm>>
      %dma_start3A_46 = tpu.memref_squeeze %dma_start3A_45 : memref<1x100x100xi32, #tpu.memory_space<hbm>> -> memref<100x100xi32, #tpu.memory_space<hbm>>
      tpu.enqueue_dma source(%dma_start3A_46 : memref<100x100xi32, #tpu.memory_space<hbm>>) target(%arg9 : memref<100x100xi32, #tpu.memory_space<vmem>>) target_semaphore(%run_scoped3A : memref<!tpu.dma_semaphore, #tpu.memory_space<semaphore_mem>>)
      %dma_wait3A_47 = arith.constant 0 : i32
      %dma_wait3A_48 = arith.constant 0 : i32
      %dma_wait3A_49 = tpu.memref_slice %arg3[%add3A, %dma_wait3A_47, %dma_wait3A_48] : memref<32x100x100xi32, #tpu.memory_space<hbm>> -> memref<1x100x100xi32, #tpu.memory_space<hbm>>
      %dma_wait3A_50 = tpu.memref_squeeze %dma_wait3A_49 : memref<1x100x100xi32, #tpu.memory_space<hbm>> -> memref<100x100xi32, #tpu.memory_space<hbm>>
      %dma_wait3A_51 = arith.constant 0 : i32
      %dma_wait3A_52 = arith.constant 0 : i32
      %dma_wait3A_53 = tpu.memref_slice %arg3[%add3A, %dma_wait3A_51, %dma_wait3A_52] : memref<32x100x100xi32, #tpu.memory_space<hbm>> -> memref<1x100x100xi32, #tpu.memory_space<hbm>>
      %dma_wait3A_54 = tpu.memref_squeeze %dma_wait3A_53 : memref<1x100x100xi32, #tpu.memory_space<hbm>> -> memref<100x100xi32, #tpu.memory_space<hbm>>
      tpu.wait_dma2 semaphore(%run_scoped3A : memref<!tpu.dma_semaphore, #tpu.memory_space<semaphore_mem>>) src(%dma_wait3A_54 : memref<100x100xi32, #tpu.memory_space<hbm>>) dst(%arg9 : memref<100x100xi32, #tpu.memory_space<vmem>>)
      tpu.yield
    }) : () -> ()
    %barrier3A = arith.constant 0 : index
    tpu.barrier barrier_id(%barrier3A)
    %dma_start3A = arith.constant 0 : i32
    %dma_start3A_3 = arith.constant 0 : i32
    %dma_start3A_4 = tpu.memref_slice %arg8[%dma_start3A, %dma_start3A_3] : memref<100x100xi32, #tpu.memory_space<vmem>> -> memref<1x100xi32, #tpu.memory_space<vmem>>
    %dma_start3A_5 = tpu.memref_squeeze %dma_start3A_4 : memref<1x100xi32, #tpu.memory_space<vmem>> -> memref<100xi32, #tpu.memory_space<vmem>>
    %dma_start3A_6 = arith.constant 0 : i32
    %dma_start3A_7 = arith.constant 0 : i32
    %dma_start3A_8 = tpu.memref_slice %arg4[%dma_start3A_6, %dma_start3A_7] : memref<10000x80xf32, #tpu.memory_space<hbm>> -> memref<10000x80xf32, #tpu.memory_space<hbm>>
    tpu.enqueue_indirect_dma source(%dma_start3A_8 : memref<10000x80xf32, #tpu.memory_space<hbm>>) target(%arg10 : memref<100x80xf32, #tpu.memory_space<vmem>>) offsets(%dma_start3A_5 : memref<100xi32, #tpu.memory_space<vmem>>) semaphore(%arg17 : memref<!tpu.dma_semaphore, #tpu.memory_space<semaphore_mem>>)
    %dma_start3A_9 = arith.constant 0 : i32
    %dma_start3A_10 = arith.constant 0 : i32
    %dma_start3A_11 = tpu.memref_slice %arg9[%dma_start3A_9, %dma_start3A_10] : memref<100x100xi32, #tpu.memory_space<vmem>> -> memref<1x100xi32, #tpu.memory_space<vmem>>
    %dma_start3A_12 = tpu.memref_squeeze %dma_start3A_11 : memref<1x100xi32, #tpu.memory_space<vmem>> -> memref<100xi32, #tpu.memory_space<vmem>>
    %dma_start3A_13 = arith.constant 0 : i32
    %dma_start3A_14 = arith.constant 0 : i32
    %dma_start3A_15 = tpu.memref_slice %arg5[%dma_start3A_13, %dma_start3A_14] : memref<10000x16xf32, #tpu.memory_space<hbm>> -> memref<10000x16xf32, #tpu.memory_space<hbm>>
    tpu.enqueue_indirect_dma source(%dma_start3A_15 : memref<10000x16xf32, #tpu.memory_space<hbm>>) target(%arg12 : memref<100x16xf32, #tpu.memory_space<vmem>>) offsets(%dma_start3A_12 : memref<100xi32, #tpu.memory_space<vmem>>) semaphore(%arg19 : memref<!tpu.dma_semaphore, #tpu.memory_space<semaphore_mem>>)
    %scan3A = arith.constant 0 : i32
    %scan3A_16 = arith.constant 0 : i32
    %scan3A_17 = arith.constant 50 : i32
    %scan3A_18 = arith.addi %scan3A_16, %scan3A_17 : i32
    %scan3A_19 = arith.constant 1 : i32
    scf.for %scan3A_39 = %scan3A_16 to %scan3A_18 step %scan3A_19  : i32 {
      %mul3A_40 = arith.constant 2 : i32
      %mul3A_41 = arith.muli %mul3A_40, %scan3A_39 : i32
      %dma_wait3A_42 = arith.constant 0 : i32
      %dma_wait3A_43 = tpu.memref_slice %arg8[%mul3A_41, %dma_wait3A_42] : memref<100x100xi32, #tpu.memory_space<vmem>> -> memref<1x100xi32, #tpu.memory_space<vmem>>
      %dma_wait3A_44 = tpu.memref_squeeze %dma_wait3A_43 : memref<1x100xi32, #tpu.memory_space<vmem>> -> memref<100xi32, #tpu.memory_space<vmem>>
      %dma_wait3A_45 = arith.constant 0 : i32
      %dma_wait3A_46 = arith.constant 0 : i32
      %dma_wait3A_47 = tpu.memref_slice %arg4[%dma_wait3A_45, %dma_wait3A_46] : memref<10000x80xf32, #tpu.memory_space<hbm>> -> memref<10000x80xf32, #tpu.memory_space<hbm>>
      tpu.wait_indirect_dma semaphore(%arg17 : memref<!tpu.dma_semaphore, #tpu.memory_space<semaphore_mem>>) src(%dma_wait3A_47 : memref<10000x80xf32, #tpu.memory_space<hbm>>) dst(%arg10 : memref<100x80xf32, #tpu.memory_space<vmem>>)
      %dma_wait3A_48 = arith.constant 0 : i32
      %dma_wait3A_49 = tpu.memref_slice %arg9[%mul3A_41, %dma_wait3A_48] : memref<100x100xi32, #tpu.memory_space<vmem>> -> memref<1x100xi32, #tpu.memory_space<vmem>>
      %dma_wait3A_50 = tpu.memref_squeeze %dma_wait3A_49 : memref<1x100xi32, #tpu.memory_space<vmem>> -> memref<100xi32, #tpu.memory_space<vmem>>
      %dma_wait3A_51 = arith.constant 0 : i32
      %dma_wait3A_52 = arith.constant 0 : i32
      %dma_wait3A_53 = tpu.memref_slice %arg5[%dma_wait3A_51, %dma_wait3A_52] : memref<10000x16xf32, #tpu.memory_space<hbm>> -> memref<10000x16xf32, #tpu.memory_space<hbm>>
      tpu.wait_indirect_dma semaphore(%arg19 : memref<!tpu.dma_semaphore, #tpu.memory_space<semaphore_mem>>) src(%dma_wait3A_53 : memref<10000x16xf32, #tpu.memory_space<hbm>>) dst(%arg12 : memref<100x16xf32, #tpu.memory_space<vmem>>)
      %add3A_54 = arith.constant 1 : i32
      %add3A_55 = arith.addi %mul3A_41, %add3A_54 : i32
      %dma_start3A_56 = arith.constant 0 : i32
      %dma_start3A_57 = tpu.memref_slice %arg8[%add3A_55, %dma_start3A_56] : memref<100x100xi32, #tpu.memory_space<vmem>> -> memref<1x100xi32, #tpu.memory_space<vmem>>
      %dma_start3A_58 = tpu.memref_squeeze %dma_start3A_57 : memref<1x100xi32, #tpu.memory_space<vmem>> -> memref<100xi32, #tpu.memory_space<vmem>>
      %dma_start3A_59 = arith.constant 0 : i32
      %dma_start3A_60 = arith.constant 0 : i32
      %dma_start3A_61 = tpu.memref_slice %arg4[%dma_start3A_59, %dma_start3A_60] : memref<10000x80xf32, #tpu.memory_space<hbm>> -> memref<10000x80xf32, #tpu.memory_space<hbm>>
      tpu.enqueue_indirect_dma source(%dma_start3A_61 : memref<10000x80xf32, #tpu.memory_space<hbm>>) target(%arg11 : memref<100x80xf32, #tpu.memory_space<vmem>>) offsets(%dma_start3A_58 : memref<100xi32, #tpu.memory_space<vmem>>) semaphore(%arg18 : memref<!tpu.dma_semaphore, #tpu.memory_space<semaphore_mem>>)
      %dma_start3A_62 = arith.constant 0 : i32
      %dma_start3A_63 = tpu.memref_slice %arg9[%add3A_55, %dma_start3A_62] : memref<100x100xi32, #tpu.memory_space<vmem>> -> memref<1x100xi32, #tpu.memory_space<vmem>>
      %dma_start3A_64 = tpu.memref_squeeze %dma_start3A_63 : memref<1x100xi32, #tpu.memory_space<vmem>> -> memref<100xi32, #tpu.memory_space<vmem>>
      %dma_start3A_65 = arith.constant 0 : i32
      %dma_start3A_66 = arith.constant 0 : i32
      %dma_start3A_67 = tpu.memref_slice %arg5[%dma_start3A_65, %dma_start3A_66] : memref<10000x16xf32, #tpu.memory_space<hbm>> -> memref<10000x16xf32, #tpu.memory_space<hbm>>
      tpu.enqueue_indirect_dma source(%dma_start3A_67 : memref<10000x16xf32, #tpu.memory_space<hbm>>) target(%arg13 : memref<100x16xf32, #tpu.memory_space<vmem>>) offsets(%dma_start3A_64 : memref<100xi32, #tpu.memory_space<vmem>>) semaphore(%arg20 : memref<!tpu.dma_semaphore, #tpu.memory_space<semaphore_mem>>)
      %gt3A = arith.constant 0 : i32
      %gt3A_68 = arith.cmpi sgt, %scan3A_39, %gt3A : i32
      %convert_element_type3A = arith.extui %gt3A_68 : i1 to i32
      %cond3A = arith.constant 0 : i32
      %cond3A_69 = arith.cmpi ne, %convert_element_type3A, %cond3A : i32
      scf.if %cond3A_69 {
        %dma_wait3A_112 = arith.constant 0 : i32
        %dma_wait3A_113 = tpu.memref_slice %arg9[%mul3A_41, %dma_wait3A_112] : memref<100x100xi32, #tpu.memory_space<vmem>> -> memref<1x100xi32, #tpu.memory_space<vmem>>
        %dma_wait3A_114 = tpu.memref_squeeze %dma_wait3A_113 : memref<1x100xi32, #tpu.memory_space<vmem>> -> memref<100xi32, #tpu.memory_space<vmem>>
        %dma_wait3A_115 = arith.constant 0 : i32
        %dma_wait3A_116 = arith.constant 0 : i32
        %dma_wait3A_117 = tpu.memref_slice %arg16[%dma_wait3A_115, %dma_wait3A_116] : memref<10112x80xf32, #tpu.memory_space<vmem_shared>> -> memref<10112x80xf32, #tpu.memory_space<vmem_shared>>
        tpu.wait_indirect_dma semaphore(%arg21 : memref<!tpu.dma_semaphore, #tpu.memory_space<semaphore_mem>>) src(%arg14 : memref<100x80xf32, #tpu.memory_space<vmem>>) dst(%dma_wait3A_117 : memref<10112x80xf32, #tpu.memory_space<vmem_shared>>)
      } else {
      }
      %parallel_loop3A = arith.constant 0 : i32
      %parallel_loop3A_70 = arith.constant 100 : i32
      %parallel_loop3A_71 = arith.constant 1 : i32
      scf.for %parallel_loop3A_112 = %parallel_loop3A to %parallel_loop3A_70 step %parallel_loop3A_71  : i32 {
        %parallel_loop3A_113 = arith.index_cast %parallel_loop3A_112 : i32 to index
        %parallel_loop3A_114 = arith.constant 64 : index
        %parallel_loop3A_115 = tpu.vector_load %arg10[%parallel_loop3A_113, %parallel_loop3A_114] {strides = array<i32>} : memref<100x80xf32, #tpu.memory_space<vmem>>, vector<1x16xf32>,
        %parallel_loop3A_116 = vector.shape_cast %parallel_loop3A_115 : vector<1x16xf32> to vector<16xf32>
        %parallel_loop3A_117 = arith.index_cast %parallel_loop3A_112 : i32 to index
        %parallel_loop3A_118 = arith.constant 0 : index
        %parallel_loop3A_119 = tpu.vector_load %arg12[%parallel_loop3A_117, %parallel_loop3A_118] {strides = array<i32>} : memref<100x16xf32, #tpu.memory_space<vmem>>, vector<1x16xf32>,
        %parallel_loop3A_120 = vector.shape_cast %parallel_loop3A_119 : vector<1x16xf32> to vector<16xf32>
        %parallel_loop3A_121 = arith.addf %parallel_loop3A_116, %parallel_loop3A_120 : vector<16xf32>
        %parallel_loop3A_122 = arith.constant 0.000000e+00 : f32
        %parallel_loop3A_123 = vector.broadcast %parallel_loop3A_122 : f32 to vector<16xf32>
        %parallel_loop3A_124 = arith.cmpf oge, %parallel_loop3A_121, %parallel_loop3A_123 : vector<16xf32>
        %parallel_loop3A_125 = arith.constant 2.000000e-01 : f32
        %parallel_loop3A_126 = vector.broadcast %parallel_loop3A_125 : f32 to vector<16xf32>
        %parallel_loop3A_127 = arith.mulf %parallel_loop3A_126, %parallel_loop3A_121 : vector<16xf32>
        %parallel_loop3A_128 = arith.select %parallel_loop3A_124, %parallel_loop3A_121, %parallel_loop3A_127 : vector<16xi1>, vector<16xf32>
        %parallel_loop3A_129 = math.exp %parallel_loop3A_128 : vector<16xf32>
        %parallel_loop3A_130 = arith.index_cast %parallel_loop3A_112 : i32 to index
        %parallel_loop3A_131 = arith.constant 64 : index
        %parallel_loop3A_132 = tpu.vector_load %arg14[%parallel_loop3A_130, %parallel_loop3A_131] {strides = array<i32>} : memref<100x80xf32, #tpu.memory_space<vmem>>, vector<1x16xf32>,
        %parallel_loop3A_133 = vector.shape_cast %parallel_loop3A_132 : vector<1x16xf32> to vector<16xf32>
        %parallel_loop3A_134 = vector.shape_cast %parallel_loop3A_129 : vector<16xf32> to vector<1x16xf32>
        tpu.vector_store %arg14[%parallel_loop3A_130, %parallel_loop3A_131], %parallel_loop3A_134 {strides = array<i32>} : memref<100x80xf32, #tpu.memory_space<vmem>>, vector<1x16xf32>,
        %parallel_loop3A_135 = tpu.iota {dimensions = array<i32: 0>} : vector<16xi32>
        %parallel_loop3A_136 = arith.constant 0 : i32
        %parallel_loop3A_137 = vector.broadcast %parallel_loop3A_136 : i32 to vector<16xi32>
        %parallel_loop3A_138 = arith.addi %parallel_loop3A_135, %parallel_loop3A_137 : vector<16xi32>
        %parallel_loop3A_139 = arith.constant 3 : i32
        %parallel_loop3A_140 = vector.broadcast %parallel_loop3A_139 : i32 to vector<16xi32>
        %parallel_loop3A_141 = arith.shrui %parallel_loop3A_138, %parallel_loop3A_140 : vector<16xi32>
        %parallel_loop3A_142 = vector.shape_cast %parallel_loop3A_141 : vector<16xi32> to vector<16x1xi32>
        %parallel_loop3A_143 = vector.shape_cast %parallel_loop3A_142 : vector<16x1xi32> to vector<16xi32>
        %parallel_loop3A_144 = tpu.dynamic_gather %parallel_loop3A_129[%parallel_loop3A_143] in [0] : vector<16xf32>, vector<16xi32> -> vector<16xf32>
        %parallel_loop3A_145 = arith.index_cast %parallel_loop3A_112 : i32 to index
        %parallel_loop3A_146 = arith.constant 0 : index
        %parallel_loop3A_147 = tpu.vector_load %arg10[%parallel_loop3A_145, %parallel_loop3A_146] {strides = array<i32>} : memref<100x80xf32, #tpu.memory_space<vmem>>, vector<1x16xf32>,
        %parallel_loop3A_148 = vector.shape_cast %parallel_loop3A_147 : vector<1x16xf32> to vector<16xf32>
        %parallel_loop3A_149 = arith.mulf %parallel_loop3A_148, %parallel_loop3A_144 : vector<16xf32>
        %parallel_loop3A_150 = arith.index_cast %parallel_loop3A_112 : i32 to index
        %parallel_loop3A_151 = arith.constant 0 : index
        %parallel_loop3A_152 = tpu.vector_load %arg14[%parallel_loop3A_150, %parallel_loop3A_151] {strides = array<i32>} : memref<100x80xf32, #tpu.memory_space<vmem>>, vector<1x16xf32>,
        %parallel_loop3A_153 = vector.shape_cast %parallel_loop3A_152 : vector<1x16xf32> to vector<16xf32>
        %parallel_loop3A_154 = vector.shape_cast %parallel_loop3A_149 : vector<16xf32> to vector<1x16xf32>
        tpu.vector_store %arg14[%parallel_loop3A_150, %parallel_loop3A_151], %parallel_loop3A_154 {strides = array<i32>} : memref<100x80xf32, #tpu.memory_space<vmem>>, vector<1x16xf32>,
        %parallel_loop3A_155 = tpu.iota {dimensions = array<i32: 0>} : vector<16xi32>
        %parallel_loop3A_156 = arith.constant 16 : i32
        %parallel_loop3A_157 = vector.broadcast %parallel_loop3A_156 : i32 to vector<16xi32>
        %parallel_loop3A_158 = arith.addi %parallel_loop3A_155, %parallel_loop3A_157 : vector<16xi32>
        %parallel_loop3A_159 = arith.constant 3 : i32
        %parallel_loop3A_160 = vector.broadcast %parallel_loop3A_159 : i32 to vector<16xi32>
        %parallel_loop3A_161 = arith.shrui %parallel_loop3A_158, %parallel_loop3A_160 : vector<16xi32>
        %parallel_loop3A_162 = vector.shape_cast %parallel_loop3A_161 : vector<16xi32> to vector<16x1xi32>
        %parallel_loop3A_163 = vector.shape_cast %parallel_loop3A_162 : vector<16x1xi32> to vector<16xi32>
        %parallel_loop3A_164 = tpu.dynamic_gather %parallel_loop3A_129[%parallel_loop3A_163] in [0] : vector<16xf32>, vector<16xi32> -> vector<16xf32>
        %parallel_loop3A_165 = arith.index_cast %parallel_loop3A_112 : i32 to index
        %parallel_loop3A_166 = arith.constant 16 : index
        %parallel_loop3A_167 = tpu.vector_load %arg10[%parallel_loop3A_165, %parallel_loop3A_166] {strides = array<i32>} : memref<100x80xf32, #tpu.memory_space<vmem>>, vector<1x16xf32>,
        %parallel_loop3A_168 = vector.shape_cast %parallel_loop3A_167 : vector<1x16xf32> to vector<16xf32>
        %parallel_loop3A_169 = arith.mulf %parallel_loop3A_168, %parallel_loop3A_164 : vector<16xf32>
        %parallel_loop3A_170 = arith.index_cast %parallel_loop3A_112 : i32 to index
        %parallel_loop3A_171 = arith.constant 16 : index
        %parallel_loop3A_172 = tpu.vector_load %arg14[%parallel_loop3A_170, %parallel_loop3A_171] {strides = array<i32>} : memref<100x80xf32, #tpu.memory_space<vmem>>, vector<1x16xf32>,
        %parallel_loop3A_173 = vector.shape_cast %parallel_loop3A_172 : vector<1x16xf32> to vector<16xf32>
        %parallel_loop3A_174 = vector.shape_cast %parallel_loop3A_169 : vector<16xf32> to vector<1x16xf32>
        tpu.vector_store %arg14[%parallel_loop3A_170, %parallel_loop3A_171], %parallel_loop3A_174 {strides = array<i32>} : memref<100x80xf32, #tpu.memory_space<vmem>>, vector<1x16xf32>,
        %parallel_loop3A_175 = tpu.iota {dimensions = array<i32: 0>} : vector<16xi32>
        %parallel_loop3A_176 = arith.constant 32 : i32
        %parallel_loop3A_177 = vector.broadcast %parallel_loop3A_176 : i32 to vector<16xi32>
        %parallel_loop3A_178 = arith.addi %parallel_loop3A_175, %parallel_loop3A_177 : vector<16xi32>
        %parallel_loop3A_179 = arith.constant 3 : i32
        %parallel_loop3A_180 = vector.broadcast %parallel_loop3A_179 : i32 to vector<16xi32>
        %parallel_loop3A_181 = arith.shrui %parallel_loop3A_178, %parallel_loop3A_180 : vector<16xi32>
        %parallel_loop3A_182 = vector.shape_cast %parallel_loop3A_181 : vector<16xi32> to vector<16x1xi32>
        %parallel_loop3A_183 = vector.shape_cast %parallel_loop3A_182 : vector<16x1xi32> to vector<16xi32>
        %parallel_loop3A_184 = tpu.dynamic_gather %parallel_loop3A_129[%parallel_loop3A_183] in [0] : vector<16xf32>, vector<16xi32> -> vector<16xf32>
        %parallel_loop3A_185 = arith.index_cast %parallel_loop3A_112 : i32 to index
        %parallel_loop3A_186 = arith.constant 32 : index
        %parallel_loop3A_187 = tpu.vector_load %arg10[%parallel_loop3A_185, %parallel_loop3A_186] {strides = array<i32>} : memref<100x80xf32, #tpu.memory_space<vmem>>, vector<1x16xf32>,
        %parallel_loop3A_188 = vector.shape_cast %parallel_loop3A_187 : vector<1x16xf32> to vector<16xf32>
        %parallel_loop3A_189 = arith.mulf %parallel_loop3A_188, %parallel_loop3A_184 : vector<16xf32>
        %parallel_loop3A_190 = arith.index_cast %parallel_loop3A_112 : i32 to index
        %parallel_loop3A_191 = arith.constant 32 : index
        %parallel_loop3A_192 = tpu.vector_load %arg14[%parallel_loop3A_190, %parallel_loop3A_191] {strides = array<i32>} : memref<100x80xf32, #tpu.memory_space<vmem>>, vector<1x16xf32>,
        %parallel_loop3A_193 = vector.shape_cast %parallel_loop3A_192 : vector<1x16xf32> to vector<16xf32>
        %parallel_loop3A_194 = vector.shape_cast %parallel_loop3A_189 : vector<16xf32> to vector<1x16xf32>
        tpu.vector_store %arg14[%parallel_loop3A_190, %parallel_loop3A_191], %parallel_loop3A_194 {strides = array<i32>} : memref<100x80xf32, #tpu.memory_space<vmem>>, vector<1x16xf32>,
        %parallel_loop3A_195 = tpu.iota {dimensions = array<i32: 0>} : vector<16xi32>
        %parallel_loop3A_196 = arith.constant 48 : i32
        %parallel_loop3A_197 = vector.broadcast %parallel_loop3A_196 : i32 to vector<16xi32>
        %parallel_loop3A_198 = arith.addi %parallel_loop3A_195, %parallel_loop3A_197 : vector<16xi32>
        %parallel_loop3A_199 = arith.constant 3 : i32
        %parallel_loop3A_200 = vector.broadcast %parallel_loop3A_199 : i32 to vector<16xi32>
        %parallel_loop3A_201 = arith.shrui %parallel_loop3A_198, %parallel_loop3A_200 : vector<16xi32>
        %parallel_loop3A_202 = vector.shape_cast %parallel_loop3A_201 : vector<16xi32> to vector<16x1xi32>
        %parallel_loop3A_203 = vector.shape_cast %parallel_loop3A_202 : vector<16x1xi32> to vector<16xi32>
        %parallel_loop3A_204 = tpu.dynamic_gather %parallel_loop3A_129[%parallel_loop3A_203] in [0] : vector<16xf32>, vector<16xi32> -> vector<16xf32>
        %parallel_loop3A_205 = arith.index_cast %parallel_loop3A_112 : i32 to index
        %parallel_loop3A_206 = arith.constant 48 : index
        %parallel_loop3A_207 = tpu.vector_load %arg10[%parallel_loop3A_205, %parallel_loop3A_206] {strides = array<i32>} : memref<100x80xf32, #tpu.memory_space<vmem>>, vector<1x16xf32>,
        %parallel_loop3A_208 = vector.shape_cast %parallel_loop3A_207 : vector<1x16xf32> to vector<16xf32>
        %parallel_loop3A_209 = arith.mulf %parallel_loop3A_208, %parallel_loop3A_204 : vector<16xf32>
        %parallel_loop3A_210 = arith.index_cast %parallel_loop3A_112 : i32 to index
        %parallel_loop3A_211 = arith.constant 48 : index
        %parallel_loop3A_212 = tpu.vector_load %arg14[%parallel_loop3A_210, %parallel_loop3A_211] {strides = array<i32>} : memref<100x80xf32, #tpu.memory_space<vmem>>, vector<1x16xf32>,
        %parallel_loop3A_213 = vector.shape_cast %parallel_loop3A_212 : vector<1x16xf32> to vector<16xf32>
        %parallel_loop3A_214 = vector.shape_cast %parallel_loop3A_209 : vector<16xf32> to vector<1x16xf32>
        tpu.vector_store %arg14[%parallel_loop3A_210, %parallel_loop3A_211], %parallel_loop3A_214 {strides = array<i32>} : memref<100x80xf32, #tpu.memory_space<vmem>>, vector<1x16xf32>,
      } {sc.loop_unroll_factor = 8 : i64, sc.parallel_access}
      %dma_start3A_72 = arith.constant 0 : i32
      %dma_start3A_73 = tpu.memref_slice %arg9[%mul3A_41, %dma_start3A_72] : memref<100x100xi32, #tpu.memory_space<vmem>> -> memref<1x100xi32, #tpu.memory_space<vmem>>
      %dma_start3A_74 = tpu.memref_squeeze %dma_start3A_73 : memref<1x100xi32, #tpu.memory_space<vmem>> -> memref<100xi32, #tpu.memory_space<vmem>>
      %dma_start3A_75 = arith.constant 0 : i32
      %dma_start3A_76 = arith.constant 0 : i32
      %dma_start3A_77 = tpu.memref_slice %arg16[%dma_start3A_75, %dma_start3A_76] : memref<10112x80xf32, #tpu.memory_space<vmem_shared>> -> memref<10112x80xf32, #tpu.memory_space<vmem_shared>>
      tpu.enqueue_indirect_dma source(%arg14 : memref<100x80xf32, #tpu.memory_space<vmem>>) target(%dma_start3A_77 : memref<10112x80xf32, #tpu.memory_space<vmem_shared>>) offsets(%dma_start3A_74 : memref<100xi32, #tpu.memory_space<vmem>>) semaphore(%arg21 : memref<!tpu.dma_semaphore, #tpu.memory_space<semaphore_mem>>) {add = true}
      %add3A_78 = arith.constant 1 : i32
      %add3A_79 = arith.addi %mul3A_41, %add3A_78 : i32
      %dma_wait3A_80 = arith.constant 0 : i32
      %dma_wait3A_81 = tpu.memref_slice %arg8[%add3A_79, %dma_wait3A_80] : memref<100x100xi32, #tpu.memory_space<vmem>> -> memref<1x100xi32, #tpu.memory_space<vmem>>
      %dma_wait3A_82 = tpu.memref_squeeze %dma_wait3A_81 : memref<1x100xi32, #tpu.memory_space<vmem>> -> memref<100xi32, #tpu.memory_space<vmem>>
      %dma_wait3A_83 = arith.constant 0 : i32
      %dma_wait3A_84 = arith.constant 0 : i32
      %dma_wait3A_85 = tpu.memref_slice %arg4[%dma_wait3A_83, %dma_wait3A_84] : memref<10000x80xf32, #tpu.memory_space<hbm>> -> memref<10000x80xf32, #tpu.memory_space<hbm>>
      tpu.wait_indirect_dma semaphore(%arg18 : memref<!tpu.dma_semaphore, #tpu.memory_space<semaphore_mem>>) src(%dma_wait3A_85 : memref<10000x80xf32, #tpu.memory_space<hbm>>) dst(%arg11 : memref<100x80xf32, #tpu.memory_space<vmem>>)
      %dma_wait3A_86 = arith.constant 0 : i32
      %dma_wait3A_87 = tpu.memref_slice %arg9[%add3A_79, %dma_wait3A_86] : memref<100x100xi32, #tpu.memory_space<vmem>> -> memref<1x100xi32, #tpu.memory_space<vmem>>
      %dma_wait3A_88 = tpu.memref_squeeze %dma_wait3A_87 : memref<1x100xi32, #tpu.memory_space<vmem>> -> memref<100xi32, #tpu.memory_space<vmem>>
      %dma_wait3A_89 = arith.constant 0 : i32
      %dma_wait3A_90 = arith.constant 0 : i32
      %dma_wait3A_91 = tpu.memref_slice %arg5[%dma_wait3A_89, %dma_wait3A_90] : memref<10000x16xf32, #tpu.memory_space<hbm>> -> memref<10000x16xf32, #tpu.memory_space<hbm>>
      tpu.wait_indirect_dma semaphore(%arg20 : memref<!tpu.dma_semaphore, #tpu.memory_space<semaphore_mem>>) src(%dma_wait3A_91 : memref<10000x16xf32, #tpu.memory_space<hbm>>) dst(%arg13 : memref<100x16xf32, #tpu.memory_space<vmem>>)
      %lt3A = arith.constant 49 : i32
      %lt3A_92 = arith.cmpi slt, %scan3A_39, %lt3A : i32
      %convert_element_type3A_93 = arith.extui %lt3A_92 : i1 to i32
      %cond3A_94 = arith.constant 0 : i32
      %cond3A_95 = arith.cmpi ne, %convert_element_type3A_93, %cond3A_94 : i32
      scf.if %cond3A_95 {
        %add3A_112 = arith.constant 2 : i32
        %add3A_113 = arith.addi %mul3A_41, %add3A_112 : i32
        %dma_start3A_114 = arith.constant 0 : i32
        %dma_start3A_115 = tpu.memref_slice %arg8[%add3A_113, %dma_start3A_114] : memref<100x100xi32, #tpu.memory_space<vmem>> -> memref<1x100xi32, #tpu.memory_space<vmem>>
        %dma_start3A_116 = tpu.memref_squeeze %dma_start3A_115 : memref<1x100xi32, #tpu.memory_space<vmem>> -> memref<100xi32, #tpu.memory_space<vmem>>
        %dma_start3A_117 = arith.constant 0 : i32
        %dma_start3A_118 = arith.constant 0 : i32
        %dma_start3A_119 = tpu.memref_slice %arg4[%dma_start3A_117, %dma_start3A_118] : memref<10000x80xf32, #tpu.memory_space<hbm>> -> memref<10000x80xf32, #tpu.memory_space<hbm>>
        tpu.enqueue_indirect_dma source(%dma_start3A_119 : memref<10000x80xf32, #tpu.memory_space<hbm>>) target(%arg10 : memref<100x80xf32, #tpu.memory_space<vmem>>) offsets(%dma_start3A_116 : memref<100xi32, #tpu.memory_space<vmem>>) semaphore(%arg17 : memref<!tpu.dma_semaphore, #tpu.memory_space<semaphore_mem>>)
        %dma_start3A_120 = arith.constant 0 : i32
        %dma_start3A_121 = tpu.memref_slice %arg9[%add3A_113, %dma_start3A_120] : memref<100x100xi32, #tpu.memory_space<vmem>> -> memref<1x100xi32, #tpu.memory_space<vmem>>
        %dma_start3A_122 = tpu.memref_squeeze %dma_start3A_121 : memref<1x100xi32, #tpu.memory_space<vmem>> -> memref<100xi32, #tpu.memory_space<vmem>>
        %dma_start3A_123 = arith.constant 0 : i32
        %dma_start3A_124 = arith.constant 0 : i32
        %dma_start3A_125 = tpu.memref_slice %arg5[%dma_start3A_123, %dma_start3A_124] : memref<10000x16xf32, #tpu.memory_space<hbm>> -> memref<10000x16xf32, #tpu.memory_space<hbm>>
        tpu.enqueue_indirect_dma source(%dma_start3A_125 : memref<10000x16xf32, #tpu.memory_space<hbm>>) target(%arg12 : memref<100x16xf32, #tpu.memory_space<vmem>>) offsets(%dma_start3A_122 : memref<100xi32, #tpu.memory_space<vmem>>) semaphore(%arg19 : memref<!tpu.dma_semaphore, #tpu.memory_space<semaphore_mem>>)
      } else {
      }
      %add3A_96 = arith.constant 1 : i32
      %add3A_97 = arith.addi %mul3A_41, %add3A_96 : i32
      %gt3A_98 = arith.constant 0 : i32
      %gt3A_99 = arith.cmpi sgt, %scan3A_39, %gt3A_98 : i32
      %convert_element_type3A_100 = arith.extui %gt3A_99 : i1 to i32
      %cond3A_101 = arith.constant 0 : i32
      %cond3A_102 = arith.cmpi ne, %convert_element_type3A_100, %cond3A_101 : i32
      scf.if %cond3A_102 {
        %dma_wait3A_112 = arith.constant 0 : i32
        %dma_wait3A_113 = tpu.memref_slice %arg9[%add3A_97, %dma_wait3A_112] : memref<100x100xi32, #tpu.memory_space<vmem>> -> memref<1x100xi32, #tpu.memory_space<vmem>>
        %dma_wait3A_114 = tpu.memref_squeeze %dma_wait3A_113 : memref<1x100xi32, #tpu.memory_space<vmem>> -> memref<100xi32, #tpu.memory_space<vmem>>
        %dma_wait3A_115 = arith.constant 0 : i32
        %dma_wait3A_116 = arith.constant 0 : i32
        %dma_wait3A_117 = tpu.memref_slice %arg16[%dma_wait3A_115, %dma_wait3A_116] : memref<10112x80xf32, #tpu.memory_space<vmem_shared>> -> memref<10112x80xf32, #tpu.memory_space<vmem_shared>>
        tpu.wait_indirect_dma semaphore(%arg22 : memref<!tpu.dma_semaphore, #tpu.memory_space<semaphore_mem>>) src(%arg15 : memref<100x80xf32, #tpu.memory_space<vmem>>) dst(%dma_wait3A_117 : memref<10112x80xf32, #tpu.memory_space<vmem_shared>>)
      } else {
      }
      %parallel_loop3A_103 = arith.constant 0 : i32
      %parallel_loop3A_104 = arith.constant 100 : i32
      %parallel_loop3A_105 = arith.constant 1 : i32
      scf.for %parallel_loop3A_112 = %parallel_loop3A_103 to %parallel_loop3A_104 step %parallel_loop3A_105  : i32 {
        %parallel_loop3A_113 = arith.index_cast %parallel_loop3A_112 : i32 to index
        %parallel_loop3A_114 = arith.constant 64 : index
        %parallel_loop3A_115 = tpu.vector_load %arg11[%parallel_loop3A_113, %parallel_loop3A_114] {strides = array<i32>} : memref<100x80xf32, #tpu.memory_space<vmem>>, vector<1x16xf32>,
        %parallel_loop3A_116 = vector.shape_cast %parallel_loop3A_115 : vector<1x16xf32> to vector<16xf32>
        %parallel_loop3A_117 = arith.index_cast %parallel_loop3A_112 : i32 to index
        %parallel_loop3A_118 = arith.constant 0 : index
        %parallel_loop3A_119 = tpu.vector_load %arg13[%parallel_loop3A_117, %parallel_loop3A_118] {strides = array<i32>} : memref<100x16xf32, #tpu.memory_space<vmem>>, vector<1x16xf32>,
        %parallel_loop3A_120 = vector.shape_cast %parallel_loop3A_119 : vector<1x16xf32> to vector<16xf32>
        %parallel_loop3A_121 = arith.addf %parallel_loop3A_116, %parallel_loop3A_120 : vector<16xf32>
        %parallel_loop3A_122 = arith.constant 0.000000e+00 : f32
        %parallel_loop3A_123 = vector.broadcast %parallel_loop3A_122 : f32 to vector<16xf32>
        %parallel_loop3A_124 = arith.cmpf oge, %parallel_loop3A_121, %parallel_loop3A_123 : vector<16xf32>
        %parallel_loop3A_125 = arith.constant 2.000000e-01 : f32
        %parallel_loop3A_126 = vector.broadcast %parallel_loop3A_125 : f32 to vector<16xf32>
        %parallel_loop3A_127 = arith.mulf %parallel_loop3A_126, %parallel_loop3A_121 : vector<16xf32>
        %parallel_loop3A_128 = arith.select %parallel_loop3A_124, %parallel_loop3A_121, %parallel_loop3A_127 : vector<16xi1>, vector<16xf32>
        %parallel_loop3A_129 = math.exp %parallel_loop3A_128 : vector<16xf32>
        %parallel_loop3A_130 = arith.index_cast %parallel_loop3A_112 : i32 to index
        %parallel_loop3A_131 = arith.constant 64 : index
        %parallel_loop3A_132 = tpu.vector_load %arg15[%parallel_loop3A_130, %parallel_loop3A_131] {strides = array<i32>} : memref<100x80xf32, #tpu.memory_space<vmem>>, vector<1x16xf32>,
        %parallel_loop3A_133 = vector.shape_cast %parallel_loop3A_132 : vector<1x16xf32> to vector<16xf32>
        %parallel_loop3A_134 = vector.shape_cast %parallel_loop3A_129 : vector<16xf32> to vector<1x16xf32>
        tpu.vector_store %arg15[%parallel_loop3A_130, %parallel_loop3A_131], %parallel_loop3A_134 {strides = array<i32>} : memref<100x80xf32, #tpu.memory_space<vmem>>, vector<1x16xf32>,
        %parallel_loop3A_135 = tpu.iota {dimensions = array<i32: 0>} : vector<16xi32>
        %parallel_loop3A_136 = arith.constant 0 : i32
        %parallel_loop3A_137 = vector.broadcast %parallel_loop3A_136 : i32 to vector<16xi32>
        %parallel_loop3A_138 = arith.addi %parallel_loop3A_135, %parallel_loop3A_137 : vector<16xi32>
        %parallel_loop3A_139 = arith.constant 3 : i32
        %parallel_loop3A_140 = vector.broadcast %parallel_loop3A_139 : i32 to vector<16xi32>
        %parallel_loop3A_141 = arith.shrui %parallel_loop3A_138, %parallel_loop3A_140 : vector<16xi32>
        %parallel_loop3A_142 = vector.shape_cast %parallel_loop3A_141 : vector<16xi32> to vector<16x1xi32>
        %parallel_loop3A_143 = vector.shape_cast %parallel_loop3A_142 : vector<16x1xi32> to vector<16xi32>
        %parallel_loop3A_144 = tpu.dynamic_gather %parallel_loop3A_129[%parallel_loop3A_143] in [0] : vector<16xf32>, vector<16xi32> -> vector<16xf32>
        %parallel_loop3A_145 = arith.index_cast %parallel_loop3A_112 : i32 to index
        %parallel_loop3A_146 = arith.constant 0 : index
        %parallel_loop3A_147 = tpu.vector_load %arg11[%parallel_loop3A_145, %parallel_loop3A_146] {strides = array<i32>} : memref<100x80xf32, #tpu.memory_space<vmem>>, vector<1x16xf32>,
        %parallel_loop3A_148 = vector.shape_cast %parallel_loop3A_147 : vector<1x16xf32> to vector<16xf32>
        %parallel_loop3A_149 = arith.mulf %parallel_loop3A_148, %parallel_loop3A_144 : vector<16xf32>
        %parallel_loop3A_150 = arith.index_cast %parallel_loop3A_112 : i32 to index
        %parallel_loop3A_151 = arith.constant 0 : index
        %parallel_loop3A_152 = tpu.vector_load %arg15[%parallel_loop3A_150, %parallel_loop3A_151] {strides = array<i32>} : memref<100x80xf32, #tpu.memory_space<vmem>>, vector<1x16xf32>,
        %parallel_loop3A_153 = vector.shape_cast %parallel_loop3A_152 : vector<1x16xf32> to vector<16xf32>
        %parallel_loop3A_154 = vector.shape_cast %parallel_loop3A_149 : vector<16xf32> to vector<1x16xf32>
        tpu.vector_store %arg15[%parallel_loop3A_150, %parallel_loop3A_151], %parallel_loop3A_154 {strides = array<i32>} : memref<100x80xf32, #tpu.memory_space<vmem>>, vector<1x16xf32>,
        %parallel_loop3A_155 = tpu.iota {dimensions = array<i32: 0>} : vector<16xi32>
        %parallel_loop3A_156 = arith.constant 16 : i32
        %parallel_loop3A_157 = vector.broadcast %parallel_loop3A_156 : i32 to vector<16xi32>
        %parallel_loop3A_158 = arith.addi %parallel_loop3A_155, %parallel_loop3A_157 : vector<16xi32>
        %parallel_loop3A_159 = arith.constant 3 : i32
        %parallel_loop3A_160 = vector.broadcast %parallel_loop3A_159 : i32 to vector<16xi32>
        %parallel_loop3A_161 = arith.shrui %parallel_loop3A_158, %parallel_loop3A_160 : vector<16xi32>
        %parallel_loop3A_162 = vector.shape_cast %parallel_loop3A_161 : vector<16xi32> to vector<16x1xi32>
        %parallel_loop3A_163 = vector.shape_cast %parallel_loop3A_162 : vector<16x1xi32> to vector<16xi32>
        %parallel_loop3A_164 = tpu.dynamic_gather %parallel_loop3A_129[%parallel_loop3A_163] in [0] : vector<16xf32>, vector<16xi32> -> vector<16xf32>
        %parallel_loop3A_165 = arith.index_cast %parallel_loop3A_112 : i32 to index
        %parallel_loop3A_166 = arith.constant 16 : index
        %parallel_loop3A_167 = tpu.vector_load %arg11[%parallel_loop3A_165, %parallel_loop3A_166] {strides = array<i32>} : memref<100x80xf32, #tpu.memory_space<vmem>>, vector<1x16xf32>,
        %parallel_loop3A_168 = vector.shape_cast %parallel_loop3A_167 : vector<1x16xf32> to vector<16xf32>
        %parallel_loop3A_169 = arith.mulf %parallel_loop3A_168, %parallel_loop3A_164 : vector<16xf32>
        %parallel_loop3A_170 = arith.index_cast %parallel_loop3A_112 : i32 to index
        %parallel_loop3A_171 = arith.constant 16 : index
        %parallel_loop3A_172 = tpu.vector_load %arg15[%parallel_loop3A_170, %parallel_loop3A_171] {strides = array<i32>} : memref<100x80xf32, #tpu.memory_space<vmem>>, vector<1x16xf32>,
        %parallel_loop3A_173 = vector.shape_cast %parallel_loop3A_172 : vector<1x16xf32> to vector<16xf32>
        %parallel_loop3A_174 = vector.shape_cast %parallel_loop3A_169 : vector<16xf32> to vector<1x16xf32>
        tpu.vector_store %arg15[%parallel_loop3A_170, %parallel_loop3A_171], %parallel_loop3A_174 {strides = array<i32>} : memref<100x80xf32, #tpu.memory_space<vmem>>, vector<1x16xf32>,
        %parallel_loop3A_175 = tpu.iota {dimensions = array<i32: 0>} : vector<16xi32>
        %parallel_loop3A_176 = arith.constant 32 : i32
        %parallel_loop3A_177 = vector.broadcast %parallel_loop3A_176 : i32 to vector<16xi32>
        %parallel_loop3A_178 = arith.addi %parallel_loop3A_175, %parallel_loop3A_177 : vector<16xi32>
        %parallel_loop3A_179 = arith.constant 3 : i32
        %parallel_loop3A_180 = vector.broadcast %parallel_loop3A_179 : i32 to vector<16xi32>
        %parallel_loop3A_181 = arith.shrui %parallel_loop3A_178, %parallel_loop3A_180 : vector<16xi32>
        %parallel_loop3A_182 = vector.shape_cast %parallel_loop3A_181 : vector<16xi32> to vector<16x1xi32>
        %parallel_loop3A_183 = vector.shape_cast %parallel_loop3A_182 : vector<16x1xi32> to vector<16xi32>
        %parallel_loop3A_184 = tpu.dynamic_gather %parallel_loop3A_129[%parallel_loop3A_183] in [0] : vector<16xf32>, vector<16xi32> -> vector<16xf32>
        %parallel_loop3A_185 = arith.index_cast %parallel_loop3A_112 : i32 to index
        %parallel_loop3A_186 = arith.constant 32 : index
        %parallel_loop3A_187 = tpu.vector_load %arg11[%parallel_loop3A_185, %parallel_loop3A_186] {strides = array<i32>} : memref<100x80xf32, #tpu.memory_space<vmem>>, vector<1x16xf32>,
        %parallel_loop3A_188 = vector.shape_cast %parallel_loop3A_187 : vector<1x16xf32> to vector<16xf32>
        %parallel_loop3A_189 = arith.mulf %parallel_loop3A_188, %parallel_loop3A_184 : vector<16xf32>
        %parallel_loop3A_190 = arith.index_cast %parallel_loop3A_112 : i32 to index
        %parallel_loop3A_191 = arith.constant 32 : index
        %parallel_loop3A_192 = tpu.vector_load %arg15[%parallel_loop3A_190, %parallel_loop3A_191] {strides = array<i32>} : memref<100x80xf32, #tpu.memory_space<vmem>>, vector<1x16xf32>,
        %parallel_loop3A_193 = vector.shape_cast %parallel_loop3A_192 : vector<1x16xf32> to vector<16xf32>
        %parallel_loop3A_194 = vector.shape_cast %parallel_loop3A_189 : vector<16xf32> to vector<1x16xf32>
        tpu.vector_store %arg15[%parallel_loop3A_190, %parallel_loop3A_191], %parallel_loop3A_194 {strides = array<i32>} : memref<100x80xf32, #tpu.memory_space<vmem>>, vector<1x16xf32>,
        %parallel_loop3A_195 = tpu.iota {dimensions = array<i32: 0>} : vector<16xi32>
        %parallel_loop3A_196 = arith.constant 48 : i32
        %parallel_loop3A_197 = vector.broadcast %parallel_loop3A_196 : i32 to vector<16xi32>
        %parallel_loop3A_198 = arith.addi %parallel_loop3A_195, %parallel_loop3A_197 : vector<16xi32>
        %parallel_loop3A_199 = arith.constant 3 : i32
        %parallel_loop3A_200 = vector.broadcast %parallel_loop3A_199 : i32 to vector<16xi32>
        %parallel_loop3A_201 = arith.shrui %parallel_loop3A_198, %parallel_loop3A_200 : vector<16xi32>
        %parallel_loop3A_202 = vector.shape_cast %parallel_loop3A_201 : vector<16xi32> to vector<16x1xi32>
        %parallel_loop3A_203 = vector.shape_cast %parallel_loop3A_202 : vector<16x1xi32> to vector<16xi32>
        %parallel_loop3A_204 = tpu.dynamic_gather %parallel_loop3A_129[%parallel_loop3A_203] in [0] : vector<16xf32>, vector<16xi32> -> vector<16xf32>
        %parallel_loop3A_205 = arith.index_cast %parallel_loop3A_112 : i32 to index
        %parallel_loop3A_206 = arith.constant 48 : index
        %parallel_loop3A_207 = tpu.vector_load %arg11[%parallel_loop3A_205, %parallel_loop3A_206] {strides = array<i32>} : memref<100x80xf32, #tpu.memory_space<vmem>>, vector<1x16xf32>,
        %parallel_loop3A_208 = vector.shape_cast %parallel_loop3A_207 : vector<1x16xf32> to vector<16xf32>
        %parallel_loop3A_209 = arith.mulf %parallel_loop3A_208, %parallel_loop3A_204 : vector<16xf32>
        %parallel_loop3A_210 = arith.index_cast %parallel_loop3A_112 : i32 to index
        %parallel_loop3A_211 = arith.constant 48 : index
        %parallel_loop3A_212 = tpu.vector_load %arg15[%parallel_loop3A_210, %parallel_loop3A_211] {strides = array<i32>} : memref<100x80xf32, #tpu.memory_space<vmem>>, vector<1x16xf32>,
        %parallel_loop3A_213 = vector.shape_cast %parallel_loop3A_212 : vector<1x16xf32> to vector<16xf32>
        %parallel_loop3A_214 = vector.shape_cast %parallel_loop3A_209 : vector<16xf32> to vector<1x16xf32>
        tpu.vector_store %arg15[%parallel_loop3A_210, %parallel_loop3A_211], %parallel_loop3A_214 {strides = array<i32>} : memref<100x80xf32, #tpu.memory_space<vmem>>, vector<1x16xf32>,
      } {sc.loop_unroll_factor = 8 : i64, sc.parallel_access}
      %dma_start3A_106 = arith.constant 0 : i32
      %dma_start3A_107 = tpu.memref_slice %arg9[%add3A_97, %dma_start3A_106] : memref<100x100xi32, #tpu.memory_space<vmem>> -> memref<1x100xi32, #tpu.memory_space<vmem>>
      %dma_start3A_108 = tpu.memref_squeeze %dma_start3A_107 : memref<1x100xi32, #tpu.memory_space<vmem>> -> memref<100xi32, #tpu.memory_space<vmem>>
      %dma_start3A_109 = arith.constant 0 : i32
      %dma_start3A_110 = arith.constant 0 : i32
      %dma_start3A_111 = tpu.memref_slice %arg16[%dma_start3A_109, %dma_start3A_110] : memref<10112x80xf32, #tpu.memory_space<vmem_shared>> -> memref<10112x80xf32, #tpu.memory_space<vmem_shared>>
      tpu.enqueue_indirect_dma source(%arg15 : memref<100x80xf32, #tpu.memory_space<vmem>>) target(%dma_start3A_111 : memref<10112x80xf32, #tpu.memory_space<vmem_shared>>) offsets(%dma_start3A_108 : memref<100xi32, #tpu.memory_space<vmem>>) semaphore(%arg22 : memref<!tpu.dma_semaphore, #tpu.memory_space<semaphore_mem>>) {add = true}
    }
    %scan3A_20 = arith.constant 50 : i32
    %dma_wait3A = arith.constant 98 : i32
    %dma_wait3A_21 = arith.constant 0 : i32
    %dma_wait3A_22 = tpu.memref_slice %arg9[%dma_wait3A, %dma_wait3A_21] : memref<100x100xi32, #tpu.memory_space<vmem>> -> memref<1x100xi32, #tpu.memory_space<vmem>>
    %dma_wait3A_23 = tpu.memref_squeeze %dma_wait3A_22 : memref<1x100xi32, #tpu.memory_space<vmem>> -> memref<100xi32, #tpu.memory_space<vmem>>
    %dma_wait3A_24 = arith.constant 0 : i32
    %dma_wait3A_25 = arith.constant 0 : i32
    %dma_wait3A_26 = tpu.memref_slice %arg16[%dma_wait3A_24, %dma_wait3A_25] : memref<10112x80xf32, #tpu.memory_space<vmem_shared>> -> memref<10112x80xf32, #tpu.memory_space<vmem_shared>>
    tpu.wait_indirect_dma semaphore(%arg21 : memref<!tpu.dma_semaphore, #tpu.memory_space<semaphore_mem>>) src(%arg14 : memref<100x80xf32, #tpu.memory_space<vmem>>) dst(%dma_wait3A_26 : memref<10112x80xf32, #tpu.memory_space<vmem_shared>>)
    %dma_wait3A_27 = arith.constant 99 : i32
    %dma_wait3A_28 = arith.constant 0 : i32
    %dma_wait3A_29 = tpu.memref_slice %arg9[%dma_wait3A_27, %dma_wait3A_28] : memref<100x100xi32, #tpu.memory_space<vmem>> -> memref<1x100xi32, #tpu.memory_space<vmem>>
    %dma_wait3A_30 = tpu.memref_squeeze %dma_wait3A_29 : memref<1x100xi32, #tpu.memory_space<vmem>> -> memref<100xi32, #tpu.memory_space<vmem>>
    %dma_wait3A_31 = arith.constant 0 : i32
    %dma_wait3A_32 = arith.constant 0 : i32
    %dma_wait3A_33 = tpu.memref_slice %arg16[%dma_wait3A_31, %dma_wait3A_32] : memref<10112x80xf32, #tpu.memory_space<vmem_shared>> -> memref<10112x80xf32, #tpu.memory_space<vmem_shared>>
    tpu.wait_indirect_dma semaphore(%arg22 : memref<!tpu.dma_semaphore, #tpu.memory_space<semaphore_mem>>) src(%arg15 : memref<100x80xf32, #tpu.memory_space<vmem>>) dst(%dma_wait3A_33 : memref<10112x80xf32, #tpu.memory_space<vmem_shared>>)
    %barrier3A_34 = arith.constant 0 : index
    tpu.barrier barrier_id(%barrier3A_34)
    %mul3A_35 = arith.constant 632 : i32
    %mul3A_36 = arith.muli %arg1, %mul3A_35 : i32
    %mul3A_37 = arith.constant 632 : i32
    %mul3A_38 = arith.muli %arg1, %mul3A_37 : i32
    "tpu.region"() ({
      %run_scoped3A = tpu.sem_alloc : memref<!tpu.dma_semaphore, #tpu.memory_space<semaphore_mem>>
      %dma_start3A_39 = arith.constant 0 : i32
      %dma_start3A_40 = tpu.memref_slice %arg7[%arg0, %mul3A_38, %dma_start3A_39] : memref<2x10112x80xf32, #tpu.memory_space<hbm>> -> memref<1x632x80xf32, #tpu.memory_space<hbm>>
      %dma_start3A_41 = tpu.memref_squeeze %dma_start3A_40 : memref<1x632x80xf32, #tpu.memory_space<hbm>> -> memref<632x80xf32, #tpu.memory_space<hbm>>
      %dma_start3A_42 = arith.constant 0 : i32
      %dma_start3A_43 = tpu.memref_slice %arg16[%mul3A_36, %dma_start3A_42] : memref<10112x80xf32, #tpu.memory_space<vmem_shared>> -> memref<632x80xf32, #tpu.memory_space<vmem_shared>>
      tpu.enqueue_dma source(%dma_start3A_43 : memref<632x80xf32, #tpu.memory_space<vmem_shared>>) target(%dma_start3A_41 : memref<632x80xf32, #tpu.memory_space<hbm>>) target_semaphore(%run_scoped3A : memref<!tpu.dma_semaphore, #tpu.memory_space<semaphore_mem>>)
      %dma_wait3A_44 = arith.constant 0 : i32
      %dma_wait3A_45 = tpu.memref_slice %arg7[%arg0, %mul3A_38, %dma_wait3A_44] : memref<2x10112x80xf32, #tpu.memory_space<hbm>> -> memref<1x632x80xf32, #tpu.memory_space<hbm>>
      %dma_wait3A_46 = tpu.memref_squeeze %dma_wait3A_45 : memref<1x632x80xf32, #tpu.memory_space<hbm>> -> memref<632x80xf32, #tpu.memory_space<hbm>>
      %dma_wait3A_47 = arith.constant 0 : i32
      %dma_wait3A_48 = tpu.memref_slice %arg16[%mul3A_36, %dma_wait3A_47] : memref<10112x80xf32, #tpu.memory_space<vmem_shared>> -> memref<632x80xf32, #tpu.memory_space<vmem_shared>>
      tpu.wait_dma2 semaphore(%run_scoped3A : memref<!tpu.dma_semaphore, #tpu.memory_space<semaphore_mem>>) src(%dma_wait3A_48 : memref<632x80xf32, #tpu.memory_space<vmem_shared>>) dst(%dma_wait3A_46 : memref<632x80xf32, #tpu.memory_space<hbm>>)
      tpu.yield
    }) : () -> ()
    return
  }
}

#map = affine_map<(d0, d1) -> (0, 0, 0)>
#map1 = affine_map<(d0, d1) -> (0, 0)>
module attributes {stable_mosaic.version = 14 : i64} {
  func.func @sc_edge(%arg0: i32, %arg1: i32, %arg2: memref<32x250x40xi32, #tpu.memory_space<hbm>>, %arg3: memref<32x250x40xi32, #tpu.memory_space<hbm>>, %arg4: memref<10000x144xf32, #tpu.memory_space<hbm>>, %arg5: memref<10000x16xf32, #tpu.memory_space<hbm>>, %arg6: memref<632x144xf32, #tpu.memory_space<hbm>>, %arg7: memref<2x10112x144xf32, #tpu.memory_space<hbm>>, %arg8: memref<250x40xi32, #tpu.memory_space<vmem>>, %arg9: memref<250x40xi32, #tpu.memory_space<vmem>>, %arg10: memref<40x144xf32, #tpu.memory_space<vmem>>, %arg11: memref<40x144xf32, #tpu.memory_space<vmem>>, %arg12: memref<40x16xf32, #tpu.memory_space<vmem>>, %arg13: memref<40x16xf32, #tpu.memory_space<vmem>>, %arg14: memref<40x144xf32, #tpu.memory_space<vmem>>, %arg15: memref<10112x144xf32, #tpu.memory_space<vmem_shared>>, %arg16: memref<!tpu.dma_semaphore, #tpu.memory_space<semaphore_mem>>, %arg17: memref<!tpu.dma_semaphore, #tpu.memory_space<semaphore_mem>>, %arg18: memref<!tpu.dma_semaphore, #tpu.memory_space<semaphore_mem>>, %arg19: memref<!tpu.dma_semaphore, #tpu.memory_space<semaphore_mem>>) attributes {dimension_semantics = [#tpu.dimension_semantics<core_parallel>, #tpu.dimension_semantics<subcore_parallel>], iteration_bounds = array<i64: 2, 16>, scalar_prefetch = 0 : i64, scratch_operands = 12 : i64, tpu.core_type = #tpu.core_type<sc_vector_subcore>, window_params = [{transform_indices = #map}, {transform_indices = #map}, {transform_indices = #map1}, {transform_indices = #map1}, {transform_indices = #map1}, {transform_indices = #map}]} {
    %mul3A = arith.constant 2 : i32
    %mul3A_0 = arith.muli %arg1, %mul3A : i32
    %add3A = arith.addi %mul3A_0, %arg0 : i32
    %mul3A_1 = arith.constant 632 : i32
    %mul3A_2 = arith.muli %arg1, %mul3A_1 : i32
    "tpu.region"() ({
      %run_scoped3A = tpu.sem_alloc : memref<!tpu.dma_semaphore, #tpu.memory_space<semaphore_mem>>
      %dma_start3A_26 = arith.constant 0 : i32
      %dma_start3A_27 = tpu.memref_slice %arg15[%mul3A_2, %dma_start3A_26] : memref<10112x144xf32, #tpu.memory_space<vmem_shared>> -> memref<632x144xf32, #tpu.memory_space<vmem_shared>>
      tpu.enqueue_dma source(%arg6 : memref<632x144xf32, #tpu.memory_space<hbm>>) target(%dma_start3A_27 : memref<632x144xf32, #tpu.memory_space<vmem_shared>>) target_semaphore(%run_scoped3A : memref<!tpu.dma_semaphore, #tpu.memory_space<semaphore_mem>>)
      %dma_wait3A = arith.constant 0 : i32
      %dma_wait3A_28 = tpu.memref_slice %arg15[%mul3A_2, %dma_wait3A] : memref<10112x144xf32, #tpu.memory_space<vmem_shared>> -> memref<632x144xf32, #tpu.memory_space<vmem_shared>>
      tpu.wait_dma2 semaphore(%run_scoped3A : memref<!tpu.dma_semaphore, #tpu.memory_space<semaphore_mem>>) src(%arg6 : memref<632x144xf32, #tpu.memory_space<hbm>>) dst(%dma_wait3A_28 : memref<632x144xf32, #tpu.memory_space<vmem_shared>>)
      tpu.yield
    }) : () -> ()
    "tpu.region"() ({
      %run_scoped3A = tpu.sem_alloc : memref<!tpu.dma_semaphore, #tpu.memory_space<semaphore_mem>>
      %dma_start3A_26 = arith.constant 0 : i32
      %dma_start3A_27 = arith.constant 0 : i32
      %dma_start3A_28 = tpu.memref_slice %arg2[%add3A, %dma_start3A_26, %dma_start3A_27] : memref<32x250x40xi32, #tpu.memory_space<hbm>> -> memref<1x250x40xi32, #tpu.memory_space<hbm>>
      %dma_start3A_29 = tpu.memref_squeeze %dma_start3A_28 : memref<1x250x40xi32, #tpu.memory_space<hbm>> -> memref<250x40xi32, #tpu.memory_space<hbm>>
      %dma_start3A_30 = arith.constant 0 : i32
      %dma_start3A_31 = arith.constant 0 : i32
      %dma_start3A_32 = tpu.memref_slice %arg2[%add3A, %dma_start3A_30, %dma_start3A_31] : memref<32x250x40xi32, #tpu.memory_space<hbm>> -> memref<1x250x40xi32, #tpu.memory_space<hbm>>
      %dma_start3A_33 = tpu.memref_squeeze %dma_start3A_32 : memref<1x250x40xi32, #tpu.memory_space<hbm>> -> memref<250x40xi32, #tpu.memory_space<hbm>>
      tpu.enqueue_dma source(%dma_start3A_33 : memref<250x40xi32, #tpu.memory_space<hbm>>) target(%arg8 : memref<250x40xi32, #tpu.memory_space<vmem>>) target_semaphore(%run_scoped3A : memref<!tpu.dma_semaphore, #tpu.memory_space<semaphore_mem>>)
      %dma_wait3A = arith.constant 0 : i32
      %dma_wait3A_34 = arith.constant 0 : i32
      %dma_wait3A_35 = tpu.memref_slice %arg2[%add3A, %dma_wait3A, %dma_wait3A_34] : memref<32x250x40xi32, #tpu.memory_space<hbm>> -> memref<1x250x40xi32, #tpu.memory_space<hbm>>
      %dma_wait3A_36 = tpu.memref_squeeze %dma_wait3A_35 : memref<1x250x40xi32, #tpu.memory_space<hbm>> -> memref<250x40xi32, #tpu.memory_space<hbm>>
      %dma_wait3A_37 = arith.constant 0 : i32
      %dma_wait3A_38 = arith.constant 0 : i32
      %dma_wait3A_39 = tpu.memref_slice %arg2[%add3A, %dma_wait3A_37, %dma_wait3A_38] : memref<32x250x40xi32, #tpu.memory_space<hbm>> -> memref<1x250x40xi32, #tpu.memory_space<hbm>>
      %dma_wait3A_40 = tpu.memref_squeeze %dma_wait3A_39 : memref<1x250x40xi32, #tpu.memory_space<hbm>> -> memref<250x40xi32, #tpu.memory_space<hbm>>
      tpu.wait_dma2 semaphore(%run_scoped3A : memref<!tpu.dma_semaphore, #tpu.memory_space<semaphore_mem>>) src(%dma_wait3A_40 : memref<250x40xi32, #tpu.memory_space<hbm>>) dst(%arg8 : memref<250x40xi32, #tpu.memory_space<vmem>>)
      tpu.yield
    }) : () -> ()
    "tpu.region"() ({
      %run_scoped3A = tpu.sem_alloc : memref<!tpu.dma_semaphore, #tpu.memory_space<semaphore_mem>>
      %dma_start3A_26 = arith.constant 0 : i32
      %dma_start3A_27 = arith.constant 0 : i32
      %dma_start3A_28 = tpu.memref_slice %arg3[%add3A, %dma_start3A_26, %dma_start3A_27] : memref<32x250x40xi32, #tpu.memory_space<hbm>> -> memref<1x250x40xi32, #tpu.memory_space<hbm>>
      %dma_start3A_29 = tpu.memref_squeeze %dma_start3A_28 : memref<1x250x40xi32, #tpu.memory_space<hbm>> -> memref<250x40xi32, #tpu.memory_space<hbm>>
      %dma_start3A_30 = arith.constant 0 : i32
      %dma_start3A_31 = arith.constant 0 : i32
      %dma_start3A_32 = tpu.memref_slice %arg3[%add3A, %dma_start3A_30, %dma_start3A_31] : memref<32x250x40xi32, #tpu.memory_space<hbm>> -> memref<1x250x40xi32, #tpu.memory_space<hbm>>
      %dma_start3A_33 = tpu.memref_squeeze %dma_start3A_32 : memref<1x250x40xi32, #tpu.memory_space<hbm>> -> memref<250x40xi32, #tpu.memory_space<hbm>>
      tpu.enqueue_dma source(%dma_start3A_33 : memref<250x40xi32, #tpu.memory_space<hbm>>) target(%arg9 : memref<250x40xi32, #tpu.memory_space<vmem>>) target_semaphore(%run_scoped3A : memref<!tpu.dma_semaphore, #tpu.memory_space<semaphore_mem>>)
      %dma_wait3A = arith.constant 0 : i32
      %dma_wait3A_34 = arith.constant 0 : i32
      %dma_wait3A_35 = tpu.memref_slice %arg3[%add3A, %dma_wait3A, %dma_wait3A_34] : memref<32x250x40xi32, #tpu.memory_space<hbm>> -> memref<1x250x40xi32, #tpu.memory_space<hbm>>
      %dma_wait3A_36 = tpu.memref_squeeze %dma_wait3A_35 : memref<1x250x40xi32, #tpu.memory_space<hbm>> -> memref<250x40xi32, #tpu.memory_space<hbm>>
      %dma_wait3A_37 = arith.constant 0 : i32
      %dma_wait3A_38 = arith.constant 0 : i32
      %dma_wait3A_39 = tpu.memref_slice %arg3[%add3A, %dma_wait3A_37, %dma_wait3A_38] : memref<32x250x40xi32, #tpu.memory_space<hbm>> -> memref<1x250x40xi32, #tpu.memory_space<hbm>>
      %dma_wait3A_40 = tpu.memref_squeeze %dma_wait3A_39 : memref<1x250x40xi32, #tpu.memory_space<hbm>> -> memref<250x40xi32, #tpu.memory_space<hbm>>
      tpu.wait_dma2 semaphore(%run_scoped3A : memref<!tpu.dma_semaphore, #tpu.memory_space<semaphore_mem>>) src(%dma_wait3A_40 : memref<250x40xi32, #tpu.memory_space<hbm>>) dst(%arg9 : memref<250x40xi32, #tpu.memory_space<vmem>>)
      tpu.yield
    }) : () -> ()
    %barrier3A = arith.constant 0 : index
    tpu.barrier barrier_id(%barrier3A)
    %dma_start3A = arith.constant 0 : i32
    %dma_start3A_3 = arith.constant 0 : i32
    %dma_start3A_4 = tpu.memref_slice %arg8[%dma_start3A, %dma_start3A_3] : memref<250x40xi32, #tpu.memory_space<vmem>> -> memref<1x40xi32, #tpu.memory_space<vmem>>
    %dma_start3A_5 = tpu.memref_squeeze %dma_start3A_4 : memref<1x40xi32, #tpu.memory_space<vmem>> -> memref<40xi32, #tpu.memory_space<vmem>>
    %dma_start3A_6 = arith.constant 0 : i32
    %dma_start3A_7 = arith.constant 0 : i32
    %dma_start3A_8 = tpu.memref_slice %arg4[%dma_start3A_6, %dma_start3A_7] : memref<10000x144xf32, #tpu.memory_space<hbm>> -> memref<10000x144xf32, #tpu.memory_space<hbm>>
    tpu.enqueue_indirect_dma source(%dma_start3A_8 : memref<10000x144xf32, #tpu.memory_space<hbm>>) target(%arg10 : memref<40x144xf32, #tpu.memory_space<vmem>>) offsets(%dma_start3A_5 : memref<40xi32, #tpu.memory_space<vmem>>) semaphore(%arg16 : memref<!tpu.dma_semaphore, #tpu.memory_space<semaphore_mem>>)
    %dma_start3A_9 = arith.constant 0 : i32
    %dma_start3A_10 = arith.constant 0 : i32
    %dma_start3A_11 = tpu.memref_slice %arg9[%dma_start3A_9, %dma_start3A_10] : memref<250x40xi32, #tpu.memory_space<vmem>> -> memref<1x40xi32, #tpu.memory_space<vmem>>
    %dma_start3A_12 = tpu.memref_squeeze %dma_start3A_11 : memref<1x40xi32, #tpu.memory_space<vmem>> -> memref<40xi32, #tpu.memory_space<vmem>>
    %dma_start3A_13 = arith.constant 0 : i32
    %dma_start3A_14 = arith.constant 0 : i32
    %dma_start3A_15 = tpu.memref_slice %arg5[%dma_start3A_13, %dma_start3A_14] : memref<10000x16xf32, #tpu.memory_space<hbm>> -> memref<10000x16xf32, #tpu.memory_space<hbm>>
    tpu.enqueue_indirect_dma source(%dma_start3A_15 : memref<10000x16xf32, #tpu.memory_space<hbm>>) target(%arg12 : memref<40x16xf32, #tpu.memory_space<vmem>>) offsets(%dma_start3A_12 : memref<40xi32, #tpu.memory_space<vmem>>) semaphore(%arg18 : memref<!tpu.dma_semaphore, #tpu.memory_space<semaphore_mem>>)
    %scan3A = arith.constant 0 : i32
    %scan3A_16 = arith.constant 0 : i32
    %scan3A_17 = arith.constant 125 : i32
    %scan3A_18 = arith.addi %scan3A_16, %scan3A_17 : i32
    %scan3A_19 = arith.constant 1 : i32
    scf.for %scan3A_26 = %scan3A_16 to %scan3A_18 step %scan3A_19  : i32 {
      %mul3A_27 = arith.constant 2 : i32
      %mul3A_28 = arith.muli %mul3A_27, %scan3A_26 : i32
      %dma_wait3A = arith.constant 0 : i32
      %dma_wait3A_29 = tpu.memref_slice %arg8[%mul3A_28, %dma_wait3A] : memref<250x40xi32, #tpu.memory_space<vmem>> -> memref<1x40xi32, #tpu.memory_space<vmem>>
      %dma_wait3A_30 = tpu.memref_squeeze %dma_wait3A_29 : memref<1x40xi32, #tpu.memory_space<vmem>> -> memref<40xi32, #tpu.memory_space<vmem>>
      %dma_wait3A_31 = arith.constant 0 : i32
      %dma_wait3A_32 = arith.constant 0 : i32
      %dma_wait3A_33 = tpu.memref_slice %arg4[%dma_wait3A_31, %dma_wait3A_32] : memref<10000x144xf32, #tpu.memory_space<hbm>> -> memref<10000x144xf32, #tpu.memory_space<hbm>>
      tpu.wait_indirect_dma semaphore(%arg16 : memref<!tpu.dma_semaphore, #tpu.memory_space<semaphore_mem>>) src(%dma_wait3A_33 : memref<10000x144xf32, #tpu.memory_space<hbm>>) dst(%arg10 : memref<40x144xf32, #tpu.memory_space<vmem>>)
      %dma_wait3A_34 = arith.constant 0 : i32
      %dma_wait3A_35 = tpu.memref_slice %arg9[%mul3A_28, %dma_wait3A_34] : memref<250x40xi32, #tpu.memory_space<vmem>> -> memref<1x40xi32, #tpu.memory_space<vmem>>
      %dma_wait3A_36 = tpu.memref_squeeze %dma_wait3A_35 : memref<1x40xi32, #tpu.memory_space<vmem>> -> memref<40xi32, #tpu.memory_space<vmem>>
      %dma_wait3A_37 = arith.constant 0 : i32
      %dma_wait3A_38 = arith.constant 0 : i32
      %dma_wait3A_39 = tpu.memref_slice %arg5[%dma_wait3A_37, %dma_wait3A_38] : memref<10000x16xf32, #tpu.memory_space<hbm>> -> memref<10000x16xf32, #tpu.memory_space<hbm>>
      tpu.wait_indirect_dma semaphore(%arg18 : memref<!tpu.dma_semaphore, #tpu.memory_space<semaphore_mem>>) src(%dma_wait3A_39 : memref<10000x16xf32, #tpu.memory_space<hbm>>) dst(%arg12 : memref<40x16xf32, #tpu.memory_space<vmem>>)
      %add3A_40 = arith.constant 1 : i32
      %add3A_41 = arith.addi %mul3A_28, %add3A_40 : i32
      %dma_start3A_42 = arith.constant 0 : i32
      %dma_start3A_43 = tpu.memref_slice %arg8[%add3A_41, %dma_start3A_42] : memref<250x40xi32, #tpu.memory_space<vmem>> -> memref<1x40xi32, #tpu.memory_space<vmem>>
      %dma_start3A_44 = tpu.memref_squeeze %dma_start3A_43 : memref<1x40xi32, #tpu.memory_space<vmem>> -> memref<40xi32, #tpu.memory_space<vmem>>
      %dma_start3A_45 = arith.constant 0 : i32
      %dma_start3A_46 = arith.constant 0 : i32
      %dma_start3A_47 = tpu.memref_slice %arg4[%dma_start3A_45, %dma_start3A_46] : memref<10000x144xf32, #tpu.memory_space<hbm>> -> memref<10000x144xf32, #tpu.memory_space<hbm>>
      tpu.enqueue_indirect_dma source(%dma_start3A_47 : memref<10000x144xf32, #tpu.memory_space<hbm>>) target(%arg11 : memref<40x144xf32, #tpu.memory_space<vmem>>) offsets(%dma_start3A_44 : memref<40xi32, #tpu.memory_space<vmem>>) semaphore(%arg17 : memref<!tpu.dma_semaphore, #tpu.memory_space<semaphore_mem>>)
      %dma_start3A_48 = arith.constant 0 : i32
      %dma_start3A_49 = tpu.memref_slice %arg9[%add3A_41, %dma_start3A_48] : memref<250x40xi32, #tpu.memory_space<vmem>> -> memref<1x40xi32, #tpu.memory_space<vmem>>
      %dma_start3A_50 = tpu.memref_squeeze %dma_start3A_49 : memref<1x40xi32, #tpu.memory_space<vmem>> -> memref<40xi32, #tpu.memory_space<vmem>>
      %dma_start3A_51 = arith.constant 0 : i32
      %dma_start3A_52 = arith.constant 0 : i32
      %dma_start3A_53 = tpu.memref_slice %arg5[%dma_start3A_51, %dma_start3A_52] : memref<10000x16xf32, #tpu.memory_space<hbm>> -> memref<10000x16xf32, #tpu.memory_space<hbm>>
      tpu.enqueue_indirect_dma source(%dma_start3A_53 : memref<10000x16xf32, #tpu.memory_space<hbm>>) target(%arg13 : memref<40x16xf32, #tpu.memory_space<vmem>>) offsets(%dma_start3A_50 : memref<40xi32, #tpu.memory_space<vmem>>) semaphore(%arg19 : memref<!tpu.dma_semaphore, #tpu.memory_space<semaphore_mem>>)
      %parallel_loop3A = arith.constant 0 : i32
      %parallel_loop3A_54 = arith.constant 40 : i32
      %parallel_loop3A_55 = arith.constant 1 : i32
      scf.for %parallel_loop3A_77 = %parallel_loop3A to %parallel_loop3A_54 step %parallel_loop3A_55  : i32 {
        %parallel_loop3A_78 = arith.index_cast %parallel_loop3A_77 : i32 to index
        %parallel_loop3A_79 = arith.constant 128 : index
        %parallel_loop3A_80 = tpu.vector_load %arg10[%parallel_loop3A_78, %parallel_loop3A_79] {strides = array<i32>} : memref<40x144xf32, #tpu.memory_space<vmem>>, vector<1x16xf32>,
        %parallel_loop3A_81 = vector.shape_cast %parallel_loop3A_80 : vector<1x16xf32> to vector<16xf32>
        %parallel_loop3A_82 = arith.index_cast %parallel_loop3A_77 : i32 to index
        %parallel_loop3A_83 = arith.constant 0 : index
        %parallel_loop3A_84 = tpu.vector_load %arg12[%parallel_loop3A_82, %parallel_loop3A_83] {strides = array<i32>} : memref<40x16xf32, #tpu.memory_space<vmem>>, vector<1x16xf32>,
        %parallel_loop3A_85 = vector.shape_cast %parallel_loop3A_84 : vector<1x16xf32> to vector<16xf32>
        %parallel_loop3A_86 = arith.addf %parallel_loop3A_81, %parallel_loop3A_85 : vector<16xf32>
        %parallel_loop3A_87 = arith.constant 0.000000e+00 : f32
        %parallel_loop3A_88 = vector.broadcast %parallel_loop3A_87 : f32 to vector<16xf32>
        %parallel_loop3A_89 = arith.cmpf oge, %parallel_loop3A_86, %parallel_loop3A_88 : vector<16xf32>
        %parallel_loop3A_90 = arith.constant 2.000000e-01 : f32
        %parallel_loop3A_91 = vector.broadcast %parallel_loop3A_90 : f32 to vector<16xf32>
        %parallel_loop3A_92 = arith.mulf %parallel_loop3A_91, %parallel_loop3A_86 : vector<16xf32>
        %parallel_loop3A_93 = arith.select %parallel_loop3A_89, %parallel_loop3A_86, %parallel_loop3A_92 : vector<16xi1>, vector<16xf32>
        %parallel_loop3A_94 = math.exp %parallel_loop3A_93 : vector<16xf32>
        %parallel_loop3A_95 = arith.index_cast %parallel_loop3A_77 : i32 to index
        %parallel_loop3A_96 = arith.constant 128 : index
        %parallel_loop3A_97 = tpu.vector_load %arg14[%parallel_loop3A_95, %parallel_loop3A_96] {strides = array<i32>} : memref<40x144xf32, #tpu.memory_space<vmem>>, vector<1x16xf32>,
        %parallel_loop3A_98 = vector.shape_cast %parallel_loop3A_97 : vector<1x16xf32> to vector<16xf32>
        %parallel_loop3A_99 = vector.shape_cast %parallel_loop3A_94 : vector<16xf32> to vector<1x16xf32>
        tpu.vector_store %arg14[%parallel_loop3A_95, %parallel_loop3A_96], %parallel_loop3A_99 {strides = array<i32>} : memref<40x144xf32, #tpu.memory_space<vmem>>, vector<1x16xf32>,
        %parallel_loop3A_100 = tpu.iota {dimensions = array<i32: 0>} : vector<16xi32>
        %parallel_loop3A_101 = arith.constant 0 : i32
        %parallel_loop3A_102 = vector.broadcast %parallel_loop3A_101 : i32 to vector<16xi32>
        %parallel_loop3A_103 = arith.addi %parallel_loop3A_100, %parallel_loop3A_102 : vector<16xi32>
        %parallel_loop3A_104 = arith.constant 4 : i32
        %parallel_loop3A_105 = vector.broadcast %parallel_loop3A_104 : i32 to vector<16xi32>
        %parallel_loop3A_106 = arith.shrui %parallel_loop3A_103, %parallel_loop3A_105 : vector<16xi32>
        %parallel_loop3A_107 = vector.shape_cast %parallel_loop3A_106 : vector<16xi32> to vector<16x1xi32>
        %parallel_loop3A_108 = vector.shape_cast %parallel_loop3A_107 : vector<16x1xi32> to vector<16xi32>
        %parallel_loop3A_109 = tpu.dynamic_gather %parallel_loop3A_94[%parallel_loop3A_108] in [0] : vector<16xf32>, vector<16xi32> -> vector<16xf32>
        %parallel_loop3A_110 = arith.index_cast %parallel_loop3A_77 : i32 to index
        %parallel_loop3A_111 = arith.constant 0 : index
        %parallel_loop3A_112 = tpu.vector_load %arg10[%parallel_loop3A_110, %parallel_loop3A_111] {strides = array<i32>} : memref<40x144xf32, #tpu.memory_space<vmem>>, vector<1x16xf32>,
        %parallel_loop3A_113 = vector.shape_cast %parallel_loop3A_112 : vector<1x16xf32> to vector<16xf32>
        %parallel_loop3A_114 = arith.mulf %parallel_loop3A_113, %parallel_loop3A_109 : vector<16xf32>
        %parallel_loop3A_115 = arith.index_cast %parallel_loop3A_77 : i32 to index
        %parallel_loop3A_116 = arith.constant 0 : index
        %parallel_loop3A_117 = tpu.vector_load %arg14[%parallel_loop3A_115, %parallel_loop3A_116] {strides = array<i32>} : memref<40x144xf32, #tpu.memory_space<vmem>>, vector<1x16xf32>,
        %parallel_loop3A_118 = vector.shape_cast %parallel_loop3A_117 : vector<1x16xf32> to vector<16xf32>
        %parallel_loop3A_119 = vector.shape_cast %parallel_loop3A_114 : vector<16xf32> to vector<1x16xf32>
        tpu.vector_store %arg14[%parallel_loop3A_115, %parallel_loop3A_116], %parallel_loop3A_119 {strides = array<i32>} : memref<40x144xf32, #tpu.memory_space<vmem>>, vector<1x16xf32>,
        %parallel_loop3A_120 = tpu.iota {dimensions = array<i32: 0>} : vector<16xi32>
        %parallel_loop3A_121 = arith.constant 16 : i32
        %parallel_loop3A_122 = vector.broadcast %parallel_loop3A_121 : i32 to vector<16xi32>
        %parallel_loop3A_123 = arith.addi %parallel_loop3A_120, %parallel_loop3A_122 : vector<16xi32>
        %parallel_loop3A_124 = arith.constant 4 : i32
        %parallel_loop3A_125 = vector.broadcast %parallel_loop3A_124 : i32 to vector<16xi32>
        %parallel_loop3A_126 = arith.shrui %parallel_loop3A_123, %parallel_loop3A_125 : vector<16xi32>
        %parallel_loop3A_127 = vector.shape_cast %parallel_loop3A_126 : vector<16xi32> to vector<16x1xi32>
        %parallel_loop3A_128 = vector.shape_cast %parallel_loop3A_127 : vector<16x1xi32> to vector<16xi32>
        %parallel_loop3A_129 = tpu.dynamic_gather %parallel_loop3A_94[%parallel_loop3A_128] in [0] : vector<16xf32>, vector<16xi32> -> vector<16xf32>
        %parallel_loop3A_130 = arith.index_cast %parallel_loop3A_77 : i32 to index
        %parallel_loop3A_131 = arith.constant 16 : index
        %parallel_loop3A_132 = tpu.vector_load %arg10[%parallel_loop3A_130, %parallel_loop3A_131] {strides = array<i32>} : memref<40x144xf32, #tpu.memory_space<vmem>>, vector<1x16xf32>,
        %parallel_loop3A_133 = vector.shape_cast %parallel_loop3A_132 : vector<1x16xf32> to vector<16xf32>
        %parallel_loop3A_134 = arith.mulf %parallel_loop3A_133, %parallel_loop3A_129 : vector<16xf32>
        %parallel_loop3A_135 = arith.index_cast %parallel_loop3A_77 : i32 to index
        %parallel_loop3A_136 = arith.constant 16 : index
        %parallel_loop3A_137 = tpu.vector_load %arg14[%parallel_loop3A_135, %parallel_loop3A_136] {strides = array<i32>} : memref<40x144xf32, #tpu.memory_space<vmem>>, vector<1x16xf32>,
        %parallel_loop3A_138 = vector.shape_cast %parallel_loop3A_137 : vector<1x16xf32> to vector<16xf32>
        %parallel_loop3A_139 = vector.shape_cast %parallel_loop3A_134 : vector<16xf32> to vector<1x16xf32>
        tpu.vector_store %arg14[%parallel_loop3A_135, %parallel_loop3A_136], %parallel_loop3A_139 {strides = array<i32>} : memref<40x144xf32, #tpu.memory_space<vmem>>, vector<1x16xf32>,
        %parallel_loop3A_140 = tpu.iota {dimensions = array<i32: 0>} : vector<16xi32>
        %parallel_loop3A_141 = arith.constant 32 : i32
        %parallel_loop3A_142 = vector.broadcast %parallel_loop3A_141 : i32 to vector<16xi32>
        %parallel_loop3A_143 = arith.addi %parallel_loop3A_140, %parallel_loop3A_142 : vector<16xi32>
        %parallel_loop3A_144 = arith.constant 4 : i32
        %parallel_loop3A_145 = vector.broadcast %parallel_loop3A_144 : i32 to vector<16xi32>
        %parallel_loop3A_146 = arith.shrui %parallel_loop3A_143, %parallel_loop3A_145 : vector<16xi32>
        %parallel_loop3A_147 = vector.shape_cast %parallel_loop3A_146 : vector<16xi32> to vector<16x1xi32>
        %parallel_loop3A_148 = vector.shape_cast %parallel_loop3A_147 : vector<16x1xi32> to vector<16xi32>
        %parallel_loop3A_149 = tpu.dynamic_gather %parallel_loop3A_94[%parallel_loop3A_148] in [0] : vector<16xf32>, vector<16xi32> -> vector<16xf32>
        %parallel_loop3A_150 = arith.index_cast %parallel_loop3A_77 : i32 to index
        %parallel_loop3A_151 = arith.constant 32 : index
        %parallel_loop3A_152 = tpu.vector_load %arg10[%parallel_loop3A_150, %parallel_loop3A_151] {strides = array<i32>} : memref<40x144xf32, #tpu.memory_space<vmem>>, vector<1x16xf32>,
        %parallel_loop3A_153 = vector.shape_cast %parallel_loop3A_152 : vector<1x16xf32> to vector<16xf32>
        %parallel_loop3A_154 = arith.mulf %parallel_loop3A_153, %parallel_loop3A_149 : vector<16xf32>
        %parallel_loop3A_155 = arith.index_cast %parallel_loop3A_77 : i32 to index
        %parallel_loop3A_156 = arith.constant 32 : index
        %parallel_loop3A_157 = tpu.vector_load %arg14[%parallel_loop3A_155, %parallel_loop3A_156] {strides = array<i32>} : memref<40x144xf32, #tpu.memory_space<vmem>>, vector<1x16xf32>,
        %parallel_loop3A_158 = vector.shape_cast %parallel_loop3A_157 : vector<1x16xf32> to vector<16xf32>
        %parallel_loop3A_159 = vector.shape_cast %parallel_loop3A_154 : vector<16xf32> to vector<1x16xf32>
        tpu.vector_store %arg14[%parallel_loop3A_155, %parallel_loop3A_156], %parallel_loop3A_159 {strides = array<i32>} : memref<40x144xf32, #tpu.memory_space<vmem>>, vector<1x16xf32>,
        %parallel_loop3A_160 = tpu.iota {dimensions = array<i32: 0>} : vector<16xi32>
        %parallel_loop3A_161 = arith.constant 48 : i32
        %parallel_loop3A_162 = vector.broadcast %parallel_loop3A_161 : i32 to vector<16xi32>
        %parallel_loop3A_163 = arith.addi %parallel_loop3A_160, %parallel_loop3A_162 : vector<16xi32>
        %parallel_loop3A_164 = arith.constant 4 : i32
        %parallel_loop3A_165 = vector.broadcast %parallel_loop3A_164 : i32 to vector<16xi32>
        %parallel_loop3A_166 = arith.shrui %parallel_loop3A_163, %parallel_loop3A_165 : vector<16xi32>
        %parallel_loop3A_167 = vector.shape_cast %parallel_loop3A_166 : vector<16xi32> to vector<16x1xi32>
        %parallel_loop3A_168 = vector.shape_cast %parallel_loop3A_167 : vector<16x1xi32> to vector<16xi32>
        %parallel_loop3A_169 = tpu.dynamic_gather %parallel_loop3A_94[%parallel_loop3A_168] in [0] : vector<16xf32>, vector<16xi32> -> vector<16xf32>
        %parallel_loop3A_170 = arith.index_cast %parallel_loop3A_77 : i32 to index
        %parallel_loop3A_171 = arith.constant 48 : index
        %parallel_loop3A_172 = tpu.vector_load %arg10[%parallel_loop3A_170, %parallel_loop3A_171] {strides = array<i32>} : memref<40x144xf32, #tpu.memory_space<vmem>>, vector<1x16xf32>,
        %parallel_loop3A_173 = vector.shape_cast %parallel_loop3A_172 : vector<1x16xf32> to vector<16xf32>
        %parallel_loop3A_174 = arith.mulf %parallel_loop3A_173, %parallel_loop3A_169 : vector<16xf32>
        %parallel_loop3A_175 = arith.index_cast %parallel_loop3A_77 : i32 to index
        %parallel_loop3A_176 = arith.constant 48 : index
        %parallel_loop3A_177 = tpu.vector_load %arg14[%parallel_loop3A_175, %parallel_loop3A_176] {strides = array<i32>} : memref<40x144xf32, #tpu.memory_space<vmem>>, vector<1x16xf32>,
        %parallel_loop3A_178 = vector.shape_cast %parallel_loop3A_177 : vector<1x16xf32> to vector<16xf32>
        %parallel_loop3A_179 = vector.shape_cast %parallel_loop3A_174 : vector<16xf32> to vector<1x16xf32>
        tpu.vector_store %arg14[%parallel_loop3A_175, %parallel_loop3A_176], %parallel_loop3A_179 {strides = array<i32>} : memref<40x144xf32, #tpu.memory_space<vmem>>, vector<1x16xf32>,
        %parallel_loop3A_180 = tpu.iota {dimensions = array<i32: 0>} : vector<16xi32>
        %parallel_loop3A_181 = arith.constant 64 : i32
        %parallel_loop3A_182 = vector.broadcast %parallel_loop3A_181 : i32 to vector<16xi32>
        %parallel_loop3A_183 = arith.addi %parallel_loop3A_180, %parallel_loop3A_182 : vector<16xi32>
        %parallel_loop3A_184 = arith.constant 4 : i32
        %parallel_loop3A_185 = vector.broadcast %parallel_loop3A_184 : i32 to vector<16xi32>
        %parallel_loop3A_186 = arith.shrui %parallel_loop3A_183, %parallel_loop3A_185 : vector<16xi32>
        %parallel_loop3A_187 = vector.shape_cast %parallel_loop3A_186 : vector<16xi32> to vector<16x1xi32>
        %parallel_loop3A_188 = vector.shape_cast %parallel_loop3A_187 : vector<16x1xi32> to vector<16xi32>
        %parallel_loop3A_189 = tpu.dynamic_gather %parallel_loop3A_94[%parallel_loop3A_188] in [0] : vector<16xf32>, vector<16xi32> -> vector<16xf32>
        %parallel_loop3A_190 = arith.index_cast %parallel_loop3A_77 : i32 to index
        %parallel_loop3A_191 = arith.constant 64 : index
        %parallel_loop3A_192 = tpu.vector_load %arg10[%parallel_loop3A_190, %parallel_loop3A_191] {strides = array<i32>} : memref<40x144xf32, #tpu.memory_space<vmem>>, vector<1x16xf32>,
        %parallel_loop3A_193 = vector.shape_cast %parallel_loop3A_192 : vector<1x16xf32> to vector<16xf32>
        %parallel_loop3A_194 = arith.mulf %parallel_loop3A_193, %parallel_loop3A_189 : vector<16xf32>
        %parallel_loop3A_195 = arith.index_cast %parallel_loop3A_77 : i32 to index
        %parallel_loop3A_196 = arith.constant 64 : index
        %parallel_loop3A_197 = tpu.vector_load %arg14[%parallel_loop3A_195, %parallel_loop3A_196] {strides = array<i32>} : memref<40x144xf32, #tpu.memory_space<vmem>>, vector<1x16xf32>,
        %parallel_loop3A_198 = vector.shape_cast %parallel_loop3A_197 : vector<1x16xf32> to vector<16xf32>
        %parallel_loop3A_199 = vector.shape_cast %parallel_loop3A_194 : vector<16xf32> to vector<1x16xf32>
        tpu.vector_store %arg14[%parallel_loop3A_195, %parallel_loop3A_196], %parallel_loop3A_199 {strides = array<i32>} : memref<40x144xf32, #tpu.memory_space<vmem>>, vector<1x16xf32>,
        %parallel_loop3A_200 = tpu.iota {dimensions = array<i32: 0>} : vector<16xi32>
        %parallel_loop3A_201 = arith.constant 80 : i32
        %parallel_loop3A_202 = vector.broadcast %parallel_loop3A_201 : i32 to vector<16xi32>
        %parallel_loop3A_203 = arith.addi %parallel_loop3A_200, %parallel_loop3A_202 : vector<16xi32>
        %parallel_loop3A_204 = arith.constant 4 : i32
        %parallel_loop3A_205 = vector.broadcast %parallel_loop3A_204 : i32 to vector<16xi32>
        %parallel_loop3A_206 = arith.shrui %parallel_loop3A_203, %parallel_loop3A_205 : vector<16xi32>
        %parallel_loop3A_207 = vector.shape_cast %parallel_loop3A_206 : vector<16xi32> to vector<16x1xi32>
        %parallel_loop3A_208 = vector.shape_cast %parallel_loop3A_207 : vector<16x1xi32> to vector<16xi32>
        %parallel_loop3A_209 = tpu.dynamic_gather %parallel_loop3A_94[%parallel_loop3A_208] in [0] : vector<16xf32>, vector<16xi32> -> vector<16xf32>
        %parallel_loop3A_210 = arith.index_cast %parallel_loop3A_77 : i32 to index
        %parallel_loop3A_211 = arith.constant 80 : index
        %parallel_loop3A_212 = tpu.vector_load %arg10[%parallel_loop3A_210, %parallel_loop3A_211] {strides = array<i32>} : memref<40x144xf32, #tpu.memory_space<vmem>>, vector<1x16xf32>,
        %parallel_loop3A_213 = vector.shape_cast %parallel_loop3A_212 : vector<1x16xf32> to vector<16xf32>
        %parallel_loop3A_214 = arith.mulf %parallel_loop3A_213, %parallel_loop3A_209 : vector<16xf32>
        %parallel_loop3A_215 = arith.index_cast %parallel_loop3A_77 : i32 to index
        %parallel_loop3A_216 = arith.constant 80 : index
        %parallel_loop3A_217 = tpu.vector_load %arg14[%parallel_loop3A_215, %parallel_loop3A_216] {strides = array<i32>} : memref<40x144xf32, #tpu.memory_space<vmem>>, vector<1x16xf32>,
        %parallel_loop3A_218 = vector.shape_cast %parallel_loop3A_217 : vector<1x16xf32> to vector<16xf32>
        %parallel_loop3A_219 = vector.shape_cast %parallel_loop3A_214 : vector<16xf32> to vector<1x16xf32>
        tpu.vector_store %arg14[%parallel_loop3A_215, %parallel_loop3A_216], %parallel_loop3A_219 {strides = array<i32>} : memref<40x144xf32, #tpu.memory_space<vmem>>, vector<1x16xf32>,
        %parallel_loop3A_220 = tpu.iota {dimensions = array<i32: 0>} : vector<16xi32>
        %parallel_loop3A_221 = arith.constant 96 : i32
        %parallel_loop3A_222 = vector.broadcast %parallel_loop3A_221 : i32 to vector<16xi32>
        %parallel_loop3A_223 = arith.addi %parallel_loop3A_220, %parallel_loop3A_222 : vector<16xi32>
        %parallel_loop3A_224 = arith.constant 4 : i32
        %parallel_loop3A_225 = vector.broadcast %parallel_loop3A_224 : i32 to vector<16xi32>
        %parallel_loop3A_226 = arith.shrui %parallel_loop3A_223, %parallel_loop3A_225 : vector<16xi32>
        %parallel_loop3A_227 = vector.shape_cast %parallel_loop3A_226 : vector<16xi32> to vector<16x1xi32>
        %parallel_loop3A_228 = vector.shape_cast %parallel_loop3A_227 : vector<16x1xi32> to vector<16xi32>
        %parallel_loop3A_229 = tpu.dynamic_gather %parallel_loop3A_94[%parallel_loop3A_228] in [0] : vector<16xf32>, vector<16xi32> -> vector<16xf32>
        %parallel_loop3A_230 = arith.index_cast %parallel_loop3A_77 : i32 to index
        %parallel_loop3A_231 = arith.constant 96 : index
        %parallel_loop3A_232 = tpu.vector_load %arg10[%parallel_loop3A_230, %parallel_loop3A_231] {strides = array<i32>} : memref<40x144xf32, #tpu.memory_space<vmem>>, vector<1x16xf32>,
        %parallel_loop3A_233 = vector.shape_cast %parallel_loop3A_232 : vector<1x16xf32> to vector<16xf32>
        %parallel_loop3A_234 = arith.mulf %parallel_loop3A_233, %parallel_loop3A_229 : vector<16xf32>
        %parallel_loop3A_235 = arith.index_cast %parallel_loop3A_77 : i32 to index
        %parallel_loop3A_236 = arith.constant 96 : index
        %parallel_loop3A_237 = tpu.vector_load %arg14[%parallel_loop3A_235, %parallel_loop3A_236] {strides = array<i32>} : memref<40x144xf32, #tpu.memory_space<vmem>>, vector<1x16xf32>,
        %parallel_loop3A_238 = vector.shape_cast %parallel_loop3A_237 : vector<1x16xf32> to vector<16xf32>
        %parallel_loop3A_239 = vector.shape_cast %parallel_loop3A_234 : vector<16xf32> to vector<1x16xf32>
        tpu.vector_store %arg14[%parallel_loop3A_235, %parallel_loop3A_236], %parallel_loop3A_239 {strides = array<i32>} : memref<40x144xf32, #tpu.memory_space<vmem>>, vector<1x16xf32>,
        %parallel_loop3A_240 = tpu.iota {dimensions = array<i32: 0>} : vector<16xi32>
        %parallel_loop3A_241 = arith.constant 112 : i32
        %parallel_loop3A_242 = vector.broadcast %parallel_loop3A_241 : i32 to vector<16xi32>
        %parallel_loop3A_243 = arith.addi %parallel_loop3A_240, %parallel_loop3A_242 : vector<16xi32>
        %parallel_loop3A_244 = arith.constant 4 : i32
        %parallel_loop3A_245 = vector.broadcast %parallel_loop3A_244 : i32 to vector<16xi32>
        %parallel_loop3A_246 = arith.shrui %parallel_loop3A_243, %parallel_loop3A_245 : vector<16xi32>
        %parallel_loop3A_247 = vector.shape_cast %parallel_loop3A_246 : vector<16xi32> to vector<16x1xi32>
        %parallel_loop3A_248 = vector.shape_cast %parallel_loop3A_247 : vector<16x1xi32> to vector<16xi32>
        %parallel_loop3A_249 = tpu.dynamic_gather %parallel_loop3A_94[%parallel_loop3A_248] in [0] : vector<16xf32>, vector<16xi32> -> vector<16xf32>
        %parallel_loop3A_250 = arith.index_cast %parallel_loop3A_77 : i32 to index
        %parallel_loop3A_251 = arith.constant 112 : index
        %parallel_loop3A_252 = tpu.vector_load %arg10[%parallel_loop3A_250, %parallel_loop3A_251] {strides = array<i32>} : memref<40x144xf32, #tpu.memory_space<vmem>>, vector<1x16xf32>,
        %parallel_loop3A_253 = vector.shape_cast %parallel_loop3A_252 : vector<1x16xf32> to vector<16xf32>
        %parallel_loop3A_254 = arith.mulf %parallel_loop3A_253, %parallel_loop3A_249 : vector<16xf32>
        %parallel_loop3A_255 = arith.index_cast %parallel_loop3A_77 : i32 to index
        %parallel_loop3A_256 = arith.constant 112 : index
        %parallel_loop3A_257 = tpu.vector_load %arg14[%parallel_loop3A_255, %parallel_loop3A_256] {strides = array<i32>} : memref<40x144xf32, #tpu.memory_space<vmem>>, vector<1x16xf32>,
        %parallel_loop3A_258 = vector.shape_cast %parallel_loop3A_257 : vector<1x16xf32> to vector<16xf32>
        %parallel_loop3A_259 = vector.shape_cast %parallel_loop3A_254 : vector<16xf32> to vector<1x16xf32>
        tpu.vector_store %arg14[%parallel_loop3A_255, %parallel_loop3A_256], %parallel_loop3A_259 {strides = array<i32>} : memref<40x144xf32, #tpu.memory_space<vmem>>, vector<1x16xf32>,
      } {sc.loop_unroll_factor = 8 : i64, sc.parallel_access}
      "tpu.region"() ({
        %run_scoped3A = tpu.sem_alloc : memref<!tpu.dma_semaphore, #tpu.memory_space<semaphore_mem>>
        %dma_start3A_77 = arith.constant 0 : i32
        %dma_start3A_78 = tpu.memref_slice %arg9[%mul3A_28, %dma_start3A_77] : memref<250x40xi32, #tpu.memory_space<vmem>> -> memref<1x40xi32, #tpu.memory_space<vmem>>
        %dma_start3A_79 = tpu.memref_squeeze %dma_start3A_78 : memref<1x40xi32, #tpu.memory_space<vmem>> -> memref<40xi32, #tpu.memory_space<vmem>>
        %dma_start3A_80 = arith.constant 0 : i32
        %dma_start3A_81 = arith.constant 0 : i32
        %dma_start3A_82 = tpu.memref_slice %arg15[%dma_start3A_80, %dma_start3A_81] : memref<10112x144xf32, #tpu.memory_space<vmem_shared>> -> memref<10112x144xf32, #tpu.memory_space<vmem_shared>>
        tpu.enqueue_indirect_dma source(%arg14 : memref<40x144xf32, #tpu.memory_space<vmem>>) target(%dma_start3A_82 : memref<10112x144xf32, #tpu.memory_space<vmem_shared>>) offsets(%dma_start3A_79 : memref<40xi32, #tpu.memory_space<vmem>>) semaphore(%run_scoped3A : memref<!tpu.dma_semaphore, #tpu.memory_space<semaphore_mem>>) {add = true}
        %dma_wait3A_83 = arith.constant 0 : i32
        %dma_wait3A_84 = tpu.memref_slice %arg9[%mul3A_28, %dma_wait3A_83] : memref<250x40xi32, #tpu.memory_space<vmem>> -> memref<1x40xi32, #tpu.memory_space<vmem>>
        %dma_wait3A_85 = tpu.memref_squeeze %dma_wait3A_84 : memref<1x40xi32, #tpu.memory_space<vmem>> -> memref<40xi32, #tpu.memory_space<vmem>>
        %dma_wait3A_86 = arith.constant 0 : i32
        %dma_wait3A_87 = arith.constant 0 : i32
        %dma_wait3A_88 = tpu.memref_slice %arg15[%dma_wait3A_86, %dma_wait3A_87] : memref<10112x144xf32, #tpu.memory_space<vmem_shared>> -> memref<10112x144xf32, #tpu.memory_space<vmem_shared>>
        tpu.wait_indirect_dma semaphore(%run_scoped3A : memref<!tpu.dma_semaphore, #tpu.memory_space<semaphore_mem>>) src(%arg14 : memref<40x144xf32, #tpu.memory_space<vmem>>) dst(%dma_wait3A_88 : memref<10112x144xf32, #tpu.memory_space<vmem_shared>>)
        tpu.yield
      }) : () -> ()
      %add3A_56 = arith.constant 1 : i32
      %add3A_57 = arith.addi %mul3A_28, %add3A_56 : i32
      %dma_wait3A_58 = arith.constant 0 : i32
      %dma_wait3A_59 = tpu.memref_slice %arg8[%add3A_57, %dma_wait3A_58] : memref<250x40xi32, #tpu.memory_space<vmem>> -> memref<1x40xi32, #tpu.memory_space<vmem>>
      %dma_wait3A_60 = tpu.memref_squeeze %dma_wait3A_59 : memref<1x40xi32, #tpu.memory_space<vmem>> -> memref<40xi32, #tpu.memory_space<vmem>>
      %dma_wait3A_61 = arith.constant 0 : i32
      %dma_wait3A_62 = arith.constant 0 : i32
      %dma_wait3A_63 = tpu.memref_slice %arg4[%dma_wait3A_61, %dma_wait3A_62] : memref<10000x144xf32, #tpu.memory_space<hbm>> -> memref<10000x144xf32, #tpu.memory_space<hbm>>
      tpu.wait_indirect_dma semaphore(%arg17 : memref<!tpu.dma_semaphore, #tpu.memory_space<semaphore_mem>>) src(%dma_wait3A_63 : memref<10000x144xf32, #tpu.memory_space<hbm>>) dst(%arg11 : memref<40x144xf32, #tpu.memory_space<vmem>>)
      %dma_wait3A_64 = arith.constant 0 : i32
      %dma_wait3A_65 = tpu.memref_slice %arg9[%add3A_57, %dma_wait3A_64] : memref<250x40xi32, #tpu.memory_space<vmem>> -> memref<1x40xi32, #tpu.memory_space<vmem>>
      %dma_wait3A_66 = tpu.memref_squeeze %dma_wait3A_65 : memref<1x40xi32, #tpu.memory_space<vmem>> -> memref<40xi32, #tpu.memory_space<vmem>>
      %dma_wait3A_67 = arith.constant 0 : i32
      %dma_wait3A_68 = arith.constant 0 : i32
      %dma_wait3A_69 = tpu.memref_slice %arg5[%dma_wait3A_67, %dma_wait3A_68] : memref<10000x16xf32, #tpu.memory_space<hbm>> -> memref<10000x16xf32, #tpu.memory_space<hbm>>
      tpu.wait_indirect_dma semaphore(%arg19 : memref<!tpu.dma_semaphore, #tpu.memory_space<semaphore_mem>>) src(%dma_wait3A_69 : memref<10000x16xf32, #tpu.memory_space<hbm>>) dst(%arg13 : memref<40x16xf32, #tpu.memory_space<vmem>>)
      %lt3A = arith.constant 124 : i32
      %lt3A_70 = arith.cmpi slt, %scan3A_26, %lt3A : i32
      %convert_element_type3A = arith.extui %lt3A_70 : i1 to i32
      %cond3A = arith.constant 0 : i32
      %cond3A_71 = arith.cmpi ne, %convert_element_type3A, %cond3A : i32
      scf.if %cond3A_71 {
        %add3A_77 = arith.constant 2 : i32
        %add3A_78 = arith.addi %mul3A_28, %add3A_77 : i32
        %dma_start3A_79 = arith.constant 0 : i32
        %dma_start3A_80 = tpu.memref_slice %arg8[%add3A_78, %dma_start3A_79] : memref<250x40xi32, #tpu.memory_space<vmem>> -> memref<1x40xi32, #tpu.memory_space<vmem>>
        %dma_start3A_81 = tpu.memref_squeeze %dma_start3A_80 : memref<1x40xi32, #tpu.memory_space<vmem>> -> memref<40xi32, #tpu.memory_space<vmem>>
        %dma_start3A_82 = arith.constant 0 : i32
        %dma_start3A_83 = arith.constant 0 : i32
        %dma_start3A_84 = tpu.memref_slice %arg4[%dma_start3A_82, %dma_start3A_83] : memref<10000x144xf32, #tpu.memory_space<hbm>> -> memref<10000x144xf32, #tpu.memory_space<hbm>>
        tpu.enqueue_indirect_dma source(%dma_start3A_84 : memref<10000x144xf32, #tpu.memory_space<hbm>>) target(%arg10 : memref<40x144xf32, #tpu.memory_space<vmem>>) offsets(%dma_start3A_81 : memref<40xi32, #tpu.memory_space<vmem>>) semaphore(%arg16 : memref<!tpu.dma_semaphore, #tpu.memory_space<semaphore_mem>>)
        %dma_start3A_85 = arith.constant 0 : i32
        %dma_start3A_86 = tpu.memref_slice %arg9[%add3A_78, %dma_start3A_85] : memref<250x40xi32, #tpu.memory_space<vmem>> -> memref<1x40xi32, #tpu.memory_space<vmem>>
        %dma_start3A_87 = tpu.memref_squeeze %dma_start3A_86 : memref<1x40xi32, #tpu.memory_space<vmem>> -> memref<40xi32, #tpu.memory_space<vmem>>
        %dma_start3A_88 = arith.constant 0 : i32
        %dma_start3A_89 = arith.constant 0 : i32
        %dma_start3A_90 = tpu.memref_slice %arg5[%dma_start3A_88, %dma_start3A_89] : memref<10000x16xf32, #tpu.memory_space<hbm>> -> memref<10000x16xf32, #tpu.memory_space<hbm>>
        tpu.enqueue_indirect_dma source(%dma_start3A_90 : memref<10000x16xf32, #tpu.memory_space<hbm>>) target(%arg12 : memref<40x16xf32, #tpu.memory_space<vmem>>) offsets(%dma_start3A_87 : memref<40xi32, #tpu.memory_space<vmem>>) semaphore(%arg18 : memref<!tpu.dma_semaphore, #tpu.memory_space<semaphore_mem>>)
      } else {
      }
      %add3A_72 = arith.constant 1 : i32
      %add3A_73 = arith.addi %mul3A_28, %add3A_72 : i32
      %parallel_loop3A_74 = arith.constant 0 : i32
      %parallel_loop3A_75 = arith.constant 40 : i32
      %parallel_loop3A_76 = arith.constant 1 : i32
      scf.for %parallel_loop3A_77 = %parallel_loop3A_74 to %parallel_loop3A_75 step %parallel_loop3A_76  : i32 {
        %parallel_loop3A_78 = arith.index_cast %parallel_loop3A_77 : i32 to index
        %parallel_loop3A_79 = arith.constant 128 : index
        %parallel_loop3A_80 = tpu.vector_load %arg11[%parallel_loop3A_78, %parallel_loop3A_79] {strides = array<i32>} : memref<40x144xf32, #tpu.memory_space<vmem>>, vector<1x16xf32>,
        %parallel_loop3A_81 = vector.shape_cast %parallel_loop3A_80 : vector<1x16xf32> to vector<16xf32>
        %parallel_loop3A_82 = arith.index_cast %parallel_loop3A_77 : i32 to index
        %parallel_loop3A_83 = arith.constant 0 : index
        %parallel_loop3A_84 = tpu.vector_load %arg13[%parallel_loop3A_82, %parallel_loop3A_83] {strides = array<i32>} : memref<40x16xf32, #tpu.memory_space<vmem>>, vector<1x16xf32>,
        %parallel_loop3A_85 = vector.shape_cast %parallel_loop3A_84 : vector<1x16xf32> to vector<16xf32>
        %parallel_loop3A_86 = arith.addf %parallel_loop3A_81, %parallel_loop3A_85 : vector<16xf32>
        %parallel_loop3A_87 = arith.constant 0.000000e+00 : f32
        %parallel_loop3A_88 = vector.broadcast %parallel_loop3A_87 : f32 to vector<16xf32>
        %parallel_loop3A_89 = arith.cmpf oge, %parallel_loop3A_86, %parallel_loop3A_88 : vector<16xf32>
        %parallel_loop3A_90 = arith.constant 2.000000e-01 : f32
        %parallel_loop3A_91 = vector.broadcast %parallel_loop3A_90 : f32 to vector<16xf32>
        %parallel_loop3A_92 = arith.mulf %parallel_loop3A_91, %parallel_loop3A_86 : vector<16xf32>
        %parallel_loop3A_93 = arith.select %parallel_loop3A_89, %parallel_loop3A_86, %parallel_loop3A_92 : vector<16xi1>, vector<16xf32>
        %parallel_loop3A_94 = math.exp %parallel_loop3A_93 : vector<16xf32>
        %parallel_loop3A_95 = arith.index_cast %parallel_loop3A_77 : i32 to index
        %parallel_loop3A_96 = arith.constant 128 : index
        %parallel_loop3A_97 = tpu.vector_load %arg14[%parallel_loop3A_95, %parallel_loop3A_96] {strides = array<i32>} : memref<40x144xf32, #tpu.memory_space<vmem>>, vector<1x16xf32>,
        %parallel_loop3A_98 = vector.shape_cast %parallel_loop3A_97 : vector<1x16xf32> to vector<16xf32>
        %parallel_loop3A_99 = vector.shape_cast %parallel_loop3A_94 : vector<16xf32> to vector<1x16xf32>
        tpu.vector_store %arg14[%parallel_loop3A_95, %parallel_loop3A_96], %parallel_loop3A_99 {strides = array<i32>} : memref<40x144xf32, #tpu.memory_space<vmem>>, vector<1x16xf32>,
        %parallel_loop3A_100 = tpu.iota {dimensions = array<i32: 0>} : vector<16xi32>
        %parallel_loop3A_101 = arith.constant 0 : i32
        %parallel_loop3A_102 = vector.broadcast %parallel_loop3A_101 : i32 to vector<16xi32>
        %parallel_loop3A_103 = arith.addi %parallel_loop3A_100, %parallel_loop3A_102 : vector<16xi32>
        %parallel_loop3A_104 = arith.constant 4 : i32
        %parallel_loop3A_105 = vector.broadcast %parallel_loop3A_104 : i32 to vector<16xi32>
        %parallel_loop3A_106 = arith.shrui %parallel_loop3A_103, %parallel_loop3A_105 : vector<16xi32>
        %parallel_loop3A_107 = vector.shape_cast %parallel_loop3A_106 : vector<16xi32> to vector<16x1xi32>
        %parallel_loop3A_108 = vector.shape_cast %parallel_loop3A_107 : vector<16x1xi32> to vector<16xi32>
        %parallel_loop3A_109 = tpu.dynamic_gather %parallel_loop3A_94[%parallel_loop3A_108] in [0] : vector<16xf32>, vector<16xi32> -> vector<16xf32>
        %parallel_loop3A_110 = arith.index_cast %parallel_loop3A_77 : i32 to index
        %parallel_loop3A_111 = arith.constant 0 : index
        %parallel_loop3A_112 = tpu.vector_load %arg11[%parallel_loop3A_110, %parallel_loop3A_111] {strides = array<i32>} : memref<40x144xf32, #tpu.memory_space<vmem>>, vector<1x16xf32>,
        %parallel_loop3A_113 = vector.shape_cast %parallel_loop3A_112 : vector<1x16xf32> to vector<16xf32>
        %parallel_loop3A_114 = arith.mulf %parallel_loop3A_113, %parallel_loop3A_109 : vector<16xf32>
        %parallel_loop3A_115 = arith.index_cast %parallel_loop3A_77 : i32 to index
        %parallel_loop3A_116 = arith.constant 0 : index
        %parallel_loop3A_117 = tpu.vector_load %arg14[%parallel_loop3A_115, %parallel_loop3A_116] {strides = array<i32>} : memref<40x144xf32, #tpu.memory_space<vmem>>, vector<1x16xf32>,
        %parallel_loop3A_118 = vector.shape_cast %parallel_loop3A_117 : vector<1x16xf32> to vector<16xf32>
        %parallel_loop3A_119 = vector.shape_cast %parallel_loop3A_114 : vector<16xf32> to vector<1x16xf32>
        tpu.vector_store %arg14[%parallel_loop3A_115, %parallel_loop3A_116], %parallel_loop3A_119 {strides = array<i32>} : memref<40x144xf32, #tpu.memory_space<vmem>>, vector<1x16xf32>,
        %parallel_loop3A_120 = tpu.iota {dimensions = array<i32: 0>} : vector<16xi32>
        %parallel_loop3A_121 = arith.constant 16 : i32
        %parallel_loop3A_122 = vector.broadcast %parallel_loop3A_121 : i32 to vector<16xi32>
        %parallel_loop3A_123 = arith.addi %parallel_loop3A_120, %parallel_loop3A_122 : vector<16xi32>
        %parallel_loop3A_124 = arith.constant 4 : i32
        %parallel_loop3A_125 = vector.broadcast %parallel_loop3A_124 : i32 to vector<16xi32>
        %parallel_loop3A_126 = arith.shrui %parallel_loop3A_123, %parallel_loop3A_125 : vector<16xi32>
        %parallel_loop3A_127 = vector.shape_cast %parallel_loop3A_126 : vector<16xi32> to vector<16x1xi32>
        %parallel_loop3A_128 = vector.shape_cast %parallel_loop3A_127 : vector<16x1xi32> to vector<16xi32>
        %parallel_loop3A_129 = tpu.dynamic_gather %parallel_loop3A_94[%parallel_loop3A_128] in [0] : vector<16xf32>, vector<16xi32> -> vector<16xf32>
        %parallel_loop3A_130 = arith.index_cast %parallel_loop3A_77 : i32 to index
        %parallel_loop3A_131 = arith.constant 16 : index
        %parallel_loop3A_132 = tpu.vector_load %arg11[%parallel_loop3A_130, %parallel_loop3A_131] {strides = array<i32>} : memref<40x144xf32, #tpu.memory_space<vmem>>, vector<1x16xf32>,
        %parallel_loop3A_133 = vector.shape_cast %parallel_loop3A_132 : vector<1x16xf32> to vector<16xf32>
        %parallel_loop3A_134 = arith.mulf %parallel_loop3A_133, %parallel_loop3A_129 : vector<16xf32>
        %parallel_loop3A_135 = arith.index_cast %parallel_loop3A_77 : i32 to index
        %parallel_loop3A_136 = arith.constant 16 : index
        %parallel_loop3A_137 = tpu.vector_load %arg14[%parallel_loop3A_135, %parallel_loop3A_136] {strides = array<i32>} : memref<40x144xf32, #tpu.memory_space<vmem>>, vector<1x16xf32>,
        %parallel_loop3A_138 = vector.shape_cast %parallel_loop3A_137 : vector<1x16xf32> to vector<16xf32>
        %parallel_loop3A_139 = vector.shape_cast %parallel_loop3A_134 : vector<16xf32> to vector<1x16xf32>
        tpu.vector_store %arg14[%parallel_loop3A_135, %parallel_loop3A_136], %parallel_loop3A_139 {strides = array<i32>} : memref<40x144xf32, #tpu.memory_space<vmem>>, vector<1x16xf32>,
        %parallel_loop3A_140 = tpu.iota {dimensions = array<i32: 0>} : vector<16xi32>
        %parallel_loop3A_141 = arith.constant 32 : i32
        %parallel_loop3A_142 = vector.broadcast %parallel_loop3A_141 : i32 to vector<16xi32>
        %parallel_loop3A_143 = arith.addi %parallel_loop3A_140, %parallel_loop3A_142 : vector<16xi32>
        %parallel_loop3A_144 = arith.constant 4 : i32
        %parallel_loop3A_145 = vector.broadcast %parallel_loop3A_144 : i32 to vector<16xi32>
        %parallel_loop3A_146 = arith.shrui %parallel_loop3A_143, %parallel_loop3A_145 : vector<16xi32>
        %parallel_loop3A_147 = vector.shape_cast %parallel_loop3A_146 : vector<16xi32> to vector<16x1xi32>
        %parallel_loop3A_148 = vector.shape_cast %parallel_loop3A_147 : vector<16x1xi32> to vector<16xi32>
        %parallel_loop3A_149 = tpu.dynamic_gather %parallel_loop3A_94[%parallel_loop3A_148] in [0] : vector<16xf32>, vector<16xi32> -> vector<16xf32>
        %parallel_loop3A_150 = arith.index_cast %parallel_loop3A_77 : i32 to index
        %parallel_loop3A_151 = arith.constant 32 : index
        %parallel_loop3A_152 = tpu.vector_load %arg11[%parallel_loop3A_150, %parallel_loop3A_151] {strides = array<i32>} : memref<40x144xf32, #tpu.memory_space<vmem>>, vector<1x16xf32>,
        %parallel_loop3A_153 = vector.shape_cast %parallel_loop3A_152 : vector<1x16xf32> to vector<16xf32>
        %parallel_loop3A_154 = arith.mulf %parallel_loop3A_153, %parallel_loop3A_149 : vector<16xf32>
        %parallel_loop3A_155 = arith.index_cast %parallel_loop3A_77 : i32 to index
        %parallel_loop3A_156 = arith.constant 32 : index
        %parallel_loop3A_157 = tpu.vector_load %arg14[%parallel_loop3A_155, %parallel_loop3A_156] {strides = array<i32>} : memref<40x144xf32, #tpu.memory_space<vmem>>, vector<1x16xf32>,
        %parallel_loop3A_158 = vector.shape_cast %parallel_loop3A_157 : vector<1x16xf32> to vector<16xf32>
        %parallel_loop3A_159 = vector.shape_cast %parallel_loop3A_154 : vector<16xf32> to vector<1x16xf32>
        tpu.vector_store %arg14[%parallel_loop3A_155, %parallel_loop3A_156], %parallel_loop3A_159 {strides = array<i32>} : memref<40x144xf32, #tpu.memory_space<vmem>>, vector<1x16xf32>,
        %parallel_loop3A_160 = tpu.iota {dimensions = array<i32: 0>} : vector<16xi32>
        %parallel_loop3A_161 = arith.constant 48 : i32
        %parallel_loop3A_162 = vector.broadcast %parallel_loop3A_161 : i32 to vector<16xi32>
        %parallel_loop3A_163 = arith.addi %parallel_loop3A_160, %parallel_loop3A_162 : vector<16xi32>
        %parallel_loop3A_164 = arith.constant 4 : i32
        %parallel_loop3A_165 = vector.broadcast %parallel_loop3A_164 : i32 to vector<16xi32>
        %parallel_loop3A_166 = arith.shrui %parallel_loop3A_163, %parallel_loop3A_165 : vector<16xi32>
        %parallel_loop3A_167 = vector.shape_cast %parallel_loop3A_166 : vector<16xi32> to vector<16x1xi32>
        %parallel_loop3A_168 = vector.shape_cast %parallel_loop3A_167 : vector<16x1xi32> to vector<16xi32>
        %parallel_loop3A_169 = tpu.dynamic_gather %parallel_loop3A_94[%parallel_loop3A_168] in [0] : vector<16xf32>, vector<16xi32> -> vector<16xf32>
        %parallel_loop3A_170 = arith.index_cast %parallel_loop3A_77 : i32 to index
        %parallel_loop3A_171 = arith.constant 48 : index
        %parallel_loop3A_172 = tpu.vector_load %arg11[%parallel_loop3A_170, %parallel_loop3A_171] {strides = array<i32>} : memref<40x144xf32, #tpu.memory_space<vmem>>, vector<1x16xf32>,
        %parallel_loop3A_173 = vector.shape_cast %parallel_loop3A_172 : vector<1x16xf32> to vector<16xf32>
        %parallel_loop3A_174 = arith.mulf %parallel_loop3A_173, %parallel_loop3A_169 : vector<16xf32>
        %parallel_loop3A_175 = arith.index_cast %parallel_loop3A_77 : i32 to index
        %parallel_loop3A_176 = arith.constant 48 : index
        %parallel_loop3A_177 = tpu.vector_load %arg14[%parallel_loop3A_175, %parallel_loop3A_176] {strides = array<i32>} : memref<40x144xf32, #tpu.memory_space<vmem>>, vector<1x16xf32>,
        %parallel_loop3A_178 = vector.shape_cast %parallel_loop3A_177 : vector<1x16xf32> to vector<16xf32>
        %parallel_loop3A_179 = vector.shape_cast %parallel_loop3A_174 : vector<16xf32> to vector<1x16xf32>
        tpu.vector_store %arg14[%parallel_loop3A_175, %parallel_loop3A_176], %parallel_loop3A_179 {strides = array<i32>} : memref<40x144xf32, #tpu.memory_space<vmem>>, vector<1x16xf32>,
        %parallel_loop3A_180 = tpu.iota {dimensions = array<i32: 0>} : vector<16xi32>
        %parallel_loop3A_181 = arith.constant 64 : i32
        %parallel_loop3A_182 = vector.broadcast %parallel_loop3A_181 : i32 to vector<16xi32>
        %parallel_loop3A_183 = arith.addi %parallel_loop3A_180, %parallel_loop3A_182 : vector<16xi32>
        %parallel_loop3A_184 = arith.constant 4 : i32
        %parallel_loop3A_185 = vector.broadcast %parallel_loop3A_184 : i32 to vector<16xi32>
        %parallel_loop3A_186 = arith.shrui %parallel_loop3A_183, %parallel_loop3A_185 : vector<16xi32>
        %parallel_loop3A_187 = vector.shape_cast %parallel_loop3A_186 : vector<16xi32> to vector<16x1xi32>
        %parallel_loop3A_188 = vector.shape_cast %parallel_loop3A_187 : vector<16x1xi32> to vector<16xi32>
        %parallel_loop3A_189 = tpu.dynamic_gather %parallel_loop3A_94[%parallel_loop3A_188] in [0] : vector<16xf32>, vector<16xi32> -> vector<16xf32>
        %parallel_loop3A_190 = arith.index_cast %parallel_loop3A_77 : i32 to index
        %parallel_loop3A_191 = arith.constant 64 : index
        %parallel_loop3A_192 = tpu.vector_load %arg11[%parallel_loop3A_190, %parallel_loop3A_191] {strides = array<i32>} : memref<40x144xf32, #tpu.memory_space<vmem>>, vector<1x16xf32>,
        %parallel_loop3A_193 = vector.shape_cast %parallel_loop3A_192 : vector<1x16xf32> to vector<16xf32>
        %parallel_loop3A_194 = arith.mulf %parallel_loop3A_193, %parallel_loop3A_189 : vector<16xf32>
        %parallel_loop3A_195 = arith.index_cast %parallel_loop3A_77 : i32 to index
        %parallel_loop3A_196 = arith.constant 64 : index
        %parallel_loop3A_197 = tpu.vector_load %arg14[%parallel_loop3A_195, %parallel_loop3A_196] {strides = array<i32>} : memref<40x144xf32, #tpu.memory_space<vmem>>, vector<1x16xf32>,
        %parallel_loop3A_198 = vector.shape_cast %parallel_loop3A_197 : vector<1x16xf32> to vector<16xf32>
        %parallel_loop3A_199 = vector.shape_cast %parallel_loop3A_194 : vector<16xf32> to vector<1x16xf32>
        tpu.vector_store %arg14[%parallel_loop3A_195, %parallel_loop3A_196], %parallel_loop3A_199 {strides = array<i32>} : memref<40x144xf32, #tpu.memory_space<vmem>>, vector<1x16xf32>,
        %parallel_loop3A_200 = tpu.iota {dimensions = array<i32: 0>} : vector<16xi32>
        %parallel_loop3A_201 = arith.constant 80 : i32
        %parallel_loop3A_202 = vector.broadcast %parallel_loop3A_201 : i32 to vector<16xi32>
        %parallel_loop3A_203 = arith.addi %parallel_loop3A_200, %parallel_loop3A_202 : vector<16xi32>
        %parallel_loop3A_204 = arith.constant 4 : i32
        %parallel_loop3A_205 = vector.broadcast %parallel_loop3A_204 : i32 to vector<16xi32>
        %parallel_loop3A_206 = arith.shrui %parallel_loop3A_203, %parallel_loop3A_205 : vector<16xi32>
        %parallel_loop3A_207 = vector.shape_cast %parallel_loop3A_206 : vector<16xi32> to vector<16x1xi32>
        %parallel_loop3A_208 = vector.shape_cast %parallel_loop3A_207 : vector<16x1xi32> to vector<16xi32>
        %parallel_loop3A_209 = tpu.dynamic_gather %parallel_loop3A_94[%parallel_loop3A_208] in [0] : vector<16xf32>, vector<16xi32> -> vector<16xf32>
        %parallel_loop3A_210 = arith.index_cast %parallel_loop3A_77 : i32 to index
        %parallel_loop3A_211 = arith.constant 80 : index
        %parallel_loop3A_212 = tpu.vector_load %arg11[%parallel_loop3A_210, %parallel_loop3A_211] {strides = array<i32>} : memref<40x144xf32, #tpu.memory_space<vmem>>, vector<1x16xf32>,
        %parallel_loop3A_213 = vector.shape_cast %parallel_loop3A_212 : vector<1x16xf32> to vector<16xf32>
        %parallel_loop3A_214 = arith.mulf %parallel_loop3A_213, %parallel_loop3A_209 : vector<16xf32>
        %parallel_loop3A_215 = arith.index_cast %parallel_loop3A_77 : i32 to index
        %parallel_loop3A_216 = arith.constant 80 : index
        %parallel_loop3A_217 = tpu.vector_load %arg14[%parallel_loop3A_215, %parallel_loop3A_216] {strides = array<i32>} : memref<40x144xf32, #tpu.memory_space<vmem>>, vector<1x16xf32>,
        %parallel_loop3A_218 = vector.shape_cast %parallel_loop3A_217 : vector<1x16xf32> to vector<16xf32>
        %parallel_loop3A_219 = vector.shape_cast %parallel_loop3A_214 : vector<16xf32> to vector<1x16xf32>
        tpu.vector_store %arg14[%parallel_loop3A_215, %parallel_loop3A_216], %parallel_loop3A_219 {strides = array<i32>} : memref<40x144xf32, #tpu.memory_space<vmem>>, vector<1x16xf32>,
        %parallel_loop3A_220 = tpu.iota {dimensions = array<i32: 0>} : vector<16xi32>
        %parallel_loop3A_221 = arith.constant 96 : i32
        %parallel_loop3A_222 = vector.broadcast %parallel_loop3A_221 : i32 to vector<16xi32>
        %parallel_loop3A_223 = arith.addi %parallel_loop3A_220, %parallel_loop3A_222 : vector<16xi32>
        %parallel_loop3A_224 = arith.constant 4 : i32
        %parallel_loop3A_225 = vector.broadcast %parallel_loop3A_224 : i32 to vector<16xi32>
        %parallel_loop3A_226 = arith.shrui %parallel_loop3A_223, %parallel_loop3A_225 : vector<16xi32>
        %parallel_loop3A_227 = vector.shape_cast %parallel_loop3A_226 : vector<16xi32> to vector<16x1xi32>
        %parallel_loop3A_228 = vector.shape_cast %parallel_loop3A_227 : vector<16x1xi32> to vector<16xi32>
        %parallel_loop3A_229 = tpu.dynamic_gather %parallel_loop3A_94[%parallel_loop3A_228] in [0] : vector<16xf32>, vector<16xi32> -> vector<16xf32>
        %parallel_loop3A_230 = arith.index_cast %parallel_loop3A_77 : i32 to index
        %parallel_loop3A_231 = arith.constant 96 : index
        %parallel_loop3A_232 = tpu.vector_load %arg11[%parallel_loop3A_230, %parallel_loop3A_231] {strides = array<i32>} : memref<40x144xf32, #tpu.memory_space<vmem>>, vector<1x16xf32>,
        %parallel_loop3A_233 = vector.shape_cast %parallel_loop3A_232 : vector<1x16xf32> to vector<16xf32>
        %parallel_loop3A_234 = arith.mulf %parallel_loop3A_233, %parallel_loop3A_229 : vector<16xf32>
        %parallel_loop3A_235 = arith.index_cast %parallel_loop3A_77 : i32 to index
        %parallel_loop3A_236 = arith.constant 96 : index
        %parallel_loop3A_237 = tpu.vector_load %arg14[%parallel_loop3A_235, %parallel_loop3A_236] {strides = array<i32>} : memref<40x144xf32, #tpu.memory_space<vmem>>, vector<1x16xf32>,
        %parallel_loop3A_238 = vector.shape_cast %parallel_loop3A_237 : vector<1x16xf32> to vector<16xf32>
        %parallel_loop3A_239 = vector.shape_cast %parallel_loop3A_234 : vector<16xf32> to vector<1x16xf32>
        tpu.vector_store %arg14[%parallel_loop3A_235, %parallel_loop3A_236], %parallel_loop3A_239 {strides = array<i32>} : memref<40x144xf32, #tpu.memory_space<vmem>>, vector<1x16xf32>,
        %parallel_loop3A_240 = tpu.iota {dimensions = array<i32: 0>} : vector<16xi32>
        %parallel_loop3A_241 = arith.constant 112 : i32
        %parallel_loop3A_242 = vector.broadcast %parallel_loop3A_241 : i32 to vector<16xi32>
        %parallel_loop3A_243 = arith.addi %parallel_loop3A_240, %parallel_loop3A_242 : vector<16xi32>
        %parallel_loop3A_244 = arith.constant 4 : i32
        %parallel_loop3A_245 = vector.broadcast %parallel_loop3A_244 : i32 to vector<16xi32>
        %parallel_loop3A_246 = arith.shrui %parallel_loop3A_243, %parallel_loop3A_245 : vector<16xi32>
        %parallel_loop3A_247 = vector.shape_cast %parallel_loop3A_246 : vector<16xi32> to vector<16x1xi32>
        %parallel_loop3A_248 = vector.shape_cast %parallel_loop3A_247 : vector<16x1xi32> to vector<16xi32>
        %parallel_loop3A_249 = tpu.dynamic_gather %parallel_loop3A_94[%parallel_loop3A_248] in [0] : vector<16xf32>, vector<16xi32> -> vector<16xf32>
        %parallel_loop3A_250 = arith.index_cast %parallel_loop3A_77 : i32 to index
        %parallel_loop3A_251 = arith.constant 112 : index
        %parallel_loop3A_252 = tpu.vector_load %arg11[%parallel_loop3A_250, %parallel_loop3A_251] {strides = array<i32>} : memref<40x144xf32, #tpu.memory_space<vmem>>, vector<1x16xf32>,
        %parallel_loop3A_253 = vector.shape_cast %parallel_loop3A_252 : vector<1x16xf32> to vector<16xf32>
        %parallel_loop3A_254 = arith.mulf %parallel_loop3A_253, %parallel_loop3A_249 : vector<16xf32>
        %parallel_loop3A_255 = arith.index_cast %parallel_loop3A_77 : i32 to index
        %parallel_loop3A_256 = arith.constant 112 : index
        %parallel_loop3A_257 = tpu.vector_load %arg14[%parallel_loop3A_255, %parallel_loop3A_256] {strides = array<i32>} : memref<40x144xf32, #tpu.memory_space<vmem>>, vector<1x16xf32>,
        %parallel_loop3A_258 = vector.shape_cast %parallel_loop3A_257 : vector<1x16xf32> to vector<16xf32>
        %parallel_loop3A_259 = vector.shape_cast %parallel_loop3A_254 : vector<16xf32> to vector<1x16xf32>
        tpu.vector_store %arg14[%parallel_loop3A_255, %parallel_loop3A_256], %parallel_loop3A_259 {strides = array<i32>} : memref<40x144xf32, #tpu.memory_space<vmem>>, vector<1x16xf32>,
      } {sc.loop_unroll_factor = 8 : i64, sc.parallel_access}
      "tpu.region"() ({
        %run_scoped3A = tpu.sem_alloc : memref<!tpu.dma_semaphore, #tpu.memory_space<semaphore_mem>>
        %dma_start3A_77 = arith.constant 0 : i32
        %dma_start3A_78 = tpu.memref_slice %arg9[%add3A_73, %dma_start3A_77] : memref<250x40xi32, #tpu.memory_space<vmem>> -> memref<1x40xi32, #tpu.memory_space<vmem>>
        %dma_start3A_79 = tpu.memref_squeeze %dma_start3A_78 : memref<1x40xi32, #tpu.memory_space<vmem>> -> memref<40xi32, #tpu.memory_space<vmem>>
        %dma_start3A_80 = arith.constant 0 : i32
        %dma_start3A_81 = arith.constant 0 : i32
        %dma_start3A_82 = tpu.memref_slice %arg15[%dma_start3A_80, %dma_start3A_81] : memref<10112x144xf32, #tpu.memory_space<vmem_shared>> -> memref<10112x144xf32, #tpu.memory_space<vmem_shared>>
        tpu.enqueue_indirect_dma source(%arg14 : memref<40x144xf32, #tpu.memory_space<vmem>>) target(%dma_start3A_82 : memref<10112x144xf32, #tpu.memory_space<vmem_shared>>) offsets(%dma_start3A_79 : memref<40xi32, #tpu.memory_space<vmem>>) semaphore(%run_scoped3A : memref<!tpu.dma_semaphore, #tpu.memory_space<semaphore_mem>>) {add = true}
        %dma_wait3A_83 = arith.constant 0 : i32
        %dma_wait3A_84 = tpu.memref_slice %arg9[%add3A_73, %dma_wait3A_83] : memref<250x40xi32, #tpu.memory_space<vmem>> -> memref<1x40xi32, #tpu.memory_space<vmem>>
        %dma_wait3A_85 = tpu.memref_squeeze %dma_wait3A_84 : memref<1x40xi32, #tpu.memory_space<vmem>> -> memref<40xi32, #tpu.memory_space<vmem>>
        %dma_wait3A_86 = arith.constant 0 : i32
        %dma_wait3A_87 = arith.constant 0 : i32
        %dma_wait3A_88 = tpu.memref_slice %arg15[%dma_wait3A_86, %dma_wait3A_87] : memref<10112x144xf32, #tpu.memory_space<vmem_shared>> -> memref<10112x144xf32, #tpu.memory_space<vmem_shared>>
        tpu.wait_indirect_dma semaphore(%run_scoped3A : memref<!tpu.dma_semaphore, #tpu.memory_space<semaphore_mem>>) src(%arg14 : memref<40x144xf32, #tpu.memory_space<vmem>>) dst(%dma_wait3A_88 : memref<10112x144xf32, #tpu.memory_space<vmem_shared>>)
        tpu.yield
      }) : () -> ()
    }
    %scan3A_20 = arith.constant 125 : i32
    %barrier3A_21 = arith.constant 0 : index
    tpu.barrier barrier_id(%barrier3A_21)
    %mul3A_22 = arith.constant 632 : i32
    %mul3A_23 = arith.muli %arg1, %mul3A_22 : i32
    %mul3A_24 = arith.constant 632 : i32
    %mul3A_25 = arith.muli %arg1, %mul3A_24 : i32
    "tpu.region"() ({
      %run_scoped3A = tpu.sem_alloc : memref<!tpu.dma_semaphore, #tpu.memory_space<semaphore_mem>>
      %dma_start3A_26 = arith.constant 0 : i32
      %dma_start3A_27 = tpu.memref_slice %arg7[%arg0, %mul3A_25, %dma_start3A_26] : memref<2x10112x144xf32, #tpu.memory_space<hbm>> -> memref<1x632x144xf32, #tpu.memory_space<hbm>>
      %dma_start3A_28 = tpu.memref_squeeze %dma_start3A_27 : memref<1x632x144xf32, #tpu.memory_space<hbm>> -> memref<632x144xf32, #tpu.memory_space<hbm>>
      %dma_start3A_29 = arith.constant 0 : i32
      %dma_start3A_30 = tpu.memref_slice %arg15[%mul3A_23, %dma_start3A_29] : memref<10112x144xf32, #tpu.memory_space<vmem_shared>> -> memref<632x144xf32, #tpu.memory_space<vmem_shared>>
      tpu.enqueue_dma source(%dma_start3A_30 : memref<632x144xf32, #tpu.memory_space<vmem_shared>>) target(%dma_start3A_28 : memref<632x144xf32, #tpu.memory_space<hbm>>) target_semaphore(%run_scoped3A : memref<!tpu.dma_semaphore, #tpu.memory_space<semaphore_mem>>)
      %dma_wait3A = arith.constant 0 : i32
      %dma_wait3A_31 = tpu.memref_slice %arg7[%arg0, %mul3A_25, %dma_wait3A] : memref<2x10112x144xf32, #tpu.memory_space<hbm>> -> memref<1x632x144xf32, #tpu.memory_space<hbm>>
      %dma_wait3A_32 = tpu.memref_squeeze %dma_wait3A_31 : memref<1x632x144xf32, #tpu.memory_space<hbm>> -> memref<632x144xf32, #tpu.memory_space<hbm>>
      %dma_wait3A_33 = arith.constant 0 : i32
      %dma_wait3A_34 = tpu.memref_slice %arg15[%mul3A_23, %dma_wait3A_33] : memref<10112x144xf32, #tpu.memory_space<vmem_shared>> -> memref<632x144xf32, #tpu.memory_space<vmem_shared>>
      tpu.wait_dma2 semaphore(%run_scoped3A : memref<!tpu.dma_semaphore, #tpu.memory_space<semaphore_mem>>) src(%dma_wait3A_34 : memref<632x144xf32, #tpu.memory_space<vmem_shared>>) dst(%dma_wait3A_32 : memref<632x144xf32, #tpu.memory_space<hbm>>)
      tpu.yield
    }) : () -> ()
    return
  }
}

#map = affine_map<(d0, d1) -> (0, 0, 0)>
#map1 = affine_map<(d0, d1) -> (0, 0)>
module attributes {stable_mosaic.version = 14 : i64} {
  func.func @sc_edge(%arg0: i32, %arg1: i32, %arg2: memref<32x50x200xi32, #tpu.memory_space<hbm>>, %arg3: memref<32x50x200xi32, #tpu.memory_space<hbm>>, %arg4: memref<10000x32xf32, #tpu.memory_space<hbm>>, %arg5: memref<10000x16xf32, #tpu.memory_space<hbm>>, %arg6: memref<632x32xf32, #tpu.memory_space<hbm>>, %arg7: memref<2x10112x32xf32, #tpu.memory_space<hbm>>, %arg8: memref<50x200xi32, #tpu.memory_space<vmem>>, %arg9: memref<50x200xi32, #tpu.memory_space<vmem>>, %arg10: memref<200x32xf32, #tpu.memory_space<vmem>>, %arg11: memref<200x32xf32, #tpu.memory_space<vmem>>, %arg12: memref<200x16xf32, #tpu.memory_space<vmem>>, %arg13: memref<200x16xf32, #tpu.memory_space<vmem>>, %arg14: memref<200x32xf32, #tpu.memory_space<vmem>>, %arg15: memref<200x32xf32, #tpu.memory_space<vmem>>, %arg16: memref<10112x32xf32, #tpu.memory_space<vmem_shared>>, %arg17: memref<!tpu.dma_semaphore, #tpu.memory_space<semaphore_mem>>, %arg18: memref<!tpu.dma_semaphore, #tpu.memory_space<semaphore_mem>>, %arg19: memref<!tpu.dma_semaphore, #tpu.memory_space<semaphore_mem>>, %arg20: memref<!tpu.dma_semaphore, #tpu.memory_space<semaphore_mem>>, %arg21: memref<!tpu.dma_semaphore, #tpu.memory_space<semaphore_mem>>, %arg22: memref<!tpu.dma_semaphore, #tpu.memory_space<semaphore_mem>>) attributes {dimension_semantics = [#tpu.dimension_semantics<core_parallel>, #tpu.dimension_semantics<subcore_parallel>], iteration_bounds = array<i64: 2, 16>, scalar_prefetch = 0 : i64, scratch_operands = 15 : i64, tpu.core_type = #tpu.core_type<sc_vector_subcore>, window_params = [{transform_indices = #map}, {transform_indices = #map}, {transform_indices = #map1}, {transform_indices = #map1}, {transform_indices = #map1}, {transform_indices = #map}]} {
    %mul3A = arith.constant 2 : i32
    %mul3A_0 = arith.muli %arg1, %mul3A : i32
    %add3A = arith.addi %mul3A_0, %arg0 : i32
    %mul3A_1 = arith.constant 632 : i32
    %mul3A_2 = arith.muli %arg1, %mul3A_1 : i32
    "tpu.region"() ({
      %run_scoped3A = tpu.sem_alloc : memref<!tpu.dma_semaphore, #tpu.memory_space<semaphore_mem>>
      %dma_start3A_39 = arith.constant 0 : i32
      %dma_start3A_40 = tpu.memref_slice %arg16[%mul3A_2, %dma_start3A_39] : memref<10112x32xf32, #tpu.memory_space<vmem_shared>> -> memref<632x32xf32, #tpu.memory_space<vmem_shared>>
      tpu.enqueue_dma source(%arg6 : memref<632x32xf32, #tpu.memory_space<hbm>>) target(%dma_start3A_40 : memref<632x32xf32, #tpu.memory_space<vmem_shared>>) target_semaphore(%run_scoped3A : memref<!tpu.dma_semaphore, #tpu.memory_space<semaphore_mem>>)
      %dma_wait3A_41 = arith.constant 0 : i32
      %dma_wait3A_42 = tpu.memref_slice %arg16[%mul3A_2, %dma_wait3A_41] : memref<10112x32xf32, #tpu.memory_space<vmem_shared>> -> memref<632x32xf32, #tpu.memory_space<vmem_shared>>
      tpu.wait_dma2 semaphore(%run_scoped3A : memref<!tpu.dma_semaphore, #tpu.memory_space<semaphore_mem>>) src(%arg6 : memref<632x32xf32, #tpu.memory_space<hbm>>) dst(%dma_wait3A_42 : memref<632x32xf32, #tpu.memory_space<vmem_shared>>)
      tpu.yield
    }) : () -> ()
    "tpu.region"() ({
      %run_scoped3A = tpu.sem_alloc : memref<!tpu.dma_semaphore, #tpu.memory_space<semaphore_mem>>
      %dma_start3A_39 = arith.constant 0 : i32
      %dma_start3A_40 = arith.constant 0 : i32
      %dma_start3A_41 = tpu.memref_slice %arg2[%add3A, %dma_start3A_39, %dma_start3A_40] : memref<32x50x200xi32, #tpu.memory_space<hbm>> -> memref<1x50x200xi32, #tpu.memory_space<hbm>>
      %dma_start3A_42 = tpu.memref_squeeze %dma_start3A_41 : memref<1x50x200xi32, #tpu.memory_space<hbm>> -> memref<50x200xi32, #tpu.memory_space<hbm>>
      %dma_start3A_43 = arith.constant 0 : i32
      %dma_start3A_44 = arith.constant 0 : i32
      %dma_start3A_45 = tpu.memref_slice %arg2[%add3A, %dma_start3A_43, %dma_start3A_44] : memref<32x50x200xi32, #tpu.memory_space<hbm>> -> memref<1x50x200xi32, #tpu.memory_space<hbm>>
      %dma_start3A_46 = tpu.memref_squeeze %dma_start3A_45 : memref<1x50x200xi32, #tpu.memory_space<hbm>> -> memref<50x200xi32, #tpu.memory_space<hbm>>
      tpu.enqueue_dma source(%dma_start3A_46 : memref<50x200xi32, #tpu.memory_space<hbm>>) target(%arg8 : memref<50x200xi32, #tpu.memory_space<vmem>>) target_semaphore(%run_scoped3A : memref<!tpu.dma_semaphore, #tpu.memory_space<semaphore_mem>>)
      %dma_wait3A_47 = arith.constant 0 : i32
      %dma_wait3A_48 = arith.constant 0 : i32
      %dma_wait3A_49 = tpu.memref_slice %arg2[%add3A, %dma_wait3A_47, %dma_wait3A_48] : memref<32x50x200xi32, #tpu.memory_space<hbm>> -> memref<1x50x200xi32, #tpu.memory_space<hbm>>
      %dma_wait3A_50 = tpu.memref_squeeze %dma_wait3A_49 : memref<1x50x200xi32, #tpu.memory_space<hbm>> -> memref<50x200xi32, #tpu.memory_space<hbm>>
      %dma_wait3A_51 = arith.constant 0 : i32
      %dma_wait3A_52 = arith.constant 0 : i32
      %dma_wait3A_53 = tpu.memref_slice %arg2[%add3A, %dma_wait3A_51, %dma_wait3A_52] : memref<32x50x200xi32, #tpu.memory_space<hbm>> -> memref<1x50x200xi32, #tpu.memory_space<hbm>>
      %dma_wait3A_54 = tpu.memref_squeeze %dma_wait3A_53 : memref<1x50x200xi32, #tpu.memory_space<hbm>> -> memref<50x200xi32, #tpu.memory_space<hbm>>
      tpu.wait_dma2 semaphore(%run_scoped3A : memref<!tpu.dma_semaphore, #tpu.memory_space<semaphore_mem>>) src(%dma_wait3A_54 : memref<50x200xi32, #tpu.memory_space<hbm>>) dst(%arg8 : memref<50x200xi32, #tpu.memory_space<vmem>>)
      tpu.yield
    }) : () -> ()
    "tpu.region"() ({
      %run_scoped3A = tpu.sem_alloc : memref<!tpu.dma_semaphore, #tpu.memory_space<semaphore_mem>>
      %dma_start3A_39 = arith.constant 0 : i32
      %dma_start3A_40 = arith.constant 0 : i32
      %dma_start3A_41 = tpu.memref_slice %arg3[%add3A, %dma_start3A_39, %dma_start3A_40] : memref<32x50x200xi32, #tpu.memory_space<hbm>> -> memref<1x50x200xi32, #tpu.memory_space<hbm>>
      %dma_start3A_42 = tpu.memref_squeeze %dma_start3A_41 : memref<1x50x200xi32, #tpu.memory_space<hbm>> -> memref<50x200xi32, #tpu.memory_space<hbm>>
      %dma_start3A_43 = arith.constant 0 : i32
      %dma_start3A_44 = arith.constant 0 : i32
      %dma_start3A_45 = tpu.memref_slice %arg3[%add3A, %dma_start3A_43, %dma_start3A_44] : memref<32x50x200xi32, #tpu.memory_space<hbm>> -> memref<1x50x200xi32, #tpu.memory_space<hbm>>
      %dma_start3A_46 = tpu.memref_squeeze %dma_start3A_45 : memref<1x50x200xi32, #tpu.memory_space<hbm>> -> memref<50x200xi32, #tpu.memory_space<hbm>>
      tpu.enqueue_dma source(%dma_start3A_46 : memref<50x200xi32, #tpu.memory_space<hbm>>) target(%arg9 : memref<50x200xi32, #tpu.memory_space<vmem>>) target_semaphore(%run_scoped3A : memref<!tpu.dma_semaphore, #tpu.memory_space<semaphore_mem>>)
      %dma_wait3A_47 = arith.constant 0 : i32
      %dma_wait3A_48 = arith.constant 0 : i32
      %dma_wait3A_49 = tpu.memref_slice %arg3[%add3A, %dma_wait3A_47, %dma_wait3A_48] : memref<32x50x200xi32, #tpu.memory_space<hbm>> -> memref<1x50x200xi32, #tpu.memory_space<hbm>>
      %dma_wait3A_50 = tpu.memref_squeeze %dma_wait3A_49 : memref<1x50x200xi32, #tpu.memory_space<hbm>> -> memref<50x200xi32, #tpu.memory_space<hbm>>
      %dma_wait3A_51 = arith.constant 0 : i32
      %dma_wait3A_52 = arith.constant 0 : i32
      %dma_wait3A_53 = tpu.memref_slice %arg3[%add3A, %dma_wait3A_51, %dma_wait3A_52] : memref<32x50x200xi32, #tpu.memory_space<hbm>> -> memref<1x50x200xi32, #tpu.memory_space<hbm>>
      %dma_wait3A_54 = tpu.memref_squeeze %dma_wait3A_53 : memref<1x50x200xi32, #tpu.memory_space<hbm>> -> memref<50x200xi32, #tpu.memory_space<hbm>>
      tpu.wait_dma2 semaphore(%run_scoped3A : memref<!tpu.dma_semaphore, #tpu.memory_space<semaphore_mem>>) src(%dma_wait3A_54 : memref<50x200xi32, #tpu.memory_space<hbm>>) dst(%arg9 : memref<50x200xi32, #tpu.memory_space<vmem>>)
      tpu.yield
    }) : () -> ()
    %barrier3A = arith.constant 0 : index
    tpu.barrier barrier_id(%barrier3A)
    %dma_start3A = arith.constant 0 : i32
    %dma_start3A_3 = arith.constant 0 : i32
    %dma_start3A_4 = tpu.memref_slice %arg8[%dma_start3A, %dma_start3A_3] : memref<50x200xi32, #tpu.memory_space<vmem>> -> memref<1x200xi32, #tpu.memory_space<vmem>>
    %dma_start3A_5 = tpu.memref_squeeze %dma_start3A_4 : memref<1x200xi32, #tpu.memory_space<vmem>> -> memref<200xi32, #tpu.memory_space<vmem>>
    %dma_start3A_6 = arith.constant 0 : i32
    %dma_start3A_7 = arith.constant 0 : i32
    %dma_start3A_8 = tpu.memref_slice %arg4[%dma_start3A_6, %dma_start3A_7] : memref<10000x32xf32, #tpu.memory_space<hbm>> -> memref<10000x32xf32, #tpu.memory_space<hbm>>
    tpu.enqueue_indirect_dma source(%dma_start3A_8 : memref<10000x32xf32, #tpu.memory_space<hbm>>) target(%arg10 : memref<200x32xf32, #tpu.memory_space<vmem>>) offsets(%dma_start3A_5 : memref<200xi32, #tpu.memory_space<vmem>>) semaphore(%arg17 : memref<!tpu.dma_semaphore, #tpu.memory_space<semaphore_mem>>)
    %dma_start3A_9 = arith.constant 0 : i32
    %dma_start3A_10 = arith.constant 0 : i32
    %dma_start3A_11 = tpu.memref_slice %arg9[%dma_start3A_9, %dma_start3A_10] : memref<50x200xi32, #tpu.memory_space<vmem>> -> memref<1x200xi32, #tpu.memory_space<vmem>>
    %dma_start3A_12 = tpu.memref_squeeze %dma_start3A_11 : memref<1x200xi32, #tpu.memory_space<vmem>> -> memref<200xi32, #tpu.memory_space<vmem>>
    %dma_start3A_13 = arith.constant 0 : i32
    %dma_start3A_14 = arith.constant 0 : i32
    %dma_start3A_15 = tpu.memref_slice %arg5[%dma_start3A_13, %dma_start3A_14] : memref<10000x16xf32, #tpu.memory_space<hbm>> -> memref<10000x16xf32, #tpu.memory_space<hbm>>
    tpu.enqueue_indirect_dma source(%dma_start3A_15 : memref<10000x16xf32, #tpu.memory_space<hbm>>) target(%arg12 : memref<200x16xf32, #tpu.memory_space<vmem>>) offsets(%dma_start3A_12 : memref<200xi32, #tpu.memory_space<vmem>>) semaphore(%arg19 : memref<!tpu.dma_semaphore, #tpu.memory_space<semaphore_mem>>)
    %scan3A = arith.constant 0 : i32
    %scan3A_16 = arith.constant 0 : i32
    %scan3A_17 = arith.constant 25 : i32
    %scan3A_18 = arith.addi %scan3A_16, %scan3A_17 : i32
    %scan3A_19 = arith.constant 1 : i32
    scf.for %scan3A_39 = %scan3A_16 to %scan3A_18 step %scan3A_19  : i32 {
      %mul3A_40 = arith.constant 2 : i32
      %mul3A_41 = arith.muli %mul3A_40, %scan3A_39 : i32
      %dma_wait3A_42 = arith.constant 0 : i32
      %dma_wait3A_43 = tpu.memref_slice %arg8[%mul3A_41, %dma_wait3A_42] : memref<50x200xi32, #tpu.memory_space<vmem>> -> memref<1x200xi32, #tpu.memory_space<vmem>>
      %dma_wait3A_44 = tpu.memref_squeeze %dma_wait3A_43 : memref<1x200xi32, #tpu.memory_space<vmem>> -> memref<200xi32, #tpu.memory_space<vmem>>
      %dma_wait3A_45 = arith.constant 0 : i32
      %dma_wait3A_46 = arith.constant 0 : i32
      %dma_wait3A_47 = tpu.memref_slice %arg4[%dma_wait3A_45, %dma_wait3A_46] : memref<10000x32xf32, #tpu.memory_space<hbm>> -> memref<10000x32xf32, #tpu.memory_space<hbm>>
      tpu.wait_indirect_dma semaphore(%arg17 : memref<!tpu.dma_semaphore, #tpu.memory_space<semaphore_mem>>) src(%dma_wait3A_47 : memref<10000x32xf32, #tpu.memory_space<hbm>>) dst(%arg10 : memref<200x32xf32, #tpu.memory_space<vmem>>)
      %dma_wait3A_48 = arith.constant 0 : i32
      %dma_wait3A_49 = tpu.memref_slice %arg9[%mul3A_41, %dma_wait3A_48] : memref<50x200xi32, #tpu.memory_space<vmem>> -> memref<1x200xi32, #tpu.memory_space<vmem>>
      %dma_wait3A_50 = tpu.memref_squeeze %dma_wait3A_49 : memref<1x200xi32, #tpu.memory_space<vmem>> -> memref<200xi32, #tpu.memory_space<vmem>>
      %dma_wait3A_51 = arith.constant 0 : i32
      %dma_wait3A_52 = arith.constant 0 : i32
      %dma_wait3A_53 = tpu.memref_slice %arg5[%dma_wait3A_51, %dma_wait3A_52] : memref<10000x16xf32, #tpu.memory_space<hbm>> -> memref<10000x16xf32, #tpu.memory_space<hbm>>
      tpu.wait_indirect_dma semaphore(%arg19 : memref<!tpu.dma_semaphore, #tpu.memory_space<semaphore_mem>>) src(%dma_wait3A_53 : memref<10000x16xf32, #tpu.memory_space<hbm>>) dst(%arg12 : memref<200x16xf32, #tpu.memory_space<vmem>>)
      %add3A_54 = arith.constant 1 : i32
      %add3A_55 = arith.addi %mul3A_41, %add3A_54 : i32
      %dma_start3A_56 = arith.constant 0 : i32
      %dma_start3A_57 = tpu.memref_slice %arg8[%add3A_55, %dma_start3A_56] : memref<50x200xi32, #tpu.memory_space<vmem>> -> memref<1x200xi32, #tpu.memory_space<vmem>>
      %dma_start3A_58 = tpu.memref_squeeze %dma_start3A_57 : memref<1x200xi32, #tpu.memory_space<vmem>> -> memref<200xi32, #tpu.memory_space<vmem>>
      %dma_start3A_59 = arith.constant 0 : i32
      %dma_start3A_60 = arith.constant 0 : i32
      %dma_start3A_61 = tpu.memref_slice %arg4[%dma_start3A_59, %dma_start3A_60] : memref<10000x32xf32, #tpu.memory_space<hbm>> -> memref<10000x32xf32, #tpu.memory_space<hbm>>
      tpu.enqueue_indirect_dma source(%dma_start3A_61 : memref<10000x32xf32, #tpu.memory_space<hbm>>) target(%arg11 : memref<200x32xf32, #tpu.memory_space<vmem>>) offsets(%dma_start3A_58 : memref<200xi32, #tpu.memory_space<vmem>>) semaphore(%arg18 : memref<!tpu.dma_semaphore, #tpu.memory_space<semaphore_mem>>)
      %dma_start3A_62 = arith.constant 0 : i32
      %dma_start3A_63 = tpu.memref_slice %arg9[%add3A_55, %dma_start3A_62] : memref<50x200xi32, #tpu.memory_space<vmem>> -> memref<1x200xi32, #tpu.memory_space<vmem>>
      %dma_start3A_64 = tpu.memref_squeeze %dma_start3A_63 : memref<1x200xi32, #tpu.memory_space<vmem>> -> memref<200xi32, #tpu.memory_space<vmem>>
      %dma_start3A_65 = arith.constant 0 : i32
      %dma_start3A_66 = arith.constant 0 : i32
      %dma_start3A_67 = tpu.memref_slice %arg5[%dma_start3A_65, %dma_start3A_66] : memref<10000x16xf32, #tpu.memory_space<hbm>> -> memref<10000x16xf32, #tpu.memory_space<hbm>>
      tpu.enqueue_indirect_dma source(%dma_start3A_67 : memref<10000x16xf32, #tpu.memory_space<hbm>>) target(%arg13 : memref<200x16xf32, #tpu.memory_space<vmem>>) offsets(%dma_start3A_64 : memref<200xi32, #tpu.memory_space<vmem>>) semaphore(%arg20 : memref<!tpu.dma_semaphore, #tpu.memory_space<semaphore_mem>>)
      %gt3A = arith.constant 0 : i32
      %gt3A_68 = arith.cmpi sgt, %scan3A_39, %gt3A : i32
      %convert_element_type3A = arith.extui %gt3A_68 : i1 to i32
      %cond3A = arith.constant 0 : i32
      %cond3A_69 = arith.cmpi ne, %convert_element_type3A, %cond3A : i32
      scf.if %cond3A_69 {
        %dma_wait3A_112 = arith.constant 0 : i32
        %dma_wait3A_113 = tpu.memref_slice %arg9[%mul3A_41, %dma_wait3A_112] : memref<50x200xi32, #tpu.memory_space<vmem>> -> memref<1x200xi32, #tpu.memory_space<vmem>>
        %dma_wait3A_114 = tpu.memref_squeeze %dma_wait3A_113 : memref<1x200xi32, #tpu.memory_space<vmem>> -> memref<200xi32, #tpu.memory_space<vmem>>
        %dma_wait3A_115 = arith.constant 0 : i32
        %dma_wait3A_116 = arith.constant 0 : i32
        %dma_wait3A_117 = tpu.memref_slice %arg16[%dma_wait3A_115, %dma_wait3A_116] : memref<10112x32xf32, #tpu.memory_space<vmem_shared>> -> memref<10112x32xf32, #tpu.memory_space<vmem_shared>>
        tpu.wait_indirect_dma semaphore(%arg21 : memref<!tpu.dma_semaphore, #tpu.memory_space<semaphore_mem>>) src(%arg14 : memref<200x32xf32, #tpu.memory_space<vmem>>) dst(%dma_wait3A_117 : memref<10112x32xf32, #tpu.memory_space<vmem_shared>>)
      } else {
      }
      %parallel_loop3A = arith.constant 0 : i32
      %parallel_loop3A_70 = arith.constant 200 : i32
      %parallel_loop3A_71 = arith.constant 1 : i32
      scf.for %parallel_loop3A_112 = %parallel_loop3A to %parallel_loop3A_70 step %parallel_loop3A_71  : i32 {
        %parallel_loop3A_113 = arith.index_cast %parallel_loop3A_112 : i32 to index
        %parallel_loop3A_114 = arith.constant 16 : index
        %parallel_loop3A_115 = tpu.vector_load %arg10[%parallel_loop3A_113, %parallel_loop3A_114] {strides = array<i32>} : memref<200x32xf32, #tpu.memory_space<vmem>>, vector<1x16xf32>,
        %parallel_loop3A_116 = vector.shape_cast %parallel_loop3A_115 : vector<1x16xf32> to vector<16xf32>
        %parallel_loop3A_117 = arith.index_cast %parallel_loop3A_112 : i32 to index
        %parallel_loop3A_118 = arith.constant 0 : index
        %parallel_loop3A_119 = tpu.vector_load %arg12[%parallel_loop3A_117, %parallel_loop3A_118] {strides = array<i32>} : memref<200x16xf32, #tpu.memory_space<vmem>>, vector<1x16xf32>,
        %parallel_loop3A_120 = vector.shape_cast %parallel_loop3A_119 : vector<1x16xf32> to vector<16xf32>
        %parallel_loop3A_121 = arith.addf %parallel_loop3A_116, %parallel_loop3A_120 : vector<16xf32>
        %parallel_loop3A_122 = arith.constant 0.000000e+00 : f32
        %parallel_loop3A_123 = vector.broadcast %parallel_loop3A_122 : f32 to vector<16xf32>
        %parallel_loop3A_124 = arith.cmpf oge, %parallel_loop3A_121, %parallel_loop3A_123 : vector<16xf32>
        %parallel_loop3A_125 = arith.constant 2.000000e-01 : f32
        %parallel_loop3A_126 = vector.broadcast %parallel_loop3A_125 : f32 to vector<16xf32>
        %parallel_loop3A_127 = arith.mulf %parallel_loop3A_126, %parallel_loop3A_121 : vector<16xf32>
        %parallel_loop3A_128 = arith.select %parallel_loop3A_124, %parallel_loop3A_121, %parallel_loop3A_127 : vector<16xi1>, vector<16xf32>
        %parallel_loop3A_129 = math.exp %parallel_loop3A_128 : vector<16xf32>
        %parallel_loop3A_130 = arith.index_cast %parallel_loop3A_112 : i32 to index
        %parallel_loop3A_131 = arith.constant 16 : index
        %parallel_loop3A_132 = tpu.vector_load %arg14[%parallel_loop3A_130, %parallel_loop3A_131] {strides = array<i32>} : memref<200x32xf32, #tpu.memory_space<vmem>>, vector<1x16xf32>,
        %parallel_loop3A_133 = vector.shape_cast %parallel_loop3A_132 : vector<1x16xf32> to vector<16xf32>
        %parallel_loop3A_134 = vector.shape_cast %parallel_loop3A_129 : vector<16xf32> to vector<1x16xf32>
        tpu.vector_store %arg14[%parallel_loop3A_130, %parallel_loop3A_131], %parallel_loop3A_134 {strides = array<i32>} : memref<200x32xf32, #tpu.memory_space<vmem>>, vector<1x16xf32>,
        %parallel_loop3A_135 = arith.index_cast %parallel_loop3A_112 : i32 to index
        %parallel_loop3A_136 = arith.constant 0 : index
        %parallel_loop3A_137 = tpu.vector_load %arg10[%parallel_loop3A_135, %parallel_loop3A_136] {strides = array<i32>} : memref<200x32xf32, #tpu.memory_space<vmem>>, vector<1x16xf32>,
        %parallel_loop3A_138 = vector.shape_cast %parallel_loop3A_137 : vector<1x16xf32> to vector<16xf32>
        %parallel_loop3A_139 = arith.mulf %parallel_loop3A_138, %parallel_loop3A_129 : vector<16xf32>
        %parallel_loop3A_140 = arith.index_cast %parallel_loop3A_112 : i32 to index
        %parallel_loop3A_141 = arith.constant 0 : index
        %parallel_loop3A_142 = tpu.vector_load %arg14[%parallel_loop3A_140, %parallel_loop3A_141] {strides = array<i32>} : memref<200x32xf32, #tpu.memory_space<vmem>>, vector<1x16xf32>,
        %parallel_loop3A_143 = vector.shape_cast %parallel_loop3A_142 : vector<1x16xf32> to vector<16xf32>
        %parallel_loop3A_144 = vector.shape_cast %parallel_loop3A_139 : vector<16xf32> to vector<1x16xf32>
        tpu.vector_store %arg14[%parallel_loop3A_140, %parallel_loop3A_141], %parallel_loop3A_144 {strides = array<i32>} : memref<200x32xf32, #tpu.memory_space<vmem>>, vector<1x16xf32>,
      } {sc.loop_unroll_factor = 8 : i64, sc.parallel_access}
      %dma_start3A_72 = arith.constant 0 : i32
      %dma_start3A_73 = tpu.memref_slice %arg9[%mul3A_41, %dma_start3A_72] : memref<50x200xi32, #tpu.memory_space<vmem>> -> memref<1x200xi32, #tpu.memory_space<vmem>>
      %dma_start3A_74 = tpu.memref_squeeze %dma_start3A_73 : memref<1x200xi32, #tpu.memory_space<vmem>> -> memref<200xi32, #tpu.memory_space<vmem>>
      %dma_start3A_75 = arith.constant 0 : i32
      %dma_start3A_76 = arith.constant 0 : i32
      %dma_start3A_77 = tpu.memref_slice %arg16[%dma_start3A_75, %dma_start3A_76] : memref<10112x32xf32, #tpu.memory_space<vmem_shared>> -> memref<10112x32xf32, #tpu.memory_space<vmem_shared>>
      tpu.enqueue_indirect_dma source(%arg14 : memref<200x32xf32, #tpu.memory_space<vmem>>) target(%dma_start3A_77 : memref<10112x32xf32, #tpu.memory_space<vmem_shared>>) offsets(%dma_start3A_74 : memref<200xi32, #tpu.memory_space<vmem>>) semaphore(%arg21 : memref<!tpu.dma_semaphore, #tpu.memory_space<semaphore_mem>>) {add = true}
      %add3A_78 = arith.constant 1 : i32
      %add3A_79 = arith.addi %mul3A_41, %add3A_78 : i32
      %dma_wait3A_80 = arith.constant 0 : i32
      %dma_wait3A_81 = tpu.memref_slice %arg8[%add3A_79, %dma_wait3A_80] : memref<50x200xi32, #tpu.memory_space<vmem>> -> memref<1x200xi32, #tpu.memory_space<vmem>>
      %dma_wait3A_82 = tpu.memref_squeeze %dma_wait3A_81 : memref<1x200xi32, #tpu.memory_space<vmem>> -> memref<200xi32, #tpu.memory_space<vmem>>
      %dma_wait3A_83 = arith.constant 0 : i32
      %dma_wait3A_84 = arith.constant 0 : i32
      %dma_wait3A_85 = tpu.memref_slice %arg4[%dma_wait3A_83, %dma_wait3A_84] : memref<10000x32xf32, #tpu.memory_space<hbm>> -> memref<10000x32xf32, #tpu.memory_space<hbm>>
      tpu.wait_indirect_dma semaphore(%arg18 : memref<!tpu.dma_semaphore, #tpu.memory_space<semaphore_mem>>) src(%dma_wait3A_85 : memref<10000x32xf32, #tpu.memory_space<hbm>>) dst(%arg11 : memref<200x32xf32, #tpu.memory_space<vmem>>)
      %dma_wait3A_86 = arith.constant 0 : i32
      %dma_wait3A_87 = tpu.memref_slice %arg9[%add3A_79, %dma_wait3A_86] : memref<50x200xi32, #tpu.memory_space<vmem>> -> memref<1x200xi32, #tpu.memory_space<vmem>>
      %dma_wait3A_88 = tpu.memref_squeeze %dma_wait3A_87 : memref<1x200xi32, #tpu.memory_space<vmem>> -> memref<200xi32, #tpu.memory_space<vmem>>
      %dma_wait3A_89 = arith.constant 0 : i32
      %dma_wait3A_90 = arith.constant 0 : i32
      %dma_wait3A_91 = tpu.memref_slice %arg5[%dma_wait3A_89, %dma_wait3A_90] : memref<10000x16xf32, #tpu.memory_space<hbm>> -> memref<10000x16xf32, #tpu.memory_space<hbm>>
      tpu.wait_indirect_dma semaphore(%arg20 : memref<!tpu.dma_semaphore, #tpu.memory_space<semaphore_mem>>) src(%dma_wait3A_91 : memref<10000x16xf32, #tpu.memory_space<hbm>>) dst(%arg13 : memref<200x16xf32, #tpu.memory_space<vmem>>)
      %lt3A = arith.constant 24 : i32
      %lt3A_92 = arith.cmpi slt, %scan3A_39, %lt3A : i32
      %convert_element_type3A_93 = arith.extui %lt3A_92 : i1 to i32
      %cond3A_94 = arith.constant 0 : i32
      %cond3A_95 = arith.cmpi ne, %convert_element_type3A_93, %cond3A_94 : i32
      scf.if %cond3A_95 {
        %add3A_112 = arith.constant 2 : i32
        %add3A_113 = arith.addi %mul3A_41, %add3A_112 : i32
        %dma_start3A_114 = arith.constant 0 : i32
        %dma_start3A_115 = tpu.memref_slice %arg8[%add3A_113, %dma_start3A_114] : memref<50x200xi32, #tpu.memory_space<vmem>> -> memref<1x200xi32, #tpu.memory_space<vmem>>
        %dma_start3A_116 = tpu.memref_squeeze %dma_start3A_115 : memref<1x200xi32, #tpu.memory_space<vmem>> -> memref<200xi32, #tpu.memory_space<vmem>>
        %dma_start3A_117 = arith.constant 0 : i32
        %dma_start3A_118 = arith.constant 0 : i32
        %dma_start3A_119 = tpu.memref_slice %arg4[%dma_start3A_117, %dma_start3A_118] : memref<10000x32xf32, #tpu.memory_space<hbm>> -> memref<10000x32xf32, #tpu.memory_space<hbm>>
        tpu.enqueue_indirect_dma source(%dma_start3A_119 : memref<10000x32xf32, #tpu.memory_space<hbm>>) target(%arg10 : memref<200x32xf32, #tpu.memory_space<vmem>>) offsets(%dma_start3A_116 : memref<200xi32, #tpu.memory_space<vmem>>) semaphore(%arg17 : memref<!tpu.dma_semaphore, #tpu.memory_space<semaphore_mem>>)
        %dma_start3A_120 = arith.constant 0 : i32
        %dma_start3A_121 = tpu.memref_slice %arg9[%add3A_113, %dma_start3A_120] : memref<50x200xi32, #tpu.memory_space<vmem>> -> memref<1x200xi32, #tpu.memory_space<vmem>>
        %dma_start3A_122 = tpu.memref_squeeze %dma_start3A_121 : memref<1x200xi32, #tpu.memory_space<vmem>> -> memref<200xi32, #tpu.memory_space<vmem>>
        %dma_start3A_123 = arith.constant 0 : i32
        %dma_start3A_124 = arith.constant 0 : i32
        %dma_start3A_125 = tpu.memref_slice %arg5[%dma_start3A_123, %dma_start3A_124] : memref<10000x16xf32, #tpu.memory_space<hbm>> -> memref<10000x16xf32, #tpu.memory_space<hbm>>
        tpu.enqueue_indirect_dma source(%dma_start3A_125 : memref<10000x16xf32, #tpu.memory_space<hbm>>) target(%arg12 : memref<200x16xf32, #tpu.memory_space<vmem>>) offsets(%dma_start3A_122 : memref<200xi32, #tpu.memory_space<vmem>>) semaphore(%arg19 : memref<!tpu.dma_semaphore, #tpu.memory_space<semaphore_mem>>)
      } else {
      }
      %add3A_96 = arith.constant 1 : i32
      %add3A_97 = arith.addi %mul3A_41, %add3A_96 : i32
      %gt3A_98 = arith.constant 0 : i32
      %gt3A_99 = arith.cmpi sgt, %scan3A_39, %gt3A_98 : i32
      %convert_element_type3A_100 = arith.extui %gt3A_99 : i1 to i32
      %cond3A_101 = arith.constant 0 : i32
      %cond3A_102 = arith.cmpi ne, %convert_element_type3A_100, %cond3A_101 : i32
      scf.if %cond3A_102 {
        %dma_wait3A_112 = arith.constant 0 : i32
        %dma_wait3A_113 = tpu.memref_slice %arg9[%add3A_97, %dma_wait3A_112] : memref<50x200xi32, #tpu.memory_space<vmem>> -> memref<1x200xi32, #tpu.memory_space<vmem>>
        %dma_wait3A_114 = tpu.memref_squeeze %dma_wait3A_113 : memref<1x200xi32, #tpu.memory_space<vmem>> -> memref<200xi32, #tpu.memory_space<vmem>>
        %dma_wait3A_115 = arith.constant 0 : i32
        %dma_wait3A_116 = arith.constant 0 : i32
        %dma_wait3A_117 = tpu.memref_slice %arg16[%dma_wait3A_115, %dma_wait3A_116] : memref<10112x32xf32, #tpu.memory_space<vmem_shared>> -> memref<10112x32xf32, #tpu.memory_space<vmem_shared>>
        tpu.wait_indirect_dma semaphore(%arg22 : memref<!tpu.dma_semaphore, #tpu.memory_space<semaphore_mem>>) src(%arg15 : memref<200x32xf32, #tpu.memory_space<vmem>>) dst(%dma_wait3A_117 : memref<10112x32xf32, #tpu.memory_space<vmem_shared>>)
      } else {
      }
      %parallel_loop3A_103 = arith.constant 0 : i32
      %parallel_loop3A_104 = arith.constant 200 : i32
      %parallel_loop3A_105 = arith.constant 1 : i32
      scf.for %parallel_loop3A_112 = %parallel_loop3A_103 to %parallel_loop3A_104 step %parallel_loop3A_105  : i32 {
        %parallel_loop3A_113 = arith.index_cast %parallel_loop3A_112 : i32 to index
        %parallel_loop3A_114 = arith.constant 16 : index
        %parallel_loop3A_115 = tpu.vector_load %arg11[%parallel_loop3A_113, %parallel_loop3A_114] {strides = array<i32>} : memref<200x32xf32, #tpu.memory_space<vmem>>, vector<1x16xf32>,
        %parallel_loop3A_116 = vector.shape_cast %parallel_loop3A_115 : vector<1x16xf32> to vector<16xf32>
        %parallel_loop3A_117 = arith.index_cast %parallel_loop3A_112 : i32 to index
        %parallel_loop3A_118 = arith.constant 0 : index
        %parallel_loop3A_119 = tpu.vector_load %arg13[%parallel_loop3A_117, %parallel_loop3A_118] {strides = array<i32>} : memref<200x16xf32, #tpu.memory_space<vmem>>, vector<1x16xf32>,
        %parallel_loop3A_120 = vector.shape_cast %parallel_loop3A_119 : vector<1x16xf32> to vector<16xf32>
        %parallel_loop3A_121 = arith.addf %parallel_loop3A_116, %parallel_loop3A_120 : vector<16xf32>
        %parallel_loop3A_122 = arith.constant 0.000000e+00 : f32
        %parallel_loop3A_123 = vector.broadcast %parallel_loop3A_122 : f32 to vector<16xf32>
        %parallel_loop3A_124 = arith.cmpf oge, %parallel_loop3A_121, %parallel_loop3A_123 : vector<16xf32>
        %parallel_loop3A_125 = arith.constant 2.000000e-01 : f32
        %parallel_loop3A_126 = vector.broadcast %parallel_loop3A_125 : f32 to vector<16xf32>
        %parallel_loop3A_127 = arith.mulf %parallel_loop3A_126, %parallel_loop3A_121 : vector<16xf32>
        %parallel_loop3A_128 = arith.select %parallel_loop3A_124, %parallel_loop3A_121, %parallel_loop3A_127 : vector<16xi1>, vector<16xf32>
        %parallel_loop3A_129 = math.exp %parallel_loop3A_128 : vector<16xf32>
        %parallel_loop3A_130 = arith.index_cast %parallel_loop3A_112 : i32 to index
        %parallel_loop3A_131 = arith.constant 16 : index
        %parallel_loop3A_132 = tpu.vector_load %arg15[%parallel_loop3A_130, %parallel_loop3A_131] {strides = array<i32>} : memref<200x32xf32, #tpu.memory_space<vmem>>, vector<1x16xf32>,
        %parallel_loop3A_133 = vector.shape_cast %parallel_loop3A_132 : vector<1x16xf32> to vector<16xf32>
        %parallel_loop3A_134 = vector.shape_cast %parallel_loop3A_129 : vector<16xf32> to vector<1x16xf32>
        tpu.vector_store %arg15[%parallel_loop3A_130, %parallel_loop3A_131], %parallel_loop3A_134 {strides = array<i32>} : memref<200x32xf32, #tpu.memory_space<vmem>>, vector<1x16xf32>,
        %parallel_loop3A_135 = arith.index_cast %parallel_loop3A_112 : i32 to index
        %parallel_loop3A_136 = arith.constant 0 : index
        %parallel_loop3A_137 = tpu.vector_load %arg11[%parallel_loop3A_135, %parallel_loop3A_136] {strides = array<i32>} : memref<200x32xf32, #tpu.memory_space<vmem>>, vector<1x16xf32>,
        %parallel_loop3A_138 = vector.shape_cast %parallel_loop3A_137 : vector<1x16xf32> to vector<16xf32>
        %parallel_loop3A_139 = arith.mulf %parallel_loop3A_138, %parallel_loop3A_129 : vector<16xf32>
        %parallel_loop3A_140 = arith.index_cast %parallel_loop3A_112 : i32 to index
        %parallel_loop3A_141 = arith.constant 0 : index
        %parallel_loop3A_142 = tpu.vector_load %arg15[%parallel_loop3A_140, %parallel_loop3A_141] {strides = array<i32>} : memref<200x32xf32, #tpu.memory_space<vmem>>, vector<1x16xf32>,
        %parallel_loop3A_143 = vector.shape_cast %parallel_loop3A_142 : vector<1x16xf32> to vector<16xf32>
        %parallel_loop3A_144 = vector.shape_cast %parallel_loop3A_139 : vector<16xf32> to vector<1x16xf32>
        tpu.vector_store %arg15[%parallel_loop3A_140, %parallel_loop3A_141], %parallel_loop3A_144 {strides = array<i32>} : memref<200x32xf32, #tpu.memory_space<vmem>>, vector<1x16xf32>,
      } {sc.loop_unroll_factor = 8 : i64, sc.parallel_access}
      %dma_start3A_106 = arith.constant 0 : i32
      %dma_start3A_107 = tpu.memref_slice %arg9[%add3A_97, %dma_start3A_106] : memref<50x200xi32, #tpu.memory_space<vmem>> -> memref<1x200xi32, #tpu.memory_space<vmem>>
      %dma_start3A_108 = tpu.memref_squeeze %dma_start3A_107 : memref<1x200xi32, #tpu.memory_space<vmem>> -> memref<200xi32, #tpu.memory_space<vmem>>
      %dma_start3A_109 = arith.constant 0 : i32
      %dma_start3A_110 = arith.constant 0 : i32
      %dma_start3A_111 = tpu.memref_slice %arg16[%dma_start3A_109, %dma_start3A_110] : memref<10112x32xf32, #tpu.memory_space<vmem_shared>> -> memref<10112x32xf32, #tpu.memory_space<vmem_shared>>
      tpu.enqueue_indirect_dma source(%arg15 : memref<200x32xf32, #tpu.memory_space<vmem>>) target(%dma_start3A_111 : memref<10112x32xf32, #tpu.memory_space<vmem_shared>>) offsets(%dma_start3A_108 : memref<200xi32, #tpu.memory_space<vmem>>) semaphore(%arg22 : memref<!tpu.dma_semaphore, #tpu.memory_space<semaphore_mem>>) {add = true}
    }
    %scan3A_20 = arith.constant 25 : i32
    %dma_wait3A = arith.constant 48 : i32
    %dma_wait3A_21 = arith.constant 0 : i32
    %dma_wait3A_22 = tpu.memref_slice %arg9[%dma_wait3A, %dma_wait3A_21] : memref<50x200xi32, #tpu.memory_space<vmem>> -> memref<1x200xi32, #tpu.memory_space<vmem>>
    %dma_wait3A_23 = tpu.memref_squeeze %dma_wait3A_22 : memref<1x200xi32, #tpu.memory_space<vmem>> -> memref<200xi32, #tpu.memory_space<vmem>>
    %dma_wait3A_24 = arith.constant 0 : i32
    %dma_wait3A_25 = arith.constant 0 : i32
    %dma_wait3A_26 = tpu.memref_slice %arg16[%dma_wait3A_24, %dma_wait3A_25] : memref<10112x32xf32, #tpu.memory_space<vmem_shared>> -> memref<10112x32xf32, #tpu.memory_space<vmem_shared>>
    tpu.wait_indirect_dma semaphore(%arg21 : memref<!tpu.dma_semaphore, #tpu.memory_space<semaphore_mem>>) src(%arg14 : memref<200x32xf32, #tpu.memory_space<vmem>>) dst(%dma_wait3A_26 : memref<10112x32xf32, #tpu.memory_space<vmem_shared>>)
    %dma_wait3A_27 = arith.constant 49 : i32
    %dma_wait3A_28 = arith.constant 0 : i32
    %dma_wait3A_29 = tpu.memref_slice %arg9[%dma_wait3A_27, %dma_wait3A_28] : memref<50x200xi32, #tpu.memory_space<vmem>> -> memref<1x200xi32, #tpu.memory_space<vmem>>
    %dma_wait3A_30 = tpu.memref_squeeze %dma_wait3A_29 : memref<1x200xi32, #tpu.memory_space<vmem>> -> memref<200xi32, #tpu.memory_space<vmem>>
    %dma_wait3A_31 = arith.constant 0 : i32
    %dma_wait3A_32 = arith.constant 0 : i32
    %dma_wait3A_33 = tpu.memref_slice %arg16[%dma_wait3A_31, %dma_wait3A_32] : memref<10112x32xf32, #tpu.memory_space<vmem_shared>> -> memref<10112x32xf32, #tpu.memory_space<vmem_shared>>
    tpu.wait_indirect_dma semaphore(%arg22 : memref<!tpu.dma_semaphore, #tpu.memory_space<semaphore_mem>>) src(%arg15 : memref<200x32xf32, #tpu.memory_space<vmem>>) dst(%dma_wait3A_33 : memref<10112x32xf32, #tpu.memory_space<vmem_shared>>)
    %barrier3A_34 = arith.constant 0 : index
    tpu.barrier barrier_id(%barrier3A_34)
    %mul3A_35 = arith.constant 632 : i32
    %mul3A_36 = arith.muli %arg1, %mul3A_35 : i32
    %mul3A_37 = arith.constant 632 : i32
    %mul3A_38 = arith.muli %arg1, %mul3A_37 : i32
    "tpu.region"() ({
      %run_scoped3A = tpu.sem_alloc : memref<!tpu.dma_semaphore, #tpu.memory_space<semaphore_mem>>
      %dma_start3A_39 = arith.constant 0 : i32
      %dma_start3A_40 = tpu.memref_slice %arg7[%arg0, %mul3A_38, %dma_start3A_39] : memref<2x10112x32xf32, #tpu.memory_space<hbm>> -> memref<1x632x32xf32, #tpu.memory_space<hbm>>
      %dma_start3A_41 = tpu.memref_squeeze %dma_start3A_40 : memref<1x632x32xf32, #tpu.memory_space<hbm>> -> memref<632x32xf32, #tpu.memory_space<hbm>>
      %dma_start3A_42 = arith.constant 0 : i32
      %dma_start3A_43 = tpu.memref_slice %arg16[%mul3A_36, %dma_start3A_42] : memref<10112x32xf32, #tpu.memory_space<vmem_shared>> -> memref<632x32xf32, #tpu.memory_space<vmem_shared>>
      tpu.enqueue_dma source(%dma_start3A_43 : memref<632x32xf32, #tpu.memory_space<vmem_shared>>) target(%dma_start3A_41 : memref<632x32xf32, #tpu.memory_space<hbm>>) target_semaphore(%run_scoped3A : memref<!tpu.dma_semaphore, #tpu.memory_space<semaphore_mem>>)
      %dma_wait3A_44 = arith.constant 0 : i32
      %dma_wait3A_45 = tpu.memref_slice %arg7[%arg0, %mul3A_38, %dma_wait3A_44] : memref<2x10112x32xf32, #tpu.memory_space<hbm>> -> memref<1x632x32xf32, #tpu.memory_space<hbm>>
      %dma_wait3A_46 = tpu.memref_squeeze %dma_wait3A_45 : memref<1x632x32xf32, #tpu.memory_space<hbm>> -> memref<632x32xf32, #tpu.memory_space<hbm>>
      %dma_wait3A_47 = arith.constant 0 : i32
      %dma_wait3A_48 = tpu.memref_slice %arg16[%mul3A_36, %dma_wait3A_47] : memref<10112x32xf32, #tpu.memory_space<vmem_shared>> -> memref<632x32xf32, #tpu.memory_space<vmem_shared>>
      tpu.wait_dma2 semaphore(%run_scoped3A : memref<!tpu.dma_semaphore, #tpu.memory_space<semaphore_mem>>) src(%dma_wait3A_48 : memref<632x32xf32, #tpu.memory_space<vmem_shared>>) dst(%dma_wait3A_46 : memref<632x32xf32, #tpu.memory_space<hbm>>)
      tpu.yield
    }) : () -> ()
    return
  }
}

module attributes {stable_mosaic.version = 14 : i64} {
  func.func @_tc_in_body(%arg0: memref<10000x128xf32, #tpu.memory_space<vmem>>, %arg1: memref<128x144xf32, #tpu.memory_space<vmem>>, %arg2: memref<128x16xf32, #tpu.memory_space<vmem>>, %arg3: memref<10000x144xf32, #tpu.memory_space<vmem>>, %arg4: memref<10000x16xf32, #tpu.memory_space<vmem>>) attributes {dimension_semantics = [], scalar_prefetch = 0 : i64, scratch_operands = 0 : i64, tpu.core_type = #tpu.core_type<tc>} {
    %get3A = arith.constant 0 : index
    %get3A_0 = arith.constant 0 : index
    %get3A_1 = vector.load %arg0[%get3A, %get3A_0] : memref<10000x128xf32, #tpu.memory_space<vmem>>, vector<10000x128xf32>
    %get3A_2 = arith.constant 0 : index
    %get3A_3 = arith.constant 0 : index
    %get3A_4 = vector.load %arg1[%get3A_2, %get3A_3] : memref<128x144xf32, #tpu.memory_space<vmem>>, vector<128x144xf32>
    %dot_general3A = arith.constant dense<0.000000e+00> : vector<10000x144xf32>
    %dot_general3A_5 = tpu.matmul %get3A_1, %get3A_4, %dot_general3A {dimension_numbers = #tpu.dot_dimension_numbers<[1], [0], [0], [1], [0, 0, 1, 1], [], []>, transpose_lhs_hint = false} : vector<10000x128xf32>, vector<128x144xf32>, vector<10000x144xf32> -> vector<10000x144xf32>
    %swap3A = arith.constant 0 : index
    %swap3A_6 = arith.constant 0 : index
    %swap3A_7 = vector.load %arg3[%swap3A, %swap3A_6] : memref<10000x144xf32, #tpu.memory_space<vmem>>, vector<10000x144xf32>
    tpu.vector_store %arg3[%swap3A, %swap3A_6], %dot_general3A_5 {strides = array<i32>} : memref<10000x144xf32, #tpu.memory_space<vmem>>, vector<10000x144xf32>,
    %get3A_8 = arith.constant 0 : index
    %get3A_9 = arith.constant 0 : index
    %get3A_10 = vector.load %arg2[%get3A_8, %get3A_9] : memref<128x16xf32, #tpu.memory_space<vmem>>, vector<128x16xf32>
    %dot_general3A_11 = arith.constant dense<0.000000e+00> : vector<10000x16xf32>
    %dot_general3A_12 = tpu.matmul %get3A_1, %get3A_10, %dot_general3A_11 {dimension_numbers = #tpu.dot_dimension_numbers<[1], [0], [0], [1], [0, 0, 1, 1], [], []>, transpose_lhs_hint = false} : vector<10000x128xf32>, vector<128x16xf32>, vector<10000x16xf32> -> vector<10000x16xf32>
    %swap3A_13 = arith.constant 0 : index
    %swap3A_14 = arith.constant 0 : index
    %swap3A_15 = vector.load %arg4[%swap3A_13, %swap3A_14] : memref<10000x16xf32, #tpu.memory_space<vmem>>, vector<10000x16xf32>
    tpu.vector_store %arg4[%swap3A_13, %swap3A_14], %dot_general3A_12 {strides = array<i32>} : memref<10000x16xf32, #tpu.memory_space<vmem>>, vector<10000x16xf32>,
    return
  }
}

module attributes {stable_mosaic.version = 14 : i64} {
  func.func @_tc_mid_body(%arg0: memref<2x10112x144xf32, #tpu.memory_space<vmem>>, %arg1: memref<16x128xf32, #tpu.memory_space<vmem>>, %arg2: memref<1x128xf32, #tpu.memory_space<vmem>>, %arg3: memref<128x80xf32, #tpu.memory_space<vmem>>, %arg4: memref<128x16xf32, #tpu.memory_space<vmem>>, %arg5: memref<10000x80xf32, #tpu.memory_space<vmem>>, %arg6: memref<10000x16xf32, #tpu.memory_space<vmem>>) attributes {dimension_semantics = [], scalar_prefetch = 0 : i64, scratch_operands = 0 : i64, tpu.core_type = #tpu.core_type<tc>} {
    %get3A = arith.constant 0 : index
    %get3A_0 = arith.constant 0 : index
    %get3A_1 = arith.constant 0 : index
    %get3A_2 = vector.load %arg0[%get3A, %get3A_0, %get3A_1] : memref<2x10112x144xf32, #tpu.memory_space<vmem>>, vector<1x10000x144xf32>
    %get3A_3 = vector.shape_cast %get3A_2 : vector<1x10000x144xf32> to vector<10000x144xf32>
    %get3A_4 = arith.constant 1 : index
    %get3A_5 = arith.constant 0 : index
    %get3A_6 = arith.constant 0 : index
    %get3A_7 = vector.load %arg0[%get3A_4, %get3A_5, %get3A_6] : memref<2x10112x144xf32, #tpu.memory_space<vmem>>, vector<1x10000x144xf32>
    %get3A_8 = vector.shape_cast %get3A_7 : vector<1x10000x144xf32> to vector<10000x144xf32>
    %add3A = arith.addf %get3A_3, %get3A_8 : vector<10000x144xf32>
    %slice3A = vector.extract_strided_slice %add3A {offsets = [0, 0], sizes = [10000, 128], strides = [1, 1]} : vector<10000x144xf32> to vector<10000x128xf32>
    %slice3A_9 = vector.extract_strided_slice %add3A {offsets = [0, 128], sizes = [10000, 16], strides = [1, 1]} : vector<10000x144xf32> to vector<10000x16xf32>
    %get3A_10 = arith.constant 0 : index
    %get3A_11 = arith.constant 0 : index
    %get3A_12 = vector.load %arg1[%get3A_10, %get3A_11] : memref<16x128xf32, #tpu.memory_space<vmem>>, vector<16x128xf32>
    %dot_general3A = arith.constant dense<0.000000e+00> : vector<10000x128xf32>
    %dot_general3A_13 = tpu.matmul %slice3A_9, %get3A_12, %dot_general3A {dimension_numbers = #tpu.dot_dimension_numbers<[1], [0], [0], [1], [0, 0, 1, 1], [], []>, transpose_lhs_hint = false} : vector<10000x16xf32>, vector<16x128xf32>, vector<10000x128xf32> -> vector<10000x128xf32>
    %add3A_14 = arith.constant 1.000000e-16 : f32
    %add3A_15 = vector.broadcast %add3A_14 : f32 to vector<10000x128xf32>
    %add3A_16 = arith.addf %dot_general3A_13, %add3A_15 : vector<10000x128xf32>
    %div3A = arith.divf %slice3A, %add3A_16 : vector<10000x128xf32>
    %get3A_17 = arith.constant 0 : index
    %get3A_18 = arith.constant 0 : index
    %get3A_19 = vector.load %arg2[%get3A_17, %get3A_18] : memref<1x128xf32, #tpu.memory_space<vmem>>, vector<1x128xf32>
    %add3A_20 = vector.broadcast %get3A_19 : vector<1x128xf32> to vector<10000x128xf32>
    %add3A_21 = arith.addf %div3A, %add3A_20 : vector<10000x128xf32>
    %max3A = arith.constant 0.000000e+00 : f32
    %max3A_22 = vector.broadcast %max3A : f32 to vector<10000x128xf32>
    %max3A_23 = arith.maximumf %add3A_21, %max3A_22 : vector<10000x128xf32>
    %get3A_24 = arith.constant 0 : index
    %get3A_25 = arith.constant 0 : index
    %get3A_26 = vector.load %arg3[%get3A_24, %get3A_25] : memref<128x80xf32, #tpu.memory_space<vmem>>, vector<128x80xf32>
    %dot_general3A_27 = arith.constant dense<0.000000e+00> : vector<10000x80xf32>
    %dot_general3A_28 = tpu.matmul %max3A_23, %get3A_26, %dot_general3A_27 {dimension_numbers = #tpu.dot_dimension_numbers<[1], [0], [0], [1], [0, 0, 1, 1], [], []>, transpose_lhs_hint = false} : vector<10000x128xf32>, vector<128x80xf32>, vector<10000x80xf32> -> vector<10000x80xf32>
    %swap3A = arith.constant 0 : index
    %swap3A_29 = arith.constant 0 : index
    %swap3A_30 = vector.load %arg5[%swap3A, %swap3A_29] : memref<10000x80xf32, #tpu.memory_space<vmem>>, vector<10000x80xf32>
    tpu.vector_store %arg5[%swap3A, %swap3A_29], %dot_general3A_28 {strides = array<i32>} : memref<10000x80xf32, #tpu.memory_space<vmem>>, vector<10000x80xf32>,
    %get3A_31 = arith.constant 0 : index
    %get3A_32 = arith.constant 0 : index
    %get3A_33 = vector.load %arg4[%get3A_31, %get3A_32] : memref<128x16xf32, #tpu.memory_space<vmem>>, vector<128x16xf32>
    %dot_general3A_34 = arith.constant dense<0.000000e+00> : vector<10000x16xf32>
    %dot_general3A_35 = tpu.matmul %max3A_23, %get3A_33, %dot_general3A_34 {dimension_numbers = #tpu.dot_dimension_numbers<[1], [0], [0], [1], [0, 0, 1, 1], [], []>, transpose_lhs_hint = false} : vector<10000x128xf32>, vector<128x16xf32>, vector<10000x16xf32> -> vector<10000x16xf32>
    %swap3A_36 = arith.constant 0 : index
    %swap3A_37 = arith.constant 0 : index
    %swap3A_38 = vector.load %arg6[%swap3A_36, %swap3A_37] : memref<10000x16xf32, #tpu.memory_space<vmem>>, vector<10000x16xf32>
    tpu.vector_store %arg6[%swap3A_36, %swap3A_37], %dot_general3A_35 {strides = array<i32>} : memref<10000x16xf32, #tpu.memory_space<vmem>>, vector<10000x16xf32>,
    return
  }
}

module attributes {stable_mosaic.version = 14 : i64} {
  func.func @_tc_mid_body(%arg0: memref<2x10112x80xf32, #tpu.memory_space<vmem>>, %arg1: memref<16x64xf32, #tpu.memory_space<vmem>>, %arg2: memref<1x64xf32, #tpu.memory_space<vmem>>, %arg3: memref<64x32xf32, #tpu.memory_space<vmem>>, %arg4: memref<64x16xf32, #tpu.memory_space<vmem>>, %arg5: memref<10000x32xf32, #tpu.memory_space<vmem>>, %arg6: memref<10000x16xf32, #tpu.memory_space<vmem>>) attributes {dimension_semantics = [], scalar_prefetch = 0 : i64, scratch_operands = 0 : i64, tpu.core_type = #tpu.core_type<tc>} {
    %get3A = arith.constant 0 : index
    %get3A_0 = arith.constant 0 : index
    %get3A_1 = arith.constant 0 : index
    %get3A_2 = vector.load %arg0[%get3A, %get3A_0, %get3A_1] : memref<2x10112x80xf32, #tpu.memory_space<vmem>>, vector<1x10000x80xf32>
    %get3A_3 = vector.shape_cast %get3A_2 : vector<1x10000x80xf32> to vector<10000x80xf32>
    %get3A_4 = arith.constant 1 : index
    %get3A_5 = arith.constant 0 : index
    %get3A_6 = arith.constant 0 : index
    %get3A_7 = vector.load %arg0[%get3A_4, %get3A_5, %get3A_6] : memref<2x10112x80xf32, #tpu.memory_space<vmem>>, vector<1x10000x80xf32>
    %get3A_8 = vector.shape_cast %get3A_7 : vector<1x10000x80xf32> to vector<10000x80xf32>
    %add3A = arith.addf %get3A_3, %get3A_8 : vector<10000x80xf32>
    %slice3A = vector.extract_strided_slice %add3A {offsets = [0, 0], sizes = [10000, 64], strides = [1, 1]} : vector<10000x80xf32> to vector<10000x64xf32>
    %slice3A_9 = vector.extract_strided_slice %add3A {offsets = [0, 64], sizes = [10000, 16], strides = [1, 1]} : vector<10000x80xf32> to vector<10000x16xf32>
    %get3A_10 = arith.constant 0 : index
    %get3A_11 = arith.constant 0 : index
    %get3A_12 = vector.load %arg1[%get3A_10, %get3A_11] : memref<16x64xf32, #tpu.memory_space<vmem>>, vector<16x64xf32>
    %dot_general3A = arith.constant dense<0.000000e+00> : vector<10000x64xf32>
    %dot_general3A_13 = tpu.matmul %slice3A_9, %get3A_12, %dot_general3A {dimension_numbers = #tpu.dot_dimension_numbers<[1], [0], [0], [1], [0, 0, 1, 1], [], []>, transpose_lhs_hint = false} : vector<10000x16xf32>, vector<16x64xf32>, vector<10000x64xf32> -> vector<10000x64xf32>
    %add3A_14 = arith.constant 1.000000e-16 : f32
    %add3A_15 = vector.broadcast %add3A_14 : f32 to vector<10000x64xf32>
    %add3A_16 = arith.addf %dot_general3A_13, %add3A_15 : vector<10000x64xf32>
    %div3A = arith.divf %slice3A, %add3A_16 : vector<10000x64xf32>
    %get3A_17 = arith.constant 0 : index
    %get3A_18 = arith.constant 0 : index
    %get3A_19 = vector.load %arg2[%get3A_17, %get3A_18] : memref<1x64xf32, #tpu.memory_space<vmem>>, vector<1x64xf32>
    %add3A_20 = vector.broadcast %get3A_19 : vector<1x64xf32> to vector<10000x64xf32>
    %add3A_21 = arith.addf %div3A, %add3A_20 : vector<10000x64xf32>
    %max3A = arith.constant 0.000000e+00 : f32
    %max3A_22 = vector.broadcast %max3A : f32 to vector<10000x64xf32>
    %max3A_23 = arith.maximumf %add3A_21, %max3A_22 : vector<10000x64xf32>
    %get3A_24 = arith.constant 0 : index
    %get3A_25 = arith.constant 0 : index
    %get3A_26 = vector.load %arg3[%get3A_24, %get3A_25] : memref<64x32xf32, #tpu.memory_space<vmem>>, vector<64x32xf32>
    %dot_general3A_27 = arith.constant dense<0.000000e+00> : vector<10000x32xf32>
    %dot_general3A_28 = tpu.matmul %max3A_23, %get3A_26, %dot_general3A_27 {dimension_numbers = #tpu.dot_dimension_numbers<[1], [0], [0], [1], [0, 0, 1, 1], [], []>, transpose_lhs_hint = false} : vector<10000x64xf32>, vector<64x32xf32>, vector<10000x32xf32> -> vector<10000x32xf32>
    %swap3A = arith.constant 0 : index
    %swap3A_29 = arith.constant 0 : index
    %swap3A_30 = vector.load %arg5[%swap3A, %swap3A_29] : memref<10000x32xf32, #tpu.memory_space<vmem>>, vector<10000x32xf32>
    tpu.vector_store %arg5[%swap3A, %swap3A_29], %dot_general3A_28 {strides = array<i32>} : memref<10000x32xf32, #tpu.memory_space<vmem>>, vector<10000x32xf32>,
    %get3A_31 = arith.constant 0 : index
    %get3A_32 = arith.constant 0 : index
    %get3A_33 = vector.load %arg4[%get3A_31, %get3A_32] : memref<64x16xf32, #tpu.memory_space<vmem>>, vector<64x16xf32>
    %dot_general3A_34 = arith.constant dense<0.000000e+00> : vector<10000x16xf32>
    %dot_general3A_35 = tpu.matmul %max3A_23, %get3A_33, %dot_general3A_34 {dimension_numbers = #tpu.dot_dimension_numbers<[1], [0], [0], [1], [0, 0, 1, 1], [], []>, transpose_lhs_hint = false} : vector<10000x64xf32>, vector<64x16xf32>, vector<10000x16xf32> -> vector<10000x16xf32>
    %swap3A_36 = arith.constant 0 : index
    %swap3A_37 = arith.constant 0 : index
    %swap3A_38 = vector.load %arg6[%swap3A_36, %swap3A_37] : memref<10000x16xf32, #tpu.memory_space<vmem>>, vector<10000x16xf32>
    tpu.vector_store %arg6[%swap3A_36, %swap3A_37], %dot_general3A_35 {strides = array<i32>} : memref<10000x16xf32, #tpu.memory_space<vmem>>, vector<10000x16xf32>,
    return
  }
}

module attributes {stable_mosaic.version = 14 : i64} {
  func.func @_tc_out_body(%arg0: memref<2x10112x32xf32, #tpu.memory_space<vmem>>, %arg1: memref<1x1xf32, #tpu.memory_space<vmem>>, %arg2: memref<10000x1xf32, #tpu.memory_space<vmem>>) attributes {dimension_semantics = [], scalar_prefetch = 0 : i64, scratch_operands = 0 : i64, tpu.core_type = #tpu.core_type<tc>} {
    %get3A = arith.constant 0 : index
    %get3A_0 = arith.constant 0 : index
    %get3A_1 = arith.constant 0 : index
    %get3A_2 = vector.load %arg0[%get3A, %get3A_0, %get3A_1] : memref<2x10112x32xf32, #tpu.memory_space<vmem>>, vector<1x10000x32xf32>
    %get3A_3 = vector.shape_cast %get3A_2 : vector<1x10000x32xf32> to vector<10000x32xf32>
    %get3A_4 = arith.constant 1 : index
    %get3A_5 = arith.constant 0 : index
    %get3A_6 = arith.constant 0 : index
    %get3A_7 = vector.load %arg0[%get3A_4, %get3A_5, %get3A_6] : memref<2x10112x32xf32, #tpu.memory_space<vmem>>, vector<1x10000x32xf32>
    %get3A_8 = vector.shape_cast %get3A_7 : vector<1x10000x32xf32> to vector<10000x32xf32>
    %add3A = arith.addf %get3A_3, %get3A_8 : vector<10000x32xf32>
    %slice3A = vector.extract_strided_slice %add3A {offsets = [0, 0], sizes = [10000, 1], strides = [1, 1]} : vector<10000x32xf32> to vector<10000x1xf32>
    %slice3A_9 = vector.extract_strided_slice %add3A {offsets = [0, 16], sizes = [10000, 1], strides = [1, 1]} : vector<10000x32xf32> to vector<10000x1xf32>
    %add3A_10 = arith.constant 1.000000e-16 : f32
    %add3A_11 = vector.broadcast %add3A_10 : f32 to vector<10000x1xf32>
    %add3A_12 = arith.addf %slice3A_9, %add3A_11 : vector<10000x1xf32>
    %div3A = arith.divf %slice3A, %add3A_12 : vector<10000x1xf32>
    %get3A_13 = arith.constant 0 : index
    %get3A_14 = arith.constant 0 : index
    %get3A_15 = vector.load %arg1[%get3A_13, %get3A_14] : memref<1x1xf32, #tpu.memory_space<vmem>>, vector<1x1xf32>
    %add3A_16 = vector.broadcast %get3A_15 : vector<1x1xf32> to vector<10000x1xf32>
    %add3A_17 = arith.addf %div3A, %add3A_16 : vector<10000x1xf32>
    %swap3A = arith.constant 0 : index
    %swap3A_18 = arith.constant 0 : index
    %swap3A_19 = vector.load %arg2[%swap3A, %swap3A_18] : memref<10000x1xf32, #tpu.memory_space<vmem>>, vector<10000x1xf32>
    tpu.vector_store %arg2[%swap3A, %swap3A_18], %add3A_17 {strides = array<i32>} : memref<10000x1xf32, #tpu.memory_space<vmem>>, vector<10000x1xf32>,
    return
  }
}

</mosaic_0001>

<sc_bundles>
// kernel: kernel.12.cloned.1.call-start
scs
__scs_entry_jumppad:
0x0: {  	(pc) =	sbr.rel $0x88, $3  }
0x1: {  	(tag) =	ssettag $0x0;
	lr =	simm.s32 $0x1  }
0x2: {  	[smem:$0x3F93] =	sst lr;
	_ =	strace $0xD0000000  }
0x3: {  	_ = 	snop  }
0x4: {  	_ = 	snop  }
0x5: {  	_ = 	snop  }
0x6: {  	_ = 	snop  }
0x7: {  	_ = 	snop  }
__scs_overlays_trampoline_lowered:
0x8: {  	[smem:$0x3FA2] =	sst s0  }
0x9: {  	[smem:$0x3FA3] =	sst s1  }
0xa: {  	[smem:$0x3FA4] =	sst s2  }
0xb: {  	[smem:$0x3FA5] =	sst s3  }
0xc: {  	[smem:$0x3FA6] =	sst s4  }
0xd: {  	[smem:$0x3FA7] =	sst s5  }
0xe: {  	[smem:$0x3FA8] =	sst s6  }
0xf: {  	[smem:$0x3FA9] =	sst s7  }
0x10: {  	[smem:$0x3FAA] =	sst s8  }
0x11: {  	[smem:$0x3FAB] =	sst s9;
	s0 =	simm.s32 @!p0 $0x0  }
0x12: {  	s1 =	sld [smem:$0x3F91];
	s0 =	simm.s32 @p0 $0x1  }
0x13: {  	[smem:$0x3FAC] =	sst s0;
	s0 =	simm.s32 @!p1 $0x0  }
0x14: {  	s2 =	sld [smem:$0x3F90];
	s0 =	simm.s32 @p1 $0x1  }
0x15: {  	[smem:$0x3FAD] =	sst s0;
	s0 =	simm.s32 @!p2 $0x0  }
0x16: {  	s3 =	sld [smem:$0x3FDB];
	s0 =	simm.s32 @p2 $0x1  }
0x17: {  	s4 =	simm.s32 $0x1BF5;
	[smem:$0x3FAF] =	sst s0  }
0x18: {  	s0 =	sld [smem:$0x3F92];
	_ =	swait.ge [sflag:s4], $0x0  }
0x19: {  	s7 =	sld [smem:$0x3F93]  }
0x1a: {  	s8 =	sadd.s32 $0xFFFFE003, lr  }
0x1b: {  	s9 =	sadd.s32 $0xFFFFFEF7, lr;
	s5 =	simm.s32 $0xFFFFFFFF;
	p2 =	slt.u32 s8, $0xFFFFF086  }
0x1c: {  	p1 =	slt.u32 s9, $0xF7A;
	s5 =	simm.s32 @!p2 $0x0  }
0x1d: {  	s5 =	simm.s32 @p1 $0x1;
	p0 =	seq.s32 s7, s2  }
0x1e: {  	s7 =	smul.u32 @!p0 $0xF7A, s2;
	p2 =	seq.s32 @!p0 s5, $0x0  }
0x1f: {  	s9 =	smul.u32 $0xF7A, s1;
	s8 =	simm.s32 @!p0 $0x1BF5;
	p2 =	por !p2, p0  }
0x20: {  	[sflag:s8] =	ssyncset.s32 @!p0 $0xFFFFF086;
	s6 =	sadd.s32 @!p0 s3, s7;
	s7 =	simm.s32 @!p0 $0x108  }
0x21: {  	s3 =	sadd.s32 s3, s9;
	s6 =	sadd.s32 @!p0 $0x88, s6;
	s7 =	simm.s32 @p2 $0x1082  }
0x22: {  	[simem:s7], [sflag:s8] =	dma.local @!p0 [hbm:s6], $0xF7A  }
0x23: {  	s9 =	sor.u32 $0xD0000000, s2;
	s6 =	simm.s32 $0x108;
	_ =	swait.ge @!p0 [sflag:s8], $0x0  }
0x24: {  	s3 =	sadd.s32 $0x88, s3;
	s6 =	simm.s32 @!p1 $0x1082;
	[sflag:s4] =	ssyncset.s32 $0xFFFFF086  }
0x25: {  	[simem:s6], [sflag:s4] =	dma.local [hbm:s3], $0xF7A  }
0x26: {  	[smem:$0x3F93] =	sst s1;
	(tag) =	ssettag s2;
	_ =	strace s9  }
0x27: {  	s1 =	sld [smem:$0x3FA3]  }
0x28: {  	s2 =	sld [smem:$0x3FA4]  }
0x29: {  	s4 =	sld [smem:$0x3FA6]  }
0x2a: {  	p0 =	seq.s32 s5, $0x0;
	s5 =	sld [smem:$0x3FA7]  }
0x2b: {  	s6 =	sld [smem:$0x3FA8]  }
0x2c: {  	s7 =	sld [smem:$0x3FA9]  }
0x2d: {  	s3 =	simm.s32 $0x108;
	s8 =	sld [smem:$0x3FAA]  }
0x2e: {  	s3 =	simm.s32 @!p0 $0x1082;
	s9 =	sld [smem:$0x3FAB]  }
0x2f: {  	lr =	sadd.s32 s0, s3;
	s0 =	sld [smem:$0x3FA2]  }
0x30: {  	s3 =	sld [smem:$0x3FA5]  }
0x31: {  	[smem:$0x3FAE] =	sst s10  }
0x32: {  	s10 =	sld [smem:$0x3FAC];
	_ =	sdelay $0x3  }
0x33: {  	p0 =	seq.s32 s10, $0x1;
	s10 =	sld [smem:$0x3FAE];
	_ =	sdelay $0x3  }
0x34: {  	[smem:$0x3FAE] =	sst s10  }
0x35: {  	s10 =	sld [smem:$0x3FAD];
	_ =	sdelay $0x3  }
0x36: {  	p1 =	seq.s32 s10, $0x1;
	s10 =	sld [smem:$0x3FAE];
	_ =	sdelay $0x3  }
0x37: {  	[smem:$0x3FAE] =	sst s10  }
0x38: {  	s10 =	sld [smem:$0x3FAF]  }
0x39: {  	_ = 	snop;
	(pc) =	sbr.ind lr, $3  }
0x3a: {  	_ = 	snop  }
0x3b: {  	_ = 	snop  }
0x3c: {  	p2 =	seq.s32 s10, $0x1;
	s10 =	sld [smem:$0x3FAE]  }
0x3d: {  	_ =	shalt  }
0x3e: {  	_ =	shalt  }
0x3f: {  	_ =	shalt  }
0x40: {  	_ =	shalt  }
0x41: {  	_ =	shalt  }
0x42: {  	_ =	shalt  }
0x43: {  	_ =	shalt  }
0x44: {  	_ =	shalt  }
0x45: {  	_ =	shalt  }
0x46: {  	_ =	shalt  }
0x47: {  	_ =	shalt  }
0x48: {  	_ =	shalt  }
0x49: {  	_ =	shalt  }
0x4a: {  	_ =	shalt  }
0x4b: {  	_ =	shalt  }
0x4c: {  	_ =	shalt  }
0x4d: {  	_ =	shalt  }
0x4e: {  	_ =	shalt  }
0x4f: {  	_ =	shalt  }
0x50: {  	_ =	shalt  }
0x51: {  	_ =	shalt  }
0x52: {  	_ =	shalt  }
0x53: {  	_ =	shalt  }
0x54: {  	_ =	shalt  }
0x55: {  	_ =	shalt  }
0x56: {  	_ =	shalt  }
0x57: {  	_ =	shalt  }
0x58: {  	_ =	shalt  }
0x59: {  	_ =	shalt  }
0x5a: {  	_ =	shalt  }
0x5b: {  	_ =	shalt  }
0x5c: {  	_ =	shalt  }
0x5d: {  	_ =	shalt  }
0x5e: {  	_ =	shalt  }
0x5f: {  	_ =	shalt  }
0x60: {  	_ =	shalt  }
0x61: {  	_ =	shalt  }
0x62: {  	_ =	shalt  }
0x63: {  	_ =	shalt  }
0x64: {  	_ =	shalt  }
0x65: {  	_ =	shalt  }
0x66: {  	_ =	shalt  }
0x67: {  	_ =	shalt  }
0x68: {  	_ =	shalt  }
0x69: {  	_ =	shalt  }
0x6a: {  	_ =	shalt  }
0x6b: {  	_ =	shalt  }
0x6c: {  	_ =	shalt  }
0x6d: {  	_ =	shalt  }
0x6e: {  	_ =	shalt  }
0x6f: {  	_ =	shalt  }
0x70: {  	_ =	shalt  }
0x71: {  	_ =	shalt  }
0x72: {  	_ =	shalt  }
0x73: {  	_ =	shalt  }
0x74: {  	_ =	shalt  }
0x75: {  	_ =	shalt  }
0x76: {  	_ =	shalt  }
0x77: {  	_ =	shalt  }
0x78: {  	_ =	shalt  }
0x79: {  	_ =	shalt  }
0x7a: {  	_ =	shalt  }
0x7b: {  	_ =	shalt  }
0x7c: {  	_ =	shalt  }
0x7d: {  	_ =	shalt  }
0x7e: {  	_ =	shalt  }
0x7f: {  	_ =	shalt  }
0x80: {  	_ =	shalt  }
0x81: {  	_ =	shalt  }
0x82: {  	_ =	shalt  }
0x83: {  	_ =	shalt  }
0x84: {  	_ =	shalt  }
0x85: {  	_ =	shalt  }
0x86: {  	_ =	shalt  }
0x87: {  	_ =	shalt  }
.Lfunc_end0:
.L_simem_size_0:
called_computation.1_lowered:
.L_overlay_start_0:
0x88: {  	s2 =	sld [smem:$0x3FD9]  }
0x89: {  	s3 =	sld [smem:$0x3FFE];
	_ =	sdelay $0x1  }
0x8a: {  	s1 =	srdreg.scid  }
0x8b: {  	s0 =	sand.u32 $0x1, s1  }
0x8c: {  	s16 =	sshll.u32 s0, $0xA;
	s2 =	sadd.s32 s3, s2  }
0x8d: {  	s2 =	sadd.s32 s2, s16  }
0x8e: {  	[smem:$0x3FBA] =	sst s2  }
0x8f: {  	_ = 	snop  }
0x90: {  	(tm) =	ssettm $0x1  }
0x91: {  	s17 =	sld [smem:$0x3FFB];
	_ =	sdelay $0x3  }
0x92: {  	_ =	strace s17  }
0x93: {  	s2 =	sld [smem:$0x3FFC];
	_ =	sdelay $0x3  }
0x94: {  	_ =	strace s2  }
0x95: {  	s2 =	sld [smem:$0x3FFD];
	_ =	sdelay $0x3  }
0x96: {  	_ =	strace s2  }
0x97: {  	_ =	strace $0x8FFFFFFF  }
0x98: {  	s18 =	sld [smem:$0x3FDB];
	_ =	sdelay $0x1  }
0x99: {  	s19 =	simm.s32 $_scs_section_size  }
0x9a: {  	s4 =	simm.s32 $_size__tile_overlayer_lowered;
	s5 =	simm.s32 $_tile_overlayer_lowered  }
0x9b: {  	s22 =	simm.s32 $0x1BFF;
	s21 =	sshll.u32 s5, $0x1;
	s2 =	sadd.s32 s19, s18  }
0x9c: {  	s6 =	simm.s32 $0x0;
	s20 =	sshll.u32 s4, $0x1;
	s4 =	sadd.s32 s21, s2  }
0x9d: {  	[timem:s6], [sflag:s22] =	dma.local [hbm:s4], s20  }
0x9e: {  	_ =	swait.ge [sflag:s22], s20  }
0x9f: {  	s3 =	ssub.s32 $0x0, s20;
	[sflag:s22] =	ssyncset.done $0x0  }
0xa0: {  	[sflag:s22] =	ssyncadd.s32 s3;
	_ =	sdelay $0x1  }
0xa1: {  	s23 =	simm.s32 $0x1B8B  }
0xa2: {  	_ =	swait.ge [sflag:s23], $0x1  }
0xa3: {  	[sflag:s23] =	ssyncset.done $0x0  }
0xa4: {  	s25 =	simm.s32 $0x1B8E;
	s24 =	sld [smem:$0x3FFE];
	[sflag:s23] =	ssyncadd.s32 $0xFFFFFFFF  }
0xa5: {  	s26 =	simm.s32 $execute0_lowered;
	[smem:$0x3FD2] =	sst s25  }
0xa6: {  	s4 =	sshll.u32 s26, $0x1;
	_ =	strace $0x80000049;
	[dreg:$0x1] =	wrdreg $0xFFFFFFFF  }
0xa7: {  	s28 =	simm.s32 $_size_execute0_lowered;
	s2 =	sadd.s32 s2, s4;
	[dreg:$0x0] =	wrdreg $0x0  }
0xa8: {  	s4 =	sshll.u32 s28, $0x1;
	[dreg:$0x2] =	wrdreg s2  }
0xa9: {  	[dreg:$0x3] =	wrdreg s4  }
0xaa: {  	[dreg:$0x4] =	wrdreg $0xC0  }
0xab: {  	_ =	task [dreg:s6], $0x5FFFF  }
0xac: {  	[dreg:$0x1] =	wrdreg $0xFFFFFFFF  }
0xad: {  	[dreg:$0x0] =	wrdreg $0x60  }
0xae: {  	[dreg:$0x2] =	wrdreg s24  }
0xaf: {  	[dreg:$0x3] =	wrdreg $0xDAC00  }
0xb0: {  	[dreg:$0x4] =	wrdreg $0x9  }
0xb1: {  	_ =	task.clear_ibuf [dreg:s6], $0x5FFFF;
	_ =	strace $0x90000049  }
0xb2: {  	s29 =	simm.s32 $0x9;
	_ =	strace $0x8000004B  }
0xb3: {  	_ =	swait.ge [sflag:s29], $0x1  }
0xb4: {  	[sflag:s29] =	ssyncadd.s32 $0xFFFFFFFF  }
0xb5: {  	_ =	strace $0x9000004B  }
0xb6: {  	_ =	sfence  }
0xb7: {  	s30 =	sld [smem:$0x0];
	_ =	sdelay $0x2  }
0xb8: {  	s31 =	sshll.u32 s1, $0xD;
	s1 =	sshrl.u32 s1, $0x2  }
0xb9: {  	s3 =	sand.u32 $0x4000, s31;
	s1 =	sadd.s32 s1, s30  }
0xba: {  	s0 =	sor.u32 s3, s0;
	s1 =	sshll.u32 s1, $0x11  }
0xbb: {  	s0 =	sor.u32 s1, s0  }
0xbc: {  	s0 =	sadd.s32 $0x8F2B, s0  }
0xbd: {  	[sflag:s0] =	ssyncadd.remote.s32 $0x1  }
0xbe: {  	_ =	sfence.sel $0xFFFF  }
0xbf: {  	[dreg:$0x0] =	wrdreg $0xFFFFFFFF;
	(pc) =	sbr.abs _section_cstart, $3  }
0xc0: {  	[dreg:$0x1] =	wrdreg $0xFFFFFFFF  }
0xc1: {  	_ =	task.clear_ibuf [dreg:s6], $0x2FFFF;
	_ =	strace $0x9FFFFFFF  }
0xc2: {  	(tm) =	ssettm $0x7FFFFFFF  }
0xc3: {  	_ =	shalt  }
tec
execute0_lowered:
.L_overlay_start_1:
0x0: {  	(tag) =	ssettag $0x1  }
0x1: {  	s0 =	srdreg.scid  }
0x2: {  	s9 =	stileid.u32;
	s6 =	rddreg [dreg:$0x0]  }
0x3: {  	s2 =	rddreg [dreg:$0x1];
	s3 =	simm.s32 $0x0;
	s13 =	simm.s32 $0x7  }
0x4: {  	s15 =	simm.s32 $0x64;
	s18 =	simm.s32 $0x1;
	s19 =	simm.s32 $0x3  }
0x5: {  	s20 =	simm.s32 $0x7080;
	s21 =	simm.s32 $0x9600;
	s22 =	simm.s32 $0x9C40  }
0x6: {  	s23 =	simm.s32 $0x2;
	s24 =	simm.s32 $0x4;
	s28 =	simm.s32 $0x6  }
0x7: {  	s29 =	simm.s32 $0x0;
	s0 =	sand.u32 $0x1, s0;
	s1 =	sshll.u32 s9, $0x1  }
0x8: {  	s7 =	smul.u32 $0xC580, s9;
	[smem:$0x7FF] =	sst s3;
	s4 =	sadd.s32 $0xC00, s6  }
0x9: {  	s5 =	sadd.s32 $0x19400, s6;
	s10 =	sadd.s32 $0x1E400, s6;
	s9 =	sshll.u32 s9, $0x6  }
0xa: {  	s1 =	sor.u32 s0, s1;
	s8 =	smul.u32 $0xC5800, s0;
	_ =	strace $0x8000004A  }
0xb: {  	[dreg:$0x3] =	wrdreg s10;
	s0 =	ssub.s32 $0x2, s0;
	s1 =	smul.u32 $0x514, s1  }
0xc: {  	s25 =	sshrl.u32 s0, $0x1;
	s26 =	sadd.s32 s7, s2;
	s8 =	sadd.s32 s7, s8  }
0xd: {  	s0 =	ssub.s32 s0, s25;
	s7 =	sor.u32 $0x1C07, s9;
	s1 =	sadd.s32 s1, s6  }
0xe: {  	s12 =	sshrl.u32 s26, $0x3;
	s8 =	sshrl.u32 s8, $0x3;
	s30 =	sadd.s32 $0xAB800, s1  }
0xf: {  	v0 =	vlaneseq.u32;
	s6 =	sadd.s32 s8, s6;
	s1 =	sadd.s32 $0xA1400, s1;
	[dreg:$0x4] =	wrdreg s30  }
0x10: {  	v0 =	vshrl.u32 v0, $0x3;
	s25 =	simm.s32 $0xBB80;
	[dreg:$0x5] =	wrdreg s1;
	s31 =	sadd.s32 $0x45800, s6  }
0x11: {  	v1 =	vor.u32 $0x2, v0;
	v2 =	vor.u32 $0x4, v0;
	v3 =	vor.u32 $0x6, v0;
	s26 =	simm.s32 $0x5;
	s11 =	smax.u32 s0, $0x1;
	[dreg:$0x6] =	wrdreg s31  }
.LBB2_1:
0x12: {  	s0 =	rddreg [dreg:$0x3]  }
0x13: {  	[spmem:s12], [sflag:s7] =	dma.local [hbm:s0], $0x18B0  }
0x14: {  	_ =	swait.ge [sflag:s13], $0x18B0  }
0x15: {  	[sflag:s13] =	ssyncset.done $0x0  }
0x16: {  	s14 =	rddreg [dreg:$0x4];
	[sflag:s13] =	ssyncadd.s32 $0xFFFFE750  }
0x17: {  	[tilespmem:s3], [sflag:$0x7] =	stream.linear.gather [hbm4b:s14+s3], $0x28A0, $0x38;
	[tilespmem:$0x1A040] =	vst v63  }
0x18: {  	_ =	swait.ge [sflag:s13], $0x28A0  }
0x19: {  	[sflag:s13] =	ssyncset.done $0x0  }
0x1a: {  	s1 =	simm.s32 $0x28A0;
	s16 =	rddreg [dreg:$0x5];
	[sflag:s13] =	ssyncadd.s32 $0xFFFFD760  }
0x1b: {  	[tilespmem:s1], [sflag:$0x7] =	stream.linear.gather [hbm4b:s16+s3], $0x28A0, $0x38;
	[tilespmem:$0x1A040] =	vst v63  }
0x1c: {  	_ =	swait.ge [sflag:s13], $0x28A0  }
0x1d: {  	[sflag:s13] =	ssyncset.done $0x0  }
0x1e: {  	[sflag:s13] =	ssyncadd.s32 $0xFFFFD760  }
0x1f: {  	s17 =	simm.s32 $0x5140;
	[bflag:$0x0] =	sbarrier.arrive $0xFFFF  }
0x20: {  	[tilespmem:s17], [sflag:$0x1] =	stream.indirect.gather [hbm4b:s4+s15], $0x50, s3, s15, $0xb8;
	[tilespmem:$0x1A040] =	vst v63  }
0x21: {  	s31 =	simm.s32 $0x8FC0;
	s30 =	simm.s32 $0x0  }
0x22: {  	[tilespmem:s31], [sflag:$0x3] =	stream.indirect.gather [hbm4b:s5+s15], $0x10, s1, s15, $0xb8;
	[tilespmem:$0x1A040] =	vst v63  }
.LBB2_2:
0x23: {  	_ =	swait.ge [sflag:s18], $0x1F40  }
0x24: {  	[sflag:s18] =	ssyncset.done $0x0  }
0x25: {  	[sflag:s18] =	ssyncadd.s32 $0xFFFFE0C0  }
0x26: {  	s1 =	smul.u32 $0xD0, s30;
	_ =	swait.ge [sflag:s19], $0x640  }
0x27: {  	[sflag:s19] =	ssyncset.done $0x0  }
0x28: {  	p0 =	seq.s32 s30, $0x0;
	s0 =	sadd.s32 $0x68, s1;
	[sflag:s19] =	ssyncadd.s32 $0xFFFFF9C0  }
0x29: {  	[tilespmem:s20], [sflag:$0x2] =	stream.indirect.gather [hbm4b:s4+s15], $0x50, s0, s15, $0xb8;
	[tilespmem:$0x1A040] =	vst v63  }
0x2a: {  	s31 =	sadd.s32 $0x2908, s1;
	s0 =	simm.s32 @!p0 $0x5  }
0x2b: {  	[tilespmem:s21], [sflag:$0x4] =	stream.indirect.gather [hbm4b:s5+s15], $0x10, s31, s15, $0xb8;
	[tilespmem:$0x1A040] =	vst v63  }
0x2c: {  	_ =	swait.ge @!p0 [sflag:s0], $0x1F40  }
0x2d: {  	[sflag:s0] =	ssyncset.done @!p0 $0x0  }
0x2e: {  	s9 =	simm.s32 $0x5280;
	[sflag:s0] =	ssyncadd.s32 @!p0 $0xFFFFE0C0  }
0x2f: {  	s17 =	simm.s32 $0x9000;
	v4 =	vld [tilespmem:s9+$0x130]  }
0x30: {  	v5 =	vld [tilespmem:s17+$0x30]  }
0x31: {  	v6 =	vld [tilespmem:s17+$0xFFFFFFC0]  }
0x32: {  	v7 =	vld [tilespmem:s9+$0xFFFFFF50]  }
0x33: {  	v8 =	vld [tilespmem:s17+$0xFFFFFFD0]  }
0x34: {  	v9 =	vld [tilespmem:s9+$0xFFFFFFA0]  }
0x35: {  	v10 =	vld [tilespmem:s17+$0xFFFFFFE0]  }
0x36: {  	v11 =	vld [tilespmem:s17+$0xFFFFFFF0];
	v4 =	vadd.f32 v5, v4  }
0x37: {  	v13 =	vld [tilespmem:s9+$0x40]  }
0x38: {  	v14 =	vld [tilespmem:s17+$0x0];
	v12 =	vmul.f32 $2.000000030e-01, v4  }
0x39: {  	v5 =	vld [tilespmem:s9+$0xFFFFFFF0];
	v7 =	vadd.f32 v8, v7;
	vm0 =	vge.f32 v4, $0.0e+00  }
0x3a: {  	v8 =	vld [tilespmem:s9+$0x90];
	v4 =	vsel vm0, v4, v12  }
0x3b: {  	v9 =	vadd.f32 v10, v9;
	v10 =	vld [tilespmem:s9+$0xE0];
	v15 =	vmul.f32 $2.000000030e-01, v7;
	v4 =	vmul.f32 $1.442695020e+00, v4  }
0x3c: {  	vm6 =	vge.f32 v7, $0.0e+00;
	v12 =	vld [tilespmem:s17+$0x10]  }
0x3d: {  	v7 =	vsel vm6, v7, v15;
	v15 =	vld [tilespmem:s9+$0xFFFFFF00];
	(erf) = vpow2.f32 v4  }
0x3e: {  	v13 =	vadd.f32 v14, v13;
	v7 =	vmul.f32 $1.442695020e+00, v7;
	v4 =	vadd.f32 v11, v5;
	v5 =	vld [tilespmem:s17+$0x20]  }
0x3f: {  	vm7 =	vge.f32 v9, $0.0e+00;
	v11 =	vmul.f32 $2.000000030e-01, v9  }
0x40: {  	vm8 =	vge.f32 v13, $0.0e+00;
	(erf) = vpow2.f32 v7;
	vm1 =	vge.f32 v4, $0.0e+00  }
0x41: {  	v16 =	vmul.f32 $2.000000030e-01, v4;
	v9 =	vsel vm7, v9, v11;
	v8 =	vadd.f32 v12, v8  }
0x42: {  	v11 =	vmul.f32 $2.000000030e-01, v13;
	v6 =	vadd.f32 v6, v15;
	v9 =	vmul.f32 $1.442695020e+00, v9  }
0x43: {  	v4 =	vsel vm1, v4, v16;
	v7 =	vmul.f32 $2.000000030e-01, v8;
	v5 =	vadd.f32 v5, v10  }
0x44: {  	vm9 =	vge.f32 v8, $0.0e+00;
	vm11 =	vge.f32 v6, $0.0e+00;
	v4 =	vmul.f32 $1.442695020e+00, v4  }
0x45: {  	v10 =	vsel vm8, v13, v11;
	v7 =	vsel vm9, v8, v7;
	v8 =	vmul.f32 $2.000000030e-01, v5  }
0x46: {  	s16 =	simm.s32 $0x5500;
	s0 =	simm.s32 $0x9D80;
	v11 =	vmul.f32 $2.000000030e-01, v6;
	vm10 =	vge.f32 v5, $0.0e+00;
	v15 =	vpop (erf);
	(erf) = vpow2.f32 v9  }
0x47: {  	v23 =	vld [tilespmem:s16+$0x130];
	v10 =	vmul.f32 $1.442695020e+00, v10;
	[tilespmem:s0+$0x130] =	vst v15;
	(erf) = vpow2.f32 v4;
	v4 =	vsel vm10, v5, v8  }
0x48: {  	s6 =	simm.s32 $0x9080;
	v7 =	vmul.f32 $1.442695020e+00, v7;
	v6 =	vsel vm11, v6, v11;
	v9 =	vld [tilespmem:s9+$0xF0];
	v4 =	vmul.f32 $1.442695020e+00, v4  }
0x49: {  	v26 =	vld [tilespmem:s6+$0x30];
	v5 =	vmul.f32 $1.442695020e+00, v6;
	(erf) = vpow2.f32 v10  }
0x4a: {  	(erf) = vpow2.f32 v7  }
0x4b: {  	v6 =	vperm.xlane v15, v0;
	(erf) = vpow2.f32 v5  }
0x4c: {  	(erf) = vpow2.f32 v4;
	v4 =	vpop (erf)  }
0x4d: {  	v29 =	vld [tilespmem:s6+$0xFFFFFFC0];
	v5 =	vmul.f32 v9, v6;
	[tilespmem:s0+$0xFFFFFF50] =	vst v4  }
0x4e: {  	v23 =	vadd.f32 v26, v23;
	v10 =	vld [tilespmem:s9+$0xFFFFFF10]  }
0x4f: {  	v32 =	vld [tilespmem:s16+$0xFFFFFF50]  }
0x50: {  	v35 =	vld [tilespmem:s6+$0xFFFFFFD0];
	v40 =	vmul.f32 $2.000000030e-01, v23;
	v12 =	vperm.xlane v15, v1;
	[tilespmem:s0+$0xF0] =	vst v5  }
0x51: {  	v34 =	vperm.xlane v15, v2;
	v14 =	vperm.xlane v4, v0;
	v8 =	vld [tilespmem:s9+$0x100];
	v5 =	vpop (erf)  }
0x52: {  	v38 =	vld [tilespmem:s6+$0xFFFFFFE0];
	[tilespmem:s0+$0xFFFFFFA0] =	vst v5;
	v6 =	vpop (erf);
	v18 =	vperm.xlane v5, v0;
	v36 =	vperm.xlane v5, v2  }
0x53: {  	v11 =	vld [tilespmem:s9+$0xFFFFFF60];
	[tilespmem:s0+$0xFFFFFFF0] =	vst v6;
	v7 =	vpop (erf);
	v10 =	vmul.f32 v10, v14;
	v14 =	vperm.xlane v6, v0  }
0x54: {  	v24 =	vperm.xlane v6, v1;
	v37 =	vperm.xlane v6, v2;
	v13 =	vld [tilespmem:s9+$0xFFFFFFB0];
	[tilespmem:s0+$0x40] =	vst v7;
	v9 =	vpop (erf)  }
0x55: {  	v21 =	vperm.xlane v7, v0;
	v28 =	vperm.xlane v7, v1;
	v16 =	vld [tilespmem:s9+$0x0];
	[tilespmem:s0+$0x90] =	vst v9;
	v17 =	vpop (erf)  }
0x56: {  	v8 =	vmul.f32 v8, v12;
	v30 =	vperm.xlane v9, v1;
	[tilespmem:s0+$0xFFFFFF00] =	vst v17;
	v19 =	vld [tilespmem:s9+$0x50];
	v12 =	vpop (erf)  }
0x57: {  	v25 =	vperm.xlane v17, v1;
	v33 =	vperm.xlane v17, v2;
	v20 =	vld [tilespmem:s9+$0xFFFFFEC0];
	[tilespmem:s0+$0xE0] =	vst v12  }
0x58: {  	v56 =	vld [tilespmem:s16+$0xFFFFFF00];
	[tilespmem:s0+$0x100] =	vst v8;
	v8 =	vperm.xlane v9, v0;
	v27 =	vperm.xlane v12, v0  }
0x59: {  	v31 =	vperm.xlane v12, v1;
	v11 =	vmul.f32 v11, v18;
	v18 =	vld [tilespmem:s9+$0xA0]  }
0x5a: {  	[tilespmem:s0+$0xFFFFFF10] =	vst v10;
	v10 =	vmul.f32 v13, v14;
	v13 =	vld [tilespmem:s9+$0x110];
	v14 =	vperm.xlane v17, v0  }
0x5b: {  	v22 =	vld [tilespmem:s9+$0xFFFFFF20];
	[tilespmem:s0+$0xFFFFFF60] =	vst v11;
	v11 =	vmul.f32 v16, v21;
	v8 =	vmul.f32 v19, v8  }
0x5c: {  	v16 =	vld [tilespmem:s9+$0xFFFFFF70];
	[tilespmem:s0+$0xFFFFFFB0] =	vst v10;
	v10 =	vmul.f32 v20, v14;
	v14 =	vperm.xlane v4, v2  }
0x5d: {  	v19 =	vld [tilespmem:s9+$0xFFFFFFC0];
	[tilespmem:s0+$0x0] =	vst v11;
	v11 =	vperm.xlane v5, v1;
	v5 =	vperm.xlane v5, v3  }
0x5e: {  	v20 =	vld [tilespmem:s9+$0x10];
	v18 =	vmul.f32 v18, v27;
	[tilespmem:s0+$0xFFFFFEC0] =	vst v10;
	v10 =	vperm.xlane v4, v1  }
0x5f: {  	[tilespmem:s0+$0x50] =	vst v8;
	v27 =	vld [tilespmem:s16+$0xFFFFFFA0];
	v34 =	vmul.f32 v13, v34;
	v13 =	vperm.xlane v7, v2  }
0x60: {  	v8 =	vld [tilespmem:s9+$0x60];
	v4 =	vperm.xlane v4, v3;
	v7 =	vperm.xlane v7, v3  }
0x61: {  	v21 =	vld [tilespmem:s9+$0xFFFFFED0];
	v22 =	vmul.f32 v22, v10;
	v16 =	vmul.f32 v16, v11  }
0x62: {  	v39 =	vld [tilespmem:s6+$0xFFFFFFF0];
	v29 =	vadd.f32 v29, v56;
	v10 =	vperm.xlane v9, v2;
	v11 =	vperm.xlane v12, v2  }
0x63: {  	v26 =	vld [tilespmem:s16+$0xFFFFFFF0];
	vm12 =	vge.f32 v23, $0.0e+00;
	v9 =	vperm.xlane v9, v3;
	v24 =	vmul.f32 v19, v24  }
0x64: {  	v41 =	vld [tilespmem:s16+$0x40];
	v19 =	vsel vm12, v23, v40;
	v23 =	vadd.f32 v35, v32;
	v20 =	vmul.f32 v20, v28  }
0x65: {  	vm7 =	vge.f32 v29, $0.0e+00;
	v28 =	vld [tilespmem:s6+$0x0];
	v19 =	vmul.f32 $1.442695020e+00, v19;
	v8 =	vmul.f32 v8, v30  }
0x66: {  	v27 =	vadd.f32 v38, v27;
	v30 =	vld [tilespmem:s16+$0x90];
	v32 =	vmul.f32 $2.000000030e-01, v23;
	v21 =	vmul.f32 v21, v25  }
0x67: {  	vm13 =	vge.f32 v23, $0.0e+00;
	v25 =	vperm.xlane v15, v3;
	v15 =	vld [tilespmem:s6+$0x10];
	(erf) = vpow2.f32 v19  }
0x68: {  	v55 =	vld [tilespmem:s16+$0xE0];
	v19 =	vperm.xlane v17, v3;
	v17 =	vadd.f32 v39, v26;
	v38 =	vmul.f32 $2.000000030e-01, v27  }
0x69: {  	s14 =	simm.s32 $0x5780;
	[tilespmem:s0+$0x110] =	vst v34;
	v26 =	vld [tilespmem:s6+$0x20];
	vm14 =	vge.f32 v27, $0.0e+00;
	v23 =	vsel vm13, v23, v32;
	v32 =	vmul.f32 $2.000000030e-01, v29  }
0x6a: {  	[tilespmem:s0+$0xA0] =	vst v18;
	v18 =	vld [tilespmem:s9+$0x120];
	v39 =	vmul.f32 $2.000000030e-01, v17;
	v23 =	vmul.f32 $1.442695020e+00, v23;
	v27 =	vsel vm14, v27, v38  }
0x6b: {  	v49 =	vld [tilespmem:s14+$0x130];
	[tilespmem:s0+$0x60] =	vst v8;
	vm15 =	vge.f32 v17, $0.0e+00;
	v28 =	vadd.f32 v28, v41;
	v27 =	vmul.f32 $1.442695020e+00, v27  }
0x6c: {  	[tilespmem:s0+$0xFFFFFED0] =	vst v21;
	v21 =	vld [tilespmem:s9+$0xB0];
	v17 =	vsel vm15, v17, v39;
	(erf) = vpow2.f32 v23;
	v15 =	vadd.f32 v15, v30  }
0x6d: {  	s8 =	simm.s32 $0x9100;
	v58 =	vld [tilespmem:s9+$0x70];
	vm4 =	vge.f32 v28, $0.0e+00;
	v30 =	vmul.f32 $2.000000030e-01, v28;
	v17 =	vmul.f32 $1.442695020e+00, v17  }
0x6e: {  	v50 =	vld [tilespmem:s8+$0x30];
	v26 =	vadd.f32 v26, v55;
	(erf) = vpow2.f32 v27;
	v23 =	vmul.f32 $2.000000030e-01, v15  }
0x6f: {  	v51 =	vld [tilespmem:s8+$0xFFFFFFC0];
	[tilespmem:s0+$0xFFFFFF20] =	vst v22;
	v25 =	vmul.f32 v18, v25;
	vm5 =	vge.f32 v15, $0.0e+00;
	v28 =	vsel vm4, v28, v30  }
0x70: {  	v56 =	vld [tilespmem:s14+$0xFFFFFFA0];
	s17 =	simm.s32 $0xA000;
	[tilespmem:s0+$0xFFFFFF70] =	vst v16;
	v30 =	vmul.f32 $2.000000030e-01, v26;
	(erf) = vpow2.f32 v17;
	v23 =	vsel vm5, v15, v23;
	v15 =	vpop (erf)  }
0x71: {  	v16 =	vld [tilespmem:s9+$0xFFFFFF30];
	vm6 =	vge.f32 v26, $0.0e+00;
	v8 =	vmul.f32 v21, v31;
	v28 =	vmul.f32 $1.442695020e+00, v28;
	[tilespmem:s17+$0x130] =	vst v15  }
0x72: {  	v35 =	vmul.f32 v58, v10;
	v22 =	vmul.f32 $1.442695020e+00, v23;
	v23 =	vsel vm7, v29, v32;
	v27 =	vld [tilespmem:s16+$0xF0]  }
0x73: {  	[tilespmem:s0+$0xFFFFFFC0] =	vst v24;
	v24 =	vld [tilespmem:s9+$0xFFFFFF80];
	v17 =	vsel vm6, v26, v30;
	(erf) = vpow2.f32 v28;
	v23 =	vmul.f32 $1.442695020e+00, v23  }
0x74: {  	[tilespmem:s0+$0x10] =	vst v20;
	v57 =	vld [tilespmem:s9+$0xFFFFFEE0];
	v17 =	vmul.f32 $1.442695020e+00, v17;
	(erf) = vpow2.f32 v22  }
0x75: {  	[tilespmem:s0+$0xB0] =	vst v8;
	v28 =	vld [tilespmem:s9+$0xFFFFFFD0];
	v20 =	vperm.xlane v15, v0;
	(erf) = vpow2.f32 v23  }
0x76: {  	v8 =	vperm.xlane v6, v3;
	v6 =	vperm.xlane v12, v3;
	v18 =	vld [tilespmem:s9+$0xC0];
	v31 =	vpop (erf)  }
0x77: {  	v23 =	vld [tilespmem:s9+$0x20];
	(erf) = vpow2.f32 v17;
	[tilespmem:s17+$0xFFFFFF50] =	vst v31;
	v59 =	vpop (erf);
	v17 =	vmul.f32 v27, v20  }
0x78: {  	v10 =	vperm.xlane v15, v3;
	v22 =	vmul.f32 v16, v14;
	[tilespmem:s17+$0xFFFFFFA0] =	vst v59;
	v27 =	vld [tilespmem:s16+$0xFFFFFF10]  }
0x79: {  	v16 =	vperm.xlane v15, v1;
	v12 =	vperm.xlane v31, v0;
	v29 =	vld [tilespmem:s16+$0xFFFFFF60];
	[tilespmem:s17+$0xF0] =	vst v17  }
0x7a: {  	v30 =	vperm.xlane v31, v1;
	v20 =	vmul.f32 v57, v33;
	v60 =	vpop (erf);
	v17 =	vld [tilespmem:s16+$0x100]  }
0x7b: {  	v26 =	vperm.xlane v31, v2;
	v21 =	vmul.f32 v28, v37;
	v57 =	vld [tilespmem:s14+$0xFFFFFFF0];
	[tilespmem:s17+$0xFFFFFFF0] =	vst v60  }
0x7c: {  	v28 =	vperm.xlane v59, v0;
	v55 =	vperm.xlane v60, v1;
	[tilespmem:s0+$0xFFFFFEE0] =	vst v20;
	v14 =	vld [tilespmem:s16+$0xFFFFFFB0];
	v61 =	vpop (erf)  }
0x7d: {  	v20 =	vmul.f32 v24, v36;
	v23 =	vmul.f32 v23, v13;
	v38 =	vld [tilespmem:s9+$0xFFFFFEF0];
	[tilespmem:s17+$0x40] =	vst v61;
	v62 =	vpop (erf)  }
0x7e: {  	v54 =	vperm.xlane v61, v0;
	v24 =	vld [tilespmem:s16+$0x0];
	v12 =	vmul.f32 v27, v12;
	[tilespmem:s17+$0x90] =	vst v62;
	v63 =	vpop (erf)  }
0x7f: {  	v28 =	vmul.f32 v29, v28;
	[tilespmem:s17+$0xFFFFFF00] =	vst v63;
	v53 =	vld [tilespmem:s16+$0x50];
	v16 =	vmul.f32 v17, v16  }
0x80: {  	v29 =	vperm.xlane v59, v2;
	[tilespmem:s17+$0xFFFFFF10] =	vst v12;
	v17 =	vperm.xlane v60, v0;
	v27 =	vld [tilespmem:s16+$0xFFFFFEC0]  }
0x81: {  	v47 =	vperm.xlane v62, v1;
	v32 =	vperm.xlane v63, v2;
	v43 =	vld [tilespmem:s16+$0xFFFFFF20];
	[tilespmem:s17+$0x100] =	vst v16  }
0x82: {  	v37 =	vpop (erf);
	[tilespmem:s17+$0xFFFFFF60] =	vst v28;
	v16 =	vperm.xlane v62, v0;
	v12 =	vmul.f32 v14, v17;
	v14 =	vld [tilespmem:s16+$0x110]  }
0x83: {  	v28 =	vperm.xlane v60, v2;
	[tilespmem:s17+$0xE0] =	vst v37;
	v13 =	vld [tilespmem:s16+$0xFFFFFF70];
	v24 =	vmul.f32 v24, v54  }
0x84: {  	v42 =	vld [tilespmem:s16+$0xA0];
	v17 =	vperm.xlane v63, v0;
	[tilespmem:s17+$0xFFFFFFB0] =	vst v12;
	v12 =	vmul.f32 v53, v16  }
0x85: {  	v48 =	vperm.xlane v37, v1;
	[tilespmem:s17+$0x0] =	vst v24;
	v24 =	vperm.xlane v15, v2;
	v53 =	vld [tilespmem:s8+$0xFFFFFFE0]  }
0x86: {  	v15 =	vperm.xlane v31, v3;
	v31 =	vld [tilespmem:s8+$0xFFFFFFF0];
	v16 =	vmul.f32 v27, v17;
	[tilespmem:s17+$0x50] =	vst v12  }
0x87: {  	v19 =	vmul.f32 v38, v19;
	v45 =	vld [tilespmem:s16+$0x60];
	v14 =	vmul.f32 v14, v24  }
0x88: {  	v17 =	vld [tilespmem:s16+$0xFFFFFFC0];
	v27 =	vperm.xlane v59, v1;
	v43 =	vmul.f32 v43, v30;
	[tilespmem:s17+$0xFFFFFEC0] =	vst v16  }
0x89: {  	v30 =	vperm.xlane v61, v2;
	v16 =	vperm.xlane v37, v0;
	v46 =	vld [tilespmem:s16+$0xFFFFFED0];
	[tilespmem:s17+$0x110] =	vst v14  }
0x8a: {  	v12 =	vperm.xlane v63, v1;
	v27 =	vmul.f32 v13, v27;
	v14 =	vld [tilespmem:s16+$0x120]  }
0x8b: {  	v52 =	vld [tilespmem:s8+$0xFFFFFFD0];
	v24 =	vperm.xlane v61, v1;
	v42 =	vmul.f32 v42, v16  }
0x8c: {  	v13 =	vld [tilespmem:s14+$0xFFFFFF50];
	v45 =	vmul.f32 v45, v47;
	v47 =	vmul.f32 v18, v11;
	v11 =	vadd.f32 v50, v49  }
0x8d: {  	v44 =	vld [tilespmem:s16+$0x10];
	[tilespmem:s17+$0xFFFFFF20] =	vst v43;
	v16 =	vperm.xlane v62, v2;
	v53 =	vadd.f32 v53, v56;
	v41 =	vmul.f32 v17, v55  }
0x8e: {  	v34 =	vld [tilespmem:s16+$0xFFFFFF30];
	v31 =	vadd.f32 v31, v57;
	v46 =	vmul.f32 v46, v12;
	v58 =	vmul.f32 $2.000000030e-01, v11  }
0x8f: {  	v12 =	vperm.xlane v59, v3;
	v59 =	vld [tilespmem:s14+$0x40];
	vm8 =	vge.f32 v11, $0.0e+00;
	v50 =	vmul.f32 v14, v10  }
0x90: {  	v10 =	vperm.xlane v60, v3;
	v60 =	vld [tilespmem:s8+$0x0];
	v14 =	vperm.xlane v61, v3;
	v11 =	vsel vm8, v11, v58  }
0x91: {  	[tilespmem:s0+$0x120] =	vst v25;
	v57 =	vld [tilespmem:s14+$0xFFFFFF00];
	v61 =	vadd.f32 v52, v13;
	v13 =	vperm.xlane v62, v3;
	v62 =	vmul.f32 $1.442695020e+00, v11  }
0x92: {  	[tilespmem:s0+$0xFFFFFF30] =	vst v22;
	v17 =	vperm.xlane v37, v2;
	v24 =	vmul.f32 v44, v24  }
0x93: {  	v33 =	vld [tilespmem:s14+$0x90];
	[tilespmem:s0+$0xFFFFFF80] =	vst v20;
	v56 =	vmul.f32 $2.000000030e-01, v53;
	vm10 =	vge.f32 v53, $0.0e+00;
	(erf) = vpow2.f32 v62  }
0x94: {  	[tilespmem:s17+$0xFFFFFF70] =	vst v27;
	vm11 =	vge.f32 v31, $0.0e+00;
	v18 =	vperm.xlane v63, v3;
	v63 =	vld [tilespmem:s8+$0x10];
	v25 =	vmul.f32 $2.000000030e-01, v61  }
0x95: {  	v54 =	vld [tilespmem:s14+$0xE0];
	[tilespmem:s17+$0xA0] =	vst v42;
	v42 =	vmul.f32 v34, v26;
	vm9 =	vge.f32 v61, $0.0e+00;
	v27 =	vadd.f32 v60, v59  }
0x96: {  	[tilespmem:s0+$0x20] =	vst v23;
	v55 =	vld [tilespmem:s8+$0x20];
	v39 =	vadd.f32 v51, v57;
	v58 =	vmul.f32 $2.000000030e-01, v31;
	v25 =	vsel vm9, v61, v25  }
0x97: {  	v20 =	vld [tilespmem:s9+$0xFFFFFF40];
	[tilespmem:s17+$0xFFFFFFC0] =	vst v41;
	v25 =	vmul.f32 $1.442695020e+00, v25;
	v59 =	vsel vm10, v53, v56;
	v61 =	vmul.f32 $2.000000030e-01, v27  }
0x98: {  	v23 =	vld [tilespmem:s9+$0xFFFFFF90];
	[tilespmem:s17+$0x10] =	vst v24;
	v51 =	vmul.f32 $2.000000030e-01, v39;
	v24 =	vmul.f32 $1.442695020e+00, v59;
	vm12 =	vge.f32 v27, $0.0e+00  }
0x99: {  	v40 =	vld [tilespmem:s16+$0xFFFFFF80];
	[tilespmem:s17+$0xFFFFFED0] =	vst v46;
	v33 =	vadd.f32 v63, v33;
	(erf) = vpow2.f32 v25;
	v27 =	vsel vm12, v27, v61  }
0x9a: {  	[tilespmem:s0+$0xC0] =	vst v47;
	v41 =	vld [tilespmem:s16+$0xFFFFFEE0];
	vm15 =	vge.f32 v39, $0.0e+00;
	v31 =	vsel vm11, v31, v58;
	(erf) = vpow2.f32 v24  }
0x9b: {  	[tilespmem:s0+$0xFFFFFFD0] =	vst v21;
	v26 =	vld [tilespmem:s9+$0xD0];
	v21 =	vsel vm15, v39, v51;
	v62 =	vadd.f32 v55, v54;
	v25 =	vmul.f32 $2.000000030e-01, v33  }
0x9c: {  	s6 =	simm.s32 $0xA280;
	v63 =	vld [tilespmem:s16+$0xFFFFFFD0];
	[tilespmem:s17+$0x120] =	vst v50;
	vm13 =	vge.f32 v33, $0.0e+00;
	v22 =	vmul.f32 $1.442695020e+00, v31;
	v52 =	vmul.f32 $1.442695020e+00, v27;
	v27 =	vpop (erf)  }
0x9d: {  	v50 =	vld [tilespmem:s16+$0x20];
	v21 =	vmul.f32 $1.442695020e+00, v21;
	v49 =	vmul.f32 $2.000000030e-01, v62;
	v25 =	vsel vm13, v33, v25;
	[tilespmem:s6+$0x130] =	vst v27  }
0x9e: {  	[tilespmem:s17+$0x60] =	vst v45;
	vm14 =	vge.f32 v62, $0.0e+00;
	(erf) = vpow2.f32 v22;
	v25 =	vmul.f32 $1.442695020e+00, v25;
	v53 =	vld [tilespmem:s14+$0xF0]  }
0x9f: {  	v31 =	vld [tilespmem:s16+$0x70];
	v33 =	vsel vm14, v62, v49;
	v62 =	vmul.f32 v41, v32;
	(erf) = vpow2.f32 v52  }
0xa0: {  	v60 =	vld [tilespmem:s16+$0xB0];
	v33 =	vmul.f32 $1.442695020e+00, v33;
	(erf) = vpow2.f32 v25  }
0xa1: {  	[tilespmem:s0+$0x70] =	vst v35;
	v24 =	vld [tilespmem:s9+$0xFFFFFFE0];
	v55 =	vperm.xlane v27, v0;
	(erf) = vpow2.f32 v21  }
0xa2: {  	v40 =	vmul.f32 v40, v29;
	v22 =	vld [tilespmem:s9+$0x30];
	[tilespmem:s17+$0xFFFFFEE0] =	vst v62;
	v21 =	vpop (erf);
	(erf) = vpow2.f32 v33  }
0xa3: {  	v11 =	vperm.xlane v37, v3;
	v44 =	vld [tilespmem:s16+$0xFFFFFEF0];
	[tilespmem:s6+$0xFFFFFF50] =	vst v21;
	v32 =	vpop (erf);
	v36 =	vmul.f32 v53, v55  }
0xa4: {  	v39 =	vmul.f32 v50, v30;
	v41 =	vmul.f32 v63, v28;
	v61 =	vld [tilespmem:s14+$0xFFFFFF10];
	[tilespmem:s6+$0xFFFFFFA0] =	vst v32  }
0xa5: {  	v54 =	vmul.f32 v60, v48;
	v62 =	vperm.xlane v27, v1;
	v63 =	vld [tilespmem:s14+$0xFFFFFF60];
	[tilespmem:s6+$0xF0] =	vst v36  }
0xa6: {  	[tilespmem:s0+$0xFFFFFEF0] =	vst v19;
	v60 =	vperm.xlane v21, v0;
	v57 =	vperm.xlane v21, v1;
	v29 =	vld [tilespmem:s14+$0x100]  }
0xa7: {  	[tilespmem:s17+$0xB0] =	vst v54;
	v25 =	vld [tilespmem:s9+$0x80];
	v19 =	vperm.xlane v21, v2;
	v28 =	vperm.xlane v32, v0;
	v34 =	vpop (erf)  }
0xa8: {  	v43 =	vld [tilespmem:s16+$0xC0];
	v46 =	vperm.xlane v32, v1;
	[tilespmem:s6+$0xFFFFFFF0] =	vst v34;
	v48 =	vperm.xlane v34, v1;
	v36 =	vpop (erf)  }
0xa9: {  	v30 =	vmul.f32 v61, v60;
	v60 =	vperm.xlane v34, v0;
	v61 =	vld [tilespmem:s14+$0xFFFFFFB0];
	[tilespmem:s6+$0x40] =	vst v36;
	v37 =	vpop (erf)  }
0xaa: {  	v51 =	vperm.xlane v36, v0;
	v28 =	vmul.f32 v63, v28;
	v52 =	vld [tilespmem:s14+$0x0];
	[tilespmem:s6+$0x90] =	vst v37;
	v45 =	vpop (erf)  }
0xab: {  	v49 =	vperm.xlane v36, v1;
	[tilespmem:s6+$0xFFFFFF00] =	vst v45;
	v55 =	vld [tilespmem:s14+$0x50];
	v38 =	vpop (erf);
	v29 =	vmul.f32 v29, v62  }
0xac: {  	v63 =	vperm.xlane v27, v2;
	v53 =	vperm.xlane v37, v0;
	v56 =	vld [tilespmem:s14+$0xFFFFFEC0];
	[tilespmem:s6+$0xE0] =	vst v38  }
0xad: {  	v50 =	vperm.xlane v37, v1;
	v54 =	vperm.xlane v45, v0;
	v33 =	vld [tilespmem:s14+$0xA0];
	[tilespmem:s6+$0x100] =	vst v29  }
0xae: {  	[tilespmem:s6+$0xFFFFFF10] =	vst v30;
	v47 =	vperm.xlane v45, v1;
	v29 =	vmul.f32 v61, v60;
	v59 =	vld [tilespmem:s14+$0x110]  }
0xaf: {  	[tilespmem:s6+$0xFFFFFF60] =	vst v28;
	v28 =	vperm.xlane v45, v2;
	v60 =	vld [tilespmem:s14+$0xFFFFFF20];
	v30 =	vmul.f32 v52, v51  }
0xb0: {  	v58 =	vperm.xlane v38, v0;
	v52 =	vld [tilespmem:s14+$0xFFFFFF70];
	[tilespmem:s6+$0xFFFFFFB0] =	vst v29;
	v29 =	vmul.f32 v55, v53  }
0xb1: {  	v35 =	vperm.xlane v38, v1;
	v54 =	vmul.f32 v56, v54;
	v53 =	vld [tilespmem:s14+$0xFFFFFFC0];
	[tilespmem:s6+$0x0] =	vst v30  }
0xb2: {  	v30 =	vperm.xlane v32, v2;
	v51 =	vld [tilespmem:s14+$0x10];
	[tilespmem:s6+$0x50] =	vst v29;
	v58 =	vmul.f32 v33, v58  }
0xb3: {  	v29 =	vperm.xlane v34, v2;
	[tilespmem:s6+$0xFFFFFEC0] =	vst v54;
	v54 =	vld [tilespmem:s14+$0x60];
	v56 =	vmul.f32 v59, v63  }
0xb4: {  	s10 =	simm.s32 $0x5A00;
	s9 =	simm.s32 $0x10;
	v33 =	vperm.xlane v36, v2;
	v57 =	vmul.f32 v60, v57;
	v55 =	vld [tilespmem:s14+$0xFFFFFED0];
	[tilespmem:s6+$0xA0] =	vst v58  }
.LBB2_3:
0xb5: {  	v58 =	vld [tilespmem:s10+$0x130];
	v46 =	vmul.f32 v52, v46;
	v52 =	vperm.xlane v37, v2;
	[tilespmem:s6+$0x110] =	vst v56  }
0xb6: {  	s8 =	sadd.s32 $0x80, s8;
	[tilespmem:s6+$0xFFFFFF20] =	vst v57;
	v48 =	vmul.f32 v53, v48;
	v53 =	vperm.xlane v38, v2;
	v56 =	vld [tilespmem:s14+$0x120]  }
0xb7: {  	s9 =	sadd.s32 $0x8, s9;
	v31 =	vmul.f32 v31, v16;
	v57 =	vld [tilespmem:s8+$0x30];
	[tilespmem:s6+$0xFFFFFF70] =	vst v46;
	v46 =	vmul.f32 v51, v49;
	v16 =	vmov v52  }
0xb8: {  	v43 =	vmul.f32 v43, v17;
	p0 =	slt.u32 s9, $0x58;
	v49 =	vld [tilespmem:s8+$0xFFFFFFC0];
	[tilespmem:s6+$0xFFFFFFC0] =	vst v48;
	v48 =	vmul.f32 v54, v50;
	v17 =	vmov v53  }
0xb9: {  	v27 =	vperm.xlane v27, v3;
	v50 =	vld [tilespmem:s10+$0xFFFFFF50];
	v47 =	vmul.f32 v55, v47;
	[tilespmem:s6+$0x10] =	vst v46  }
0xba: {  	v45 =	vperm.xlane v45, v3;
	v21 =	vperm.xlane v21, v3;
	v46 =	vld [tilespmem:s8+$0xFFFFFFD0];
	[tilespmem:s6+$0x60] =	vst v48  }
0xbb: {  	v32 =	vperm.xlane v32, v3;
	v48 =	vld [tilespmem:s10+$0xFFFFFFA0];
	[tilespmem:s6+$0xFFFFFED0] =	vst v47;
	v27 =	vmul.f32 v56, v27  }
0xbc: {  	v34 =	vperm.xlane v34, v3;
	v36 =	vperm.xlane v36, v3;
	v47 =	vld [tilespmem:s8+$0xFFFFFFE0];
	v51 =	vadd.f32 v57, v58;
	[tilespmem:s17+$0xFFFFFF30] =	vst v42  }
0xbd: {  	v37 =	vperm.xlane v37, v3;
	v38 =	vperm.xlane v38, v3;
	v42 =	vld [tilespmem:s10+$0xFFFFFFF0];
	[tilespmem:s6+$0x120] =	vst v27  }
0xbe: {  	v44 =	vmul.f32 v44, v18;
	v18 =	vmov v45;
	v27 =	vld [tilespmem:s8+$0xFFFFFFF0];
	v52 =	vmul.f32 $2.000000030e-01, v51;
	[tilespmem:s17+$0xFFFFFF80] =	vst v40  }
0xbf: {  	v20 =	vmul.f32 v20, v4;
	v4 =	vmovc v15;
	vm0 =	vge.f32 v51, $0.0e+00;
	v40 =	vadd.f32 v46, v50;
	v45 =	vld [tilespmem:s10+$0x40];
	[tilespmem:s17+$0xFFFFFFD0] =	vst v41  }
0xc0: {  	v23 =	vmul.f32 v23, v5;
	v24 =	vmul.f32 v24, v8;
	v41 =	vld [tilespmem:s8+$0x0];
	v50 =	vsel vm0, v51, v52;
	[tilespmem:s17+$0x20] =	vst v39  }
0xc1: {  	v5 =	vmovc v12;
	v15 =	vmovc v21;
	v39 =	vmul.f32 $2.000000030e-01, v40;
	v46 =	vadd.f32 v47, v48;
	v47 =	vld [tilespmem:s10+$0x90];
	v48 =	vmul.f32 $1.442695020e+00, v50;
	[tilespmem:s17+$0x70] =	vst v31  }
0xc2: {  	v22 =	vmul.f32 v22, v7;
	v25 =	vmul.f32 v25, v9;
	v12 =	vmovc v32;
	vm0 =	vge.f32 v40, $0.0e+00;
	v21 =	vld [tilespmem:s8+$0x10];
	[tilespmem:s17+$0xC0] =	vst v43  }
0xc3: {  	v8 =	vmovc v10;
	v10 =	vmovc v34;
	v31 =	vmul.f32 $2.000000030e-01, v46;
	v27 =	vadd.f32 v27, v42;
	v32 =	vld [tilespmem:s10+$0xE0];
	(erf) = vpow2.f32 v48;
	[tilespmem:s17+$0xFFFFFEF0] =	vst v44  }
0xc4: {  	v7 =	vmovc v14;
	v34 =	vsel vm0, v40, v39;
	vm0 =	vge.f32 v46, $0.0e+00;
	v39 =	vld [tilespmem:s8+$0x20];
	[tilespmem:s0+$0xFFFFFF40] =	vst v20;
	v20 =	vmul.f32 v26, v6  }
0xc5: {  	v9 =	vmovc v13;
	v14 =	vmovc v36;
	v26 =	vld [tilespmem:s10+$0xFFFFFF00];
	vm1 =	vge.f32 v27, $0.0e+00;
	v40 =	vmul.f32 $2.000000030e-01, v27;
	v41 =	vadd.f32 v41, v45;
	[tilespmem:s0+$0xFFFFFF90] =	vst v23  }
0xc6: {  	v13 =	vmovc v37;
	v6 =	vmovc v11;
	v11 =	vmov v38;
	v23 =	vmul.f32 $1.442695020e+00, v34;
	v31 =	vsel vm0, v46, v31;
	v34 =	vld [tilespmem:s14+$0xB0];
	[tilespmem:s0+$0xFFFFFFE0] =	vst v24  }
0xc7: {  	vm0 =	vge.f32 v41, $0.0e+00;
	v24 =	vmul.f32 $2.000000030e-01, v41;
	v21 =	vadd.f32 v21, v47;
	v36 =	vld [tilespmem:s14+$0xFFFFFEE0];
	[tilespmem:s0+$0x30] =	vst v22  }
0xc8: {  	v22 =	vmul.f32 $1.442695020e+00, v31;
	v27 =	vsel vm1, v27, v40;
	(erf) = vpow2.f32 v23;
	v37 =	vld [tilespmem:s14+$0xFFFFFF30];
	[tilespmem:s0+$0x80] =	vst v25  }
0xc9: {  	vm1 =	vge.f32 v21, $0.0e+00;
	v23 =	vmul.f32 $2.000000030e-01, v21;
	v25 =	vadd.f32 v39, v32;
	v32 =	vld [tilespmem:s14+$0xFFFFFF80];
	[tilespmem:s0+$0xD0] =	vst v20;
	s0 =	smov.u32 s17;
	s17 =	smov.u32 s6  }
0xca: {  	v38 =	vmul.f32 $1.442695020e+00, v27;
	v20 =	vsel vm0, v41, v24;
	v26 =	vadd.f32 v49, v26;
	v39 =	vld [tilespmem:s14+$0xFFFFFFD0]  }
0xcb: {  	s6 =	sadd.s32 $0x280, s6;
	v21 =	vsel vm1, v21, v23;
	vm0 =	vge.f32 v25, $0.0e+00;
	v23 =	vmul.f32 $2.000000030e-01, v25;
	v44 =	vld [tilespmem:s14+$0x20]  }
0xcc: {  	v40 =	vmul.f32 $1.442695020e+00, v20;
	vm1 =	vge.f32 v26, $0.0e+00;
	v24 =	vmul.f32 $2.000000030e-01, v26;
	v27 =	vpop (erf);
	v31 =	vld [tilespmem:s14+$0x70]  }
0xcd: {  	v21 =	vmul.f32 $1.442695020e+00, v21;
	v23 =	vsel vm0, v25, v23;
	[tilespmem:s6+$0x130] =	vst v27;
	(erf) = vpow2.f32 v22;
	v20 =	vld [tilespmem:s16+$0xFFFFFF40]  }
0xce: {  	v22 =	vsel vm1, v26, v24;
	v25 =	vmul.f32 $1.442695020e+00, v23;
	v26 =	vld [tilespmem:s10+$0xF0];
	(erf) = vpow2.f32 v38  }
0xcf: {  	v22 =	vmul.f32 $1.442695020e+00, v22;
	(erf) = vpow2.f32 v40;
	v23 =	vld [tilespmem:s16+$0xFFFFFF90]  }
0xd0: {  	v34 =	vmul.f32 v34, v35;
	(erf) = vpow2.f32 v21;
	v24 =	vld [tilespmem:s16+$0xFFFFFFE0]  }
0xd1: {  	v35 =	vperm.xlane v27, v0;
	(erf) = vpow2.f32 v22;
	v21 =	vpop (erf);
	v22 =	vld [tilespmem:s16+$0x30]  }
0xd2: {  	[tilespmem:s6+$0xFFFFFF50] =	vst v21;
	v38 =	vperm.xlane v21, v0;
	(erf) = vpow2.f32 v25;
	v25 =	vld [tilespmem:s16+$0x80]  }
0xd3: {  	v57 =	vperm.xlane v21, v1;
	v45 =	vld [tilespmem:s10+$0xFFFFFF10];
	v26 =	vmul.f32 v26, v35;
	[tilespmem:s17+$0xB0] =	vst v34  }
0xd4: {  	v28 =	vmul.f32 v36, v28;
	v35 =	vperm.xlane v21, v2;
	v43 =	vld [tilespmem:s14+$0xC0]  }
0xd5: {  	v42 =	vmul.f32 v37, v19;
	v40 =	vmul.f32 v32, v30;
	[tilespmem:s6+$0xF0] =	vst v26;
	v26 =	vld [tilespmem:s16+$0xD0];
	s16 =	smov.u32 s14;
	s14 =	smov.u32 s10  }
0xd6: {  	v41 =	vmul.f32 v39, v29;
	v39 =	vmul.f32 v44, v33;
	v19 =	vmov v35;
	v30 =	vld [tilespmem:s10+$0x100];
	v32 =	vpop (erf);
	[tilespmem:s17+$0xFFFFFEE0] =	vst v28  }
0xd7: {  	[tilespmem:s6+$0xFFFFFFA0] =	vst v32;
	v28 =	vperm.xlane v32, v0;
	v46 =	vperm.xlane v32, v1;
	v34 =	vpop (erf);
	v44 =	vld [tilespmem:s16+$0xFFFFFEF0]  }
0xd8: {  	v29 =	vmul.f32 v45, v38;
	v33 =	vld [tilespmem:s10+$0xFFFFFF60];
	[tilespmem:s6+$0xFFFFFFF0] =	vst v34;
	v35 =	vperm.xlane v34, v0;
	v36 =	vpop (erf)  }
0xd9: {  	v47 =	vperm.xlane v27, v1;
	v50 =	vld [tilespmem:s10+$0xFFFFFFB0];
	[tilespmem:s6+$0x40] =	vst v36;
	v51 =	vperm.xlane v36, v0;
	v37 =	vpop (erf)  }
0xda: {  	v48 =	vperm.xlane v34, v1;
	v52 =	vld [tilespmem:s10+$0x0];
	[tilespmem:s6+$0x90] =	vst v37;
	v53 =	vperm.xlane v37, v0;
	v45 =	vpop (erf)  }
0xdb: {  	[tilespmem:s6+$0xFFFFFF00] =	vst v45;
	v54 =	vperm.xlane v45, v0;
	v55 =	vld [tilespmem:s10+$0x50];
	v30 =	vmul.f32 v30, v47;
	v38 =	vpop (erf)  }
0xdc: {  	v47 =	vperm.xlane v45, v1;
	v56 =	vld [tilespmem:s10+$0xFFFFFEC0];
	[tilespmem:s6+$0xE0] =	vst v38;
	v58 =	vperm.xlane v38, v0  }
0xdd: {  	v49 =	vperm.xlane v36, v1;
	v28 =	vmul.f32 v33, v28;
	v33 =	vld [tilespmem:s10+$0xA0];
	[tilespmem:s6+$0x100] =	vst v30  }
0xde: {  	[tilespmem:s6+$0xFFFFFF10] =	vst v29;
	v29 =	vmul.f32 v50, v35;
	v50 =	vperm.xlane v37, v1;
	v59 =	vld [tilespmem:s10+$0x110]  }
0xdf: {  	v35 =	vperm.xlane v38, v1;
	v60 =	vld [tilespmem:s10+$0xFFFFFF20];
	[tilespmem:s6+$0xFFFFFF60] =	vst v28;
	v30 =	vmul.f32 v52, v51  }
.Ltmp0:
0xe0: {  	v28 =	vperm.xlane v45, v2;
	v52 =	vld [tilespmem:s10+$0xFFFFFF70];
	[tilespmem:s6+$0xFFFFFFB0] =	vst v29;
	v29 =	vmul.f32 v55, v53;
	(pc) =	sbr.rel @p0 .LBB2_3-.Ltmp0, $4  }
0xe1: {  	v55 =	vperm.xlane v27, v2;
	v54 =	vmul.f32 v56, v54;
	v53 =	vld [tilespmem:s10+$0xFFFFFFC0];
	[tilespmem:s6+$0x0] =	vst v30  }
0xe2: {  	v30 =	vperm.xlane v32, v2;
	v51 =	vld [tilespmem:s10+$0x10];
	[tilespmem:s6+$0x50] =	vst v29;
	v58 =	vmul.f32 v33, v58  }
0xe3: {  	v29 =	vperm.xlane v34, v2;
	[tilespmem:s6+$0xFFFFFEC0] =	vst v54;
	v54 =	vld [tilespmem:s10+$0x60];
	v56 =	vmul.f32 v59, v55  }
0xe4: {  	v33 =	vperm.xlane v36, v2;
	s10 =	sadd.s32 $0x280, s10;
	v55 =	vld [tilespmem:s14+$0xFFFFFED0];
	v57 =	vmul.f32 v60, v57;
	[tilespmem:s6+$0xA0] =	vst v58  }
0xe5: {  	[tilespmem:s6+$0x110] =	vst v56  }
0xe6: {  	[tilespmem:s17+$0xFFFFFF30] =	vst v42  }
0xe7: {  	[tilespmem:s17+$0xFFFFFF80] =	vst v40  }
0xe8: {  	[tilespmem:s17+$0xFFFFFFD0] =	vst v41  }
0xe9: {  	v46 =	vmul.f32 v52, v46;
	[tilespmem:s17+$0x20] =	vst v39  }
0xea: {  	v16 =	vmul.f32 v31, v16;
	[tilespmem:s6+$0xFFFFFF20] =	vst v57  }
0xeb: {  	v17 =	vmul.f32 v43, v17;
	[tilespmem:s6+$0xFFFFFF70] =	vst v46  }
0xec: {  	v18 =	vmul.f32 v44, v18;
	[tilespmem:s17+$0x70] =	vst v16  }
0xed: {  	v4 =	vmul.f32 v20, v4;
	[tilespmem:s17+$0xC0] =	vst v17  }
0xee: {  	v5 =	vmul.f32 v23, v5;
	[tilespmem:s17+$0xFFFFFEF0] =	vst v18  }
0xef: {  	v8 =	vmul.f32 v24, v8;
	[tilespmem:s0+$0xFFFFFF40] =	vst v4  }
0xf0: {  	v6 =	vmul.f32 v26, v6;
	[tilespmem:s0+$0xFFFFFF90] =	vst v5  }
0xf1: {  	v20 =	vld [tilespmem:s14+$0xB0];
	v48 =	vmul.f32 v53, v48;
	[tilespmem:s0+$0xFFFFFFE0] =	vst v8  }
0xf2: {  	v61 =	vld [tilespmem:s14+$0x120];
	v62 =	vmul.f32 v51, v49;
	[tilespmem:s0+$0xD0] =	vst v6  }
0xf3: {  	v4 =	vmul.f32 v22, v7;
	v5 =	vld [tilespmem:s14+$0xFFFFFF30];
	[tilespmem:s6+$0xFFFFFFC0] =	vst v48  }
0xf4: {  	v46 =	vld [tilespmem:s16+$0xFFFFFF40];
	v63 =	vmul.f32 v54, v50;
	[tilespmem:s6+$0x10] =	vst v62  }
0xf5: {  	v27 =	vperm.xlane v27, v3;
	v49 =	vld [tilespmem:s16+$0xFFFFFFE0];
	v47 =	vmul.f32 v55, v47;
	[tilespmem:s0+$0x30] =	vst v4  }
0xf6: {  	[tilespmem:s6+$0x60] =	vst v63;
	v35 =	vmul.f32 v20, v35  }
0xf7: {  	v31 =	vld [tilespmem:s14+$0xFFFFFF80];
	[tilespmem:s6+$0xFFFFFED0] =	vst v47;
	v27 =	vmul.f32 v61, v27  }
0xf8: {  	v4 =	vld [tilespmem:s14+$0xFFFFFFD0];
	[tilespmem:s6+$0xB0] =	vst v35;
	v5 =	vmul.f32 v5, v19  }
0xf9: {  	v51 =	vld [tilespmem:s16+$0xD0];
	v52 =	vmul.f32 v46, v15;
	[tilespmem:s6+$0x120] =	vst v27  }
0xfa: {  	v23 =	vld [tilespmem:s14+$0xFFFFFEE0];
	v10 =	vmul.f32 v49, v10;
	[tilespmem:s6+$0xFFFFFF30] =	vst v5  }
0xfb: {  	v39 =	vld [tilespmem:s14+$0x20];
	v27 =	vmul.f32 v25, v9;
	[tilespmem:s17+$0xFFFFFF40] =	vst v52  }
0xfc: {  	v9 =	vld [tilespmem:s14+$0xC0];
	v42 =	vmul.f32 v31, v30;
	[tilespmem:s17+$0xFFFFFFE0] =	vst v10  }
0xfd: {  	v41 =	vld [tilespmem:s14+$0x70];
	v4 =	vmul.f32 v4, v29;
	[tilespmem:s0+$0x80] =	vst v27  }
0xfe: {  	v47 =	vld [tilespmem:s16+$0xFFFFFF90];
	v8 =	vmul.f32 v51, v11;
	[tilespmem:s6+$0xFFFFFF80] =	vst v42  }
0xff: {  	v5 =	vperm.xlane v38, v2;
	[tilespmem:s6+$0xFFFFFFD0] =	vst v4;
	v4 =	vld [tilespmem:s16+$0x30];
	v40 =	vmul.f32 v23, v28  }
0x100: {  	v44 =	vperm.xlane v37, v2;
	v50 =	vld [tilespmem:s16+$0x80];
	v7 =	vmul.f32 v39, v33;
	[tilespmem:s17+$0xD0] =	vst v8  }
0x101: {  	v54 =	vld [tilespmem:s14+$0xFFFFFF90];
	v5 =	vmul.f32 v9, v5;
	[tilespmem:s6+$0xFFFFFEE0] =	vst v40  }
0x102: {  	v16 =	vmul.f32 v41, v44;
	[tilespmem:s6+$0x20] =	vst v7;
	v43 =	vld [tilespmem:s14+$0xFFFFFEF0]  }
0x103: {  	v56 =	vld [tilespmem:s14+$0x30];
	[tilespmem:s6+$0xC0] =	vst v5;
	v5 =	vmul.f32 v47, v12  }
0x104: {  	v57 =	vperm.xlane v32, v3;
	v53 =	vld [tilespmem:s14+$0xFFFFFF40];
	[tilespmem:s6+$0x70] =	vst v16;
	v4 =	vmul.f32 v4, v14  }
0x105: {  	v48 =	vperm.xlane v45, v3;
	v7 =	vmul.f32 v50, v13;
	[tilespmem:s17+$0xFFFFFF90] =	vst v5;
	v5 =	vld [tilespmem:s14+$0xFFFFFFE0]  }
0x106: {  	v60 =	vperm.xlane v36, v3;
	v61 =	vmul.f32 v54, v57;
	[tilespmem:s17+$0x30] =	vst v4;
	v4 =	vld [tilespmem:s14+$0x80]  }
0x107: {  	v55 =	vperm.xlane v21, v3;
	[tilespmem:s17+$0x80] =	vst v7;
	v59 =	vld [tilespmem:s14+$0xD0];
	v6 =	vmul.f32 v43, v48  }
0x108: {  	v58 =	vperm.xlane v34, v3;
	v10 =	vmul.f32 v56, v60;
	[tilespmem:s6+$0xFFFFFF90] =	vst v61  }
0x109: {  	v62 =	vperm.xlane v37, v3;
	[tilespmem:s6+$0xFFFFFEF0] =	vst v6;
	v6 =	vmul.f32 v53, v55  }
0x10a: {  	v63 =	vperm.xlane v38, v3;
	[tilespmem:s6+$0x30] =	vst v10;
	v5 =	vmul.f32 v5, v58  }
0x10b: {  	v4 =	vmul.f32 v4, v62;
	[tilespmem:s6+$0xFFFFFF40] =	vst v6  }
0x10c: {  	[tilespmem:s6+$0xFFFFFFE0] =	vst v5;
	v5 =	vmul.f32 v59, v63  }
0x10d: {  	[tilespmem:s6+$0x80] =	vst v4  }
0x10e: {  	s8 =	simm.s32 $0x95C0;
	s0 =	simm.s32 $0x0;
	[tilespmem:s6+$0xD0] =	vst v5  }
.LBB2_5:
0x10f: {  	s6 =	sshra.s32 s0, $0x2;
	v5 =	vld [tilespmem:s8+$0x0]  }
0x110: {  	v4 =	vld [tilespmem:s6+$0x6F80];
	_ =	sdelay $0x4  }
0x111: {  	v4 =	vadd.f32 v5, v4;
	_ =	sdelay $0x1  }
0x112: {  	v5 =	vmul.f32 $2.000000030e-01, v4  }
0x113: {  	vm0 =	vge.f32 v4, $0.0e+00  }
0x114: {  	v4 =	vsel vm0, v4, v5  }
0x115: {  	v4 =	vmul.f32 $1.442695020e+00, v4;
	_ =	sdelay $0x1  }
0x116: {  	(erf) = vpow2.f32 v4;
	_ =	sdelay $0x6  }
0x117: {  	v4 =	vld [tilespmem:s6+$0x6F40]  }
0x118: {  	v5 =	vld [tilespmem:s6+$0x6F50]  }
0x119: {  	v7 =	vld [tilespmem:s6+$0x6F60];
	v6 =	vpop (erf)  }
0x11a: {  	v9 =	vld [tilespmem:s6+$0x6F70];
	v8 =	vperm.xlane v6, v0  }
0x11b: {  	v10 =	vperm.xlane v6, v1  }
0x11c: {  	p0 =	sne.s32 s0, $0x3C0;
	v63 =	vperm.xlane v6, v2;
	v4 =	vmul.f32 v4, v8  }
.Ltmp1:
0x11d: {  	[tilespmem:s6+$0xBA80] =	vst v6;
	v6 =	vperm.xlane v6, v3;
	v5 =	vmul.f32 v5, v10;
	(pc) =	sbr.rel @p0 .LBB2_5-.Ltmp1, $4  }
0x11e: {  	[tilespmem:s6+$0xBA40] =	vst v4;
	v4 =	vmul.f32 v7, v63  }
0x11f: {  	[tilespmem:s6+$0xBA50] =	vst v5;
	v5 =	vmul.f32 v9, v6  }
0x120: {  	[tilespmem:s6+$0xBA60] =	vst v4  }
0x121: {  	s8 =	sadd.s32 $0x10, s8;
	s0 =	sadd.s32 $0x140, s0;
	[tilespmem:s6+$0xBA70] =	vst v5  }
0x122: {  	s0 =	smul.u32 $0x340, s30;
	_ =	sdelay $0x1  }
0x123: {  	s0 =	sshra.s32 s0, $0x2  }
0x124: {  	s0 =	sadd.s32 $0x28A0, s0  }
0x125: {  	[spmem:s2] =	stream.indirect.scatter.add.f32 [tilespmem:s22], [sflag:$0x5], $0x50, s0, s15, $0xb8;
	[tilespmem:$0x1A040] =	vst v63  }
0x126: {  	_ =	swait.ge [sflag:s23], $0x1F40  }
0x127: {  	[sflag:s23] =	ssyncset.done $0x0  }
0x128: {  	[sflag:s23] =	ssyncadd.s32 $0xFFFFE0C0  }
0x129: {  	p0 =	seq.s32 s30, $0x31;
	_ =	swait.ge [sflag:s24], $0x640  }
0x12a: {  	s6 =	simm.s32 @!p0 $0x64;
	[sflag:s24] =	ssyncset.done $0x0  }
0x12b: {  	s8 =	simm.s32 @!p0 $0x5140;
	s0 =	sadd.s32 @!p0 $0xD0, s1;
	[sflag:s24] =	ssyncadd.s32 $0xFFFFF9C0  }
0x12c: {  	[tilespmem:s8], [sflag:$0x1] =	stream.indirect.gather @!p0 [hbm4b:s4+s6], $0x50, s0, s6, $0xb8;
	[tilespmem:$0x1A040] =	vst v63  }
0x12d: {  	p1 =	seq.s32 @!p0 s30, $0x0;
	s0 =	sadd.s32 @!p0 $0x2970, s1;
	s1 =	simm.s32 @!p0 $0x8FC0  }
0x12e: {  	[tilespmem:s1], [sflag:$0x3] =	stream.indirect.gather @!p0 [hbm4b:s5+s6], $0x10, s0, s6, $0xb8;
	[tilespmem:$0x1A040] =	vst v63  }
0x12f: {  	p0 =	por p0, !p1  }
0x130: {  	_ =	swait.ge @p0 [sflag:s28], $0x1F40  }
0x131: {  	[sflag:s28] =	ssyncset.done @p0 $0x0  }
0x132: {  	s9 =	simm.s32 $0x71C0;
	[sflag:s28] =	ssyncadd.s32 @p0 $0xFFFFE0C0  }
0x133: {  	s16 =	simm.s32 $0x9640;
	v4 =	vld [tilespmem:s9+$0x130]  }
0x134: {  	v5 =	vld [tilespmem:s16+$0x30]  }
0x135: {  	v6 =	vld [tilespmem:s16+$0xFFFFFFC0]  }
0x136: {  	v7 =	vld [tilespmem:s9+$0xFFFFFF50]  }
0x137: {  	v8 =	vld [tilespmem:s16+$0xFFFFFFD0]  }
0x138: {  	v9 =	vld [tilespmem:s9+$0xFFFFFFA0]  }
0x139: {  	v10 =	vld [tilespmem:s16+$0xFFFFFFE0]  }
0x13a: {  	v11 =	vld [tilespmem:s16+$0xFFFFFFF0];
	v4 =	vadd.f32 v5, v4  }
0x13b: {  	v13 =	vld [tilespmem:s9+$0x40]  }
0x13c: {  	v14 =	vld [tilespmem:s16+$0x0];
	v12 =	vmul.f32 $2.000000030e-01, v4  }
0x13d: {  	v5 =	vld [tilespmem:s9+$0xFFFFFFF0];
	v7 =	vadd.f32 v8, v7;
	vm0 =	vge.f32 v4, $0.0e+00  }
0x13e: {  	v8 =	vld [tilespmem:s9+$0x90];
	v4 =	vsel vm0, v4, v12  }
0x13f: {  	v9 =	vadd.f32 v10, v9;
	v10 =	vld [tilespmem:s9+$0xE0];
	v15 =	vmul.f32 $2.000000030e-01, v7;
	v4 =	vmul.f32 $1.442695020e+00, v4  }
0x140: {  	vm6 =	vge.f32 v7, $0.0e+00;
	v12 =	vld [tilespmem:s16+$0x10]  }
0x141: {  	v7 =	vsel vm6, v7, v15;
	v15 =	vld [tilespmem:s9+$0xFFFFFF00];
	(erf) = vpow2.f32 v4  }
0x142: {  	v13 =	vadd.f32 v14, v13;
	v7 =	vmul.f32 $1.442695020e+00, v7;
	v4 =	vadd.f32 v11, v5;
	v5 =	vld [tilespmem:s16+$0x20]  }
0x143: {  	vm7 =	vge.f32 v9, $0.0e+00;
	v11 =	vmul.f32 $2.000000030e-01, v9  }
0x144: {  	vm8 =	vge.f32 v13, $0.0e+00;
	(erf) = vpow2.f32 v7;
	vm1 =	vge.f32 v4, $0.0e+00  }
0x145: {  	v16 =	vmul.f32 $2.000000030e-01, v4;
	v9 =	vsel vm7, v9, v11;
	v8 =	vadd.f32 v12, v8  }
0x146: {  	v11 =	vmul.f32 $2.000000030e-01, v13;
	v6 =	vadd.f32 v6, v15;
	v9 =	vmul.f32 $1.442695020e+00, v9  }
0x147: {  	v4 =	vsel vm1, v4, v16;
	v7 =	vmul.f32 $2.000000030e-01, v8;
	v5 =	vadd.f32 v5, v10  }
0x148: {  	vm9 =	vge.f32 v8, $0.0e+00;
	vm11 =	vge.f32 v6, $0.0e+00;
	v4 =	vmul.f32 $1.442695020e+00, v4  }
0x149: {  	v10 =	vsel vm8, v13, v11;
	v7 =	vsel vm9, v8, v7;
	v8 =	vmul.f32 $2.000000030e-01, v5  }
0x14a: {  	s0 =	simm.s32 $0xBCC0;
	s1 =	simm.s32 $0x7440;
	v11 =	vmul.f32 $2.000000030e-01, v6;
	vm10 =	vge.f32 v5, $0.0e+00;
	v15 =	vpop (erf);
	(erf) = vpow2.f32 v9  }
0x14b: {  	v23 =	vld [tilespmem:s1+$0x130];
	v10 =	vmul.f32 $1.442695020e+00, v10;
	[tilespmem:s0+$0x130] =	vst v15;
	(erf) = vpow2.f32 v4;
	v4 =	vsel vm10, v5, v8  }
0x14c: {  	s17 =	simm.s32 $0x96C0;
	v7 =	vmul.f32 $1.442695020e+00, v7;
	v6 =	vsel vm11, v6, v11;
	v9 =	vld [tilespmem:s9+$0xF0];
	v4 =	vmul.f32 $1.442695020e+00, v4  }
0x14d: {  	v26 =	vld [tilespmem:s17+$0x30];
	v5 =	vmul.f32 $1.442695020e+00, v6;
	(erf) = vpow2.f32 v10  }
0x14e: {  	(erf) = vpow2.f32 v7  }
0x14f: {  	v6 =	vperm.xlane v15, v0;
	(erf) = vpow2.f32 v5  }
0x150: {  	(erf) = vpow2.f32 v4;
	v4 =	vpop (erf)  }
0x151: {  	v29 =	vld [tilespmem:s17+$0xFFFFFFC0];
	v5 =	vmul.f32 v9, v6;
	[tilespmem:s0+$0xFFFFFF50] =	vst v4  }
0x152: {  	v23 =	vadd.f32 v26, v23;
	v10 =	vld [tilespmem:s9+$0xFFFFFF10]  }
0x153: {  	v32 =	vld [tilespmem:s1+$0xFFFFFF50]  }
0x154: {  	v35 =	vld [tilespmem:s17+$0xFFFFFFD0];
	v40 =	vmul.f32 $2.000000030e-01, v23;
	v12 =	vperm.xlane v15, v1;
	[tilespmem:s0+$0xF0] =	vst v5  }
0x155: {  	v34 =	vperm.xlane v15, v2;
	v14 =	vperm.xlane v4, v0;
	v8 =	vld [tilespmem:s9+$0x100];
	v5 =	vpop (erf)  }
0x156: {  	v38 =	vld [tilespmem:s17+$0xFFFFFFE0];
	[tilespmem:s0+$0xFFFFFFA0] =	vst v5;
	v6 =	vpop (erf);
	v18 =	vperm.xlane v5, v0;
	v36 =	vperm.xlane v5, v2  }
0x157: {  	v11 =	vld [tilespmem:s9+$0xFFFFFF60];
	[tilespmem:s0+$0xFFFFFFF0] =	vst v6;
	v7 =	vpop (erf);
	v10 =	vmul.f32 v10, v14;
	v14 =	vperm.xlane v6, v0  }
0x158: {  	v24 =	vperm.xlane v6, v1;
	v37 =	vperm.xlane v6, v2;
	v13 =	vld [tilespmem:s9+$0xFFFFFFB0];
	[tilespmem:s0+$0x40] =	vst v7;
	v9 =	vpop (erf)  }
0x159: {  	v21 =	vperm.xlane v7, v0;
	v28 =	vperm.xlane v7, v1;
	v16 =	vld [tilespmem:s9+$0x0];
	[tilespmem:s0+$0x90] =	vst v9;
	v17 =	vpop (erf)  }
0x15a: {  	v8 =	vmul.f32 v8, v12;
	v30 =	vperm.xlane v9, v1;
	[tilespmem:s0+$0xFFFFFF00] =	vst v17;
	v19 =	vld [tilespmem:s9+$0x50];
	v12 =	vpop (erf)  }
0x15b: {  	v25 =	vperm.xlane v17, v1;
	v33 =	vperm.xlane v17, v2;
	v20 =	vld [tilespmem:s9+$0xFFFFFEC0];
	[tilespmem:s0+$0xE0] =	vst v12  }
0x15c: {  	v56 =	vld [tilespmem:s1+$0xFFFFFF00];
	[tilespmem:s0+$0x100] =	vst v8;
	v8 =	vperm.xlane v9, v0;
	v27 =	vperm.xlane v12, v0  }
0x15d: {  	v31 =	vperm.xlane v12, v1;
	v11 =	vmul.f32 v11, v18;
	v18 =	vld [tilespmem:s9+$0xA0]  }
0x15e: {  	[tilespmem:s0+$0xFFFFFF10] =	vst v10;
	v10 =	vmul.f32 v13, v14;
	v13 =	vld [tilespmem:s9+$0x110];
	v14 =	vperm.xlane v17, v0  }
0x15f: {  	v22 =	vld [tilespmem:s9+$0xFFFFFF20];
	[tilespmem:s0+$0xFFFFFF60] =	vst v11;
	v11 =	vmul.f32 v16, v21;
	v8 =	vmul.f32 v19, v8  }
0x160: {  	v16 =	vld [tilespmem:s9+$0xFFFFFF70];
	[tilespmem:s0+$0xFFFFFFB0] =	vst v10;
	v10 =	vmul.f32 v20, v14;
	v14 =	vperm.xlane v4, v2  }
0x161: {  	v19 =	vld [tilespmem:s9+$0xFFFFFFC0];
	[tilespmem:s0+$0x0] =	vst v11;
	v11 =	vperm.xlane v5, v1;
	v5 =	vperm.xlane v5, v3  }
0x162: {  	v20 =	vld [tilespmem:s9+$0x10];
	v18 =	vmul.f32 v18, v27;
	[tilespmem:s0+$0xFFFFFEC0] =	vst v10;
	v10 =	vperm.xlane v4, v1  }
0x163: {  	[tilespmem:s0+$0x50] =	vst v8;
	v27 =	vld [tilespmem:s1+$0xFFFFFFA0];
	v34 =	vmul.f32 v13, v34;
	v13 =	vperm.xlane v7, v2  }
0x164: {  	v8 =	vld [tilespmem:s9+$0x60];
	v4 =	vperm.xlane v4, v3;
	v7 =	vperm.xlane v7, v3  }
0x165: {  	v21 =	vld [tilespmem:s9+$0xFFFFFED0];
	v22 =	vmul.f32 v22, v10;
	v16 =	vmul.f32 v16, v11  }
0x166: {  	v39 =	vld [tilespmem:s17+$0xFFFFFFF0];
	v29 =	vadd.f32 v29, v56;
	v10 =	vperm.xlane v9, v2;
	v11 =	vperm.xlane v12, v2  }
0x167: {  	v26 =	vld [tilespmem:s1+$0xFFFFFFF0];
	vm12 =	vge.f32 v23, $0.0e+00;
	v9 =	vperm.xlane v9, v3;
	v24 =	vmul.f32 v19, v24  }
0x168: {  	v41 =	vld [tilespmem:s1+$0x40];
	v19 =	vsel vm12, v23, v40;
	v23 =	vadd.f32 v35, v32;
	v20 =	vmul.f32 v20, v28  }
0x169: {  	vm7 =	vge.f32 v29, $0.0e+00;
	v28 =	vld [tilespmem:s17+$0x0];
	v19 =	vmul.f32 $1.442695020e+00, v19;
	v8 =	vmul.f32 v8, v30  }
0x16a: {  	v27 =	vadd.f32 v38, v27;
	v30 =	vld [tilespmem:s1+$0x90];
	v32 =	vmul.f32 $2.000000030e-01, v23;
	v21 =	vmul.f32 v21, v25  }
0x16b: {  	vm13 =	vge.f32 v23, $0.0e+00;
	v25 =	vperm.xlane v15, v3;
	v15 =	vld [tilespmem:s17+$0x10];
	(erf) = vpow2.f32 v19  }
0x16c: {  	v55 =	vld [tilespmem:s1+$0xE0];
	v19 =	vperm.xlane v17, v3;
	v17 =	vadd.f32 v39, v26;
	v38 =	vmul.f32 $2.000000030e-01, v27  }
0x16d: {  	s14 =	simm.s32 $0x76C0;
	[tilespmem:s0+$0x110] =	vst v34;
	v26 =	vld [tilespmem:s17+$0x20];
	vm14 =	vge.f32 v27, $0.0e+00;
	v23 =	vsel vm13, v23, v32;
	v32 =	vmul.f32 $2.000000030e-01, v29  }
0x16e: {  	[tilespmem:s0+$0xA0] =	vst v18;
	v18 =	vld [tilespmem:s9+$0x120];
	v39 =	vmul.f32 $2.000000030e-01, v17;
	v23 =	vmul.f32 $1.442695020e+00, v23;
	v27 =	vsel vm14, v27, v38  }
0x16f: {  	v49 =	vld [tilespmem:s14+$0x130];
	[tilespmem:s0+$0x60] =	vst v8;
	vm15 =	vge.f32 v17, $0.0e+00;
	v28 =	vadd.f32 v28, v41;
	v27 =	vmul.f32 $1.442695020e+00, v27  }
0x170: {  	[tilespmem:s0+$0xFFFFFED0] =	vst v21;
	v21 =	vld [tilespmem:s9+$0xB0];
	v17 =	vsel vm15, v17, v39;
	(erf) = vpow2.f32 v23;
	v15 =	vadd.f32 v15, v30  }
0x171: {  	s8 =	simm.s32 $0x9740;
	v58 =	vld [tilespmem:s9+$0x70];
	vm4 =	vge.f32 v28, $0.0e+00;
	v30 =	vmul.f32 $2.000000030e-01, v28;
	v17 =	vmul.f32 $1.442695020e+00, v17  }
0x172: {  	v50 =	vld [tilespmem:s8+$0x30];
	v26 =	vadd.f32 v26, v55;
	(erf) = vpow2.f32 v27;
	v23 =	vmul.f32 $2.000000030e-01, v15  }
0x173: {  	v51 =	vld [tilespmem:s8+$0xFFFFFFC0];
	[tilespmem:s0+$0xFFFFFF20] =	vst v22;
	v25 =	vmul.f32 v18, v25;
	vm5 =	vge.f32 v15, $0.0e+00;
	v28 =	vsel vm4, v28, v30  }
0x174: {  	v56 =	vld [tilespmem:s14+$0xFFFFFFA0];
	s16 =	simm.s32 $0xBF40;
	[tilespmem:s0+$0xFFFFFF70] =	vst v16;
	v30 =	vmul.f32 $2.000000030e-01, v26;
	(erf) = vpow2.f32 v17;
	v23 =	vsel vm5, v15, v23;
	v15 =	vpop (erf)  }
0x175: {  	v16 =	vld [tilespmem:s9+$0xFFFFFF30];
	vm6 =	vge.f32 v26, $0.0e+00;
	v8 =	vmul.f32 v21, v31;
	v28 =	vmul.f32 $1.442695020e+00, v28;
	[tilespmem:s16+$0x130] =	vst v15  }
0x176: {  	v35 =	vmul.f32 v58, v10;
	v22 =	vmul.f32 $1.442695020e+00, v23;
	v23 =	vsel vm7, v29, v32;
	v27 =	vld [tilespmem:s1+$0xF0]  }
0x177: {  	[tilespmem:s0+$0xFFFFFFC0] =	vst v24;
	v24 =	vld [tilespmem:s9+$0xFFFFFF80];
	v17 =	vsel vm6, v26, v30;
	(erf) = vpow2.f32 v28;
	v23 =	vmul.f32 $1.442695020e+00, v23  }
0x178: {  	[tilespmem:s0+$0x10] =	vst v20;
	v57 =	vld [tilespmem:s9+$0xFFFFFEE0];
	v17 =	vmul.f32 $1.442695020e+00, v17;
	(erf) = vpow2.f32 v22  }
0x179: {  	[tilespmem:s0+$0xB0] =	vst v8;
	v28 =	vld [tilespmem:s9+$0xFFFFFFD0];
	v20 =	vperm.xlane v15, v0;
	(erf) = vpow2.f32 v23  }
0x17a: {  	v8 =	vperm.xlane v6, v3;
	v6 =	vperm.xlane v12, v3;
	v18 =	vld [tilespmem:s9+$0xC0];
	v31 =	vpop (erf)  }
0x17b: {  	v23 =	vld [tilespmem:s9+$0x20];
	(erf) = vpow2.f32 v17;
	[tilespmem:s16+$0xFFFFFF50] =	vst v31;
	v59 =	vpop (erf);
	v17 =	vmul.f32 v27, v20  }
0x17c: {  	v10 =	vperm.xlane v15, v3;
	v22 =	vmul.f32 v16, v14;
	[tilespmem:s16+$0xFFFFFFA0] =	vst v59;
	v27 =	vld [tilespmem:s1+$0xFFFFFF10]  }
0x17d: {  	v16 =	vperm.xlane v15, v1;
	v12 =	vperm.xlane v31, v0;
	v29 =	vld [tilespmem:s1+$0xFFFFFF60];
	[tilespmem:s16+$0xF0] =	vst v17  }
0x17e: {  	v30 =	vperm.xlane v31, v1;
	v20 =	vmul.f32 v57, v33;
	v60 =	vpop (erf);
	v17 =	vld [tilespmem:s1+$0x100]  }
0x17f: {  	v26 =	vperm.xlane v31, v2;
	v21 =	vmul.f32 v28, v37;
	v57 =	vld [tilespmem:s14+$0xFFFFFFF0];
	[tilespmem:s16+$0xFFFFFFF0] =	vst v60  }
0x180: {  	v28 =	vperm.xlane v59, v0;
	v55 =	vperm.xlane v60, v1;
	[tilespmem:s0+$0xFFFFFEE0] =	vst v20;
	v14 =	vld [tilespmem:s1+$0xFFFFFFB0];
	v61 =	vpop (erf)  }
0x181: {  	v20 =	vmul.f32 v24, v36;
	v23 =	vmul.f32 v23, v13;
	v38 =	vld [tilespmem:s9+$0xFFFFFEF0];
	[tilespmem:s16+$0x40] =	vst v61;
	v62 =	vpop (erf)  }
0x182: {  	v54 =	vperm.xlane v61, v0;
	v24 =	vld [tilespmem:s1+$0x0];
	v12 =	vmul.f32 v27, v12;
	[tilespmem:s16+$0x90] =	vst v62;
	v63 =	vpop (erf)  }
0x183: {  	v28 =	vmul.f32 v29, v28;
	[tilespmem:s16+$0xFFFFFF00] =	vst v63;
	v53 =	vld [tilespmem:s1+$0x50];
	v16 =	vmul.f32 v17, v16  }
0x184: {  	v29 =	vperm.xlane v59, v2;
	[tilespmem:s16+$0xFFFFFF10] =	vst v12;
	v17 =	vperm.xlane v60, v0;
	v27 =	vld [tilespmem:s1+$0xFFFFFEC0]  }
0x185: {  	v47 =	vperm.xlane v62, v1;
	v32 =	vperm.xlane v63, v2;
	v43 =	vld [tilespmem:s1+$0xFFFFFF20];
	[tilespmem:s16+$0x100] =	vst v16  }
0x186: {  	v37 =	vpop (erf);
	[tilespmem:s16+$0xFFFFFF60] =	vst v28;
	v16 =	vperm.xlane v62, v0;
	v12 =	vmul.f32 v14, v17;
	v14 =	vld [tilespmem:s1+$0x110]  }
0x187: {  	v28 =	vperm.xlane v60, v2;
	[tilespmem:s16+$0xE0] =	vst v37;
	v13 =	vld [tilespmem:s1+$0xFFFFFF70];
	v24 =	vmul.f32 v24, v54  }
0x188: {  	v42 =	vld [tilespmem:s1+$0xA0];
	v17 =	vperm.xlane v63, v0;
	[tilespmem:s16+$0xFFFFFFB0] =	vst v12;
	v12 =	vmul.f32 v53, v16  }
0x189: {  	v48 =	vperm.xlane v37, v1;
	[tilespmem:s16+$0x0] =	vst v24;
	v24 =	vperm.xlane v15, v2;
	v53 =	vld [tilespmem:s8+$0xFFFFFFE0]  }
0x18a: {  	v15 =	vperm.xlane v31, v3;
	v31 =	vld [tilespmem:s8+$0xFFFFFFF0];
	v16 =	vmul.f32 v27, v17;
	[tilespmem:s16+$0x50] =	vst v12  }
0x18b: {  	v19 =	vmul.f32 v38, v19;
	v45 =	vld [tilespmem:s1+$0x60];
	v14 =	vmul.f32 v14, v24  }
0x18c: {  	v17 =	vld [tilespmem:s1+$0xFFFFFFC0];
	v27 =	vperm.xlane v59, v1;
	v43 =	vmul.f32 v43, v30;
	[tilespmem:s16+$0xFFFFFEC0] =	vst v16  }
0x18d: {  	v30 =	vperm.xlane v61, v2;
	v16 =	vperm.xlane v37, v0;
	v46 =	vld [tilespmem:s1+$0xFFFFFED0];
	[tilespmem:s16+$0x110] =	vst v14  }
0x18e: {  	v12 =	vperm.xlane v63, v1;
	v27 =	vmul.f32 v13, v27;
	v14 =	vld [tilespmem:s1+$0x120]  }
0x18f: {  	v52 =	vld [tilespmem:s8+$0xFFFFFFD0];
	v24 =	vperm.xlane v61, v1;
	v42 =	vmul.f32 v42, v16  }
0x190: {  	v13 =	vld [tilespmem:s14+$0xFFFFFF50];
	v45 =	vmul.f32 v45, v47;
	v47 =	vmul.f32 v18, v11;
	v11 =	vadd.f32 v50, v49  }
0x191: {  	v44 =	vld [tilespmem:s1+$0x10];
	[tilespmem:s16+$0xFFFFFF20] =	vst v43;
	v16 =	vperm.xlane v62, v2;
	v53 =	vadd.f32 v53, v56;
	v41 =	vmul.f32 v17, v55  }
0x192: {  	v34 =	vld [tilespmem:s1+$0xFFFFFF30];
	v31 =	vadd.f32 v31, v57;
	v46 =	vmul.f32 v46, v12;
	v58 =	vmul.f32 $2.000000030e-01, v11  }
0x193: {  	v12 =	vperm.xlane v59, v3;
	v59 =	vld [tilespmem:s14+$0x40];
	vm8 =	vge.f32 v11, $0.0e+00;
	v50 =	vmul.f32 v14, v10  }
0x194: {  	v10 =	vperm.xlane v60, v3;
	v60 =	vld [tilespmem:s8+$0x0];
	v14 =	vperm.xlane v61, v3;
	v11 =	vsel vm8, v11, v58  }
0x195: {  	[tilespmem:s0+$0x120] =	vst v25;
	v57 =	vld [tilespmem:s14+$0xFFFFFF00];
	v61 =	vadd.f32 v52, v13;
	v13 =	vperm.xlane v62, v3;
	v62 =	vmul.f32 $1.442695020e+00, v11  }
0x196: {  	[tilespmem:s0+$0xFFFFFF30] =	vst v22;
	v17 =	vperm.xlane v37, v2;
	v24 =	vmul.f32 v44, v24  }
0x197: {  	v33 =	vld [tilespmem:s14+$0x90];
	[tilespmem:s0+$0xFFFFFF80] =	vst v20;
	v56 =	vmul.f32 $2.000000030e-01, v53;
	vm10 =	vge.f32 v53, $0.0e+00;
	(erf) = vpow2.f32 v62  }
0x198: {  	[tilespmem:s16+$0xFFFFFF70] =	vst v27;
	vm11 =	vge.f32 v31, $0.0e+00;
	v18 =	vperm.xlane v63, v3;
	v63 =	vld [tilespmem:s8+$0x10];
	v25 =	vmul.f32 $2.000000030e-01, v61  }
0x199: {  	v54 =	vld [tilespmem:s14+$0xE0];
	[tilespmem:s16+$0xA0] =	vst v42;
	v42 =	vmul.f32 v34, v26;
	vm9 =	vge.f32 v61, $0.0e+00;
	v27 =	vadd.f32 v60, v59  }
0x19a: {  	[tilespmem:s0+$0x20] =	vst v23;
	v55 =	vld [tilespmem:s8+$0x20];
	v39 =	vadd.f32 v51, v57;
	v58 =	vmul.f32 $2.000000030e-01, v31;
	v25 =	vsel vm9, v61, v25  }
0x19b: {  	v20 =	vld [tilespmem:s9+$0xFFFFFF40];
	[tilespmem:s16+$0xFFFFFFC0] =	vst v41;
	v25 =	vmul.f32 $1.442695020e+00, v25;
	v59 =	vsel vm10, v53, v56;
	v61 =	vmul.f32 $2.000000030e-01, v27  }
0x19c: {  	v23 =	vld [tilespmem:s9+$0xFFFFFF90];
	[tilespmem:s16+$0x10] =	vst v24;
	v51 =	vmul.f32 $2.000000030e-01, v39;
	v24 =	vmul.f32 $1.442695020e+00, v59;
	vm12 =	vge.f32 v27, $0.0e+00  }
0x19d: {  	v40 =	vld [tilespmem:s1+$0xFFFFFF80];
	[tilespmem:s16+$0xFFFFFED0] =	vst v46;
	v33 =	vadd.f32 v63, v33;
	(erf) = vpow2.f32 v25;
	v27 =	vsel vm12, v27, v61  }
0x19e: {  	[tilespmem:s0+$0xC0] =	vst v47;
	v41 =	vld [tilespmem:s1+$0xFFFFFEE0];
	vm15 =	vge.f32 v39, $0.0e+00;
	v31 =	vsel vm11, v31, v58;
	(erf) = vpow2.f32 v24  }
0x19f: {  	[tilespmem:s0+$0xFFFFFFD0] =	vst v21;
	v26 =	vld [tilespmem:s9+$0xD0];
	v21 =	vsel vm15, v39, v51;
	v62 =	vadd.f32 v55, v54;
	v25 =	vmul.f32 $2.000000030e-01, v33  }
0x1a0: {  	s6 =	simm.s32 $0xC1C0;
	v63 =	vld [tilespmem:s1+$0xFFFFFFD0];
	[tilespmem:s16+$0x120] =	vst v50;
	vm13 =	vge.f32 v33, $0.0e+00;
	v22 =	vmul.f32 $1.442695020e+00, v31;
	v52 =	vmul.f32 $1.442695020e+00, v27;
	v27 =	vpop (erf)  }
0x1a1: {  	v50 =	vld [tilespmem:s1+$0x20];
	v21 =	vmul.f32 $1.442695020e+00, v21;
	v49 =	vmul.f32 $2.000000030e-01, v62;
	v25 =	vsel vm13, v33, v25;
	[tilespmem:s6+$0x130] =	vst v27  }
0x1a2: {  	[tilespmem:s16+$0x60] =	vst v45;
	vm14 =	vge.f32 v62, $0.0e+00;
	(erf) = vpow2.f32 v22;
	v25 =	vmul.f32 $1.442695020e+00, v25;
	v53 =	vld [tilespmem:s14+$0xF0]  }
0x1a3: {  	v31 =	vld [tilespmem:s1+$0x70];
	v33 =	vsel vm14, v62, v49;
	v62 =	vmul.f32 v41, v32;
	(erf) = vpow2.f32 v52  }
0x1a4: {  	v60 =	vld [tilespmem:s1+$0xB0];
	v33 =	vmul.f32 $1.442695020e+00, v33;
	(erf) = vpow2.f32 v25  }
0x1a5: {  	[tilespmem:s0+$0x70] =	vst v35;
	v24 =	vld [tilespmem:s9+$0xFFFFFFE0];
	v55 =	vperm.xlane v27, v0;
	(erf) = vpow2.f32 v21  }
0x1a6: {  	v40 =	vmul.f32 v40, v29;
	v22 =	vld [tilespmem:s9+$0x30];
	[tilespmem:s16+$0xFFFFFEE0] =	vst v62;
	v21 =	vpop (erf);
	(erf) = vpow2.f32 v33  }
0x1a7: {  	v11 =	vperm.xlane v37, v3;
	v44 =	vld [tilespmem:s1+$0xFFFFFEF0];
	[tilespmem:s6+$0xFFFFFF50] =	vst v21;
	v32 =	vpop (erf);
	v36 =	vmul.f32 v53, v55  }
0x1a8: {  	v39 =	vmul.f32 v50, v30;
	v41 =	vmul.f32 v63, v28;
	v61 =	vld [tilespmem:s14+$0xFFFFFF10];
	[tilespmem:s6+$0xFFFFFFA0] =	vst v32  }
0x1a9: {  	v54 =	vmul.f32 v60, v48;
	v62 =	vperm.xlane v27, v1;
	v63 =	vld [tilespmem:s14+$0xFFFFFF60];
	[tilespmem:s6+$0xF0] =	vst v36  }
0x1aa: {  	[tilespmem:s0+$0xFFFFFEF0] =	vst v19;
	v60 =	vperm.xlane v21, v0;
	v57 =	vperm.xlane v21, v1;
	v29 =	vld [tilespmem:s14+$0x100]  }
0x1ab: {  	[tilespmem:s16+$0xB0] =	vst v54;
	v25 =	vld [tilespmem:s9+$0x80];
	v19 =	vperm.xlane v21, v2;
	v28 =	vperm.xlane v32, v0;
	v34 =	vpop (erf)  }
0x1ac: {  	v43 =	vld [tilespmem:s1+$0xC0];
	v46 =	vperm.xlane v32, v1;
	[tilespmem:s6+$0xFFFFFFF0] =	vst v34;
	v48 =	vperm.xlane v34, v1;
	v36 =	vpop (erf)  }
0x1ad: {  	v30 =	vmul.f32 v61, v60;
	v60 =	vperm.xlane v34, v0;
	v61 =	vld [tilespmem:s14+$0xFFFFFFB0];
	[tilespmem:s6+$0x40] =	vst v36;
	v37 =	vpop (erf)  }
0x1ae: {  	v51 =	vperm.xlane v36, v0;
	v28 =	vmul.f32 v63, v28;
	v52 =	vld [tilespmem:s14+$0x0];
	[tilespmem:s6+$0x90] =	vst v37;
	v45 =	vpop (erf)  }
0x1af: {  	v49 =	vperm.xlane v36, v1;
	[tilespmem:s6+$0xFFFFFF00] =	vst v45;
	v55 =	vld [tilespmem:s14+$0x50];
	v38 =	vpop (erf);
	v29 =	vmul.f32 v29, v62  }
0x1b0: {  	v63 =	vperm.xlane v27, v2;
	v53 =	vperm.xlane v37, v0;
	v56 =	vld [tilespmem:s14+$0xFFFFFEC0];
	[tilespmem:s6+$0xE0] =	vst v38  }
0x1b1: {  	v50 =	vperm.xlane v37, v1;
	v54 =	vperm.xlane v45, v0;
	v33 =	vld [tilespmem:s14+$0xA0];
	[tilespmem:s6+$0x100] =	vst v29  }
0x1b2: {  	[tilespmem:s6+$0xFFFFFF10] =	vst v30;
	v47 =	vperm.xlane v45, v1;
	v29 =	vmul.f32 v61, v60;
	v59 =	vld [tilespmem:s14+$0x110]  }
0x1b3: {  	[tilespmem:s6+$0xFFFFFF60] =	vst v28;
	v28 =	vperm.xlane v45, v2;
	v60 =	vld [tilespmem:s14+$0xFFFFFF20];
	v30 =	vmul.f32 v52, v51  }
0x1b4: {  	v58 =	vperm.xlane v38, v0;
	v52 =	vld [tilespmem:s14+$0xFFFFFF70];
	[tilespmem:s6+$0xFFFFFFB0] =	vst v29;
	v29 =	vmul.f32 v55, v53  }
0x1b5: {  	v35 =	vperm.xlane v38, v1;
	v54 =	vmul.f32 v56, v54;
	v53 =	vld [tilespmem:s14+$0xFFFFFFC0];
	[tilespmem:s6+$0x0] =	vst v30  }
0x1b6: {  	v30 =	vperm.xlane v32, v2;
	v51 =	vld [tilespmem:s14+$0x10];
	[tilespmem:s6+$0x50] =	vst v29;
	v58 =	vmul.f32 v33, v58  }
0x1b7: {  	v29 =	vperm.xlane v34, v2;
	[tilespmem:s6+$0xFFFFFEC0] =	vst v54;
	v54 =	vld [tilespmem:s14+$0x60];
	v56 =	vmul.f32 v59, v63  }
0x1b8: {  	s10 =	simm.s32 $0x7940;
	s9 =	simm.s32 $0x10;
	v33 =	vperm.xlane v36, v2;
	v57 =	vmul.f32 v60, v57;
	v55 =	vld [tilespmem:s14+$0xFFFFFED0];
	[tilespmem:s6+$0xA0] =	vst v58  }
.LBB2_7:
0x1b9: {  	v58 =	vld [tilespmem:s10+$0x130];
	v46 =	vmul.f32 v52, v46;
	v52 =	vperm.xlane v37, v2;
	[tilespmem:s6+$0x110] =	vst v56  }
0x1ba: {  	s8 =	sadd.s32 $0x80, s8;
	[tilespmem:s6+$0xFFFFFF20] =	vst v57;
	v48 =	vmul.f32 v53, v48;
	v53 =	vperm.xlane v38, v2;
	v56 =	vld [tilespmem:s14+$0x120]  }
0x1bb: {  	s9 =	sadd.s32 $0x8, s9;
	v31 =	vmul.f32 v31, v16;
	v57 =	vld [tilespmem:s8+$0x30];
	[tilespmem:s6+$0xFFFFFF70] =	vst v46;
	v46 =	vmul.f32 v51, v49;
	v16 =	vmov v52  }
0x1bc: {  	v43 =	vmul.f32 v43, v17;
	p0 =	slt.u32 s9, $0x58;
	v49 =	vld [tilespmem:s8+$0xFFFFFFC0];
	[tilespmem:s6+$0xFFFFFFC0] =	vst v48;
	v48 =	vmul.f32 v54, v50;
	v17 =	vmov v53  }
0x1bd: {  	v27 =	vperm.xlane v27, v3;
	v50 =	vld [tilespmem:s10+$0xFFFFFF50];
	v47 =	vmul.f32 v55, v47;
	[tilespmem:s6+$0x10] =	vst v46  }
0x1be: {  	v45 =	vperm.xlane v45, v3;
	v21 =	vperm.xlane v21, v3;
	v46 =	vld [tilespmem:s8+$0xFFFFFFD0];
	[tilespmem:s6+$0x60] =	vst v48  }
0x1bf: {  	v32 =	vperm.xlane v32, v3;
	v48 =	vld [tilespmem:s10+$0xFFFFFFA0];
	[tilespmem:s6+$0xFFFFFED0] =	vst v47;
	v27 =	vmul.f32 v56, v27  }
0x1c0: {  	v34 =	vperm.xlane v34, v3;
	v36 =	vperm.xlane v36, v3;
	v47 =	vld [tilespmem:s8+$0xFFFFFFE0];
	v51 =	vadd.f32 v57, v58;
	[tilespmem:s16+$0xFFFFFF30] =	vst v42  }
0x1c1: {  	v37 =	vperm.xlane v37, v3;
	v38 =	vperm.xlane v38, v3;
	v42 =	vld [tilespmem:s10+$0xFFFFFFF0];
	[tilespmem:s6+$0x120] =	vst v27  }
0x1c2: {  	v44 =	vmul.f32 v44, v18;
	v18 =	vmov v45;
	v27 =	vld [tilespmem:s8+$0xFFFFFFF0];
	v52 =	vmul.f32 $2.000000030e-01, v51;
	[tilespmem:s16+$0xFFFFFF80] =	vst v40  }
0x1c3: {  	v20 =	vmul.f32 v20, v4;
	v4 =	vmovc v15;
	vm0 =	vge.f32 v51, $0.0e+00;
	v40 =	vadd.f32 v46, v50;
	v45 =	vld [tilespmem:s10+$0x40];
	[tilespmem:s16+$0xFFFFFFD0] =	vst v41  }
0x1c4: {  	v23 =	vmul.f32 v23, v5;
	v24 =	vmul.f32 v24, v8;
	v41 =	vld [tilespmem:s8+$0x0];
	v50 =	vsel vm0, v51, v52;
	[tilespmem:s16+$0x20] =	vst v39  }
0x1c5: {  	v5 =	vmovc v12;
	v15 =	vmovc v21;
	v39 =	vmul.f32 $2.000000030e-01, v40;
	v46 =	vadd.f32 v47, v48;
	v47 =	vld [tilespmem:s10+$0x90];
	v48 =	vmul.f32 $1.442695020e+00, v50;
	[tilespmem:s16+$0x70] =	vst v31  }
0x1c6: {  	v22 =	vmul.f32 v22, v7;
	v25 =	vmul.f32 v25, v9;
	v12 =	vmovc v32;
	vm0 =	vge.f32 v40, $0.0e+00;
	v21 =	vld [tilespmem:s8+$0x10];
	[tilespmem:s16+$0xC0] =	vst v43  }
0x1c7: {  	v8 =	vmovc v10;
	v10 =	vmovc v34;
	v31 =	vmul.f32 $2.000000030e-01, v46;
	v27 =	vadd.f32 v27, v42;
	v32 =	vld [tilespmem:s10+$0xE0];
	(erf) = vpow2.f32 v48;
	[tilespmem:s16+$0xFFFFFEF0] =	vst v44  }
0x1c8: {  	v7 =	vmovc v14;
	v34 =	vsel vm0, v40, v39;
	vm0 =	vge.f32 v46, $0.0e+00;
	v39 =	vld [tilespmem:s8+$0x20];
	[tilespmem:s0+$0xFFFFFF40] =	vst v20;
	v20 =	vmul.f32 v26, v6  }
0x1c9: {  	v9 =	vmovc v13;
	v14 =	vmovc v36;
	v26 =	vld [tilespmem:s10+$0xFFFFFF00];
	vm1 =	vge.f32 v27, $0.0e+00;
	v40 =	vmul.f32 $2.000000030e-01, v27;
	v41 =	vadd.f32 v41, v45;
	[tilespmem:s0+$0xFFFFFF90] =	vst v23  }
0x1ca: {  	v13 =	vmovc v37;
	v6 =	vmovc v11;
	v11 =	vmov v38;
	v23 =	vmul.f32 $1.442695020e+00, v34;
	v31 =	vsel vm0, v46, v31;
	v34 =	vld [tilespmem:s14+$0xB0];
	[tilespmem:s0+$0xFFFFFFE0] =	vst v24  }
0x1cb: {  	vm0 =	vge.f32 v41, $0.0e+00;
	v24 =	vmul.f32 $2.000000030e-01, v41;
	v21 =	vadd.f32 v21, v47;
	v36 =	vld [tilespmem:s14+$0xFFFFFEE0];
	[tilespmem:s0+$0x30] =	vst v22  }
0x1cc: {  	v22 =	vmul.f32 $1.442695020e+00, v31;
	v27 =	vsel vm1, v27, v40;
	(erf) = vpow2.f32 v23;
	v37 =	vld [tilespmem:s14+$0xFFFFFF30];
	[tilespmem:s0+$0x80] =	vst v25  }
0x1cd: {  	vm1 =	vge.f32 v21, $0.0e+00;
	v23 =	vmul.f32 $2.000000030e-01, v21;
	v25 =	vadd.f32 v39, v32;
	v32 =	vld [tilespmem:s14+$0xFFFFFF80];
	[tilespmem:s0+$0xD0] =	vst v20;
	s0 =	smov.u32 s16;
	s16 =	smov.u32 s6  }
0x1ce: {  	v38 =	vmul.f32 $1.442695020e+00, v27;
	v20 =	vsel vm0, v41, v24;
	v26 =	vadd.f32 v49, v26;
	v39 =	vld [tilespmem:s14+$0xFFFFFFD0]  }
0x1cf: {  	s6 =	sadd.s32 $0x280, s6;
	v21 =	vsel vm1, v21, v23;
	vm0 =	vge.f32 v25, $0.0e+00;
	v23 =	vmul.f32 $2.000000030e-01, v25;
	v44 =	vld [tilespmem:s14+$0x20]  }
0x1d0: {  	v40 =	vmul.f32 $1.442695020e+00, v20;
	vm1 =	vge.f32 v26, $0.0e+00;
	v24 =	vmul.f32 $2.000000030e-01, v26;
	v27 =	vpop (erf);
	v31 =	vld [tilespmem:s14+$0x70]  }
0x1d1: {  	v21 =	vmul.f32 $1.442695020e+00, v21;
	v23 =	vsel vm0, v25, v23;
	[tilespmem:s6+$0x130] =	vst v27;
	(erf) = vpow2.f32 v22;
	v20 =	vld [tilespmem:s1+$0xFFFFFF40]  }
0x1d2: {  	v22 =	vsel vm1, v26, v24;
	v25 =	vmul.f32 $1.442695020e+00, v23;
	v26 =	vld [tilespmem:s10+$0xF0];
	(erf) = vpow2.f32 v38  }
0x1d3: {  	v22 =	vmul.f32 $1.442695020e+00, v22;
	(erf) = vpow2.f32 v40;
	v23 =	vld [tilespmem:s1+$0xFFFFFF90]  }
0x1d4: {  	v34 =	vmul.f32 v34, v35;
	(erf) = vpow2.f32 v21;
	v24 =	vld [tilespmem:s1+$0xFFFFFFE0]  }
0x1d5: {  	v35 =	vperm.xlane v27, v0;
	(erf) = vpow2.f32 v22;
	v21 =	vpop (erf);
	v22 =	vld [tilespmem:s1+$0x30]  }
0x1d6: {  	[tilespmem:s6+$0xFFFFFF50] =	vst v21;
	v38 =	vperm.xlane v21, v0;
	(erf) = vpow2.f32 v25;
	v25 =	vld [tilespmem:s1+$0x80]  }
0x1d7: {  	v57 =	vperm.xlane v21, v1;
	v45 =	vld [tilespmem:s10+$0xFFFFFF10];
	v26 =	vmul.f32 v26, v35;
	[tilespmem:s16+$0xB0] =	vst v34  }
0x1d8: {  	v28 =	vmul.f32 v36, v28;
	v35 =	vperm.xlane v21, v2;
	v43 =	vld [tilespmem:s14+$0xC0]  }
0x1d9: {  	v42 =	vmul.f32 v37, v19;
	v40 =	vmul.f32 v32, v30;
	[tilespmem:s6+$0xF0] =	vst v26;
	v26 =	vld [tilespmem:s1+$0xD0];
	s1 =	smov.u32 s14;
	s14 =	smov.u32 s10  }
0x1da: {  	v41 =	vmul.f32 v39, v29;
	v39 =	vmul.f32 v44, v33;
	v19 =	vmov v35;
	v30 =	vld [tilespmem:s10+$0x100];
	v32 =	vpop (erf);
	[tilespmem:s16+$0xFFFFFEE0] =	vst v28  }
0x1db: {  	[tilespmem:s6+$0xFFFFFFA0] =	vst v32;
	v28 =	vperm.xlane v32, v0;
	v46 =	vperm.xlane v32, v1;
	v34 =	vpop (erf);
	v44 =	vld [tilespmem:s1+$0xFFFFFEF0]  }
0x1dc: {  	v29 =	vmul.f32 v45, v38;
	v33 =	vld [tilespmem:s10+$0xFFFFFF60];
	[tilespmem:s6+$0xFFFFFFF0] =	vst v34;
	v35 =	vperm.xlane v34, v0;
	v36 =	vpop (erf)  }
0x1dd: {  	v47 =	vperm.xlane v27, v1;
	v50 =	vld [tilespmem:s10+$0xFFFFFFB0];
	[tilespmem:s6+$0x40] =	vst v36;
	v51 =	vperm.xlane v36, v0;
	v37 =	vpop (erf)  }
0x1de: {  	v48 =	vperm.xlane v34, v1;
	v52 =	vld [tilespmem:s10+$0x0];
	[tilespmem:s6+$0x90] =	vst v37;
	v53 =	vperm.xlane v37, v0;
	v45 =	vpop (erf)  }
0x1df: {  	[tilespmem:s6+$0xFFFFFF00] =	vst v45;
	v54 =	vperm.xlane v45, v0;
	v55 =	vld [tilespmem:s10+$0x50];
	v30 =	vmul.f32 v30, v47;
	v38 =	vpop (erf)  }
0x1e0: {  	v47 =	vperm.xlane v45, v1;
	v56 =	vld [tilespmem:s10+$0xFFFFFEC0];
	[tilespmem:s6+$0xE0] =	vst v38;
	v58 =	vperm.xlane v38, v0  }
0x1e1: {  	v49 =	vperm.xlane v36, v1;
	v28 =	vmul.f32 v33, v28;
	v33 =	vld [tilespmem:s10+$0xA0];
	[tilespmem:s6+$0x100] =	vst v30  }
0x1e2: {  	[tilespmem:s6+$0xFFFFFF10] =	vst v29;
	v29 =	vmul.f32 v50, v35;
	v50 =	vperm.xlane v37, v1;
	v59 =	vld [tilespmem:s10+$0x110]  }
0x1e3: {  	v35 =	vperm.xlane v38, v1;
	v60 =	vld [tilespmem:s10+$0xFFFFFF20];
	[tilespmem:s6+$0xFFFFFF60] =	vst v28;
	v30 =	vmul.f32 v52, v51  }
.Ltmp2:
0x1e4: {  	v28 =	vperm.xlane v45, v2;
	v52 =	vld [tilespmem:s10+$0xFFFFFF70];
	[tilespmem:s6+$0xFFFFFFB0] =	vst v29;
	v29 =	vmul.f32 v55, v53;
	(pc) =	sbr.rel @p0 .LBB2_7-.Ltmp2, $4  }
0x1e5: {  	v55 =	vperm.xlane v27, v2;
	v54 =	vmul.f32 v56, v54;
	v53 =	vld [tilespmem:s10+$0xFFFFFFC0];
	[tilespmem:s6+$0x0] =	vst v30  }
0x1e6: {  	v30 =	vperm.xlane v32, v2;
	v51 =	vld [tilespmem:s10+$0x10];
	[tilespmem:s6+$0x50] =	vst v29;
	v58 =	vmul.f32 v33, v58  }
0x1e7: {  	v29 =	vperm.xlane v34, v2;
	[tilespmem:s6+$0xFFFFFEC0] =	vst v54;
	v54 =	vld [tilespmem:s10+$0x60];
	v56 =	vmul.f32 v59, v55  }
0x1e8: {  	v33 =	vperm.xlane v36, v2;
	s10 =	sadd.s32 $0x280, s10;
	v55 =	vld [tilespmem:s14+$0xFFFFFED0];
	v57 =	vmul.f32 v60, v57;
	[tilespmem:s6+$0xA0] =	vst v58  }
0x1e9: {  	[tilespmem:s6+$0x110] =	vst v56  }
0x1ea: {  	[tilespmem:s16+$0xFFFFFF30] =	vst v42  }
0x1eb: {  	[tilespmem:s16+$0xFFFFFF80] =	vst v40  }
0x1ec: {  	[tilespmem:s16+$0xFFFFFFD0] =	vst v41  }
0x1ed: {  	v46 =	vmul.f32 v52, v46;
	[tilespmem:s16+$0x20] =	vst v39  }
0x1ee: {  	v16 =	vmul.f32 v31, v16;
	[tilespmem:s6+$0xFFFFFF20] =	vst v57  }
0x1ef: {  	v17 =	vmul.f32 v43, v17;
	[tilespmem:s6+$0xFFFFFF70] =	vst v46  }
0x1f0: {  	v18 =	vmul.f32 v44, v18;
	[tilespmem:s16+$0x70] =	vst v16  }
0x1f1: {  	v4 =	vmul.f32 v20, v4;
	[tilespmem:s16+$0xC0] =	vst v17  }
0x1f2: {  	v5 =	vmul.f32 v23, v5;
	[tilespmem:s16+$0xFFFFFEF0] =	vst v18  }
0x1f3: {  	v8 =	vmul.f32 v24, v8;
	[tilespmem:s0+$0xFFFFFF40] =	vst v4  }
0x1f4: {  	v6 =	vmul.f32 v26, v6;
	[tilespmem:s0+$0xFFFFFF90] =	vst v5  }
0x1f5: {  	v20 =	vld [tilespmem:s14+$0xB0];
	v48 =	vmul.f32 v53, v48;
	[tilespmem:s0+$0xFFFFFFE0] =	vst v8  }
0x1f6: {  	v61 =	vld [tilespmem:s14+$0x120];
	v62 =	vmul.f32 v51, v49;
	[tilespmem:s0+$0xD0] =	vst v6  }
0x1f7: {  	v4 =	vmul.f32 v22, v7;
	v5 =	vld [tilespmem:s14+$0xFFFFFF30];
	[tilespmem:s6+$0xFFFFFFC0] =	vst v48  }
0x1f8: {  	v46 =	vld [tilespmem:s1+$0xFFFFFF40];
	v63 =	vmul.f32 v54, v50;
	[tilespmem:s6+$0x10] =	vst v62  }
0x1f9: {  	v27 =	vperm.xlane v27, v3;
	v49 =	vld [tilespmem:s1+$0xFFFFFFE0];
	v47 =	vmul.f32 v55, v47;
	[tilespmem:s0+$0x30] =	vst v4  }
0x1fa: {  	[tilespmem:s6+$0x60] =	vst v63;
	v35 =	vmul.f32 v20, v35  }
0x1fb: {  	v31 =	vld [tilespmem:s14+$0xFFFFFF80];
	[tilespmem:s6+$0xFFFFFED0] =	vst v47;
	v27 =	vmul.f32 v61, v27  }
0x1fc: {  	v4 =	vld [tilespmem:s14+$0xFFFFFFD0];
	[tilespmem:s6+$0xB0] =	vst v35;
	v5 =	vmul.f32 v5, v19  }
0x1fd: {  	v51 =	vld [tilespmem:s1+$0xD0];
	v52 =	vmul.f32 v46, v15;
	[tilespmem:s6+$0x120] =	vst v27  }
0x1fe: {  	v23 =	vld [tilespmem:s14+$0xFFFFFEE0];
	v10 =	vmul.f32 v49, v10;
	[tilespmem:s6+$0xFFFFFF30] =	vst v5  }
0x1ff: {  	v39 =	vld [tilespmem:s14+$0x20];
	v27 =	vmul.f32 v25, v9;
	[tilespmem:s16+$0xFFFFFF40] =	vst v52  }
0x200: {  	v9 =	vld [tilespmem:s14+$0xC0];
	v42 =	vmul.f32 v31, v30;
	[tilespmem:s16+$0xFFFFFFE0] =	vst v10  }
0x201: {  	v41 =	vld [tilespmem:s14+$0x70];
	v4 =	vmul.f32 v4, v29;
	[tilespmem:s0+$0x80] =	vst v27  }
0x202: {  	v47 =	vld [tilespmem:s1+$0xFFFFFF90];
	v8 =	vmul.f32 v51, v11;
	[tilespmem:s6+$0xFFFFFF80] =	vst v42  }
0x203: {  	v5 =	vperm.xlane v38, v2;
	[tilespmem:s6+$0xFFFFFFD0] =	vst v4;
	v4 =	vld [tilespmem:s1+$0x30];
	v40 =	vmul.f32 v23, v28  }
0x204: {  	v44 =	vperm.xlane v37, v2;
	v50 =	vld [tilespmem:s1+$0x80];
	v7 =	vmul.f32 v39, v33;
	[tilespmem:s16+$0xD0] =	vst v8  }
0x205: {  	v54 =	vld [tilespmem:s14+$0xFFFFFF90];
	v5 =	vmul.f32 v9, v5;
	[tilespmem:s6+$0xFFFFFEE0] =	vst v40  }
0x206: {  	v16 =	vmul.f32 v41, v44;
	[tilespmem:s6+$0x20] =	vst v7;
	v43 =	vld [tilespmem:s14+$0xFFFFFEF0]  }
0x207: {  	v56 =	vld [tilespmem:s14+$0x30];
	[tilespmem:s6+$0xC0] =	vst v5;
	v5 =	vmul.f32 v47, v12  }
0x208: {  	v57 =	vperm.xlane v32, v3;
	v53 =	vld [tilespmem:s14+$0xFFFFFF40];
	[tilespmem:s6+$0x70] =	vst v16;
	v4 =	vmul.f32 v4, v14  }
0x209: {  	v48 =	vperm.xlane v45, v3;
	v7 =	vmul.f32 v50, v13;
	[tilespmem:s16+$0xFFFFFF90] =	vst v5;
	v5 =	vld [tilespmem:s14+$0xFFFFFFE0]  }
0x20a: {  	v60 =	vperm.xlane v36, v3;
	v61 =	vmul.f32 v54, v57;
	[tilespmem:s16+$0x30] =	vst v4;
	v4 =	vld [tilespmem:s14+$0x80]  }
0x20b: {  	v55 =	vperm.xlane v21, v3;
	[tilespmem:s16+$0x80] =	vst v7;
	v59 =	vld [tilespmem:s14+$0xD0];
	v6 =	vmul.f32 v43, v48  }
0x20c: {  	v58 =	vperm.xlane v34, v3;
	v10 =	vmul.f32 v56, v60;
	[tilespmem:s6+$0xFFFFFF90] =	vst v61  }
0x20d: {  	v62 =	vperm.xlane v37, v3;
	[tilespmem:s6+$0xFFFFFEF0] =	vst v6;
	v6 =	vmul.f32 v53, v55  }
0x20e: {  	v63 =	vperm.xlane v38, v3;
	[tilespmem:s6+$0x30] =	vst v10;
	v5 =	vmul.f32 v5, v58  }
0x20f: {  	v4 =	vmul.f32 v4, v62;
	[tilespmem:s6+$0xFFFFFF40] =	vst v6  }
0x210: {  	[tilespmem:s6+$0xFFFFFFE0] =	vst v5;
	v5 =	vmul.f32 v59, v63  }
0x211: {  	[tilespmem:s6+$0x80] =	vst v4  }
0x212: {  	s0 =	simm.s32 $0x0;
	s1 =	simm.s32 $0x9C00;
	[tilespmem:s6+$0xD0] =	vst v5  }
.LBB2_9:
0x213: {  	s6 =	sshra.s32 s0, $0x2;
	v5 =	vld [tilespmem:s1+$0x0]  }
0x214: {  	v4 =	vld [tilespmem:s6+$0x8EC0];
	_ =	sdelay $0x4  }
0x215: {  	v4 =	vadd.f32 v5, v4;
	_ =	sdelay $0x1  }
0x216: {  	v5 =	vmul.f32 $2.000000030e-01, v4  }
0x217: {  	vm0 =	vge.f32 v4, $0.0e+00  }
0x218: {  	v4 =	vsel vm0, v4, v5  }
0x219: {  	v4 =	vmul.f32 $1.442695020e+00, v4;
	_ =	sdelay $0x1  }
0x21a: {  	(erf) = vpow2.f32 v4;
	_ =	sdelay $0x6  }
0x21b: {  	v4 =	vld [tilespmem:s6+$0x8E80]  }
0x21c: {  	v5 =	vld [tilespmem:s6+$0x8E90]  }
0x21d: {  	v7 =	vld [tilespmem:s6+$0x8EA0];
	v6 =	vpop (erf)  }
0x21e: {  	v9 =	vld [tilespmem:s6+$0x8EB0];
	v8 =	vperm.xlane v6, v0  }
0x21f: {  	v10 =	vperm.xlane v6, v1  }
0x220: {  	p0 =	sne.s32 s0, $0x3C0;
	v63 =	vperm.xlane v6, v2;
	v4 =	vmul.f32 v4, v8  }
.Ltmp3:
0x221: {  	[tilespmem:s6+$0xD9C0] =	vst v6;
	v6 =	vperm.xlane v6, v3;
	v5 =	vmul.f32 v5, v10;
	(pc) =	sbr.rel @p0 .LBB2_9-.Ltmp3, $4  }
0x222: {  	[tilespmem:s6+$0xD980] =	vst v4;
	v4 =	vmul.f32 v7, v63  }
0x223: {  	[tilespmem:s6+$0xD990] =	vst v5;
	v5 =	vmul.f32 v9, v6  }
0x224: {  	[tilespmem:s6+$0xD9A0] =	vst v4  }
0x225: {  	s1 =	sadd.s32 $0x10, s1;
	s0 =	sadd.s32 $0x140, s0;
	[tilespmem:s6+$0xD9B0] =	vst v5  }
0x226: {  	s30 =	sadd.s32 $0x1, s30  }
0x227: {  	p0 =	sne.s32 s30, $0x32  }
.Ltmp4:
0x228: {  	_ = 	snop;
	(pc) =	sbr.rel @p0 .LBB2_2-.Ltmp4, $2  }
0x229: {  	_ =	sdelay $0x2  }
0x22a: {  	[spmem:s2] =	stream.indirect.scatter.add.f32 [tilespmem:s25], [sflag:$0x6], $0x50, s31, s15, $0xb8;
	[tilespmem:$0x1A040] =	vst v63  }
0x22b: {  	_ =	swait.ge [sflag:s26], $0x1F40  }
0x22c: {  	[sflag:s26] =	ssyncset.done $0x0  }
0x22d: {  	[sflag:s26] =	ssyncadd.s32 $0xFFFFE0C0  }
0x22e: {  	_ =	swait.ge [sflag:s28], $0x1F40  }
0x22f: {  	[sflag:s28] =	ssyncset.done $0x0  }
0x230: {  	s29 =	sadd.s32 $0x1, s29;
	[sflag:s28] =	ssyncadd.s32 $0xFFFFE0C0  }
0x231: {  	p0 =	sne.s32 s29, s11;
	[bflag:$0x0] =	sbarrier.arrive $0xFFFF  }
.Ltmp5:
0x232: {  	s0 =	rddreg [dreg:$0x6];
	(pc) =	sbr.rel @p0 .LBB2_1-.Ltmp5, $4  }
0x233: {  	[hbm:s0], [sflag:s7] =	dma.local [spmem:s12], $0x18B0  }
0x234: {  	_ =	swait.ge [sflag:s13], $0x18B0  }
0x235: {  	[sflag:s13] =	ssyncset.done $0x0  }
0x236: {  	[sflag:s13] =	ssyncadd.s32 $0xFFFFE750  }
0x237: {  	_ =	sfence.sel $0x180000  }
0x238: {  	[bflag:$0x0] =	sbarrier.arrive $0xFFFF  }
0x239: {  	_ =	strace $0x9000004A  }
0x23a: {  	s0 =	stileid.u32;
	[bflag:$0x2] =	sbarrier.arrive $0xFFFF  }
0x23b: {  	p0 =	sne.s32 s0, $0x0;
	s0 =	rddreg [dreg:$0x2]  }
0x23c: {  	s0 =	sadd.s32 @!p0 $0x100000, s0  }
0x23d: {  	[sflag:s0] =	ssyncadd.tile.s32 @!p0 $0x1;
	_ =	shalt  }
.Lfunc_end2:
_tile_overlayer_lowered:
.L_overlay_start_2:
0x23e: {  	(tag) =	ssettag $0x2  }
0x23f: {  	s0 =	rddreg [dreg:$0x0];
	s2 =	stileid.u32  }
0x240: {  	s1 =	rddreg [dreg:$0x1];
	p0 =	sne.s32 s2, $0x0  }
0x241: {  	s3 =	rddreg [dreg:$0x2];
	[bflag:$0x3] =	sbarrier.arrive $0xFFFF;
	s2 =	simm.s32 @!p0 $0x1C07  }
0x242: {  	[timem:s3], [sflag:s2] =	dma.local @!p0 [hbm:s0], s1  }
0x243: {  	s0 =	simm.s32 @!p0 $0x7  }
0x244: {  	_ =	swait.ge @!p0 [sflag:s0], s1  }
0x245: {  	s1 =	ssub.s32 @!p0 $0x0, s1;
	[sflag:s0] =	ssyncset.done @!p0 $0x0  }
0x246: {  	[sflag:s0] =	ssyncadd.s32 @!p0 s1  }
0x247: {  	[bflag:$0x3] =	sbarrier.arrive $0xFFFF  }
0x248: {  	_ =	shalt  }

// kernel: kernel.15.cloned.1.call-start
scs
__scs_entry_jumppad:
0x0: {  	(pc) =	sbr.rel $0x88, $3  }
0x1: {  	(tag) =	ssettag $0x0;
	lr =	simm.s32 $0x1  }
0x2: {  	[smem:$0x3F93] =	sst lr;
	_ =	strace $0xD0000000  }
0x3: {  	_ = 	snop  }
0x4: {  	_ = 	snop  }
0x5: {  	_ = 	snop  }
0x6: {  	_ = 	snop  }
0x7: {  	_ = 	snop  }
__scs_overlays_trampoline_lowered:
0x8: {  	[smem:$0x3FA2] =	sst s0  }
0x9: {  	[smem:$0x3FA3] =	sst s1  }
0xa: {  	[smem:$0x3FA4] =	sst s2  }
0xb: {  	[smem:$0x3FA5] =	sst s3  }
0xc: {  	[smem:$0x3FA6] =	sst s4  }
0xd: {  	[smem:$0x3FA7] =	sst s5  }
0xe: {  	[smem:$0x3FA8] =	sst s6  }
0xf: {  	[smem:$0x3FA9] =	sst s7  }
0x10: {  	[smem:$0x3FAA] =	sst s8  }
0x11: {  	[smem:$0x3FAB] =	sst s9;
	s0 =	simm.s32 @!p0 $0x0  }
0x12: {  	s1 =	sld [smem:$0x3F91];
	s0 =	simm.s32 @p0 $0x1  }
0x13: {  	[smem:$0x3FAC] =	sst s0;
	s0 =	simm.s32 @!p1 $0x0  }
0x14: {  	s2 =	sld [smem:$0x3F90];
	s0 =	simm.s32 @p1 $0x1  }
0x15: {  	[smem:$0x3FAD] =	sst s0;
	s0 =	simm.s32 @!p2 $0x0  }
0x16: {  	s3 =	sld [smem:$0x3FDB];
	s0 =	simm.s32 @p2 $0x1  }
0x17: {  	s4 =	simm.s32 $0x1BF5;
	[smem:$0x3FAF] =	sst s0  }
0x18: {  	s0 =	sld [smem:$0x3F92];
	_ =	swait.ge [sflag:s4], $0x0  }
0x19: {  	s7 =	sld [smem:$0x3F93]  }
0x1a: {  	s8 =	sadd.s32 $0xFFFFE003, lr  }
0x1b: {  	s9 =	sadd.s32 $0xFFFFFEF7, lr;
	s5 =	simm.s32 $0xFFFFFFFF;
	p2 =	slt.u32 s8, $0xFFFFF086  }
0x1c: {  	p1 =	slt.u32 s9, $0xF7A;
	s5 =	simm.s32 @!p2 $0x0  }
0x1d: {  	s5 =	simm.s32 @p1 $0x1;
	p0 =	seq.s32 s7, s2  }
0x1e: {  	s7 =	smul.u32 @!p0 $0xF7A, s2;
	p2 =	seq.s32 @!p0 s5, $0x0  }
0x1f: {  	s9 =	smul.u32 $0xF7A, s1;
	s8 =	simm.s32 @!p0 $0x1BF5;
	p2 =	por !p2, p0  }
0x20: {  	[sflag:s8] =	ssyncset.s32 @!p0 $0xFFFFF086;
	s6 =	sadd.s32 @!p0 s3, s7;
	s7 =	simm.s32 @!p0 $0x108  }
0x21: {  	s3 =	sadd.s32 s3, s9;
	s6 =	sadd.s32 @!p0 $0x88, s6;
	s7 =	simm.s32 @p2 $0x1082  }
0x22: {  	[simem:s7], [sflag:s8] =	dma.local @!p0 [hbm:s6], $0xF7A  }
0x23: {  	s9 =	sor.u32 $0xD0000000, s2;
	s6 =	simm.s32 $0x108;
	_ =	swait.ge @!p0 [sflag:s8], $0x0  }
0x24: {  	s3 =	sadd.s32 $0x88, s3;
	s6 =	simm.s32 @!p1 $0x1082;
	[sflag:s4] =	ssyncset.s32 $0xFFFFF086  }
0x25: {  	[simem:s6], [sflag:s4] =	dma.local [hbm:s3], $0xF7A  }
0x26: {  	[smem:$0x3F93] =	sst s1;
	(tag) =	ssettag s2;
	_ =	strace s9  }
0x27: {  	s1 =	sld [smem:$0x3FA3]  }
0x28: {  	s2 =	sld [smem:$0x3FA4]  }
0x29: {  	s4 =	sld [smem:$0x3FA6]  }
0x2a: {  	p0 =	seq.s32 s5, $0x0;
	s5 =	sld [smem:$0x3FA7]  }
0x2b: {  	s6 =	sld [smem:$0x3FA8]  }
0x2c: {  	s7 =	sld [smem:$0x3FA9]  }
0x2d: {  	s3 =	simm.s32 $0x108;
	s8 =	sld [smem:$0x3FAA]  }
0x2e: {  	s3 =	simm.s32 @!p0 $0x1082;
	s9 =	sld [smem:$0x3FAB]  }
0x2f: {  	lr =	sadd.s32 s0, s3;
	s0 =	sld [smem:$0x3FA2]  }
0x30: {  	s3 =	sld [smem:$0x3FA5]  }
0x31: {  	[smem:$0x3FAE] =	sst s10  }
0x32: {  	s10 =	sld [smem:$0x3FAC];
	_ =	sdelay $0x3  }
0x33: {  	p0 =	seq.s32 s10, $0x1;
	s10 =	sld [smem:$0x3FAE];
	_ =	sdelay $0x3  }
0x34: {  	[smem:$0x3FAE] =	sst s10  }
0x35: {  	s10 =	sld [smem:$0x3FAD];
	_ =	sdelay $0x3  }
0x36: {  	p1 =	seq.s32 s10, $0x1;
	s10 =	sld [smem:$0x3FAE];
	_ =	sdelay $0x3  }
0x37: {  	[smem:$0x3FAE] =	sst s10  }
0x38: {  	s10 =	sld [smem:$0x3FAF]  }
0x39: {  	_ = 	snop;
	(pc) =	sbr.ind lr, $3  }
0x3a: {  	_ = 	snop  }
0x3b: {  	_ = 	snop  }
0x3c: {  	p2 =	seq.s32 s10, $0x1;
	s10 =	sld [smem:$0x3FAE]  }
0x3d: {  	_ =	shalt  }
0x3e: {  	_ =	shalt  }
0x3f: {  	_ =	shalt  }
0x40: {  	_ =	shalt  }
0x41: {  	_ =	shalt  }
0x42: {  	_ =	shalt  }
0x43: {  	_ =	shalt  }
0x44: {  	_ =	shalt  }
0x45: {  	_ =	shalt  }
0x46: {  	_ =	shalt  }
0x47: {  	_ =	shalt  }
0x48: {  	_ =	shalt  }
0x49: {  	_ =	shalt  }
0x4a: {  	_ =	shalt  }
0x4b: {  	_ =	shalt  }
0x4c: {  	_ =	shalt  }
0x4d: {  	_ =	shalt  }
0x4e: {  	_ =	shalt  }
0x4f: {  	_ =	shalt  }
0x50: {  	_ =	shalt  }
0x51: {  	_ =	shalt  }
0x52: {  	_ =	shalt  }
0x53: {  	_ =	shalt  }
0x54: {  	_ =	shalt  }
0x55: {  	_ =	shalt  }
0x56: {  	_ =	shalt  }
0x57: {  	_ =	shalt  }
0x58: {  	_ =	shalt  }
0x59: {  	_ =	shalt  }
0x5a: {  	_ =	shalt  }
0x5b: {  	_ =	shalt  }
0x5c: {  	_ =	shalt  }
0x5d: {  	_ =	shalt  }
0x5e: {  	_ =	shalt  }
0x5f: {  	_ =	shalt  }
0x60: {  	_ =	shalt  }
0x61: {  	_ =	shalt  }
0x62: {  	_ =	shalt  }
0x63: {  	_ =	shalt  }
0x64: {  	_ =	shalt  }
0x65: {  	_ =	shalt  }
0x66: {  	_ =	shalt  }
0x67: {  	_ =	shalt  }
0x68: {  	_ =	shalt  }
0x69: {  	_ =	shalt  }
0x6a: {  	_ =	shalt  }
0x6b: {  	_ =	shalt  }
0x6c: {  	_ =	shalt  }
0x6d: {  	_ =	shalt  }
0x6e: {  	_ =	shalt  }
0x6f: {  	_ =	shalt  }
0x70: {  	_ =	shalt  }
0x71: {  	_ =	shalt  }
0x72: {  	_ =	shalt  }
0x73: {  	_ =	shalt  }
0x74: {  	_ =	shalt  }
0x75: {  	_ =	shalt  }
0x76: {  	_ =	shalt  }
0x77: {  	_ =	shalt  }
0x78: {  	_ =	shalt  }
0x79: {  	_ =	shalt  }
0x7a: {  	_ =	shalt  }
0x7b: {  	_ =	shalt  }
0x7c: {  	_ =	shalt  }
0x7d: {  	_ =	shalt  }
0x7e: {  	_ =	shalt  }
0x7f: {  	_ =	shalt  }
0x80: {  	_ =	shalt  }
0x81: {  	_ =	shalt  }
0x82: {  	_ =	shalt  }
0x83: {  	_ =	shalt  }
0x84: {  	_ =	shalt  }
0x85: {  	_ =	shalt  }
0x86: {  	_ =	shalt  }
0x87: {  	_ =	shalt  }
.Lfunc_end0:
.L_simem_size_0:
called_computation.2_lowered:
.L_overlay_start_0:
0x88: {  	s2 =	sld [smem:$0x3FD9]  }
0x89: {  	s3 =	sld [smem:$0x3FFE];
	_ =	sdelay $0x1  }
0x8a: {  	s1 =	srdreg.scid  }
0x8b: {  	s0 =	sand.u32 $0x1, s1  }
0x8c: {  	s16 =	sshll.u32 s0, $0xA;
	s2 =	sadd.s32 s3, s2  }
0x8d: {  	s2 =	sadd.s32 s2, s16  }
0x8e: {  	[smem:$0x3FBA] =	sst s2  }
0x8f: {  	_ = 	snop  }
0x90: {  	(tm) =	ssettm $0x1  }
0x91: {  	s17 =	sld [smem:$0x3FFB];
	_ =	sdelay $0x3  }
0x92: {  	_ =	strace s17  }
0x93: {  	s2 =	sld [smem:$0x3FFC];
	_ =	sdelay $0x3  }
0x94: {  	_ =	strace s2  }
0x95: {  	s2 =	sld [smem:$0x3FFD];
	_ =	sdelay $0x3  }
0x96: {  	_ =	strace s2  }
0x97: {  	_ =	strace $0x8FFFFFFF  }
0x98: {  	s18 =	sld [smem:$0x3FDB];
	_ =	sdelay $0x1  }
0x99: {  	s19 =	simm.s32 $_scs_section_size  }
0x9a: {  	s4 =	simm.s32 $_size__tile_overlayer_lowered;
	s5 =	simm.s32 $_tile_overlayer_lowered  }
0x9b: {  	s22 =	simm.s32 $0x1BFF;
	s21 =	sshll.u32 s5, $0x1;
	s2 =	sadd.s32 s19, s18  }
0x9c: {  	s6 =	simm.s32 $0x0;
	s20 =	sshll.u32 s4, $0x1;
	s4 =	sadd.s32 s21, s2  }
0x9d: {  	[timem:s6], [sflag:s22] =	dma.local [hbm:s4], s20  }
0x9e: {  	_ =	swait.ge [sflag:s22], s20  }
0x9f: {  	s3 =	ssub.s32 $0x0, s20;
	[sflag:s22] =	ssyncset.done $0x0  }
0xa0: {  	[sflag:s22] =	ssyncadd.s32 s3;
	_ =	sdelay $0x1  }
0xa1: {  	s23 =	simm.s32 $0x1B8B  }
0xa2: {  	_ =	swait.ge [sflag:s23], $0x1  }
0xa3: {  	[sflag:s23] =	ssyncset.done $0x0  }
0xa4: {  	s25 =	simm.s32 $0x1B8E;
	s24 =	sld [smem:$0x3FFE];
	[sflag:s23] =	ssyncadd.s32 $0xFFFFFFFF  }
0xa5: {  	s26 =	simm.s32 $execute0_lowered;
	[smem:$0x3FD2] =	sst s25  }
0xa6: {  	s4 =	sshll.u32 s26, $0x1;
	_ =	strace $0x8000004C;
	[dreg:$0x1] =	wrdreg $0xFFFFFFFF  }
0xa7: {  	s28 =	simm.s32 $_size_execute0_lowered;
	s2 =	sadd.s32 s2, s4;
	[dreg:$0x0] =	wrdreg $0x0  }
0xa8: {  	s4 =	sshll.u32 s28, $0x1;
	[dreg:$0x2] =	wrdreg s2  }
0xa9: {  	[dreg:$0x3] =	wrdreg s4  }
0xaa: {  	[dreg:$0x4] =	wrdreg $0xC0  }
0xab: {  	_ =	task [dreg:s6], $0x5FFFF  }
0xac: {  	[dreg:$0x1] =	wrdreg $0xFFFFFFFF  }
0xad: {  	[dreg:$0x0] =	wrdreg $0x60  }
0xae: {  	[dreg:$0x2] =	wrdreg s24  }
0xaf: {  	[dreg:$0x3] =	wrdreg $0xCB200  }
0xb0: {  	[dreg:$0x4] =	wrdreg $0x9  }
0xb1: {  	_ =	task.clear_ibuf [dreg:s6], $0x5FFFF;
	_ =	strace $0x9000004C  }
0xb2: {  	s29 =	simm.s32 $0x9;
	_ =	strace $0x8000004E  }
0xb3: {  	_ =	swait.ge [sflag:s29], $0x1  }
0xb4: {  	[sflag:s29] =	ssyncadd.s32 $0xFFFFFFFF  }
0xb5: {  	_ =	strace $0x9000004E  }
0xb6: {  	_ =	sfence  }
0xb7: {  	s30 =	sld [smem:$0x0];
	_ =	sdelay $0x2  }
0xb8: {  	s31 =	sshll.u32 s1, $0xD;
	s1 =	sshrl.u32 s1, $0x2  }
0xb9: {  	s3 =	sand.u32 $0x4000, s31;
	s1 =	sadd.s32 s1, s30  }
0xba: {  	s0 =	sor.u32 s3, s0;
	s1 =	sshll.u32 s1, $0x11  }
0xbb: {  	s0 =	sor.u32 s1, s0  }
0xbc: {  	s0 =	sadd.s32 $0x8F2B, s0  }
0xbd: {  	[sflag:s0] =	ssyncadd.remote.s32 $0x1  }
0xbe: {  	_ =	sfence.sel $0xFFFF  }
0xbf: {  	[dreg:$0x0] =	wrdreg $0xFFFFFFFF;
	(pc) =	sbr.abs _section_cstart, $3  }
0xc0: {  	[dreg:$0x1] =	wrdreg $0xFFFFFFFF  }
0xc1: {  	_ =	task.clear_ibuf [dreg:s6], $0x2FFFF;
	_ =	strace $0x9FFFFFFF  }
0xc2: {  	(tm) =	ssettm $0x7FFFFFFF  }
0xc3: {  	_ =	shalt  }
tec
execute0_lowered:
.L_overlay_start_1:
0x0: {  	(tag) =	ssettag $0x1  }
0x1: {  	s0 =	srdreg.scid;
	s6 =	rddreg [dreg:$0x0]  }
0x2: {  	s9 =	stileid.u32;
	s2 =	rddreg [dreg:$0x1]  }
0x3: {  	s3 =	simm.s32 $0x0;
	s13 =	simm.s32 $0x7;
	s15 =	simm.s32 $0xC8  }
0x4: {  	s18 =	simm.s32 $0x1;
	s19 =	simm.s32 $0x3;
	s20 =	simm.s32 $0x6720  }
0x5: {  	s21 =	simm.s32 $0x8CA0;
	s22 =	simm.s32 $0x9920;
	s23 =	simm.s32 $0x2  }
0x6: {  	s24 =	simm.s32 $0x4;
	s25 =	simm.s32 $0xB220;
	s28 =	simm.s32 $0x6  }
0x7: {  	s29 =	simm.s32 $0x0;
	s0 =	sand.u32 $0x1, s0;
	s1 =	sshll.u32 s9, $0x1  }
0x8: {  	s7 =	smul.u32 $0x4F00, s9;
	[smem:$0x7FF] =	sst s3;
	s4 =	sadd.s32 $0xC00, s6  }
0x9: {  	s5 =	sadd.s32 $0xAA00, s6;
	s10 =	sadd.s32 $0xFA00, s6;
	s9 =	sshll.u32 s9, $0x6  }
0xa: {  	s1 =	sor.u32 s0, s1;
	s8 =	smul.u32 $0x4F000, s0;
	_ =	strace $0x8000004D  }
0xb: {  	[dreg:$0x3] =	wrdreg s10;
	s0 =	ssub.s32 $0x2, s0;
	s1 =	smul.u32 $0x4E2, s1  }
0xc: {  	s26 =	sshrl.u32 s0, $0x1;
	s30 =	sadd.s32 s7, s2;
	s8 =	sadd.s32 s7, s8  }
0xd: {  	s0 =	ssub.s32 s0, s26;
	s7 =	sor.u32 $0x1C07, s9;
	s12 =	sshrl.u32 s30, $0x3  }
0xe: {  	s26 =	simm.s32 $0x5;
	s1 =	sadd.s32 s1, s6;
	s8 =	sshrl.u32 s8, $0x3  }
0xf: {  	s11 =	smax.u32 s0, $0x1;
	s6 =	sadd.s32 s8, s6;
	s31 =	sadd.s32 $0x3BA00, s1  }
0x10: {  	s9 =	sadd.s32 $0x31C00, s1;
	[dreg:$0x4] =	wrdreg s31;
	s10 =	sadd.s32 $0x10400, s6  }
.LBB2_1:
0x11: {  	s0 =	rddreg [dreg:$0x3]  }
0x12: {  	[spmem:s12], [sflag:s7] =	dma.local [hbm:s0], $0x9E0  }
0x13: {  	_ =	swait.ge [sflag:s13], $0x9E0  }
0x14: {  	[sflag:s13] =	ssyncset.done $0x0  }
0x15: {  	s16 =	rddreg [dreg:$0x4];
	[sflag:s13] =	ssyncadd.s32 $0xFFFFF620  }
0x16: {  	[tilespmem:s3], [sflag:$0x7] =	stream.linear.gather [hbm4b:s16+s3], $0x2710, $0x38;
	[tilespmem:$0x11A20] =	vst v63  }
0x17: {  	_ =	swait.ge [sflag:s13], $0x2710  }
0x18: {  	[sflag:s13] =	ssyncset.done $0x0  }
0x19: {  	s17 =	simm.s32 $0x2710;
	[sflag:s13] =	ssyncadd.s32 $0xFFFFD8F0  }
0x1a: {  	[tilespmem:s17], [sflag:$0x7] =	stream.linear.gather [hbm4b:s9+s3], $0x2710, $0x38;
	[tilespmem:$0x11A20] =	vst v63  }
0x1b: {  	_ =	swait.ge [sflag:s13], $0x2710  }
0x1c: {  	[sflag:s13] =	ssyncset.done $0x0  }
0x1d: {  	[sflag:s13] =	ssyncadd.s32 $0xFFFFD8F0  }
0x1e: {  	s1 =	simm.s32 $0x4E20;
	[bflag:$0x0] =	sbarrier.arrive $0xFFFF  }
0x1f: {  	[tilespmem:s1], [sflag:$0x1] =	stream.indirect.gather [hbm4b:s4+s15], $0x20, s3, s15, $0xb8;
	[tilespmem:$0x11A20] =	vst v63  }
0x20: {  	s31 =	simm.s32 $0x8020;
	s30 =	simm.s32 $0x0  }
0x21: {  	[tilespmem:s31], [sflag:$0x3] =	stream.indirect.gather [hbm4b:s5+s15], $0x10, s17, s15, $0xb8;
	[tilespmem:$0x11A20] =	vst v63  }
.LBB2_2:
0x22: {  	_ =	swait.ge [sflag:s18], $0x1900  }
0x23: {  	[sflag:s18] =	ssyncset.done $0x0  }
0x24: {  	[sflag:s18] =	ssyncadd.s32 $0xFFFFE700  }
0x25: {  	s1 =	smul.u32 $0x190, s30;
	_ =	swait.ge [sflag:s19], $0xC80  }
0x26: {  	[sflag:s19] =	ssyncset.done $0x0  }
0x27: {  	p0 =	seq.s32 s30, $0x0;
	s0 =	sadd.s32 $0xC8, s1;
	[sflag:s19] =	ssyncadd.s32 $0xFFFFF380  }
0x28: {  	[tilespmem:s20], [sflag:$0x2] =	stream.indirect.gather [hbm4b:s4+s15], $0x20, s0, s15, $0xb8;
	[tilespmem:$0x11A20] =	vst v63  }
0x29: {  	s31 =	sadd.s32 $0x27D8, s1;
	s0 =	simm.s32 @!p0 $0x5  }
0x2a: {  	[tilespmem:s21], [sflag:$0x4] =	stream.indirect.gather [hbm4b:s5+s15], $0x10, s31, s15, $0xb8;
	[tilespmem:$0x11A20] =	vst v63  }
0x2b: {  	_ =	swait.ge @!p0 [sflag:s0], $0x1900  }
0x2c: {  	[sflag:s0] =	ssyncset.done @!p0 $0x0  }
0x2d: {  	s6 =	simm.s32 $0x4EA0;
	[sflag:s0] =	ssyncadd.s32 @!p0 $0xFFFFE700  }
0x2e: {  	s8 =	simm.s32 $0x8060;
	v0 =	vld [tilespmem:s6+$0x70]  }
0x2f: {  	v1 =	vld [tilespmem:s8+$0x30];
	_ =	sdelay $0x1  }
0x30: {  	v2 =	vld [tilespmem:s8+$0xFFFFFFD0]  }
0x31: {  	v4 =	vld [tilespmem:s6+$0xFFFFFFD0]  }
0x32: {  	v5 =	vld [tilespmem:s8+$0xFFFFFFE0]  }
0x33: {  	v6 =	vld [tilespmem:s8+$0xFFFFFFF0];
	v0 =	vadd.f32 v1, v0  }
0x34: {  	v7 =	vld [tilespmem:s6+$0x10]  }
0x35: {  	v1 =	vld [tilespmem:s6+$0xFFFFFFB0];
	v3 =	vmul.f32 $2.000000030e-01, v0  }
0x36: {  	v8 =	vld [tilespmem:s8+$0x10];
	vm0 =	vge.f32 v0, $0.0e+00  }
0x37: {  	v9 =	vld [tilespmem:s8+$0xFFFFFFC0];
	v0 =	vsel vm0, v0, v3  }
0x38: {  	v3 =	vld [tilespmem:s6+$0xFFFFFFF0];
	v0 =	vmul.f32 $1.442695020e+00, v0  }
0x39: {  	v4 =	vadd.f32 v5, v4;
	v5 =	vld [tilespmem:s6+$0xFFFFFF90]  }
0x3a: {  	v1 =	vadd.f32 v2, v1;
	v2 =	vld [tilespmem:s6+$0x30];
	(erf) = vpow2.f32 v0  }
0x3b: {  	v0 =	vld [tilespmem:s8+$0x0]  }
0x3c: {  	v10 =	vmul.f32 $2.000000030e-01, v1  }
0x3d: {  	vm0 =	vge.f32 v1, $0.0e+00;
	v3 =	vadd.f32 v6, v3  }
0x3e: {  	v5 =	vadd.f32 v9, v5;
	v6 =	vmul.f32 $2.000000030e-01, v4;
	v1 =	vsel vm0, v1, v10  }
0x3f: {  	s17 =	simm.s32 $0x80E0;
	vm0 =	vge.f32 v4, $0.0e+00;
	v2 =	vadd.f32 v8, v2;
	v10 =	vmul.f32 $2.000000030e-01, v3  }
0x40: {  	v15 =	vld [tilespmem:s17+$0x0];
	v1 =	vmul.f32 $1.442695020e+00, v1;
	vm1 =	vge.f32 v3, $0.0e+00;
	v0 =	vadd.f32 v0, v7  }
0x41: {  	v4 =	vsel vm0, v4, v6;
	v6 =	vld [tilespmem:s8+$0x20];
	v3 =	vsel vm1, v3, v10;
	v10 =	vmul.f32 $2.000000030e-01, v2  }
0x42: {  	s16 =	simm.s32 $0x4FA0;
	v7 =	vld [tilespmem:s6+$0x50];
	v4 =	vmul.f32 $1.442695020e+00, v4;
	vm1 =	vge.f32 v2, $0.0e+00;
	v8 =	vmul.f32 $2.000000030e-01, v0  }
0x43: {  	v9 =	vld [tilespmem:s16+$0x70];
	vm0 =	vge.f32 v0, $0.0e+00;
	v2 =	vsel vm1, v2, v10;
	v11 =	vpop (erf);
	(erf) = vpow2.f32 v1  }
0x44: {  	s0 =	simm.s32 $0x99A0;
	v10 =	vld [tilespmem:s16+$0x10];
	v1 =	vmul.f32 $1.442695020e+00, v3;
	v0 =	vsel vm0, v0, v8;
	v3 =	vmul.f32 $2.000000030e-01, v5  }
0x45: {  	v8 =	vld [tilespmem:s17+$0x30];
	[tilespmem:s0+$0x70] =	vst v11;
	v0 =	vmul.f32 $1.442695020e+00, v0;
	(erf) = vpow2.f32 v4  }
0x46: {  	vm0 =	vge.f32 v5, $0.0e+00;
	v2 =	vmul.f32 $1.442695020e+00, v2;
	v12 =	vld [tilespmem:s6+$0x60];
	(erf) = vpow2.f32 v1  }
0x47: {  	v3 =	vsel vm0, v5, v3;
	v1 =	vld [tilespmem:s16+$0xFFFFFFB0];
	(erf) = vpow2.f32 v0;
	v0 =	vadd.f32 v6, v7  }
0x48: {  	v5 =	vld [tilespmem:s17+$0xFFFFFFD0];
	v3 =	vmul.f32 $1.442695020e+00, v3  }
0x49: {  	v6 =	vld [tilespmem:s16+$0xFFFFFFD0];
	(erf) = vpow2.f32 v2;
	v2 =	vmul.f32 $2.000000030e-01, v0  }
0x4a: {  	(erf) = vpow2.f32 v3;
	v3 =	vld [tilespmem:s17+$0xFFFFFFE0];
	v7 =	vadd.f32 v8, v9;
	vm0 =	vge.f32 v0, $0.0e+00  }
0x4b: {  	v8 =	vld [tilespmem:s16+$0xFFFFFFF0];
	v0 =	vsel vm0, v0, v2  }
0x4c: {  	v9 =	vld [tilespmem:s17+$0xFFFFFFF0];
	v2 =	vmul.f32 $2.000000030e-01, v7  }
0x4d: {  	v13 =	vld [tilespmem:s17+$0xFFFFFFC0];
	vm0 =	vge.f32 v7, $0.0e+00;
	v14 =	vmul.f32 $1.442695020e+00, v0  }
0x4e: {  	v16 =	vld [tilespmem:s17+$0x10];
	v5 =	vadd.f32 v5, v1;
	v1 =	vsel vm0, v7, v2;
	v0 =	vpop (erf)  }
0x4f: {  	v19 =	vld [tilespmem:s16+$0x50];
	v4 =	vpop (erf);
	(erf) = vpow2.f32 v14;
	v14 =	vmul.f32 $1.442695020e+00, v1  }
0x50: {  	v15 =	vadd.f32 v15, v10;
	v23 =	vmul.f32 v11, v12;
	v12 =	vld [tilespmem:s16+$0xFFFFFF90];
	v17 =	vmul.f32 $2.000000030e-01, v5  }
0x51: {  	v7 =	vld [tilespmem:s16+$0x30];
	v18 =	vadd.f32 v3, v6;
	v9 =	vadd.f32 v9, v8;
	v2 =	vpop (erf);
	(erf) = vpow2.f32 v14  }
0x52: {  	v20 =	vld [tilespmem:s17+$0x20];
	v21 =	vmul.f32 $2.000000030e-01, v15;
	vm0 =	vge.f32 v5, $0.0e+00  }
0x53: {  	v5 =	vsel vm0, v5, v17;
	[tilespmem:s0+$0xFFFFFFB0] =	vst v0;
	v8 =	vmul.f32 $2.000000030e-01, v18;
	v11 =	vmul.f32 $2.000000030e-01, v9  }
0x54: {  	vm0 =	vge.f32 v18, $0.0e+00;
	vm1 =	vge.f32 v9, $0.0e+00;
	v5 =	vmul.f32 $1.442695020e+00, v5;
	[tilespmem:s0+$0xFFFFFFD0] =	vst v4;
	v10 =	vld [tilespmem:s6+$0xFFFFFFA0]  }
0x55: {  	v17 =	vadd.f32 v13, v12;
	v1 =	vpop (erf);
	[tilespmem:s0+$0xFFFFFFF0] =	vst v2;
	v14 =	vsel vm0, v18, v8;
	v9 =	vsel vm1, v9, v11;
	v11 =	vld [tilespmem:s6+$0xFFFFFFC0]  }
0x56: {  	v3 =	vpop (erf);
	vm0 =	vge.f32 v15, $0.0e+00;
	v22 =	vadd.f32 v16, v7;
	(erf) = vpow2.f32 v5;
	[tilespmem:s0+$0x10] =	vst v1;
	v7 =	vld [tilespmem:s6+$0xFFFFFFE0]  }
0x57: {  	v16 =	vadd.f32 v20, v19;
	v6 =	vpop (erf);
	v14 =	vmul.f32 $1.442695020e+00, v14;
	[tilespmem:s0+$0x30] =	vst v3;
	v18 =	vmul.f32 $1.442695020e+00, v9;
	v9 =	vld [tilespmem:s6+$0x0]  }
0x58: {  	v13 =	vsel vm0, v15, v21;
	[tilespmem:s0+$0xFFFFFF90] =	vst v6;
	v24 =	vmul.f32 $2.000000030e-01, v22;
	vm1 =	vge.f32 v22, $0.0e+00;
	v12 =	vld [tilespmem:s6+$0x20];
	v5 =	vpop (erf)  }
0x59: {  	v19 =	vmul.f32 $2.000000030e-01, v16;
	vm0 =	vge.f32 v16, $0.0e+00;
	v20 =	vmul.f32 $1.442695020e+00, v13;
	v8 =	vld [tilespmem:s6+$0xFFFFFF80];
	[tilespmem:s0+$0x50] =	vst v5  }
0x5a: {  	s14 =	simm.s32 $0x8;
	s8 =	simm.s32 $0x50A0;
	[tilespmem:s0+$0x60] =	vst v23;
	v21 =	vsel vm1, v22, v24;
	v22 =	vmul.f32 $2.000000030e-01, v17;
	vm1 =	vge.f32 v17, $0.0e+00;
	v15 =	vpop (erf);
	v13 =	vld [tilespmem:s6+$0x40];
	s6 =	simm.s32 $0x9AA0  }
.LBB2_3:
0x5b: {  	v23 =	vld [tilespmem:s8+$0x70];
	v21 =	vmul.f32 $1.442695020e+00, v21;
	v16 =	vsel vm0, v16, v19;
	[tilespmem:s6+$0x70] =	vst v15;
	(erf) = vpow2.f32 v14  }
0x5c: {  	s17 =	sadd.s32 $0x80, s17;
	v14 =	vsel vm1, v17, v22;
	v16 =	vmul.f32 $1.442695020e+00, v16;
	v17 =	vld [tilespmem:s16+$0x60];
	(erf) = vpow2.f32 v18  }
0x5d: {  	s14 =	sadd.s32 $0x8, s14;
	v18 =	vld [tilespmem:s17+$0x30];
	v14 =	vmul.f32 $1.442695020e+00, v14;
	(erf) = vpow2.f32 v20  }
0x5e: {  	v6 =	vmul.f32 v6, v8;
	p0 =	slt.u32 s14, $0xC0;
	v19 =	vld [tilespmem:s17+$0xFFFFFFC0];
	(erf) = vpow2.f32 v21  }
0x5f: {  	v10 =	vmul.f32 v0, v10;
	v8 =	vld [tilespmem:s8+$0xFFFFFFB0];
	(erf) = vpow2.f32 v14;
	v0 =	vpop (erf)  }
0x60: {  	v11 =	vmul.f32 v4, v11;
	v14 =	vld [tilespmem:s17+$0xFFFFFFD0];
	[tilespmem:s6+$0xFFFFFFB0] =	vst v0;
	(erf) = vpow2.f32 v16  }
0x61: {  	v7 =	vmul.f32 v2, v7;
	v16 =	vld [tilespmem:s8+$0xFFFFFFD0];
	v17 =	vmul.f32 v15, v17;
	[tilespmem:s0+$0xFFFFFF80] =	vst v6  }
0x62: {  	v9 =	vmul.f32 v1, v9;
	v12 =	vmul.f32 v3, v12;
	v6 =	vld [tilespmem:s17+$0xFFFFFFE0];
	v15 =	vadd.f32 v18, v23;
	[tilespmem:s0+$0xFFFFFFA0] =	vst v10  }
0x63: {  	v13 =	vmul.f32 v5, v13;
	v10 =	vld [tilespmem:s8+$0xFFFFFFF0];
	[tilespmem:s6+$0x60] =	vst v17  }
0x64: {  	v5 =	vld [tilespmem:s17+$0xFFFFFFF0];
	v17 =	vmul.f32 $2.000000030e-01, v15;
	v4 =	vpop (erf);
	[tilespmem:s0+$0xFFFFFFC0] =	vst v11  }
0x65: {  	vm0 =	vge.f32 v15, $0.0e+00;
	v8 =	vadd.f32 v14, v8;
	v11 =	vld [tilespmem:s8+$0x10];
	[tilespmem:s6+$0xFFFFFFD0] =	vst v4;
	v2 =	vpop (erf)  }
0x66: {  	v14 =	vld [tilespmem:s17+$0x0];
	v20 =	vsel vm0, v15, v17;
	[tilespmem:s6+$0xFFFFFFF0] =	vst v2;
	v1 =	vpop (erf)  }
0x67: {  	v15 =	vmul.f32 $2.000000030e-01, v8;
	v16 =	vadd.f32 v6, v16;
	v17 =	vld [tilespmem:s8+$0x30];
	v18 =	vmul.f32 $1.442695020e+00, v20;
	[tilespmem:s6+$0x10] =	vst v1;
	v3 =	vpop (erf)  }
0x68: {  	vm0 =	vge.f32 v8, $0.0e+00;
	v20 =	vld [tilespmem:s17+$0x10];
	[tilespmem:s6+$0x30] =	vst v3;
	v6 =	vpop (erf)  }
0x69: {  	v21 =	vmul.f32 $2.000000030e-01, v16;
	v22 =	vadd.f32 v5, v10;
	v23 =	vld [tilespmem:s8+$0x50];
	(erf) = vpow2.f32 v18;
	[tilespmem:s6+$0xFFFFFF90] =	vst v6;
	v5 =	vpop (erf)  }
0x6a: {  	v8 =	vsel vm0, v8, v15;
	vm0 =	vge.f32 v16, $0.0e+00;
	v15 =	vld [tilespmem:s17+$0x20];
	[tilespmem:s6+$0x50] =	vst v5  }
0x6b: {  	v18 =	vld [tilespmem:s8+$0xFFFFFF90];
	vm1 =	vge.f32 v22, $0.0e+00;
	v24 =	vmul.f32 $2.000000030e-01, v22;
	v25 =	vadd.f32 v14, v11;
	[tilespmem:s0+$0xFFFFFFE0] =	vst v7  }
0x6c: {  	v7 =	vmul.f32 $1.442695020e+00, v8;
	v11 =	vsel vm0, v16, v21;
	v8 =	vld [tilespmem:s16+$0xFFFFFF80];
	[tilespmem:s0+$0x0] =	vst v9  }
0x6d: {  	vm0 =	vge.f32 v25, $0.0e+00;
	v9 =	vmul.f32 $2.000000030e-01, v25;
	v20 =	vadd.f32 v20, v17;
	v10 =	vld [tilespmem:s16+$0xFFFFFFA0];
	[tilespmem:s0+$0x20] =	vst v12  }
.Ltmp0:
0x6e: {  	v14 =	vmul.f32 $1.442695020e+00, v11;
	v12 =	vsel vm1, v22, v24;
	(erf) = vpow2.f32 v7;
	v11 =	vld [tilespmem:s16+$0xFFFFFFC0];
	[tilespmem:s0+$0x40] =	vst v13;
	s0 =	smov.u32 s6;
	(pc) =	sbr.rel @p0 .LBB2_3-.Ltmp0, $4  }
0x6f: {  	vm1 =	vge.f32 v20, $0.0e+00;
	v13 =	vmul.f32 $2.000000030e-01, v20;
	v16 =	vadd.f32 v15, v23;
	v7 =	vld [tilespmem:s16+$0xFFFFFFE0]  }
0x70: {  	v23 =	vsel vm0, v25, v9;
	v17 =	vadd.f32 v19, v18;
	v18 =	vmul.f32 $1.442695020e+00, v12;
	v9 =	vld [tilespmem:s16+$0x0]  }
0x71: {  	v21 =	vsel vm1, v20, v13;
	vm0 =	vge.f32 v16, $0.0e+00;
	v19 =	vmul.f32 $2.000000030e-01, v16;
	v12 =	vld [tilespmem:s16+$0x20]  }
0x72: {  	s6 =	sadd.s32 $0x100, s6;
	v20 =	vmul.f32 $1.442695020e+00, v23;
	vm1 =	vge.f32 v17, $0.0e+00;
	v22 =	vmul.f32 $2.000000030e-01, v17;
	v15 =	vpop (erf);
	v13 =	vld [tilespmem:s16+$0x40];
	s16 =	smov.u32 s8;
	s8 =	sadd.s32 $0x100, s8  }
0x73: {  	(erf) = vpow2.f32 v14  }
0x74: {  	v14 =	vmul.f32 $1.442695020e+00, v21;
	v6 =	vmul.f32 v6, v8  }
0x75: {  	v0 =	vmul.f32 v0, v10;
	(erf) = vpow2.f32 v18  }
0x76: {  	[tilespmem:s6+$0x70] =	vst v15;
	v4 =	vmul.f32 v4, v11;
	v17 =	vsel vm1, v17, v22;
	(erf) = vpow2.f32 v20  }
0x77: {  	v18 =	vld [tilespmem:s16+$0x60];
	v17 =	vmul.f32 $1.442695020e+00, v17;
	[tilespmem:s0+$0xFFFFFF80] =	vst v6;
	(erf) = vpow2.f32 v14;
	v14 =	vsel vm0, v16, v19  }
0x78: {  	v2 =	vmul.f32 v2, v7;
	[tilespmem:s0+$0xFFFFFFA0] =	vst v0;
	v14 =	vmul.f32 $1.442695020e+00, v14  }
0x79: {  	[tilespmem:s0+$0xFFFFFFC0] =	vst v4;
	v1 =	vmul.f32 v1, v9;
	(erf) = vpow2.f32 v17  }
0x7a: {  	[tilespmem:s0+$0xFFFFFFE0] =	vst v2;
	v8 =	vpop (erf);
	(erf) = vpow2.f32 v14  }
0x7b: {  	v3 =	vmul.f32 v3, v12;
	[tilespmem:s0+$0x0] =	vst v1  }
0x7c: {  	[tilespmem:s6+$0xFFFFFFB0] =	vst v8;
	v10 =	vmul.f32 v15, v18  }
0x7d: {  	[tilespmem:s0+$0x20] =	vst v3  }
0x7e: {  	[tilespmem:s6+$0x60] =	vst v10;
	v0 =	vpop (erf)  }
0x7f: {  	v15 =	vld [tilespmem:s16+$0xFFFFFFA0];
	v6 =	vpop (erf);
	[tilespmem:s6+$0xFFFFFFD0] =	vst v0  }
0x80: {  	v4 =	vpop (erf);
	[tilespmem:s6+$0xFFFFFFF0] =	vst v6;
	v9 =	vld [tilespmem:s16+$0xFFFFFFC0]  }
0x81: {  	v10 =	vpop (erf);
	[tilespmem:s6+$0x10] =	vst v4;
	v2 =	vld [tilespmem:s16+$0xFFFFFFE0]  }
0x82: {  	v11 =	vpop (erf);
	[tilespmem:s6+$0x30] =	vst v10;
	v1 =	vld [tilespmem:s16+$0x0]  }
0x83: {  	v5 =	vmul.f32 v5, v13;
	[tilespmem:s6+$0xFFFFFF90] =	vst v11;
	v3 =	vld [tilespmem:s16+$0x20];
	v7 =	vpop (erf)  }
0x84: {  	v8 =	vmul.f32 v8, v15;
	v14 =	vld [tilespmem:s16+$0xFFFFFF80];
	[tilespmem:s6+$0x50] =	vst v7  }
0x85: {  	[tilespmem:s0+$0x40] =	vst v5;
	v0 =	vmul.f32 v0, v9;
	v5 =	vld [tilespmem:s16+$0x40]  }
0x86: {  	[tilespmem:s6+$0xFFFFFFA0] =	vst v8;
	v2 =	vmul.f32 v6, v2  }
0x87: {  	v1 =	vmul.f32 v4, v1;
	[tilespmem:s6+$0xFFFFFFC0] =	vst v0  }
0x88: {  	v0 =	vmul.f32 v10, v3;
	[tilespmem:s6+$0xFFFFFFE0] =	vst v2  }
0x89: {  	s16 =	smul.u32 $0x640, s30;
	v11 =	vmul.f32 v11, v14;
	[tilespmem:s6+$0x0] =	vst v1  }
0x8a: {  	[tilespmem:s6+$0x20] =	vst v0;
	v2 =	vmul.f32 v7, v5  }
0x8b: {  	s0 =	sshra.s32 s16, $0x2;
	[tilespmem:s6+$0xFFFFFF80] =	vst v11  }
0x8c: {  	s0 =	sadd.s32 $0x2710, s0;
	[tilespmem:s6+$0x40] =	vst v2  }
0x8d: {  	[spmem:s2] =	stream.indirect.scatter.add.f32 [tilespmem:s22], [sflag:$0x5], $0x20, s0, s15, $0xb8;
	[tilespmem:$0x11A20] =	vst v63  }
0x8e: {  	_ =	swait.ge [sflag:s23], $0x1900  }
0x8f: {  	[sflag:s23] =	ssyncset.done $0x0  }
0x90: {  	[sflag:s23] =	ssyncadd.s32 $0xFFFFE700  }
0x91: {  	p0 =	seq.s32 s30, $0x18;
	_ =	swait.ge [sflag:s24], $0xC80  }
0x92: {  	s8 =	simm.s32 @!p0 $0x4E20;
	[sflag:s24] =	ssyncset.done $0x0  }
0x93: {  	s6 =	simm.s32 @!p0 $0xC8;
	s0 =	sadd.s32 @!p0 $0x190, s1;
	[sflag:s24] =	ssyncadd.s32 $0xFFFFF380  }
0x94: {  	[tilespmem:s8], [sflag:$0x1] =	stream.indirect.gather @!p0 [hbm4b:s4+s6], $0x20, s0, s6, $0xb8;
	[tilespmem:$0x11A20] =	vst v63  }
0x95: {  	p1 =	seq.s32 @!p0 s30, $0x0;
	s0 =	sadd.s32 @!p0 $0x28A0, s1;
	s1 =	simm.s32 @!p0 $0x8020  }
0x96: {  	[tilespmem:s1], [sflag:$0x3] =	stream.indirect.gather @!p0 [hbm4b:s5+s6], $0x10, s0, s6, $0xb8;
	[tilespmem:$0x11A20] =	vst v63  }
0x97: {  	p0 =	por p0, !p1  }
0x98: {  	_ =	swait.ge @p0 [sflag:s28], $0x1900  }
0x99: {  	[sflag:s28] =	ssyncset.done @p0 $0x0  }
0x9a: {  	s6 =	simm.s32 $0x67A0;
	[sflag:s28] =	ssyncadd.s32 @p0 $0xFFFFE700  }
0x9b: {  	s17 =	simm.s32 $0x8CE0;
	v0 =	vld [tilespmem:s6+$0x70]  }
0x9c: {  	v1 =	vld [tilespmem:s17+$0x30]  }
0x9d: {  	v2 =	vld [tilespmem:s17+$0xFFFFFFD0]  }
0x9e: {  	v4 =	vld [tilespmem:s6+$0xFFFFFFD0]  }
0x9f: {  	v5 =	vld [tilespmem:s17+$0xFFFFFFE0]  }
0xa0: {  	v6 =	vld [tilespmem:s17+$0xFFFFFFF0]  }
0xa1: {  	v7 =	vld [tilespmem:s6+$0x10];
	v0 =	vadd.f32 v1, v0  }
0xa2: {  	v1 =	vld [tilespmem:s6+$0xFFFFFFB0]  }
0xa3: {  	v8 =	vld [tilespmem:s17+$0x10];
	v3 =	vmul.f32 $2.000000030e-01, v0  }
0xa4: {  	v9 =	vld [tilespmem:s17+$0xFFFFFFC0];
	vm0 =	vge.f32 v0, $0.0e+00  }
0xa5: {  	v4 =	vadd.f32 v5, v4;
	v5 =	vld [tilespmem:s6+$0xFFFFFF90];
	v0 =	vsel vm0, v0, v3  }
0xa6: {  	v3 =	vld [tilespmem:s6+$0xFFFFFFF0];
	v0 =	vmul.f32 $1.442695020e+00, v0  }
0xa7: {  	v1 =	vadd.f32 v2, v1;
	v2 =	vld [tilespmem:s6+$0x30]  }
0xa8: {  	(erf) = vpow2.f32 v0;
	v0 =	vld [tilespmem:s17+$0x0]  }
0xa9: {  	v10 =	vmul.f32 $2.000000030e-01, v1  }
0xaa: {  	v5 =	vadd.f32 v9, v5;
	vm0 =	vge.f32 v1, $0.0e+00  }
0xab: {  	v3 =	vadd.f32 v6, v3;
	v6 =	vmul.f32 $2.000000030e-01, v4;
	v1 =	vsel vm0, v1, v10  }
0xac: {  	s16 =	simm.s32 $0x8D60;
	vm0 =	vge.f32 v4, $0.0e+00;
	v1 =	vmul.f32 $1.442695020e+00, v1;
	v2 =	vadd.f32 v8, v2  }
0xad: {  	v15 =	vld [tilespmem:s16+$0x0];
	v10 =	vmul.f32 $2.000000030e-01, v3;
	v4 =	vsel vm0, v4, v6;
	v0 =	vadd.f32 v0, v7  }
0xae: {  	vm1 =	vge.f32 v3, $0.0e+00;
	v6 =	vld [tilespmem:s17+$0x20];
	v4 =	vmul.f32 $1.442695020e+00, v4;
	(erf) = vpow2.f32 v1  }
0xaf: {  	s1 =	simm.s32 $0x68A0;
	v7 =	vld [tilespmem:s6+$0x50];
	v3 =	vsel vm1, v3, v10;
	v10 =	vmul.f32 $2.000000030e-01, v2;
	v8 =	vmul.f32 $2.000000030e-01, v0  }
0xb0: {  	v9 =	vld [tilespmem:s1+$0x70];
	vm1 =	vge.f32 v2, $0.0e+00;
	vm0 =	vge.f32 v0, $0.0e+00;
	v1 =	vmul.f32 $1.442695020e+00, v3  }
0xb1: {  	v3 =	vmul.f32 $2.000000030e-01, v5;
	v2 =	vsel vm1, v2, v10;
	v10 =	vld [tilespmem:s1+$0x10];
	v0 =	vsel vm0, v0, v8  }
0xb2: {  	(erf) = vpow2.f32 v4;
	v8 =	vld [tilespmem:s16+$0x30];
	v0 =	vmul.f32 $1.442695020e+00, v0  }
0xb3: {  	s0 =	simm.s32 $0xB2A0;
	v11 =	vpop (erf);
	vm0 =	vge.f32 v5, $0.0e+00;
	v2 =	vmul.f32 $1.442695020e+00, v2;
	(erf) = vpow2.f32 v1;
	v1 =	vld [tilespmem:s1+$0xFFFFFFB0]  }
0xb4: {  	[tilespmem:s0+$0x70] =	vst v11;
	v3 =	vsel vm0, v5, v3;
	v5 =	vld [tilespmem:s16+$0xFFFFFFD0];
	(erf) = vpow2.f32 v0;
	v0 =	vadd.f32 v6, v7  }
0xb5: {  	v12 =	vld [tilespmem:s6+$0x60];
	v3 =	vmul.f32 $1.442695020e+00, v3  }
0xb6: {  	v6 =	vld [tilespmem:s1+$0xFFFFFFD0];
	(erf) = vpow2.f32 v2;
	v2 =	vmul.f32 $2.000000030e-01, v0  }
0xb7: {  	(erf) = vpow2.f32 v3;
	v3 =	vld [tilespmem:s16+$0xFFFFFFE0];
	v7 =	vadd.f32 v8, v9;
	vm0 =	vge.f32 v0, $0.0e+00  }
0xb8: {  	v8 =	vld [tilespmem:s1+$0xFFFFFFF0];
	v0 =	vsel vm0, v0, v2  }
0xb9: {  	v9 =	vld [tilespmem:s16+$0xFFFFFFF0];
	v2 =	vmul.f32 $2.000000030e-01, v7  }
0xba: {  	v13 =	vld [tilespmem:s16+$0xFFFFFFC0];
	vm0 =	vge.f32 v7, $0.0e+00;
	v14 =	vmul.f32 $1.442695020e+00, v0  }
0xbb: {  	v16 =	vld [tilespmem:s16+$0x10];
	v5 =	vadd.f32 v5, v1;
	v1 =	vsel vm0, v7, v2;
	v0 =	vpop (erf)  }
0xbc: {  	v19 =	vld [tilespmem:s1+$0x50];
	v4 =	vpop (erf);
	(erf) = vpow2.f32 v14;
	v14 =	vmul.f32 $1.442695020e+00, v1  }
0xbd: {  	v15 =	vadd.f32 v15, v10;
	v23 =	vmul.f32 v11, v12;
	v12 =	vld [tilespmem:s1+$0xFFFFFF90];
	v17 =	vmul.f32 $2.000000030e-01, v5  }
0xbe: {  	v7 =	vld [tilespmem:s1+$0x30];
	v18 =	vadd.f32 v3, v6;
	v9 =	vadd.f32 v9, v8;
	v2 =	vpop (erf);
	(erf) = vpow2.f32 v14  }
0xbf: {  	v20 =	vld [tilespmem:s16+$0x20];
	v21 =	vmul.f32 $2.000000030e-01, v15;
	vm0 =	vge.f32 v5, $0.0e+00  }
0xc0: {  	v5 =	vsel vm0, v5, v17;
	[tilespmem:s0+$0xFFFFFFB0] =	vst v0;
	v8 =	vmul.f32 $2.000000030e-01, v18;
	v11 =	vmul.f32 $2.000000030e-01, v9  }
0xc1: {  	v5 =	vmul.f32 $1.442695020e+00, v5;
	vm0 =	vge.f32 v18, $0.0e+00;
	vm1 =	vge.f32 v9, $0.0e+00;
	[tilespmem:s0+$0xFFFFFFD0] =	vst v4;
	v10 =	vld [tilespmem:s6+$0xFFFFFFA0]  }
0xc2: {  	v17 =	vadd.f32 v13, v12;
	v1 =	vpop (erf);
	[tilespmem:s0+$0xFFFFFFF0] =	vst v2;
	v14 =	vsel vm0, v18, v8;
	v9 =	vsel vm1, v9, v11;
	v11 =	vld [tilespmem:s6+$0xFFFFFFC0]  }
0xc3: {  	v3 =	vpop (erf);
	vm0 =	vge.f32 v15, $0.0e+00;
	v22 =	vadd.f32 v16, v7;
	(erf) = vpow2.f32 v5;
	[tilespmem:s0+$0x10] =	vst v1;
	v7 =	vld [tilespmem:s6+$0xFFFFFFE0]  }
0xc4: {  	v16 =	vadd.f32 v20, v19;
	v6 =	vpop (erf);
	v14 =	vmul.f32 $1.442695020e+00, v14;
	[tilespmem:s0+$0x30] =	vst v3;
	v18 =	vmul.f32 $1.442695020e+00, v9;
	v9 =	vld [tilespmem:s6+$0x0]  }
0xc5: {  	v13 =	vsel vm0, v15, v21;
	[tilespmem:s0+$0xFFFFFF90] =	vst v6;
	v24 =	vmul.f32 $2.000000030e-01, v22;
	vm1 =	vge.f32 v22, $0.0e+00;
	v12 =	vld [tilespmem:s6+$0x20];
	v5 =	vpop (erf)  }
0xc6: {  	v19 =	vmul.f32 $2.000000030e-01, v16;
	vm0 =	vge.f32 v16, $0.0e+00;
	v20 =	vmul.f32 $1.442695020e+00, v13;
	v8 =	vld [tilespmem:s6+$0xFFFFFF80];
	[tilespmem:s0+$0x50] =	vst v5  }
0xc7: {  	s14 =	simm.s32 $0x8;
	s8 =	simm.s32 $0x69A0;
	[tilespmem:s0+$0x60] =	vst v23;
	v21 =	vsel vm1, v22, v24;
	v22 =	vmul.f32 $2.000000030e-01, v17;
	vm1 =	vge.f32 v17, $0.0e+00;
	v15 =	vpop (erf);
	v13 =	vld [tilespmem:s6+$0x40];
	s6 =	simm.s32 $0xB3A0  }
.LBB2_5:
0xc8: {  	v23 =	vld [tilespmem:s8+$0x70];
	v21 =	vmul.f32 $1.442695020e+00, v21;
	v16 =	vsel vm0, v16, v19;
	[tilespmem:s6+$0x70] =	vst v15;
	(erf) = vpow2.f32 v14  }
0xc9: {  	s16 =	sadd.s32 $0x80, s16;
	v14 =	vsel vm1, v17, v22;
	v16 =	vmul.f32 $1.442695020e+00, v16;
	v17 =	vld [tilespmem:s1+$0x60];
	(erf) = vpow2.f32 v18  }
0xca: {  	s14 =	sadd.s32 $0x8, s14;
	v18 =	vld [tilespmem:s16+$0x30];
	v14 =	vmul.f32 $1.442695020e+00, v14;
	(erf) = vpow2.f32 v20  }
0xcb: {  	v6 =	vmul.f32 v6, v8;
	p0 =	slt.u32 s14, $0xC0;
	v19 =	vld [tilespmem:s16+$0xFFFFFFC0];
	(erf) = vpow2.f32 v21  }
0xcc: {  	v10 =	vmul.f32 v0, v10;
	v8 =	vld [tilespmem:s8+$0xFFFFFFB0];
	(erf) = vpow2.f32 v14;
	v0 =	vpop (erf)  }
0xcd: {  	v11 =	vmul.f32 v4, v11;
	v14 =	vld [tilespmem:s16+$0xFFFFFFD0];
	[tilespmem:s6+$0xFFFFFFB0] =	vst v0;
	(erf) = vpow2.f32 v16  }
0xce: {  	v7 =	vmul.f32 v2, v7;
	v16 =	vld [tilespmem:s8+$0xFFFFFFD0];
	v17 =	vmul.f32 v15, v17;
	[tilespmem:s0+$0xFFFFFF80] =	vst v6  }
0xcf: {  	v9 =	vmul.f32 v1, v9;
	v12 =	vmul.f32 v3, v12;
	v6 =	vld [tilespmem:s16+$0xFFFFFFE0];
	v15 =	vadd.f32 v18, v23;
	[tilespmem:s0+$0xFFFFFFA0] =	vst v10  }
0xd0: {  	v13 =	vmul.f32 v5, v13;
	v10 =	vld [tilespmem:s8+$0xFFFFFFF0];
	[tilespmem:s6+$0x60] =	vst v17  }
0xd1: {  	v5 =	vld [tilespmem:s16+$0xFFFFFFF0];
	v17 =	vmul.f32 $2.000000030e-01, v15;
	v4 =	vpop (erf);
	[tilespmem:s0+$0xFFFFFFC0] =	vst v11  }
0xd2: {  	vm0 =	vge.f32 v15, $0.0e+00;
	v8 =	vadd.f32 v14, v8;
	v11 =	vld [tilespmem:s8+$0x10];
	[tilespmem:s6+$0xFFFFFFD0] =	vst v4;
	v2 =	vpop (erf)  }
0xd3: {  	v14 =	vld [tilespmem:s16+$0x0];
	v20 =	vsel vm0, v15, v17;
	[tilespmem:s6+$0xFFFFFFF0] =	vst v2;
	v1 =	vpop (erf)  }
0xd4: {  	v15 =	vmul.f32 $2.000000030e-01, v8;
	v16 =	vadd.f32 v6, v16;
	v17 =	vld [tilespmem:s8+$0x30];
	v18 =	vmul.f32 $1.442695020e+00, v20;
	[tilespmem:s6+$0x10] =	vst v1;
	v3 =	vpop (erf)  }
0xd5: {  	vm0 =	vge.f32 v8, $0.0e+00;
	v20 =	vld [tilespmem:s16+$0x10];
	[tilespmem:s6+$0x30] =	vst v3;
	v6 =	vpop (erf)  }
0xd6: {  	v21 =	vmul.f32 $2.000000030e-01, v16;
	v22 =	vadd.f32 v5, v10;
	v23 =	vld [tilespmem:s8+$0x50];
	(erf) = vpow2.f32 v18;
	[tilespmem:s6+$0xFFFFFF90] =	vst v6;
	v5 =	vpop (erf)  }
0xd7: {  	v8 =	vsel vm0, v8, v15;
	vm0 =	vge.f32 v16, $0.0e+00;
	v15 =	vld [tilespmem:s16+$0x20];
	[tilespmem:s6+$0x50] =	vst v5  }
0xd8: {  	v18 =	vld [tilespmem:s8+$0xFFFFFF90];
	vm1 =	vge.f32 v22, $0.0e+00;
	v24 =	vmul.f32 $2.000000030e-01, v22;
	v25 =	vadd.f32 v14, v11;
	[tilespmem:s0+$0xFFFFFFE0] =	vst v7  }
0xd9: {  	v7 =	vmul.f32 $1.442695020e+00, v8;
	v11 =	vsel vm0, v16, v21;
	v8 =	vld [tilespmem:s1+$0xFFFFFF80];
	[tilespmem:s0+$0x0] =	vst v9  }
0xda: {  	vm0 =	vge.f32 v25, $0.0e+00;
	v9 =	vmul.f32 $2.000000030e-01, v25;
	v20 =	vadd.f32 v20, v17;
	v10 =	vld [tilespmem:s1+$0xFFFFFFA0];
	[tilespmem:s0+$0x20] =	vst v12  }
.Ltmp1:
0xdb: {  	v14 =	vmul.f32 $1.442695020e+00, v11;
	v12 =	vsel vm1, v22, v24;
	(erf) = vpow2.f32 v7;
	v11 =	vld [tilespmem:s1+$0xFFFFFFC0];
	[tilespmem:s0+$0x40] =	vst v13;
	s0 =	smov.u32 s6;
	(pc) =	sbr.rel @p0 .LBB2_5-.Ltmp1, $4  }
0xdc: {  	vm1 =	vge.f32 v20, $0.0e+00;
	v13 =	vmul.f32 $2.000000030e-01, v20;
	v16 =	vadd.f32 v15, v23;
	v7 =	vld [tilespmem:s1+$0xFFFFFFE0]  }
0xdd: {  	v23 =	vsel vm0, v25, v9;
	v17 =	vadd.f32 v19, v18;
	v18 =	vmul.f32 $1.442695020e+00, v12;
	v9 =	vld [tilespmem:s1+$0x0]  }
0xde: {  	v21 =	vsel vm1, v20, v13;
	vm0 =	vge.f32 v16, $0.0e+00;
	v19 =	vmul.f32 $2.000000030e-01, v16;
	v12 =	vld [tilespmem:s1+$0x20]  }
0xdf: {  	s6 =	sadd.s32 $0x100, s6;
	v20 =	vmul.f32 $1.442695020e+00, v23;
	vm1 =	vge.f32 v17, $0.0e+00;
	v22 =	vmul.f32 $2.000000030e-01, v17;
	v15 =	vpop (erf);
	v13 =	vld [tilespmem:s1+$0x40];
	s1 =	smov.u32 s8;
	s8 =	sadd.s32 $0x100, s8  }
0xe0: {  	(erf) = vpow2.f32 v14  }
0xe1: {  	v44 =	vmul.f32 $1.442695020e+00, v21;
	v6 =	vmul.f32 v6, v8  }
0xe2: {  	v46 =	vsel vm0, v16, v19;
	v0 =	vmul.f32 v0, v10;
	v4 =	vmul.f32 v4, v11  }
0xe3: {  	[tilespmem:s6+$0x70] =	vst v15;
	v17 =	vsel vm1, v17, v22;
	(erf) = vpow2.f32 v18;
	v14 =	vmul.f32 $1.442695020e+00, v46  }
0xe4: {  	v17 =	vmul.f32 $1.442695020e+00, v17;
	(erf) = vpow2.f32 v20;
	[tilespmem:s0+$0xFFFFFF80] =	vst v6  }
0xe5: {  	v2 =	vmul.f32 v2, v7;
	[tilespmem:s0+$0xFFFFFFA0] =	vst v0;
	(erf) = vpow2.f32 v44  }
0xe6: {  	[tilespmem:s0+$0xFFFFFFC0] =	vst v4;
	v1 =	vmul.f32 v1, v9;
	(erf) = vpow2.f32 v17  }
0xe7: {  	[tilespmem:s0+$0xFFFFFFE0] =	vst v2;
	v47 =	vpop (erf);
	(erf) = vpow2.f32 v14  }
0xe8: {  	v3 =	vmul.f32 v3, v12;
	[tilespmem:s0+$0x0] =	vst v1  }
0xe9: {  	v5 =	vmul.f32 v5, v13;
	[tilespmem:s6+$0xFFFFFFB0] =	vst v47  }
0xea: {  	[tilespmem:s0+$0x20] =	vst v3  }
0xeb: {  	v45 =	vld [tilespmem:s1+$0x60];
	[tilespmem:s0+$0x40] =	vst v5;
	v49 =	vpop (erf)  }
0xec: {  	v56 =	vld [tilespmem:s1+$0xFFFFFFA0];
	v50 =	vpop (erf);
	[tilespmem:s6+$0xFFFFFFD0] =	vst v49  }
0xed: {  	v51 =	vpop (erf);
	[tilespmem:s6+$0xFFFFFFF0] =	vst v50;
	v57 =	vld [tilespmem:s1+$0xFFFFFFC0]  }
0xee: {  	v52 =	vpop (erf);
	[tilespmem:s6+$0x10] =	vst v51;
	v58 =	vld [tilespmem:s1+$0xFFFFFFE0]  }
0xef: {  	v53 =	vpop (erf);
	[tilespmem:s6+$0x30] =	vst v52;
	v59 =	vld [tilespmem:s1+$0x0]  }
0xf0: {  	v48 =	vmul.f32 v15, v45;
	[tilespmem:s6+$0xFFFFFF90] =	vst v53;
	v55 =	vpop (erf);
	v60 =	vld [tilespmem:s1+$0x20]  }
0xf1: {  	v8 =	vmul.f32 v47, v56;
	v54 =	vld [tilespmem:s1+$0xFFFFFF80];
	[tilespmem:s6+$0x50] =	vst v55  }
0xf2: {  	[tilespmem:s6+$0x60] =	vst v48;
	v61 =	vld [tilespmem:s1+$0x40];
	v0 =	vmul.f32 v49, v57  }
0xf3: {  	[tilespmem:s6+$0xFFFFFFA0] =	vst v8;
	v2 =	vmul.f32 v50, v58  }
0xf4: {  	s30 =	sadd.s32 $0x1, s30;
	v1 =	vmul.f32 v51, v59;
	[tilespmem:s6+$0xFFFFFFC0] =	vst v0  }
0xf5: {  	p0 =	sne.s32 s30, $0x19;
	v62 =	vmul.f32 v52, v60;
	[tilespmem:s6+$0xFFFFFFE0] =	vst v2  }
.Ltmp2:
0xf6: {  	v11 =	vmul.f32 v53, v54;
	[tilespmem:s6+$0x0] =	vst v1;
	(pc) =	sbr.rel @p0 .LBB2_2-.Ltmp2, $4  }
0xf7: {  	v63 =	vmul.f32 v55, v61;
	[tilespmem:s6+$0x20] =	vst v62  }
0xf8: {  	[tilespmem:s6+$0xFFFFFF80] =	vst v11  }
0xf9: {  	[tilespmem:s6+$0x40] =	vst v63  }
0xfa: {  	[spmem:s2] =	stream.indirect.scatter.add.f32 [tilespmem:s25], [sflag:$0x6], $0x20, s31, s15, $0xb8;
	[tilespmem:$0x11A20] =	vst v63  }
0xfb: {  	_ =	swait.ge [sflag:s26], $0x1900  }
0xfc: {  	[sflag:s26] =	ssyncset.done $0x0  }
0xfd: {  	[sflag:s26] =	ssyncadd.s32 $0xFFFFE700  }
0xfe: {  	_ =	swait.ge [sflag:s28], $0x1900  }
0xff: {  	s29 =	sadd.s32 $0x1, s29;
	[sflag:s28] =	ssyncset.done $0x0  }
0x100: {  	p0 =	sne.s32 s29, s11;
	[sflag:s28] =	ssyncadd.s32 $0xFFFFE700  }
.Ltmp3:
0x101: {  	[bflag:$0x0] =	sbarrier.arrive $0xFFFF;
	(pc) =	sbr.rel @p0 .LBB2_1-.Ltmp3, $4  }
0x102: {  	[hbm:s10], [sflag:s7] =	dma.local [spmem:s12], $0x9E0  }
0x103: {  	_ =	swait.ge [sflag:s13], $0x9E0  }
0x104: {  	[sflag:s13] =	ssyncset.done $0x0  }
0x105: {  	[sflag:s13] =	ssyncadd.s32 $0xFFFFF620  }
0x106: {  	_ =	sfence.sel $0x180000  }
0x107: {  	[bflag:$0x0] =	sbarrier.arrive $0xFFFF  }
0x108: {  	_ =	strace $0x9000004D  }
0x109: {  	s0 =	stileid.u32;
	[bflag:$0x2] =	sbarrier.arrive $0xFFFF  }
0x10a: {  	p0 =	sne.s32 s0, $0x0;
	s0 =	rddreg [dreg:$0x2]  }
0x10b: {  	s0 =	sadd.s32 @!p0 $0x100000, s0  }
0x10c: {  	[sflag:s0] =	ssyncadd.tile.s32 @!p0 $0x1;
	_ =	shalt  }
.Lfunc_end2:
_tile_overlayer_lowered:
.L_overlay_start_2:
0x10d: {  	(tag) =	ssettag $0x2  }
0x10e: {  	s0 =	rddreg [dreg:$0x0];
	s2 =	stileid.u32  }
0x10f: {  	s1 =	rddreg [dreg:$0x1];
	p0 =	sne.s32 s2, $0x0  }
0x110: {  	s3 =	rddreg [dreg:$0x2];
	[bflag:$0x3] =	sbarrier.arrive $0xFFFF;
	s2 =	simm.s32 @!p0 $0x1C07  }
0x111: {  	[timem:s3], [sflag:s2] =	dma.local @!p0 [hbm:s0], s1  }
0x112: {  	s0 =	simm.s32 @!p0 $0x7  }
0x113: {  	_ =	swait.ge @!p0 [sflag:s0], s1  }
0x114: {  	s1 =	ssub.s32 @!p0 $0x0, s1;
	[sflag:s0] =	ssyncset.done @!p0 $0x0  }
0x115: {  	[sflag:s0] =	ssyncadd.s32 @!p0 s1  }
0x116: {  	[bflag:$0x3] =	sbarrier.arrive $0xFFFF  }
0x117: {  	_ =	shalt  }

// kernel: kernel.9.cloned.1.call-start
scs
__scs_entry_jumppad:
0x0: {  	(pc) =	sbr.rel $0x88, $3  }
0x1: {  	(tag) =	ssettag $0x0;
	lr =	simm.s32 $0x1  }
0x2: {  	[smem:$0x3F93] =	sst lr;
	_ =	strace $0xD0000000  }
0x3: {  	_ = 	snop  }
0x4: {  	_ = 	snop  }
0x5: {  	_ = 	snop  }
0x6: {  	_ = 	snop  }
0x7: {  	_ = 	snop  }
__scs_overlays_trampoline_lowered:
0x8: {  	[smem:$0x3FA2] =	sst s0  }
0x9: {  	[smem:$0x3FA3] =	sst s1  }
0xa: {  	[smem:$0x3FA4] =	sst s2  }
0xb: {  	[smem:$0x3FA5] =	sst s3  }
0xc: {  	[smem:$0x3FA6] =	sst s4  }
0xd: {  	[smem:$0x3FA7] =	sst s5  }
0xe: {  	[smem:$0x3FA8] =	sst s6  }
0xf: {  	[smem:$0x3FA9] =	sst s7  }
0x10: {  	[smem:$0x3FAA] =	sst s8  }
0x11: {  	[smem:$0x3FAB] =	sst s9;
	s0 =	simm.s32 @!p0 $0x0  }
0x12: {  	s1 =	sld [smem:$0x3F91];
	s0 =	simm.s32 @p0 $0x1  }
0x13: {  	[smem:$0x3FAC] =	sst s0;
	s0 =	simm.s32 @!p1 $0x0  }
0x14: {  	s2 =	sld [smem:$0x3F90];
	s0 =	simm.s32 @p1 $0x1  }
0x15: {  	[smem:$0x3FAD] =	sst s0;
	s0 =	simm.s32 @!p2 $0x0  }
0x16: {  	s3 =	sld [smem:$0x3FDB];
	s0 =	simm.s32 @p2 $0x1  }
0x17: {  	s4 =	simm.s32 $0x1BF5;
	[smem:$0x3FAF] =	sst s0  }
0x18: {  	s0 =	sld [smem:$0x3F92];
	_ =	swait.ge [sflag:s4], $0x0  }
0x19: {  	s7 =	sld [smem:$0x3F93]  }
0x1a: {  	s8 =	sadd.s32 $0xFFFFE003, lr  }
0x1b: {  	s9 =	sadd.s32 $0xFFFFFEF7, lr;
	s5 =	simm.s32 $0xFFFFFFFF;
	p2 =	slt.u32 s8, $0xFFFFF086  }
0x1c: {  	p1 =	slt.u32 s9, $0xF7A;
	s5 =	simm.s32 @!p2 $0x0  }
0x1d: {  	s5 =	simm.s32 @p1 $0x1;
	p0 =	seq.s32 s7, s2  }
0x1e: {  	s7 =	smul.u32 @!p0 $0xF7A, s2;
	p2 =	seq.s32 @!p0 s5, $0x0  }
0x1f: {  	s9 =	smul.u32 $0xF7A, s1;
	s8 =	simm.s32 @!p0 $0x1BF5;
	p2 =	por !p2, p0  }
0x20: {  	[sflag:s8] =	ssyncset.s32 @!p0 $0xFFFFF086;
	s6 =	sadd.s32 @!p0 s3, s7;
	s7 =	simm.s32 @!p0 $0x108  }
0x21: {  	s3 =	sadd.s32 s3, s9;
	s6 =	sadd.s32 @!p0 $0x88, s6;
	s7 =	simm.s32 @p2 $0x1082  }
0x22: {  	[simem:s7], [sflag:s8] =	dma.local @!p0 [hbm:s6], $0xF7A  }
0x23: {  	s9 =	sor.u32 $0xD0000000, s2;
	s6 =	simm.s32 $0x108;
	_ =	swait.ge @!p0 [sflag:s8], $0x0  }
0x24: {  	s3 =	sadd.s32 $0x88, s3;
	s6 =	simm.s32 @!p1 $0x1082;
	[sflag:s4] =	ssyncset.s32 $0xFFFFF086  }
0x25: {  	[simem:s6], [sflag:s4] =	dma.local [hbm:s3], $0xF7A  }
0x26: {  	[smem:$0x3F93] =	sst s1;
	(tag) =	ssettag s2;
	_ =	strace s9  }
0x27: {  	s1 =	sld [smem:$0x3FA3]  }
0x28: {  	s2 =	sld [smem:$0x3FA4]  }
0x29: {  	s4 =	sld [smem:$0x3FA6]  }
0x2a: {  	p0 =	seq.s32 s5, $0x0;
	s5 =	sld [smem:$0x3FA7]  }
0x2b: {  	s6 =	sld [smem:$0x3FA8]  }
0x2c: {  	s7 =	sld [smem:$0x3FA9]  }
0x2d: {  	s3 =	simm.s32 $0x108;
	s8 =	sld [smem:$0x3FAA]  }
0x2e: {  	s3 =	simm.s32 @!p0 $0x1082;
	s9 =	sld [smem:$0x3FAB]  }
0x2f: {  	lr =	sadd.s32 s0, s3;
	s0 =	sld [smem:$0x3FA2]  }
0x30: {  	s3 =	sld [smem:$0x3FA5]  }
0x31: {  	[smem:$0x3FAE] =	sst s10  }
0x32: {  	s10 =	sld [smem:$0x3FAC];
	_ =	sdelay $0x3  }
0x33: {  	p0 =	seq.s32 s10, $0x1;
	s10 =	sld [smem:$0x3FAE];
	_ =	sdelay $0x3  }
0x34: {  	[smem:$0x3FAE] =	sst s10  }
0x35: {  	s10 =	sld [smem:$0x3FAD];
	_ =	sdelay $0x3  }
0x36: {  	p1 =	seq.s32 s10, $0x1;
	s10 =	sld [smem:$0x3FAE];
	_ =	sdelay $0x3  }
0x37: {  	[smem:$0x3FAE] =	sst s10  }
0x38: {  	s10 =	sld [smem:$0x3FAF]  }
0x39: {  	_ = 	snop;
	(pc) =	sbr.ind lr, $3  }
0x3a: {  	_ = 	snop  }
0x3b: {  	_ = 	snop  }
0x3c: {  	p2 =	seq.s32 s10, $0x1;
	s10 =	sld [smem:$0x3FAE]  }
0x3d: {  	_ =	shalt  }
0x3e: {  	_ =	shalt  }
0x3f: {  	_ =	shalt  }
0x40: {  	_ =	shalt  }
0x41: {  	_ =	shalt  }
0x42: {  	_ =	shalt  }
0x43: {  	_ =	shalt  }
0x44: {  	_ =	shalt  }
0x45: {  	_ =	shalt  }
0x46: {  	_ =	shalt  }
0x47: {  	_ =	shalt  }
0x48: {  	_ =	shalt  }
0x49: {  	_ =	shalt  }
0x4a: {  	_ =	shalt  }
0x4b: {  	_ =	shalt  }
0x4c: {  	_ =	shalt  }
0x4d: {  	_ =	shalt  }
0x4e: {  	_ =	shalt  }
0x4f: {  	_ =	shalt  }
0x50: {  	_ =	shalt  }
0x51: {  	_ =	shalt  }
0x52: {  	_ =	shalt  }
0x53: {  	_ =	shalt  }
0x54: {  	_ =	shalt  }
0x55: {  	_ =	shalt  }
0x56: {  	_ =	shalt  }
0x57: {  	_ =	shalt  }
0x58: {  	_ =	shalt  }
0x59: {  	_ =	shalt  }
0x5a: {  	_ =	shalt  }
0x5b: {  	_ =	shalt  }
0x5c: {  	_ =	shalt  }
0x5d: {  	_ =	shalt  }
0x5e: {  	_ =	shalt  }
0x5f: {  	_ =	shalt  }
0x60: {  	_ =	shalt  }
0x61: {  	_ =	shalt  }
0x62: {  	_ =	shalt  }
0x63: {  	_ =	shalt  }
0x64: {  	_ =	shalt  }
0x65: {  	_ =	shalt  }
0x66: {  	_ =	shalt  }
0x67: {  	_ =	shalt  }
0x68: {  	_ =	shalt  }
0x69: {  	_ =	shalt  }
0x6a: {  	_ =	shalt  }
0x6b: {  	_ =	shalt  }
0x6c: {  	_ =	shalt  }
0x6d: {  	_ =	shalt  }
0x6e: {  	_ =	shalt  }
0x6f: {  	_ =	shalt  }
0x70: {  	_ =	shalt  }
0x71: {  	_ =	shalt  }
0x72: {  	_ =	shalt  }
0x73: {  	_ =	shalt  }
0x74: {  	_ =	shalt  }
0x75: {  	_ =	shalt  }
0x76: {  	_ =	shalt  }
0x77: {  	_ =	shalt  }
0x78: {  	_ =	shalt  }
0x79: {  	_ =	shalt  }
0x7a: {  	_ =	shalt  }
0x7b: {  	_ =	shalt  }
0x7c: {  	_ =	shalt  }
0x7d: {  	_ =	shalt  }
0x7e: {  	_ =	shalt  }
0x7f: {  	_ =	shalt  }
0x80: {  	_ =	shalt  }
0x81: {  	_ =	shalt  }
0x82: {  	_ =	shalt  }
0x83: {  	_ =	shalt  }
0x84: {  	_ =	shalt  }
0x85: {  	_ =	shalt  }
0x86: {  	_ =	shalt  }
0x87: {  	_ =	shalt  }
.Lfunc_end0:
.L_simem_size_0:
called_computation_lowered:
.L_overlay_start_0:
0x88: {  	s2 =	sld [smem:$0x3FD9]  }
0x89: {  	s3 =	sld [smem:$0x3FFE];
	_ =	sdelay $0x1  }
0x8a: {  	s1 =	srdreg.scid  }
0x8b: {  	s0 =	sand.u32 $0x1, s1  }
0x8c: {  	s16 =	sshll.u32 s0, $0xA;
	s2 =	sadd.s32 s3, s2  }
0x8d: {  	s2 =	sadd.s32 s2, s16  }
0x8e: {  	[smem:$0x3FBA] =	sst s2  }
0x8f: {  	_ = 	snop  }
0x90: {  	(tm) =	ssettm $0x1  }
0x91: {  	s17 =	sld [smem:$0x3FFB];
	_ =	sdelay $0x3  }
0x92: {  	_ =	strace s17  }
0x93: {  	s2 =	sld [smem:$0x3FFC];
	_ =	sdelay $0x3  }
0x94: {  	_ =	strace s2  }
0x95: {  	s2 =	sld [smem:$0x3FFD];
	_ =	sdelay $0x3  }
0x96: {  	_ =	strace s2  }
0x97: {  	_ =	strace $0x8FFFFFFF  }
0x98: {  	s18 =	sld [smem:$0x3FDB];
	_ =	sdelay $0x1  }
0x99: {  	s19 =	simm.s32 $_scs_section_size  }
0x9a: {  	s4 =	simm.s32 $_size__tile_overlayer_lowered;
	s5 =	simm.s32 $_tile_overlayer_lowered  }
0x9b: {  	s22 =	simm.s32 $0x1BFF;
	s21 =	sshll.u32 s5, $0x1;
	s2 =	sadd.s32 s19, s18  }
0x9c: {  	s6 =	simm.s32 $0x0;
	s20 =	sshll.u32 s4, $0x1;
	s4 =	sadd.s32 s21, s2  }
0x9d: {  	[timem:s6], [sflag:s22] =	dma.local [hbm:s4], s20  }
0x9e: {  	_ =	swait.ge [sflag:s22], s20  }
0x9f: {  	s3 =	ssub.s32 $0x0, s20;
	[sflag:s22] =	ssyncset.done $0x0  }
0xa0: {  	[sflag:s22] =	ssyncadd.s32 s3;
	_ =	sdelay $0x1  }
0xa1: {  	s23 =	simm.s32 $0x1B8B  }
0xa2: {  	_ =	swait.ge [sflag:s23], $0x1  }
0xa3: {  	[sflag:s23] =	ssyncset.done $0x0  }
0xa4: {  	s25 =	simm.s32 $0x1B8E;
	s24 =	sld [smem:$0x3FFE];
	[sflag:s23] =	ssyncadd.s32 $0xFFFFFFFF  }
0xa5: {  	s26 =	simm.s32 $execute0_lowered;
	[smem:$0x3FD2] =	sst s25  }
0xa6: {  	s4 =	sshll.u32 s26, $0x1;
	_ =	strace $0x80000046;
	[dreg:$0x1] =	wrdreg $0xFFFFFFFF  }
0xa7: {  	s28 =	simm.s32 $_size_execute0_lowered;
	s2 =	sadd.s32 s2, s4;
	[dreg:$0x0] =	wrdreg $0x0  }
0xa8: {  	s4 =	sshll.u32 s28, $0x1;
	[dreg:$0x2] =	wrdreg s2  }
0xa9: {  	[dreg:$0x3] =	wrdreg s4  }
0xaa: {  	[dreg:$0x4] =	wrdreg $0xC0  }
0xab: {  	_ =	task [dreg:s6], $0x5FFFF  }
0xac: {  	[dreg:$0x1] =	wrdreg $0xFFFFFFFF  }
0xad: {  	[dreg:$0x0] =	wrdreg $0x60  }
0xae: {  	[dreg:$0x2] =	wrdreg s24  }
0xaf: {  	[dreg:$0x3] =	wrdreg $0x96A00  }
0xb0: {  	[dreg:$0x4] =	wrdreg $0x9  }
0xb1: {  	_ =	task.clear_ibuf [dreg:s6], $0x5FFFF;
	_ =	strace $0x90000046  }
0xb2: {  	s29 =	simm.s32 $0x9;
	_ =	strace $0x80000048  }
0xb3: {  	_ =	swait.ge [sflag:s29], $0x1  }
0xb4: {  	[sflag:s29] =	ssyncadd.s32 $0xFFFFFFFF  }
0xb5: {  	_ =	strace $0x90000048  }
0xb6: {  	_ =	sfence  }
0xb7: {  	s30 =	sld [smem:$0x0];
	_ =	sdelay $0x2  }
0xb8: {  	s31 =	sshll.u32 s1, $0xD;
	s1 =	sshrl.u32 s1, $0x2  }
0xb9: {  	s3 =	sand.u32 $0x4000, s31;
	s1 =	sadd.s32 s1, s30  }
0xba: {  	s0 =	sor.u32 s3, s0;
	s1 =	sshll.u32 s1, $0x11  }
0xbb: {  	s0 =	sor.u32 s1, s0  }
0xbc: {  	s0 =	sadd.s32 $0x8F2B, s0  }
0xbd: {  	[sflag:s0] =	ssyncadd.remote.s32 $0x1  }
0xbe: {  	_ =	sfence.sel $0xFFFF  }
0xbf: {  	[dreg:$0x0] =	wrdreg $0xFFFFFFFF;
	(pc) =	sbr.abs _section_cstart, $3  }
0xc0: {  	[dreg:$0x1] =	wrdreg $0xFFFFFFFF  }
0xc1: {  	_ =	task.clear_ibuf [dreg:s6], $0x2FFFF;
	_ =	strace $0x9FFFFFFF  }
0xc2: {  	(tm) =	ssettm $0x7FFFFFFF  }
0xc3: {  	_ =	shalt  }
tec
execute0_lowered:
.L_overlay_start_1:
0x0: {  	(tag) =	ssettag $0x1  }
0x1: {  	s0 =	srdreg.scid  }
0x2: {  	s9 =	stileid.u32;
	s6 =	rddreg [dreg:$0x0]  }
0x3: {  	s2 =	rddreg [dreg:$0x1];
	s3 =	simm.s32 $0x0;
	s13 =	simm.s32 $0x5  }
0x4: {  	s15 =	simm.s32 $0x28;
	s18 =	simm.s32 $0x1;
	s19 =	simm.s32 $0x3  }
0x5: {  	s20 =	simm.s32 $0x64A0;
	s21 =	simm.s32 $0x7DA0;
	s22 =	simm.s32 $0x8020  }
0x6: {  	s23 =	simm.s32 $0x2;
	s24 =	simm.s32 $0x4;
	s25 =	simm.s32 $0x0  }
0x7: {  	s0 =	sand.u32 $0x1, s0;
	s1 =	sshll.u32 s9, $0x1;
	s7 =	smul.u32 $0x16380, s9  }
0x8: {  	[smem:$0x7FF] =	sst s3;
	s4 =	sadd.s32 $0xC00, s6;
	s5 =	sadd.s32 $0x2CC00, s6  }
0x9: {  	s10 =	sadd.s32 $0x45800, s6;
	s9 =	sshll.u32 s9, $0x6;
	s1 =	sor.u32 s0, s1  }
0xa: {  	s8 =	smul.u32 $0x163800, s0;
	_ =	strace $0x80000047;
	s0 =	ssub.s32 $0x2, s0  }
0xb: {  	[dreg:$0x3] =	wrdreg s10;
	s1 =	smul.u32 $0x4E2, s1;
	s31 =	sshrl.u32 s0, $0x1  }
0xc: {  	s12 =	sadd.s32 s7, s2;
	s8 =	sadd.s32 s7, s8;
	s0 =	ssub.s32 s0, s31  }
0xd: {  	v5 =	vimm.s32 $0x0;
	v6 =	vimm.s32 $0x1;
	s7 =	sor.u32 $0x1C05, s9;
	s12 =	sshrl.u32 s12, $0x3;
	s8 =	sshrl.u32 s8, $0x3  }
0xe: {  	v7 =	vimm.s32 $0x2;
	v48 =	vimm.s32 $0x3;
	v49 =	vimm.s32 $0x4;
	s1 =	sadd.s32 s1, s6;
	s11 =	smax.u32 s0, $0x1;
	s6 =	sadd.s32 s8, s6  }
0xf: {  	v22 =	vimm.s32 $0x5;
	v26 =	vimm.s32 $0x6;
	v58 =	vimm.s32 $0x7;
	s8 =	sadd.s32 $0x3BA00, s1;
	s9 =	sadd.s32 $0x31C00, s1;
	s10 =	sadd.s32 $0x48600, s6  }
.LBB2_1:
0x10: {  	s0 =	rddreg [dreg:$0x3]  }
0x11: {  	[spmem:s12], [sflag:s7] =	dma.local [hbm:s0], $0x2C70  }
0x12: {  	_ =	swait.ge [sflag:s13], $0x2C70  }
0x13: {  	[sflag:s13] =	ssyncset.done $0x0  }
0x14: {  	[sflag:s13] =	ssyncadd.s32 $0xFFFFD390  }
0x15: {  	[tilespmem:s3], [sflag:$0x5] =	stream.linear.gather [hbm4b:s8+s3], $0x2710, $0x38;
	[tilespmem:$0x1FA20] =	vst v63  }
0x16: {  	_ =	swait.ge [sflag:s13], $0x2710  }
0x17: {  	[sflag:s13] =	ssyncset.done $0x0  }
0x18: {  	s30 =	simm.s32 $0x2710;
	[sflag:s13] =	ssyncadd.s32 $0xFFFFD8F0  }
0x19: {  	[tilespmem:s30], [sflag:$0x5] =	stream.linear.gather [hbm4b:s9+s3], $0x2710, $0x38;
	[tilespmem:$0x1FA20] =	vst v63  }
0x1a: {  	_ =	swait.ge [sflag:s13], $0x2710  }
0x1b: {  	[sflag:s13] =	ssyncset.done $0x0  }
0x1c: {  	[sflag:s13] =	ssyncadd.s32 $0xFFFFD8F0  }
0x1d: {  	s1 =	simm.s32 $0x4E20;
	[bflag:$0x0] =	sbarrier.arrive $0xFFFF  }
0x1e: {  	[tilespmem:s1], [sflag:$0x1] =	stream.indirect.gather [hbm4b:s4+s15], $0x90, s3, s15, $0xb8;
	[tilespmem:$0x1FA20] =	vst v63  }
0x1f: {  	s31 =	simm.s32 $0x7B20;
	s26 =	simm.s32 $0x0  }
0x20: {  	[tilespmem:s31], [sflag:$0x3] =	stream.indirect.gather [hbm4b:s5+s15], $0x10, s30, s15, $0xb8;
	[tilespmem:$0x1FA20] =	vst v63  }
.LBB2_2:
0x21: {  	_ =	swait.ge [sflag:s18], $0x1680  }
0x22: {  	[sflag:s18] =	ssyncset.done $0x0  }
0x23: {  	[sflag:s18] =	ssyncadd.s32 $0xFFFFE980  }
0x24: {  	s29 =	smul.u32 $0x50, s26;
	_ =	swait.ge [sflag:s19], $0x280  }
0x25: {  	[sflag:s19] =	ssyncset.done $0x0  }
0x26: {  	s0 =	sadd.s32 $0x28, s29;
	[sflag:s19] =	ssyncadd.s32 $0xFFFFFD80  }
0x27: {  	[tilespmem:s20], [sflag:$0x2] =	stream.indirect.gather [hbm4b:s4+s15], $0x90, s0, s15, $0xb8;
	[tilespmem:$0x1FA20] =	vst v63  }
0x28: {  	s16 =	simm.s32 $0x5060;
	s28 =	sadd.s32 $0x2738, s29  }
0x29: {  	[tilespmem:s21], [sflag:$0x4] =	stream.indirect.gather [hbm4b:s5+s15], $0x10, s28, s15, $0xb8;
	[tilespmem:$0x1FA20] =	vst v63  }
0x2a: {  	s14 =	simm.s32 $0x7B60;
	v0 =	vld [tilespmem:s16+$0x230]  }
0x2b: {  	v1 =	vld [tilespmem:s14+$0x30]  }
0x2c: {  	v2 =	vld [tilespmem:s14+$0xFFFFFFC0]  }
0x2d: {  	v3 =	vld [tilespmem:s16+$0xFFFFFED0]  }
0x2e: {  	v4 =	vld [tilespmem:s14+$0xFFFFFFD0]  }
0x2f: {  	v8 =	vld [tilespmem:s16+$0xFFFFFF60]  }
0x30: {  	v9 =	vld [tilespmem:s14+$0xFFFFFFE0]  }
0x31: {  	v10 =	vld [tilespmem:s14+$0xFFFFFFF0];
	v0 =	vadd.f32 v1, v0  }
0x32: {  	v12 =	vld [tilespmem:s16+$0x80]  }
0x33: {  	v13 =	vld [tilespmem:s14+$0x0];
	v3 =	vadd.f32 v4, v3;
	v11 =	vmul.f32 $2.000000030e-01, v0  }
0x34: {  	v1 =	vld [tilespmem:s16+$0xFFFFFFF0];
	vm0 =	vge.f32 v0, $0.0e+00  }
0x35: {  	v4 =	vld [tilespmem:s16+$0x110];
	v14 =	vmul.f32 $2.000000030e-01, v3;
	v0 =	vsel vm0, v0, v11  }
0x36: {  	vm6 =	vge.f32 v3, $0.0e+00;
	v11 =	vld [tilespmem:s14+$0x10];
	v0 =	vmul.f32 $1.442695020e+00, v0  }
0x37: {  	v3 =	vsel vm6, v3, v14;
	v14 =	vld [tilespmem:s16+$0xFFFFFE40]  }
0x38: {  	v8 =	vadd.f32 v9, v8;
	v12 =	vadd.f32 v13, v12;
	(erf) = vpow2.f32 v0  }
0x39: {  	v9 =	vld [tilespmem:s16+$0x1A0];
	v3 =	vmul.f32 $1.442695020e+00, v3;
	v0 =	vadd.f32 v10, v1  }
0x3a: {  	vm7 =	vge.f32 v8, $0.0e+00;
	vm8 =	vge.f32 v12, $0.0e+00;
	v1 =	vld [tilespmem:s14+$0x20];
	v10 =	vmul.f32 $2.000000030e-01, v8  }
0x3b: {  	(erf) = vpow2.f32 v3;
	vm1 =	vge.f32 v0, $0.0e+00;
	v15 =	vmul.f32 $2.000000030e-01, v0  }
0x3c: {  	v8 =	vsel vm7, v8, v10;
	v4 =	vadd.f32 v11, v4;
	v2 =	vadd.f32 v2, v14  }
0x3d: {  	v10 =	vmul.f32 $2.000000030e-01, v12;
	v11 =	vmul.f32 $1.442695020e+00, v8;
	v0 =	vsel vm1, v0, v15  }
0x3e: {  	v3 =	vmul.f32 $2.000000030e-01, v4;
	vm9 =	vge.f32 v4, $0.0e+00;
	vm11 =	vge.f32 v2, $0.0e+00  }
0x3f: {  	v1 =	vadd.f32 v1, v9;
	v0 =	vmul.f32 $1.442695020e+00, v0;
	v9 =	vsel vm8, v12, v10  }
0x40: {  	v10 =	vmul.f32 $2.000000030e-01, v2;
	v3 =	vsel vm9, v4, v3;
	v9 =	vmul.f32 $1.442695020e+00, v9  }
0x41: {  	s30 =	simm.s32 $0x8260;
	vm10 =	vge.f32 v1, $0.0e+00;
	v4 =	vmul.f32 $2.000000030e-01, v1;
	v8 =	vpop (erf);
	(erf) = vpow2.f32 v11  }
0x42: {  	v3 =	vmul.f32 $1.442695020e+00, v3;
	v2 =	vsel vm11, v2, v10;
	[tilespmem:s30+$0x230] =	vst v8;
	(erf) = vpow2.f32 v0  }
0x43: {  	v0 =	vsel vm10, v1, v4;
	v1 =	vmul.f32 $1.442695020e+00, v2;
	v10 =	vld [tilespmem:s16+$0x1B0];
	(erf) = vpow2.f32 v9  }
0x44: {  	v0 =	vmul.f32 $1.442695020e+00, v0;
	(erf) = vpow2.f32 v3  }
0x45: {  	s17 =	simm.s32 $0x7BE0;
	(erf) = vpow2.f32 v1  }
0x46: {  	s31 =	simm.s32 $0x54E0;
	v27 =	vld [tilespmem:s17+$0xFFFFFFC0];
	v2 =	vperm.xlane v8, v5;
	(erf) = vpow2.f32 v0  }
0x47: {  	v30 =	vld [tilespmem:s31+$0xFFFFFED0]  }
0x48: {  	v33 =	vld [tilespmem:s17+$0xFFFFFFD0];
	v0 =	vmul.f32 v10, v2;
	v10 =	vpop (erf)  }
0x49: {  	v35 =	vld [tilespmem:s31+$0xFFFFFF60];
	[tilespmem:s30+$0xFFFFFED0] =	vst v10  }
0x4a: {  	[tilespmem:s30+$0x1B0] =	vst v0;
	v12 =	vpop (erf);
	v1 =	vld [tilespmem:s16+$0xFFFFFE50]  }
0x4b: {  	v0 =	vld [tilespmem:s16+$0x1C0];
	[tilespmem:s30+$0xFFFFFF60] =	vst v12;
	v11 =	vpop (erf)  }
0x4c: {  	v2 =	vld [tilespmem:s16+$0xFFFFFEE0];
	[tilespmem:s30+$0xFFFFFFF0] =	vst v11;
	v14 =	vpop (erf)  }
0x4d: {  	v13 =	vperm.xlane v10, v5;
	v3 =	vld [tilespmem:s16+$0xFFFFFF70];
	[tilespmem:s30+$0x80] =	vst v14;
	v19 =	vpop (erf)  }
0x4e: {  	v4 =	vperm.xlane v8, v6;
	v15 =	vld [tilespmem:s16+$0x0];
	[tilespmem:s30+$0x110] =	vst v19;
	v9 =	vpop (erf)  }
0x4f: {  	v16 =	vperm.xlane v12, v5;
	[tilespmem:s30+$0xFFFFFE40] =	vst v9;
	v17 =	vld [tilespmem:s16+$0x90];
	v20 =	vpop (erf);
	v1 =	vmul.f32 v1, v13  }
0x50: {  	v0 =	vmul.f32 v0, v4;
	v4 =	vperm.xlane v11, v5;
	v13 =	vld [tilespmem:s16+$0xFFFFFDC0];
	[tilespmem:s30+$0x1A0] =	vst v20  }
0x51: {  	v18 =	vperm.xlane v14, v5;
	v2 =	vmul.f32 v2, v16;
	v16 =	vld [tilespmem:s16+$0x120];
	[tilespmem:s30+$0xFFFFFE50] =	vst v1  }
0x52: {  	[tilespmem:s30+$0x1C0] =	vst v0;
	v0 =	vperm.xlane v19, v5;
	v1 =	vmul.f32 v3, v4;
	v21 =	vld [tilespmem:s16+$0xFFFFFE60]  }
0x53: {  	v4 =	vperm.xlane v9, v5;
	v3 =	vld [tilespmem:s16+$0x1D0];
	[tilespmem:s30+$0xFFFFFEE0] =	vst v2;
	v2 =	vmul.f32 v15, v18  }
0x54: {  	v15 =	vperm.xlane v20, v5;
	v18 =	vld [tilespmem:s16+$0xFFFFFEF0];
	[tilespmem:s30+$0xFFFFFF70] =	vst v1;
	v0 =	vmul.f32 v17, v0  }
0x55: {  	v1 =	vmul.f32 v13, v4;
	v4 =	vld [tilespmem:s16+$0xFFFFFF80];
	[tilespmem:s30+$0x0] =	vst v2;
	v13 =	vperm.xlane v10, v6  }
0x56: {  	v2 =	vperm.xlane v8, v7;
	v17 =	vld [tilespmem:s16+$0x10];
	[tilespmem:s30+$0x90] =	vst v0;
	v0 =	vmul.f32 v16, v15  }
0x57: {  	v15 =	vperm.xlane v12, v6;
	[tilespmem:s30+$0xFFFFFDC0] =	vst v1;
	v1 =	vld [tilespmem:s16+$0xA0];
	v13 =	vmul.f32 v21, v13  }
0x58: {  	v2 =	vmul.f32 v3, v2;
	v3 =	vperm.xlane v11, v6;
	v16 =	vld [tilespmem:s16+$0xFFFFFDD0];
	[tilespmem:s30+$0x120] =	vst v0  }
0x59: {  	v0 =	vperm.xlane v14, v6;
	v15 =	vmul.f32 v18, v15;
	v18 =	vld [tilespmem:s16+$0x130];
	[tilespmem:s30+$0xFFFFFE60] =	vst v13  }
0x5a: {  	[tilespmem:s30+$0x1D0] =	vst v2;
	v2 =	vperm.xlane v19, v6;
	v3 =	vmul.f32 v4, v3;
	v21 =	vld [tilespmem:s16+$0xFFFFFE70]  }
0x5b: {  	v13 =	vperm.xlane v9, v6;
	v4 =	vld [tilespmem:s16+$0x1E0];
	[tilespmem:s30+$0xFFFFFEF0] =	vst v15;
	v0 =	vmul.f32 v17, v0  }
0x5c: {  	v15 =	vperm.xlane v20, v6;
	v17 =	vld [tilespmem:s16+$0xFFFFFF00];
	[tilespmem:s30+$0xFFFFFF80] =	vst v3;
	v1 =	vmul.f32 v1, v2  }
0x5d: {  	v2 =	vmul.f32 v16, v13;
	v3 =	vld [tilespmem:s16+$0xFFFFFF90];
	[tilespmem:s30+$0x10] =	vst v0;
	v13 =	vperm.xlane v10, v7  }
0x5e: {  	v0 =	vperm.xlane v8, v48;
	v16 =	vld [tilespmem:s16+$0x20];
	[tilespmem:s30+$0xA0] =	vst v1;
	v1 =	vmul.f32 v18, v15  }
0x5f: {  	v15 =	vperm.xlane v12, v7;
	[tilespmem:s30+$0xFFFFFDD0] =	vst v2;
	v2 =	vld [tilespmem:s16+$0xB0];
	v13 =	vmul.f32 v21, v13  }
0x60: {  	v0 =	vmul.f32 v4, v0;
	v4 =	vperm.xlane v11, v7;
	v18 =	vld [tilespmem:s16+$0xFFFFFDE0];
	[tilespmem:s30+$0x130] =	vst v1  }
0x61: {  	v1 =	vperm.xlane v14, v7;
	v15 =	vmul.f32 v17, v15;
	v17 =	vld [tilespmem:s16+$0x140];
	[tilespmem:s30+$0xFFFFFE70] =	vst v13  }
0x62: {  	[tilespmem:s30+$0x1E0] =	vst v0;
	v0 =	vperm.xlane v19, v7;
	v3 =	vmul.f32 v3, v4;
	v21 =	vld [tilespmem:s16+$0xFFFFFE80]  }
0x63: {  	v13 =	vperm.xlane v9, v7;
	v4 =	vld [tilespmem:s16+$0x1F0];
	[tilespmem:s30+$0xFFFFFF00] =	vst v15;
	v1 =	vmul.f32 v16, v1  }
0x64: {  	v15 =	vperm.xlane v20, v7;
	v16 =	vld [tilespmem:s16+$0xFFFFFF10];
	[tilespmem:s30+$0xFFFFFF90] =	vst v3;
	v0 =	vmul.f32 v2, v0  }
0x65: {  	v2 =	vmul.f32 v18, v13;
	v3 =	vld [tilespmem:s16+$0xFFFFFFA0];
	[tilespmem:s30+$0x20] =	vst v1;
	v13 =	vperm.xlane v10, v48  }
0x66: {  	v1 =	vperm.xlane v8, v49;
	v18 =	vld [tilespmem:s16+$0x30];
	[tilespmem:s30+$0xB0] =	vst v0;
	v0 =	vmul.f32 v17, v15  }
0x67: {  	[tilespmem:s30+$0xFFFFFDE0] =	vst v2;
	v2 =	vld [tilespmem:s16+$0xC0];
	v13 =	vmul.f32 v21, v13  }
0x68: {  	v15 =	vperm.xlane v12, v48;
	v1 =	vmul.f32 v4, v1;
	v17 =	vld [tilespmem:s16+$0xFFFFFDF0];
	[tilespmem:s30+$0x140] =	vst v0  }
0x69: {  	v36 =	vld [tilespmem:s17+$0xFFFFFFE0];
	v4 =	vperm.xlane v11, v48;
	v0 =	vperm.xlane v14, v48;
	[tilespmem:s30+$0xFFFFFE80] =	vst v13  }
0x6a: {  	v15 =	vmul.f32 v16, v15;
	v16 =	vld [tilespmem:s16+$0x150];
	[tilespmem:s30+$0x1F0] =	vst v1;
	v1 =	vperm.xlane v19, v48  }
0x6b: {  	v13 =	vperm.xlane v9, v48;
	v21 =	vld [tilespmem:s16+$0xFFFFFE90];
	v0 =	vmul.f32 v18, v0  }
0x6c: {  	v3 =	vmul.f32 v3, v4;
	v4 =	vld [tilespmem:s16+$0x200];
	[tilespmem:s30+$0xFFFFFF10] =	vst v15;
	v1 =	vmul.f32 v2, v1  }
0x6d: {  	v39 =	vld [tilespmem:s31+$0xFFFFFFF0];
	v15 =	vperm.xlane v20, v48;
	v2 =	vmul.f32 v17, v13;
	[tilespmem:s30+$0x30] =	vst v0  }
0x6e: {  	v13 =	vperm.xlane v10, v49;
	v17 =	vld [tilespmem:s16+$0x40];
	[tilespmem:s30+$0xC0] =	vst v1  }
0x6f: {  	v0 =	vperm.xlane v8, v22;
	v1 =	vmul.f32 v16, v15;
	[tilespmem:s30+$0xFFFFFDF0] =	vst v2;
	v2 =	vld [tilespmem:s16+$0xD0]  }
0x70: {  	[tilespmem:s30+$0xFFFFFFA0] =	vst v3;
	v13 =	vmul.f32 v21, v13;
	v16 =	vld [tilespmem:s16+$0xFFFFFE00]  }
0x71: {  	v40 =	vld [tilespmem:s17+$0xFFFFFFF0];
	v0 =	vmul.f32 v4, v0;
	[tilespmem:s30+$0x150] =	vst v1  }
0x72: {  	v18 =	vld [tilespmem:s16+$0xFFFFFF20];
	v1 =	vperm.xlane v14, v49;
	[tilespmem:s30+$0xFFFFFE90] =	vst v13  }
0x73: {  	v3 =	vld [tilespmem:s16+$0xFFFFFFB0];
	v13 =	vperm.xlane v9, v49;
	[tilespmem:s30+$0x200] =	vst v0;
	v0 =	vperm.xlane v19, v49  }
0x74: {  	v15 =	vperm.xlane v12, v49;
	v1 =	vmul.f32 v17, v1;
	v17 =	vld [tilespmem:s17+$0x30]  }
0x75: {  	v0 =	vmul.f32 v2, v0;
	v2 =	vmul.f32 v16, v13;
	v13 =	vld [tilespmem:s31+$0x230]  }
0x76: {  	v47 =	vld [tilespmem:s31+$0xFFFFFE40];
	v45 =	vadd.f32 v36, v35;
	v4 =	vperm.xlane v11, v49  }
0x77: {  	v54 =	vimm.s32 $0x5;
	v15 =	vmul.f32 v18, v15;
	v22 =	vld [tilespmem:s16+$0x160]  }
0x78: {  	v59 =	vimm.s32 $0x6;
	v35 =	vmul.f32 $2.000000030e-01, v45;
	v3 =	vmul.f32 v3, v4;
	v23 =	vld [tilespmem:s16+$0xFFFFFEA0]  }
0x79: {  	v37 =	vperm.xlane v8, v59;
	v25 =	vperm.xlane v10, v54;
	v4 =	vld [tilespmem:s16+$0x210];
	[tilespmem:s30+$0xFFFFFF20] =	vst v15  }
0x7a: {  	v29 =	vperm.xlane v12, v54;
	v31 =	vperm.xlane v11, v54;
	v24 =	vld [tilespmem:s16+$0xFFFFFF30];
	[tilespmem:s30+$0xFFFFFFB0] =	vst v3;
	v13 =	vadd.f32 v17, v13  }
0x7b: {  	v15 =	vperm.xlane v10, v26;
	v26 =	vperm.xlane v20, v49;
	v3 =	vld [tilespmem:s16+$0xFFFFFFC0];
	[tilespmem:s30+$0x40] =	vst v1  }
0x7c: {  	v32 =	vperm.xlane v14, v54;
	v1 =	vld [tilespmem:s16+$0x50];
	v41 =	vmul.f32 $2.000000030e-01, v13  }
0x7d: {  	v34 =	vperm.xlane v19, v54;
	[tilespmem:s30+$0xD0] =	vst v0;
	v22 =	vmul.f32 v22, v26;
	v26 =	vld [tilespmem:s31+$0x80];
	vm12 =	vge.f32 v13, $0.0e+00  }
0x7e: {  	v28 =	vperm.xlane v9, v54;
	v38 =	vperm.xlane v20, v54;
	[tilespmem:s30+$0xFFFFFE00] =	vst v2;
	v0 =	vld [tilespmem:s16+$0xE0];
	v13 =	vsel vm12, v13, v41  }
0x7f: {  	v21 =	vperm.xlane v9, v59;
	v2 =	vld [tilespmem:s16+$0xFFFFFE10];
	v13 =	vmul.f32 $1.442695020e+00, v13  }
0x80: {  	v27 =	vadd.f32 v27, v47;
	v23 =	vmul.f32 v23, v25;
	v25 =	vmul.f32 v24, v29;
	v24 =	vld [tilespmem:s17+$0x0]  }
0x81: {  	v18 =	vperm.xlane v14, v59;
	v29 =	vadd.f32 v33, v30;
	v30 =	vld [tilespmem:s31+$0x110];
	(erf) = vpow2.f32 v13  }
0x82: {  	vm14 =	vge.f32 v45, $0.0e+00;
	v4 =	vmul.f32 v4, v37;
	v3 =	vmul.f32 v3, v31;
	v31 =	vld [tilespmem:s17+$0x10]  }
0x83: {  	vm7 =	vge.f32 v27, $0.0e+00;
	[tilespmem:s30+$0x160] =	vst v22;
	v22 =	vmul.f32 $2.000000030e-01, v27;
	v44 =	vmul.f32 $2.000000030e-01, v29  }
0x84: {  	v1 =	vmul.f32 v1, v32;
	vm13 =	vge.f32 v29, $0.0e+00;
	v0 =	vmul.f32 v0, v34  }
0x85: {  	v46 =	vld [tilespmem:s31+$0x1A0];
	v2 =	vmul.f32 v2, v28;
	v29 =	vsel vm13, v29, v44;
	v13 =	vadd.f32 v40, v39  }
0x86: {  	v28 =	vld [tilespmem:s17+$0x20];
	v24 =	vadd.f32 v24, v26;
	v26 =	vmul.f32 $1.442695020e+00, v29;
	v29 =	vsel vm14, v45, v35  }
0x87: {  	v30 =	vadd.f32 v31, v30;
	v29 =	vmul.f32 $1.442695020e+00, v29;
	v50 =	vmul.f32 $2.000000030e-01, v13  }
0x88: {  	v31 =	vmul.f32 $2.000000030e-01, v24;
	(erf) = vpow2.f32 v26;
	vm15 =	vge.f32 v13, $0.0e+00  }
0x89: {  	[tilespmem:s30+$0xFFFFFEA0] =	vst v23;
	vm4 =	vge.f32 v24, $0.0e+00;
	v26 =	vmul.f32 $2.000000030e-01, v30;
	v13 =	vsel vm15, v13, v50  }
0x8a: {  	s1 =	simm.s32 $0x86E0;
	[tilespmem:s30+$0x210] =	vst v4;
	vm5 =	vge.f32 v30, $0.0e+00;
	v4 =	vmul.f32 $1.442695020e+00, v13;
	v13 =	vsel vm4, v24, v31;
	v24 =	vpop (erf)  }
0x8b: {  	v51 =	vld [tilespmem:s16+$0x170];
	v28 =	vadd.f32 v28, v46;
	(erf) = vpow2.f32 v29;
	v26 =	vsel vm5, v30, v26;
	[tilespmem:s1+$0x230] =	vst v24  }
0x8c: {  	[tilespmem:s30+$0xFFFFFE10] =	vst v2;
	v2 =	vmul.f32 $1.442695020e+00, v26;
	v26 =	vsel vm7, v27, v22;
	v13 =	vmul.f32 $1.442695020e+00, v13;
	v27 =	vld [tilespmem:s31+$0x1B0]  }
0x8d: {  	v33 =	vld [tilespmem:s16+$0xFFFFFEB0];
	v30 =	vmul.f32 $2.000000030e-01, v28;
	(erf) = vpow2.f32 v4  }
0x8e: {  	[tilespmem:s30+$0xFFFFFF30] =	vst v25;
	vm6 =	vge.f32 v28, $0.0e+00;
	v31 =	vld [tilespmem:s16+$0x220];
	v23 =	vmul.f32 $1.442695020e+00, v26;
	(erf) = vpow2.f32 v13  }
0x8f: {  	[tilespmem:s30+$0xFFFFFFC0] =	vst v3;
	v34 =	vld [tilespmem:s16+$0xFFFFFF40];
	v4 =	vsel vm6, v28, v30;
	(erf) = vpow2.f32 v2;
	v2 =	vperm.xlane v24, v5  }
0x90: {  	[tilespmem:s30+$0x50] =	vst v1;
	v1 =	vperm.xlane v8, v58;
	v35 =	vld [tilespmem:s16+$0xFFFFFFD0];
	v4 =	vmul.f32 $1.442695020e+00, v4  }
0x91: {  	[tilespmem:s30+$0xE0] =	vst v0;
	v36 =	vld [tilespmem:s16+$0x60];
	(erf) = vpow2.f32 v23;
	v28 =	vpop (erf);
	v0 =	vmul.f32 v27, v2  }
0x92: {  	v37 =	vld [tilespmem:s16+$0xF0];
	(erf) = vpow2.f32 v4;
	[tilespmem:s1+$0xFFFFFED0] =	vst v28;
	v2 =	vmul.f32 v51, v38  }
0x93: {  	v3 =	vld [tilespmem:s31+$0xFFFFFE50];
	v27 =	vmul.f32 v31, v1;
	v1 =	vperm.xlane v11, v58;
	[tilespmem:s1+$0x1B0] =	vst v0  }
0x94: {  	v16 =	vperm.xlane v12, v59;
	v17 =	vperm.xlane v11, v59;
	v22 =	vld [tilespmem:s16+$0xFFFFFE20];
	[tilespmem:s30+$0x170] =	vst v2  }
0x95: {  	v29 =	vperm.xlane v20, v59;
	v30 =	vperm.xlane v19, v59;
	v32 =	vpop (erf);
	v0 =	vld [tilespmem:s31+$0x1C0];
	[tilespmem:$0x1FF90] =	vst v1  }
0x96: {  	v13 =	vperm.xlane v9, v58;
	v31 =	vpop (erf);
	v2 =	vperm.xlane v28, v5;
	[tilespmem:s1+$0xFFFFFF60] =	vst v32  }
0x97: {  	v9 =	vperm.xlane v10, v58;
	v10 =	vperm.xlane v12, v58;
	v23 =	vpop (erf);
	[tilespmem:s1+$0xFFFFFFF0] =	vst v31;
	v1 =	vld [tilespmem:s31+$0xFFFFFEE0]  }
0x98: {  	v12 =	vperm.xlane v14, v58;
	v25 =	vpop (erf);
	[tilespmem:s1+$0x80] =	vst v23;
	v2 =	vmul.f32 v3, v2;
	v4 =	vld [tilespmem:s31+$0xFFFFFF70]  }
0x99: {  	v14 =	vperm.xlane v19, v58;
	v19 =	vperm.xlane v24, v6;
	[tilespmem:s1+$0x110] =	vst v25;
	v52 =	vld [tilespmem:s31+$0x0]  }
0x9a: {  	v42 =	vperm.xlane v32, v5;
	v11 =	vperm.xlane v20, v58;
	v39 =	vpop (erf);
	v43 =	vld [tilespmem:s31+$0x90];
	[tilespmem:s1+$0xFFFFFE50] =	vst v2  }
0x9b: {  	[tilespmem:s1+$0xFFFFFE40] =	vst v39;
	v26 =	vpop (erf);
	v3 =	vperm.xlane v31, v5;
	v45 =	vld [tilespmem:s31+$0xFFFFFE60];
	v0 =	vmul.f32 v0, v19  }
0x9c: {  	v44 =	vperm.xlane v23, v5;
	[tilespmem:s1+$0x1A0] =	vst v26;
	v19 =	vld [tilespmem:s31+$0xFFFFFDC0];
	v1 =	vmul.f32 v1, v42  }
0x9d: {  	[tilespmem:s1+$0x1C0] =	vst v0;
	v0 =	vperm.xlane v25, v5;
	v2 =	vmul.f32 v4, v3  }
0x9e: {  	v20 =	vperm.xlane v28, v6;
	v53 =	vld [tilespmem:s31+$0x120];
	[tilespmem:s1+$0xFFFFFEE0] =	vst v1;
	v1 =	vmul.f32 v52, v44  }
0x9f: {  	v4 =	vperm.xlane v39, v5;
	v3 =	vld [tilespmem:s31+$0x1D0];
	[tilespmem:s1+$0xFFFFFF70] =	vst v2;
	v0 =	vmul.f32 v43, v0  }
0xa0: {  	v20 =	vmul.f32 v45, v20;
	v56 =	vld [tilespmem:s31+$0xFFFFFEF0];
	[tilespmem:s1+$0x0] =	vst v1  }
0xa1: {  	v55 =	vperm.xlane v26, v5;
	v2 =	vmul.f32 v19, v4;
	v4 =	vld [tilespmem:s31+$0xFFFFFF80];
	[tilespmem:s1+$0x90] =	vst v0  }
0xa2: {  	v1 =	vperm.xlane v24, v7;
	[tilespmem:s1+$0xFFFFFE60] =	vst v20;
	v57 =	vld [tilespmem:s31+$0x10]  }
0xa3: {  	v60 =	vperm.xlane v32, v6;
	v0 =	vmul.f32 v53, v55;
	[tilespmem:s1+$0xFFFFFDC0] =	vst v2;
	v2 =	vld [tilespmem:s31+$0xA0]  }
0xa4: {  	v63 =	vld [tilespmem:s31+$0xFFFFFE70];
	v1 =	vmul.f32 v3, v1;
	v3 =	vperm.xlane v31, v6  }
0xa5: {  	v61 =	vld [tilespmem:s31+$0xFFFFFDD0];
	[tilespmem:s1+$0x120] =	vst v0;
	v0 =	vperm.xlane v23, v6;
	v41 =	vmul.f32 v56, v60  }
0xa6: {  	[tilespmem:s1+$0x1D0] =	vst v1;
	v1 =	vperm.xlane v25, v6;
	v3 =	vmul.f32 v4, v3  }
0xa7: {  	v40 =	vperm.xlane v28, v7;
	v62 =	vld [tilespmem:s31+$0x130];
	[tilespmem:s1+$0xFFFFFEF0] =	vst v41;
	v0 =	vmul.f32 v57, v0  }
0xa8: {  	v20 =	vperm.xlane v39, v6;
	v4 =	vld [tilespmem:s31+$0x1E0];
	[tilespmem:s1+$0xFFFFFF80] =	vst v3;
	v1 =	vmul.f32 v2, v1  }
0xa9: {  	v40 =	vmul.f32 v63, v40;
	v51 =	vld [tilespmem:s31+$0xFFFFFF00];
	[tilespmem:s1+$0x10] =	vst v0  }
0xaa: {  	v50 =	vperm.xlane v26, v6;
	v2 =	vmul.f32 v61, v20;
	v3 =	vld [tilespmem:s31+$0xFFFFFF90];
	[tilespmem:s1+$0xA0] =	vst v1  }
0xab: {  	v0 =	vperm.xlane v24, v48;
	[tilespmem:s1+$0xFFFFFE70] =	vst v40;
	v52 =	vld [tilespmem:s31+$0x20]  }
0xac: {  	v53 =	vperm.xlane v32, v7;
	v1 =	vmul.f32 v62, v50;
	[tilespmem:s1+$0xFFFFFDD0] =	vst v2;
	v2 =	vld [tilespmem:s31+$0xB0]  }
0xad: {  	v60 =	vld [tilespmem:s31+$0xFFFFFE80];
	v0 =	vmul.f32 v4, v0;
	v4 =	vperm.xlane v31, v7  }
0xae: {  	v55 =	vld [tilespmem:s31+$0xFFFFFDE0];
	[tilespmem:s1+$0x130] =	vst v1;
	v1 =	vperm.xlane v23, v7;
	v41 =	vmul.f32 v51, v53  }
0xaf: {  	v56 =	vld [tilespmem:s31+$0x140];
	[tilespmem:s1+$0x1E0] =	vst v0;
	v0 =	vperm.xlane v25, v7;
	v3 =	vmul.f32 v3, v4  }
0xb0: {  	v19 =	vperm.xlane v28, v48;
	v4 =	vld [tilespmem:s31+$0x1F0];
	[tilespmem:s1+$0xFFFFFF00] =	vst v41;
	v1 =	vmul.f32 v52, v1  }
0xb1: {  	v57 =	vperm.xlane v39, v7;
	[tilespmem:s1+$0xFFFFFF90] =	vst v3;
	v0 =	vmul.f32 v2, v0;
	v62 =	vld [tilespmem:s31+$0xFFFFFF10]  }
0xb2: {  	v61 =	vperm.xlane v26, v7;
	v19 =	vmul.f32 v60, v19;
	v3 =	vld [tilespmem:s31+$0xFFFFFFA0];
	[tilespmem:s1+$0x20] =	vst v1  }
0xb3: {  	v2 =	vmul.f32 v55, v57;
	v1 =	vperm.xlane v24, v49;
	[tilespmem:s1+$0xB0] =	vst v0;
	v63 =	vld [tilespmem:s31+$0x30]  }
0xb4: {  	v38 =	vld [tilespmem:s16+$0x180];
	v50 =	vperm.xlane v32, v48;
	v0 =	vmul.f32 v56, v61;
	[tilespmem:s1+$0xFFFFFE80] =	vst v19  }
0xb5: {  	[tilespmem:s1+$0xFFFFFDE0] =	vst v2;
	v2 =	vld [tilespmem:s31+$0xC0];
	v1 =	vmul.f32 v4, v1;
	v4 =	vperm.xlane v31, v48  }
0xb6: {  	v51 =	vld [tilespmem:s31+$0xFFFFFDF0];
	[tilespmem:s1+$0x140] =	vst v0;
	v0 =	vperm.xlane v23, v48;
	v41 =	vmul.f32 v62, v50  }
0xb7: {  	v52 =	vld [tilespmem:s31+$0x150];
	[tilespmem:s1+$0x1F0] =	vst v1;
	v3 =	vmul.f32 v3, v4  }
0xb8: {  	v1 =	vperm.xlane v25, v48;
	v4 =	vld [tilespmem:s31+$0x200];
	[tilespmem:s1+$0xFFFFFF10] =	vst v41;
	v0 =	vmul.f32 v63, v0  }
0xb9: {  	v8 =	vperm.xlane v28, v59;
	v19 =	vperm.xlane v39, v48;
	v53 =	vld [tilespmem:s31+$0xFFFFFE90];
	[tilespmem:s1+$0xFFFFFFA0] =	vst v3  }
0xba: {  	v55 =	vperm.xlane v26, v48;
	v1 =	vmul.f32 v2, v1;
	v41 =	vld [tilespmem:s31+$0xFFFFFF20];
	[tilespmem:s1+$0x30] =	vst v0  }
0xbb: {  	v2 =	vmul.f32 v51, v19;
	v3 =	vld [tilespmem:s31+$0xFFFFFFB0];
	v0 =	vperm.xlane v24, v54;
	[tilespmem:$0x1FFE0] =	vst v8  }
0xbc: {  	v19 =	vld [tilespmem:s31+$0x40];
	[tilespmem:s1+$0xC0] =	vst v1;
	v1 =	vmul.f32 v52, v55  }
0xbd: {  	[tilespmem:s1+$0xFFFFFDF0] =	vst v2;
	v0 =	vmul.f32 v4, v0  }
0xbe: {  	v20 =	vperm.xlane v28, v49;
	v4 =	vperm.xlane v31, v49;
	[tilespmem:s1+$0x150] =	vst v1  }
0xbf: {  	v56 =	vperm.xlane v32, v49;
	v2 =	vld [tilespmem:s31+$0xD0];
	v1 =	vperm.xlane v23, v49;
	[tilespmem:s1+$0x200] =	vst v0  }
0xc0: {  	v20 =	vmul.f32 v53, v20;
	v3 =	vmul.f32 v3, v4;
	v4 =	vld [tilespmem:s31+$0x210]  }
0xc1: {  	s0 =	simm.s32 $0x5960;
	v57 =	vld [tilespmem:s31+$0xFFFFFE00];
	v1 =	vmul.f32 v19, v1  }
0xc2: {  	[tilespmem:s1+$0xFFFFFE90] =	vst v20;
	v53 =	vld [tilespmem:s0+$0x230];
	v40 =	vmul.f32 v41, v56;
	v0 =	vperm.xlane v25, v49  }
0xc3: {  	v61 =	vld [tilespmem:s31+$0xFFFFFEA0];
	[tilespmem:s1+$0x40] =	vst v1;
	v1 =	vperm.xlane v24, v59  }
0xc4: {  	v20 =	vperm.xlane v39, v49;
	v60 =	vld [tilespmem:s31+$0x160];
	[tilespmem:s1+$0xFFFFFF20] =	vst v40;
	v0 =	vmul.f32 v2, v0  }
0xc5: {  	[tilespmem:s1+$0xFFFFFFB0] =	vst v3;
	v46 =	vld [tilespmem:s31+$0xFFFFFF30];
	v1 =	vmul.f32 v4, v1  }
0xc6: {  	v3 =	vld [tilespmem:s31+$0xFFFFFFC0];
	v2 =	vmul.f32 v57, v20;
	[tilespmem:s1+$0xD0] =	vst v0  }
0xc7: {  	v62 =	vld [tilespmem:s31+$0x50];
	[tilespmem:s1+$0x210] =	vst v1;
	v1 =	vperm.xlane v32, v59  }
0xc8: {  	v19 =	vperm.xlane v31, v59;
	[tilespmem:s1+$0xFFFFFE00] =	vst v2;
	v2 =	vld [tilespmem:s31+$0xE0]  }
0xc9: {  	v51 =	vld [tilespmem:s31+$0xFFFFFE10];
	[tilespmem:$0x1FFF0] =	vst v1  }
0xca: {  	v1 =	vld [tilespmem:s31+$0x220];
	[tilespmem:$0x1FFA0] =	vst v19;
	v19 =	vperm.xlane v23, v59;
	_ =	sdelay $0x1  }
0xcb: {  	[tilespmem:$0x1FFB0] =	vst v19;
	v19 =	vperm.xlane v25, v59  }
0xcc: {  	s14 =	simm.s32 $0x7C60  }
0xcd: {  	v44 =	vperm.xlane v28, v54;
	v55 =	vld [tilespmem:s14+$0x30];
	[tilespmem:$0x1FFC0] =	vst v19  }
0xce: {  	v45 =	vmul.f32 v22, v21;
	v22 =	vperm.xlane v26, v49;
	v56 =	vld [tilespmem:s14+$0xFFFFFFC0]  }
0xcf: {  	v57 =	vmul.f32 v33, v15;
	v43 =	vmul.f32 v61, v44;
	v63 =	vld [tilespmem:s0+$0xFFFFFED0]  }
0xd0: {  	v44 =	vmul.f32 v34, v16;
	v4 =	vperm.xlane v31, v54;
	v16 =	vld [tilespmem:s14+$0xFFFFFFD0]  }
0xd1: {  	v15 =	vmul.f32 v38, v29;
	v0 =	vperm.xlane v32, v54;
	v34 =	vld [tilespmem:s0+$0xFFFFFF60]  }
0xd2: {  	v3 =	vmul.f32 v3, v4;
	v4 =	vmul.f32 v36, v18;
	v36 =	vld [tilespmem:s14+$0xFFFFFFE0]  }
0xd3: {  	v0 =	vmul.f32 v46, v0;
	v46 =	vmul.f32 v37, v30;
	v30 =	vld [tilespmem:s0+$0xFFFFFFF0]  }
0xd4: {  	v50 =	vperm.xlane v23, v54;
	v41 =	vmul.f32 v60, v22;
	v60 =	vld [tilespmem:s14+$0xFFFFFFF0];
	[tilespmem:$0x1FFD0] =	vst v15  }
0xd5: {  	v35 =	vmul.f32 v35, v17;
	v47 =	vperm.xlane v39, v54;
	v61 =	vld [tilespmem:s0+$0x80];
	v17 =	vadd.f32 v55, v53  }
0xd6: {  	v50 =	vmul.f32 v62, v50;
	v62 =	vld [tilespmem:s14+$0x0]  }
0xd7: {  	v29 =	vmul.f32 v51, v47;
	v47 =	vld [tilespmem:s0+$0x1A0];
	v18 =	vmul.f32 $2.000000030e-01, v17  }
0xd8: {  	v19 =	vperm.xlane v31, v58;
	v31 =	vld [tilespmem:s14+$0x20];
	vm8 =	vge.f32 v17, $0.0e+00  }
0xd9: {  	v52 =	vperm.xlane v25, v54;
	v24 =	vperm.xlane v24, v58;
	v17 =	vsel vm8, v17, v18  }
0xda: {  	v18 =	vperm.xlane v28, v58;
	v28 =	vadd.f32 v16, v63;
	v16 =	vmul.f32 $1.442695020e+00, v17  }
0xdb: {  	v20 =	vperm.xlane v32, v58;
	v1 =	vmul.f32 v1, v24;
	v24 =	vld [tilespmem:s14+$0x10]  }
0xdc: {  	v34 =	vadd.f32 v36, v34;
	v30 =	vadd.f32 v60, v30;
	v63 =	vld [tilespmem:s0+$0x110];
	(erf) = vpow2.f32 v16  }
0xdd: {  	v2 =	vmul.f32 v2, v52;
	[tilespmem:s1+$0xFFFFFFC0] =	vst v3;
	v38 =	vadd.f32 v62, v61;
	v3 =	vadd.f32 v31, v47  }
0xde: {  	[tilespmem:s30+$0x220] =	vst v27;
	v60 =	vld [tilespmem:s0+$0xFFFFFE40];
	v27 =	vmul.f32 $2.000000030e-01, v34;
	vm10 =	vge.f32 v34, $0.0e+00;
	v42 =	vmul.f32 $2.000000030e-01, v28  }
0xdf: {  	[tilespmem:s1+$0x160] =	vst v41;
	vm11 =	vge.f32 v30, $0.0e+00;
	v37 =	vmul.f32 $2.000000030e-01, v30;
	vm9 =	vge.f32 v28, $0.0e+00  }
0xe0: {  	[tilespmem:s1+$0xFFFFFE10] =	vst v29;
	vm12 =	vge.f32 v38, $0.0e+00;
	v29 =	vmul.f32 $2.000000030e-01, v38;
	v28 =	vsel vm9, v28, v42  }
0xe1: {  	[tilespmem:s1+$0xFFFFFEA0] =	vst v43;
	vm14 =	vge.f32 v3, $0.0e+00;
	v28 =	vmul.f32 $1.442695020e+00, v28;
	v24 =	vadd.f32 v24, v63  }
0xe2: {  	[tilespmem:s1+$0xE0] =	vst v2;
	v2 =	vmul.f32 $2.000000030e-01, v3;
	v27 =	vsel vm10, v34, v27;
	v30 =	vsel vm11, v30, v37  }
0xe3: {  	[tilespmem:s1+$0xFFFFFF30] =	vst v0;
	v31 =	vadd.f32 v56, v60;
	(erf) = vpow2.f32 v28;
	v28 =	vmul.f32 $2.000000030e-01, v24  }
0xe4: {  	[tilespmem:s1+$0x50] =	vst v50;
	v27 =	vmul.f32 $1.442695020e+00, v27;
	v30 =	vmul.f32 $1.442695020e+00, v30;
	vm13 =	vge.f32 v24, $0.0e+00  }
0xe5: {  	s17 =	simm.s32 $0x8B60;
	[tilespmem:s30+$0xFFFFFE20] =	vst v45;
	v29 =	vsel vm12, v38, v29;
	v24 =	vsel vm13, v24, v28;
	v28 =	vmul.f32 $2.000000030e-01, v31;
	v33 =	vpop (erf)  }
0xe6: {  	v0 =	vld [tilespmem:s31+$0xFFFFFE20];
	v29 =	vmul.f32 $1.442695020e+00, v29;
	vm15 =	vge.f32 v31, $0.0e+00;
	(erf) = vpow2.f32 v27;
	[tilespmem:s17+$0x230] =	vst v33  }
0xe7: {  	[tilespmem:s30+$0xFFFFFFD0] =	vst v35;
	(erf) = vpow2.f32 v30;
	v24 =	vmul.f32 $1.442695020e+00, v24;
	v27 =	vsel vm15, v31, v28;
	v31 =	vld [tilespmem:s0+$0x1B0]  }
0xe8: {  	[tilespmem:s1+$0x220] =	vst v1;
	v61 =	vld [tilespmem:s31+$0x170];
	v1 =	vsel vm14, v3, v2;
	(erf) = vpow2.f32 v29;
	v2 =	vmul.f32 $1.442695020e+00, v27  }
0xe9: {  	[tilespmem:s30+$0xFFFFFEB0] =	vst v57;
	v32 =	vld [tilespmem:s16+$0xFFFFFFE0];
	v1 =	vmul.f32 $1.442695020e+00, v1;
	(erf) = vpow2.f32 v24  }
0xea: {  	[tilespmem:s30+$0xFFFFFF40] =	vst v44;
	v53 =	vld [tilespmem:s31+$0xFFFFFEB0];
	v3 =	vperm.xlane v33, v5;
	(erf) = vpow2.f32 v2  }
0xeb: {  	v8 =	vperm.xlane v26, v54;
	[tilespmem:s30+$0x60] =	vst v4;
	v34 =	vld [tilespmem:s31+$0xFFFFFFD0];
	(erf) = vpow2.f32 v1  }
0xec: {  	v21 =	vperm.xlane v26, v58;
	[tilespmem:s30+$0xF0] =	vst v46;
	v37 =	vld [tilespmem:s31+$0x60];
	v27 =	vpop (erf);
	v1 =	vmul.f32 v31, v3  }
0xed: {  	v40 =	vperm.xlane v39, v59;
	v16 =	vld [tilespmem:s31+$0xFFFFFF40];
	v2 =	vmul.f32 v61, v8;
	[tilespmem:s17+$0xFFFFFED0] =	vst v27  }
0xee: {  	v22 =	vperm.xlane v26, v59;
	v25 =	vperm.xlane v25, v58;
	v4 =	vld [tilespmem:s0+$0xFFFFFE50];
	[tilespmem:s17+$0x1B0] =	vst v1  }
0xef: {  	v15 =	vperm.xlane v39, v58;
	v45 =	vmul.f32 v0, v40;
	[tilespmem:s1+$0x170] =	vst v2;
	v35 =	vpop (erf);
	v62 =	vld [tilespmem:s0+$0x1C0]  }
0xf0: {  	v38 =	vld [tilespmem:s31+$0xF0];
	v24 =	vperm.xlane v23, v58;
	v63 =	vperm.xlane v33, v6;
	[tilespmem:s17+$0xFFFFFF60] =	vst v35;
	v36 =	vpop (erf)  }
0xf1: {  	v50 =	vperm.xlane v27, v6;
	v3 =	vperm.xlane v27, v5;
	v0 =	vld [tilespmem:s0+$0xFFFFFEE0];
	[tilespmem:s17+$0xFFFFFFF0] =	vst v36;
	v39 =	vpop (erf)  }
0xf2: {  	v2 =	vperm.xlane v27, v48;
	v47 =	vperm.xlane v27, v49;
	v55 =	vld [tilespmem:s0+$0xFFFFFF70];
	[tilespmem:s17+$0x80] =	vst v39;
	v40 =	vpop (erf)  }
0xf3: {  	v26 =	vperm.xlane v27, v59;
	[tilespmem:s17+$0x110] =	vst v40;
	v3 =	vmul.f32 v4, v3;
	v4 =	vld [tilespmem:s0+$0x0];
	v43 =	vpop (erf)  }
0xf4: {  	v51 =	vperm.xlane v35, v5;
	v59 =	vld [tilespmem:s0+$0x90];
	[tilespmem:s17+$0xFFFFFE40] =	vst v43;
	v41 =	vpop (erf);
	v56 =	vmul.f32 v62, v63  }
0xf5: {  	v57 =	vperm.xlane v35, v6;
	v58 =	vperm.xlane v36, v5;
	[tilespmem:s17+$0x1A0] =	vst v41;
	v62 =	vld [tilespmem:s0+$0xFFFFFDC0]  }
0xf6: {  	v60 =	vperm.xlane v39, v5;
	v0 =	vmul.f32 v0, v51;
	[tilespmem:s17+$0x1C0] =	vst v56;
	v56 =	vld [tilespmem:s0+$0x120]  }
0xf7: {  	v51 =	vperm.xlane v40, v5;
	[tilespmem:s17+$0xFFFFFE50] =	vst v3;
	v55 =	vmul.f32 v55, v58;
	v58 =	vld [tilespmem:s0+$0x1D0]  }
0xf8: {  	v3 =	vperm.xlane v43, v5;
	[tilespmem:s17+$0xFFFFFEE0] =	vst v0;
	v4 =	vmul.f32 v4, v60;
	v60 =	vld [tilespmem:s0+$0xFFFFFE60]  }
0xf9: {  	v42 =	vperm.xlane v41, v5;
	[tilespmem:s17+$0xFFFFFF70] =	vst v55;
	v51 =	vmul.f32 v59, v51;
	v59 =	vld [tilespmem:s0+$0xFFFFFEF0]  }
0xfa: {  	[tilespmem:s17+$0x0] =	vst v4;
	v4 =	vperm.xlane v33, v7;
	v3 =	vmul.f32 v62, v3;
	v62 =	vld [tilespmem:s0+$0xFFFFFF80]  }
0xfb: {  	v61 =	vperm.xlane v36, v6;
	[tilespmem:s17+$0x90] =	vst v51;
	v55 =	vmul.f32 v56, v42;
	v56 =	vld [tilespmem:s0+$0x10]  }
0xfc: {  	v1 =	vperm.xlane v27, v7;
	[tilespmem:s17+$0xFFFFFDC0] =	vst v3;
	v4 =	vmul.f32 v58, v4;
	v58 =	vld [tilespmem:s0+$0xA0]  }
0xfd: {  	v52 =	vperm.xlane v43, v49;
	v50 =	vmul.f32 v60, v50;
	v42 =	vld [tilespmem:s0+$0xFFFFFDD0];
	[tilespmem:s17+$0x120] =	vst v55  }
0xfe: {  	v51 =	vperm.xlane v39, v6;
	v57 =	vmul.f32 v59, v57;
	[tilespmem:s17+$0x1D0] =	vst v4;
	v4 =	vld [tilespmem:s0+$0x130]  }
0xff: {  	v3 =	vperm.xlane v40, v6;
	[tilespmem:s17+$0xFFFFFE60] =	vst v50;
	v61 =	vmul.f32 v62, v61;
	v62 =	vld [tilespmem:s0+$0x1E0]  }
0x100: {  	v0 =	vperm.xlane v43, v6;
	[tilespmem:s17+$0xFFFFFEF0] =	vst v57;
	v51 =	vmul.f32 v56, v51;
	v56 =	vld [tilespmem:s0+$0xFFFFFE70]  }
0x101: {  	v60 =	vperm.xlane v41, v6;
	[tilespmem:s17+$0xFFFFFF80] =	vst v61;
	v3 =	vmul.f32 v58, v3;
	v58 =	vld [tilespmem:s0+$0xFFFFFF00]  }
0x102: {  	v0 =	vmul.f32 v42, v0;
	v55 =	vld [tilespmem:s0+$0xFFFFFF90];
	v42 =	vperm.xlane v33, v48;
	[tilespmem:s17+$0x10] =	vst v51  }
0x103: {  	v63 =	vperm.xlane v40, v49;
	[tilespmem:s17+$0xA0] =	vst v3;
	v4 =	vmul.f32 v4, v60;
	v60 =	vld [tilespmem:s0+$0x20]  }
0x104: {  	v50 =	vperm.xlane v35, v7;
	[tilespmem:s17+$0xFFFFFDD0] =	vst v0;
	v51 =	vmul.f32 v62, v42;
	v42 =	vld [tilespmem:s0+$0xB0]  }
0x105: {  	v57 =	vperm.xlane v36, v7;
	v1 =	vmul.f32 v56, v1;
	[tilespmem:s17+$0x130] =	vst v4;
	v4 =	vld [tilespmem:s0+$0xFFFFFDE0]  }
0x106: {  	v61 =	vperm.xlane v39, v7;
	v50 =	vmul.f32 v58, v50;
	[tilespmem:s17+$0x1E0] =	vst v51;
	v51 =	vld [tilespmem:s0+$0x140]  }
0x107: {  	v3 =	vperm.xlane v40, v7;
	v55 =	vmul.f32 v55, v57;
	[tilespmem:s17+$0xFFFFFE70] =	vst v1;
	v57 =	vld [tilespmem:s0+$0x1F0]  }
0x108: {  	v59 =	vperm.xlane v43, v7;
	[tilespmem:s17+$0xFFFFFF00] =	vst v50;
	v60 =	vmul.f32 v60, v61;
	v61 =	vld [tilespmem:s0+$0xFFFFFE80]  }
0x109: {  	v0 =	vperm.xlane v41, v7;
	[tilespmem:s17+$0xFFFFFF90] =	vst v55;
	v3 =	vmul.f32 v42, v3;
	v62 =	vld [tilespmem:s0+$0xFFFFFF10]  }
0x10a: {  	v42 =	vperm.xlane v33, v49;
	v4 =	vmul.f32 v4, v59;
	v59 =	vld [tilespmem:s0+$0xFFFFFFA0];
	[tilespmem:s17+$0x20] =	vst v60  }
0x10b: {  	v56 =	vperm.xlane v43, v48;
	[tilespmem:s17+$0xB0] =	vst v3;
	v0 =	vmul.f32 v51, v0;
	v51 =	vld [tilespmem:s0+$0x30]  }
0x10c: {  	v58 =	vperm.xlane v35, v48;
	[tilespmem:s17+$0xFFFFFDE0] =	vst v4;
	v57 =	vmul.f32 v57, v42;
	v60 =	vld [tilespmem:s0+$0xC0]  }
0x10d: {  	v1 =	vperm.xlane v36, v48;
	v2 =	vmul.f32 v61, v2;
	[tilespmem:s17+$0x140] =	vst v0;
	v0 =	vld [tilespmem:s0+$0xFFFFFDF0]  }
0x10e: {  	v50 =	vperm.xlane v39, v48;
	v58 =	vmul.f32 v62, v58;
	[tilespmem:s17+$0x1F0] =	vst v57;
	v57 =	vld [tilespmem:s0+$0x150]  }
0x10f: {  	v55 =	vperm.xlane v40, v48;
	[tilespmem:s17+$0xFFFFFE80] =	vst v2;
	v1 =	vmul.f32 v59, v1;
	v59 =	vld [tilespmem:s0+$0x200]  }
0x110: {  	v3 =	vperm.xlane v41, v48;
	[tilespmem:s17+$0xFFFFFF10] =	vst v58;
	v50 =	vmul.f32 v51, v50;
	v51 =	vld [tilespmem:s0+$0xFFFFFE90]  }
0x111: {  	v30 =	vld [tilespmem:s16+$0xFFFFFF50];
	v42 =	vperm.xlane v39, v49;
	[tilespmem:s17+$0xFFFFFFA0] =	vst v1;
	v55 =	vmul.f32 v60, v55  }
0x112: {  	v29 =	vld [tilespmem:s16+$0xFFFFFEC0];
	v0 =	vmul.f32 v0, v56;
	[tilespmem:s17+$0x30] =	vst v50;
	v50 =	vperm.xlane v33, v54  }
0x113: {  	v61 =	vperm.xlane v35, v49;
	v60 =	vld [tilespmem:s0+$0xFFFFFF20];
	[tilespmem:s17+$0xC0] =	vst v55;
	v3 =	vmul.f32 v57, v3  }
0x114: {  	v62 =	vperm.xlane v36, v49;
	v1 =	vimm.s32 $0x4;
	v4 =	vld [tilespmem:s0+$0xFFFFFFB0];
	[tilespmem:s17+$0xFFFFFDF0] =	vst v0;
	v0 =	vmul.f32 v59, v50  }
0x115: {  	v49 =	vperm.xlane v41, v1;
	v1 =	vld [tilespmem:s0+$0x40];
	v47 =	vmul.f32 v51, v47;
	[tilespmem:s17+$0x150] =	vst v3  }
0x116: {  	v2 =	vld [tilespmem:s0+$0xD0];
	[tilespmem:s17+$0x200] =	vst v0  }
0x117: {  	v3 =	vld [tilespmem:s0+$0xFFFFFE00];
	[tilespmem:s17+$0xFFFFFE90] =	vst v47  }
0x118: {  	v8 =	vperm.xlane v27, v54;
	v5 =	vld [tilespmem:$0x1FFD0]  }
0x119: {  	v58 =	vperm.xlane v36, v54;
	v60 =	vmul.f32 v60, v61;
	v0 =	vld [tilespmem:s0+$0x160]  }
0x11a: {  	v28 =	vld [tilespmem:s16+$0xFFFFFE30];
	v56 =	vperm.xlane v39, v54;
	v4 =	vmul.f32 v4, v62  }
0x11b: {  	v44 =	vld [tilespmem:s31+$0x180];
	v55 =	vperm.xlane v43, v54;
	v57 =	vperm.xlane v35, v54;
	[tilespmem:s17+$0xFFFFFF20] =	vst v60  }
0x11c: {  	v59 =	vperm.xlane v40, v54;
	v62 =	vld [tilespmem:s0+$0x210];
	v1 =	vmul.f32 v1, v42;
	[tilespmem:s17+$0xFFFFFFB0] =	vst v4  }
0x11d: {  	v31 =	vld [tilespmem:s16+$0x70];
	v63 =	vmul.f32 v2, v63;
	v52 =	vmul.f32 v3, v52;
	[tilespmem:s30+$0x180] =	vst v5;
	v5 =	vimm.s32 $0x6  }
0x11e: {  	v47 =	vld [tilespmem:s16+$0x100];
	[tilespmem:s17+$0x40] =	vst v1;
	v49 =	vmul.f32 v0, v49;
	v50 =	vperm.xlane v43, v5  }
0x11f: {  	v48 =	vld [tilespmem:s0+$0xFFFFFEA0];
	[tilespmem:s17+$0xD0] =	vst v63;
	v3 =	vperm.xlane v33, v5;
	v42 =	vperm.xlane v35, v5  }
0x120: {  	v61 =	vperm.xlane v36, v5;
	v0 =	vld [tilespmem:$0x1FFE0];
	[tilespmem:s17+$0xFFFFFE00] =	vst v52;
	v60 =	vperm.xlane v40, v5  }
0x121: {  	v2 =	vld [tilespmem:s0+$0xFFFFFF30];
	[tilespmem:s17+$0x160] =	vst v49;
	v4 =	vmul.f32 v62, v3;
	v62 =	vperm.xlane v39, v5;
	v5 =	vimm.s32 $0x6  }
0x122: {  	v51 =	vperm.xlane v41, v54;
	v54 =	vperm.xlane v41, v5;
	v5 =	vld [tilespmem:$0x1FFF0]  }
0x123: {  	v1 =	vld [tilespmem:s0+$0xE0]  }
0x124: {  	v46 =	vld [tilespmem:s16+$0x190]  }
0x125: {  	v49 =	vld [tilespmem:s0+$0xFFFFFE10]  }
0x126: {  	v3 =	vld [tilespmem:s0+$0xFFFFFFC0];
	v63 =	vmul.f32 v53, v0  }
0x127: {  	s6 =	simm.s32 $0x5DE0;
	s16 =	simm.s32 $0x10;
	v0 =	vld [tilespmem:s0+$0x50];
	v53 =	vmul.f32 v48, v8;
	v48 =	vmul.f32 v16, v5  }
.LBB2_3:
0x128: {  	_ = 	snop  }
0x129: {  	v52 =	vld [tilespmem:s6+$0x230];
	[tilespmem:s17+$0x210] =	vst v4  }
0x12a: {  	v4 =	vld [tilespmem:$0x1FFA0];
	v5 =	vmov v61;
	[tilespmem:s17+$0xFFFFFEA0] =	vst v53  }
0x12b: {  	[tilespmem:$0x1FFA0] =	vst v5;
	v5 =	vld [tilespmem:$0x1FFB0]  }
0x12c: {  	s14 =	sadd.s32 $0x80, s14;
	v2 =	vmul.f32 v2, v57;
	v3 =	vmul.f32 v3, v58;
	v58 =	vld [tilespmem:s6+$0xFFFFFED0]  }
0x12d: {  	v1 =	vmul.f32 v1, v59;
	v59 =	vld [tilespmem:s14+$0xFFFFFFD0];
	[tilespmem:s1+$0xFFFFFEB0] =	vst v63  }
0x12e: {  	v6 =	vmov v60;
	v61 =	vld [tilespmem:s0+$0x220];
	[tilespmem:s17+$0xFFFFFF30] =	vst v2  }
0x12f: {  	v2 =	vld [tilespmem:$0x1FFC0];
	[tilespmem:$0x1FFC0] =	vst v6  }
0x130: {  	v57 =	vld [tilespmem:s14+$0x30];
	[tilespmem:s17+$0xFFFFFFC0] =	vst v3  }
0x131: {  	v0 =	vmul.f32 v0, v56;
	v56 =	vld [tilespmem:s6+$0x1A0];
	[tilespmem:s17+$0xE0] =	vst v1;
	v37 =	vmul.f32 v37, v5;
	v5 =	vmov v54  }
0x132: {  	v49 =	vmul.f32 v49, v55;
	v3 =	vmul.f32 v44, v22;
	v1 =	vld [tilespmem:s6+$0xFFFFFF60];
	[tilespmem:$0x1FF60] =	vst v5;
	v5 =	vimm.s32 $0x7  }
0x133: {  	[tilespmem:s17+$0x50] =	vst v0;
	v60 =	vld [tilespmem:s14+$0xFFFFFFE0];
	v0 =	vperm.xlane v33, v5;
	v43 =	vperm.xlane v43, v5  }
0x134: {  	v7 =	vmov v62;
	v62 =	vld [tilespmem:s6+$0xFFFFFFF0];
	[tilespmem:s1+$0xFFFFFF40] =	vst v48;
	v27 =	vperm.xlane v27, v5;
	v35 =	vperm.xlane v35, v5  }
0x135: {  	v63 =	vld [tilespmem:s6+$0x80];
	[tilespmem:s1+$0x180] =	vst v3;
	v36 =	vperm.xlane v36, v5;
	v39 =	vperm.xlane v39, v5  }
0x136: {  	v2 =	vmul.f32 v38, v2;
	v38 =	vld [tilespmem:s14+$0xFFFFFFC0];
	[tilespmem:s17+$0xFFFFFE10] =	vst v49;
	v0 =	vmul.f32 v61, v0;
	v61 =	vadd.f32 v57, v52  }
0x137: {  	v48 =	vld [tilespmem:s14+$0x0];
	v40 =	vperm.xlane v40, v5;
	v41 =	vperm.xlane v41, v5;
	v5 =	vmov v18;
	[tilespmem:s1+$0xFFFFFE20] =	vst v45  }
0x138: {  	v28 =	vmul.f32 v28, v13;
	v54 =	vld [tilespmem:s6+$0x110];
	v33 =	vadd.f32 v59, v58;
	v3 =	vmovc v19;
	[tilespmem:$0x1FF70] =	vst v5;
	v52 =	vmul.f32 $2.000000030e-01, v61  }
0x139: {  	v29 =	vmul.f32 v29, v9;
	v4 =	vmul.f32 v34, v4;
	v5 =	vld [tilespmem:$0x1FF90];
	[tilespmem:$0x1FF90] =	vst v3;
	vm0 =	vge.f32 v61, $0.0e+00  }
0x13a: {  	v53 =	vmul.f32 $2.000000030e-01, v33;
	v23 =	vmovc v27;
	vm10 =	vge.f32 v33, $0.0e+00;
	v27 =	vld [tilespmem:s14+$0x10];
	[tilespmem:s17+$0x220] =	vst v0;
	v18 =	vsel vm0, v61, v52  }
0x13b: {  	v6 =	vmovc v43;
	v1 =	vadd.f32 v60, v1;
	v0 =	vld [tilespmem:s14+$0xFFFFFFF0];
	[tilespmem:s1+$0xFFFFFFD0] =	vst v4;
	v4 =	vmul.f32 v30, v10;
	v13 =	vmul.f32 $1.442695020e+00, v18  }
0x13c: {  	v43 =	vadd.f32 v48, v63;
	[tilespmem:s1+$0xF0] =	vst v2;
	v2 =	vmul.f32 v31, v12;
	v31 =	vmul.f32 v47, v14  }
0x13d: {  	v57 =	vld [tilespmem:s14+$0x20];
	v3 =	vsel vm10, v33, v53;
	[tilespmem:s30+$0xFFFFFE30] =	vst v28;
	v55 =	vmul.f32 $2.000000030e-01, v1;
	(erf) = vpow2.f32 v13  }
0x13e: {  	[tilespmem:s30+$0xFFFFFEC0] =	vst v29;
	v28 =	vmul.f32 v46, v11;
	vm11 =	vge.f32 v1, $0.0e+00;
	v58 =	vld [tilespmem:s6+$0xFFFFFE40];
	v3 =	vmul.f32 $1.442695020e+00, v3  }
0x13f: {  	v49 =	vld [tilespmem:s0+$0xFFFFFEB0];
	vm12 =	vge.f32 v43, $0.0e+00;
	[tilespmem:s30+$0xFFFFFF50] =	vst v4;
	v4 =	vmul.f32 $2.000000030e-01, v43;
	v1 =	vsel vm11, v1, v55  }
0x140: {  	[tilespmem:s1+$0x60] =	vst v37;
	v60 =	vld [tilespmem:s0+$0x170];
	v27 =	vadd.f32 v27, v54;
	v30 =	vmul.f32 v32, v5;
	v0 =	vadd.f32 v0, v62  }
0x141: {  	v61 =	vld [tilespmem:s0+$0xFFFFFE20];
	[tilespmem:s30+$0x70] =	vst v2;
	v1 =	vmul.f32 $1.442695020e+00, v1;
	v4 =	vsel vm12, v43, v4;
	(erf) = vpow2.f32 v3  }
0x142: {  	[tilespmem:s30+$0x190] =	vst v28;
	v28 =	vld [tilespmem:s31+$0xFFFFFE30];
	vm13 =	vge.f32 v27, $0.0e+00;
	v2 =	vmul.f32 $2.000000030e-01, v27;
	v59 =	vmul.f32 $2.000000030e-01, v0  }
0x143: {  	v48 =	vld [tilespmem:s0+$0xFFFFFF40];
	v3 =	vadd.f32 v57, v56;
	v29 =	vadd.f32 v38, v58;
	vm1 =	vge.f32 v0, $0.0e+00  }
0x144: {  	[tilespmem:s30+$0x100] =	vst v31;
	v37 =	vld [tilespmem:s0+$0x60];
	v4 =	vmul.f32 $1.442695020e+00, v4;
	v2 =	vsel vm13, v27, v2;
	v0 =	vsel vm1, v0, v59  }
0x145: {  	v31 =	vld [tilespmem:s31+$0x70];
	[tilespmem:s30+$0xFFFFFFE0] =	vst v30;
	vm14 =	vge.f32 v3, $0.0e+00;
	v30 =	vmul.f32 $2.000000030e-01, v29;
	v0 =	vmul.f32 $1.442695020e+00, v0  }
0x146: {  	v47 =	vld [tilespmem:s31+$0x100];
	s30 =	smov.u32 s1;
	s1 =	smov.u32 s17;
	s17 =	sadd.s32 $0x480, s17;
	v27 =	vmul.f32 $2.000000030e-01, v3;
	vm15 =	vge.f32 v29, $0.0e+00;
	v33 =	vpop (erf);
	(erf) = vpow2.f32 v1  }
0x147: {  	v38 =	vld [tilespmem:s0+$0xF0];
	v2 =	vmul.f32 $1.442695020e+00, v2;
	v1 =	vsel vm15, v29, v30;
	[tilespmem:s17+$0x230] =	vst v33;
	(erf) = vpow2.f32 v0  }
0x148: {  	v3 =	vsel vm14, v3, v27;
	v0 =	vmul.f32 $1.442695020e+00, v1;
	v62 =	vld [tilespmem:s6+$0x1B0];
	(erf) = vpow2.f32 v4  }
0x149: {  	v34 =	vld [tilespmem:s0+$0xFFFFFFD0];
	v3 =	vmul.f32 $1.442695020e+00, v3;
	(erf) = vpow2.f32 v2  }
0x14a: {  	[tilespmem:$0x1FFB0] =	vst v7;
	v7 =	vimm.s32 $0x0;
	v32 =	vld [tilespmem:s31+$0xFFFFFFE0];
	v1 =	vmul.f32 v60, v51;
	v27 =	vpop (erf);
	(erf) = vpow2.f32 v0  }
0x14b: {  	v29 =	vld [tilespmem:s31+$0xFFFFFEC0];
	[tilespmem:s17+$0xFFFFFED0] =	vst v27;
	v2 =	vperm.xlane v33, v7;
	(erf) = vpow2.f32 v3  }
0x14c: {  	v3 =	vld [tilespmem:s6+$0xFFFFFE50]  }
0x14d: {  	v17 =	vmovc v20;
	v20 =	vmovc v25;
	v16 =	vmov v15;
	v9 =	vimm.s32 $0x1;
	v30 =	vld [tilespmem:s31+$0xFFFFFF50];
	[tilespmem:s1+$0x170] =	vst v1;
	v2 =	vmul.f32 v62, v2  }
0x14e: {  	v19 =	vmovc v24;
	v15 =	vmovc v35;
	[tilespmem:$0x1FF80] =	vst v6;
	v11 =	vimm.s32 $0x3;
	v45 =	vmul.f32 v61, v50;
	v5 =	vperm.xlane v33, v9;
	v44 =	vld [tilespmem:s0+$0x180]  }
0x14f: {  	v14 =	vimm.s32 $0x4;
	v4 =	vperm.xlane v27, v9;
	v0 =	vperm.xlane v27, v7;
	v46 =	vld [tilespmem:s31+$0x190];
	[tilespmem:s17+$0x1B0] =	vst v2;
	v35 =	vpop (erf)  }
0x150: {  	v22 =	vmov v36;
	v51 =	vperm.xlane v27, v11;
	v54 =	vperm.xlane v27, v14;
	v2 =	vld [tilespmem:s6+$0x1C0];
	[tilespmem:s17+$0xFFFFFF60] =	vst v35;
	v36 =	vpop (erf)  }
0x151: {  	v24 =	vmov v39;
	v50 =	vperm.xlane v35, v7;
	v0 =	vmul.f32 v3, v0;
	v3 =	vld [tilespmem:s6+$0xFFFFFEE0];
	[tilespmem:s17+$0xFFFFFFF0] =	vst v36;
	v39 =	vpop (erf)  }
0x152: {  	v25 =	vmov v40;
	v55 =	vperm.xlane v35, v9;
	v56 =	vperm.xlane v36, v7;
	v57 =	vld [tilespmem:s6+$0xFFFFFF70];
	[tilespmem:s17+$0x80] =	vst v39;
	v40 =	vpop (erf)  }
0x153: {  	v18 =	vmov v21;
	v59 =	vperm.xlane v36, v9;
	v58 =	vperm.xlane v39, v7;
	v60 =	vld [tilespmem:s6+$0x0];
	[tilespmem:s17+$0x110] =	vst v40;
	v43 =	vpop (erf)  }
0x154: {  	v21 =	vmov v41;
	v61 =	vperm.xlane v40, v7;
	[tilespmem:s17+$0xFFFFFE40] =	vst v43;
	v62 =	vperm.xlane v43, v7;
	v63 =	vld [tilespmem:s6+$0x90];
	v41 =	vpop (erf)  }
0x155: {  	v6 =	vperm.xlane v43, v9;
	v2 =	vmul.f32 v2, v5;
	v5 =	vld [tilespmem:s6+$0xFFFFFDC0];
	[tilespmem:s17+$0x1A0] =	vst v41  }
0x156: {  	[tilespmem:s17+$0xFFFFFE50] =	vst v0;
	v7 =	vperm.xlane v41, v7;
	v3 =	vmul.f32 v3, v50;
	v8 =	vld [tilespmem:s6+$0x120]  }
0x157: {  	v50 =	vperm.xlane v39, v9;
	[tilespmem:s17+$0x1C0] =	vst v2;
	v0 =	vmul.f32 v57, v56;
	v57 =	vld [tilespmem:s6+$0xFFFFFE60]  }
0x158: {  	v2 =	vperm.xlane v40, v9;
	v56 =	vld [tilespmem:s6+$0x1D0];
	[tilespmem:s17+$0xFFFFFEE0] =	vst v3;
	v3 =	vmul.f32 v60, v58  }
0x159: {  	v10 =	vimm.s32 $0x2;
	v58 =	vperm.xlane v41, v9;
	v9 =	vld [tilespmem:s6+$0xFFFFFEF0];
	[tilespmem:s17+$0xFFFFFF70] =	vst v0;
	v0 =	vmul.f32 v63, v61  }
0x15a: {  	v1 =	vperm.xlane v27, v10;
	v5 =	vmul.f32 v5, v62;
	v61 =	vld [tilespmem:s6+$0xFFFFFF80];
	[tilespmem:s17+$0x0] =	vst v3  }
0x15b: {  	v3 =	vperm.xlane v33, v10;
	v63 =	vld [tilespmem:s6+$0x10];
	[tilespmem:s17+$0x90] =	vst v0;
	v0 =	vmul.f32 v8, v7  }
0x15c: {  	v60 =	vperm.xlane v43, v10;
	[tilespmem:s17+$0xFFFFFDC0] =	vst v5;
	v7 =	vld [tilespmem:s6+$0xA0];
	v4 =	vmul.f32 v57, v4  }
0x15d: {  	v62 =	vperm.xlane v35, v10;
	v3 =	vmul.f32 v56, v3;
	v8 =	vld [tilespmem:s6+$0xFFFFFDD0];
	[tilespmem:s17+$0x120] =	vst v0  }
0x15e: {  	v5 =	vperm.xlane v36, v10;
	v0 =	vmul.f32 v9, v55;
	v55 =	vld [tilespmem:s6+$0x130];
	[tilespmem:s17+$0xFFFFFE60] =	vst v4  }
0x15f: {  	v56 =	vperm.xlane v39, v10;
	[tilespmem:s17+$0x1D0] =	vst v3;
	v3 =	vmul.f32 v61, v59;
	v61 =	vld [tilespmem:s6+$0xFFFFFE70]  }
0x160: {  	v9 =	vperm.xlane v40, v10;
	v57 =	vld [tilespmem:s6+$0x1E0];
	[tilespmem:s17+$0xFFFFFEF0] =	vst v0;
	v0 =	vmul.f32 v63, v50  }
0x161: {  	v4 =	vperm.xlane v41, v10;
	v50 =	vld [tilespmem:s6+$0xFFFFFF00];
	[tilespmem:s17+$0xFFFFFF80] =	vst v3;
	v2 =	vmul.f32 v7, v2  }
0x162: {  	v10 =	vperm.xlane v39, v14;
	v3 =	vmul.f32 v8, v6;
	v6 =	vld [tilespmem:s6+$0xFFFFFF90];
	[tilespmem:s17+$0x10] =	vst v0  }
0x163: {  	v0 =	vperm.xlane v33, v11;
	v8 =	vld [tilespmem:s6+$0x20];
	[tilespmem:s17+$0xA0] =	vst v2;
	v2 =	vmul.f32 v55, v58  }
0x164: {  	v59 =	vperm.xlane v43, v11;
	[tilespmem:s17+$0xFFFFFDD0] =	vst v3;
	v55 =	vld [tilespmem:s6+$0xB0];
	v1 =	vmul.f32 v61, v1  }
0x165: {  	v63 =	vperm.xlane v35, v11;
	v0 =	vmul.f32 v57, v0;
	v57 =	vld [tilespmem:s6+$0xFFFFFDE0];
	[tilespmem:s17+$0x130] =	vst v2  }
0x166: {  	v7 =	vperm.xlane v36, v11;
	v2 =	vmul.f32 v50, v62;
	v50 =	vld [tilespmem:s6+$0x140];
	[tilespmem:s17+$0xFFFFFE70] =	vst v1  }
0x167: {  	v3 =	vperm.xlane v39, v11;
	[tilespmem:s17+$0x1E0] =	vst v0;
	v1 =	vmul.f32 v6, v5;
	v6 =	vld [tilespmem:s6+$0xFFFFFE80]  }
0x168: {  	v61 =	vperm.xlane v40, v11;
	v5 =	vld [tilespmem:s6+$0x1F0];
	[tilespmem:s17+$0xFFFFFF00] =	vst v2;
	v8 =	vmul.f32 v8, v56  }
0x169: {  	v62 =	vperm.xlane v41, v11;
	v56 =	vld [tilespmem:s6+$0xFFFFFF10];
	[tilespmem:s17+$0xFFFFFF90] =	vst v1;
	v9 =	vmul.f32 v55, v9  }
0x16a: {  	v11 =	vperm.xlane v40, v14;
	v55 =	vmul.f32 v57, v60;
	v58 =	vld [tilespmem:s6+$0xFFFFFFA0];
	[tilespmem:s17+$0x20] =	vst v8  }
0x16b: {  	v0 =	vperm.xlane v43, v14;
	v8 =	vperm.xlane v33, v14;
	v60 =	vld [tilespmem:s6+$0x30];
	[tilespmem:s17+$0xB0] =	vst v9  }
0x16c: {  	v2 =	vperm.xlane v35, v14;
	v4 =	vmul.f32 v50, v4;
	[tilespmem:s17+$0xFFFFFDE0] =	vst v55;
	v9 =	vld [tilespmem:s6+$0xC0]  }
0x16d: {  	v6 =	vmul.f32 v6, v51;
	v5 =	vmul.f32 v5, v8;
	v8 =	vld [tilespmem:s6+$0xFFFFFDF0]  }
0x16e: {  	v13 =	vimm.s32 $0x5;
	v1 =	vperm.xlane v36, v14;
	[tilespmem:s17+$0x140] =	vst v4;
	v4 =	vperm.xlane v41, v14;
	v14 =	vmovc v20;
	v20 =	vmovc v15;
	v15 =	vld [tilespmem:$0x1FF80]  }
0x16f: {  	v12 =	vimm.s32 $0x6;
	v52 =	vperm.xlane v27, v13;
	v63 =	vmul.f32 v56, v63;
	v51 =	vld [tilespmem:s6+$0x150];
	[tilespmem:s17+$0xFFFFFE80] =	vst v6  }
0x170: {  	v53 =	vperm.xlane v27, v12;
	[tilespmem:s17+$0x1F0] =	vst v5;
	v5 =	vmul.f32 v58, v7;
	v7 =	vld [tilespmem:s6+$0xFFFFFE90]  }
0x171: {  	v57 =	vperm.xlane v35, v13;
	v6 =	vld [tilespmem:s6+$0x200];
	[tilespmem:s17+$0xFFFFFF10] =	vst v63;
	v3 =	vmul.f32 v60, v3  }
0x172: {  	v50 =	vperm.xlane v43, v12;
	v60 =	vld [tilespmem:s6+$0xFFFFFF20];
	[tilespmem:s17+$0xFFFFFFA0] =	vst v5;
	v5 =	vmul.f32 v9, v61  }
0x173: {  	v55 =	vperm.xlane v43, v13;
	v8 =	vmul.f32 v8, v59;
	v9 =	vld [tilespmem:s6+$0xFFFFFFB0];
	[tilespmem:s17+$0x30] =	vst v3  }
0x174: {  	v3 =	vperm.xlane v33, v13;
	v63 =	vld [tilespmem:s6+$0x40];
	[tilespmem:s17+$0xC0] =	vst v5;
	v5 =	vmul.f32 v51, v62  }
0x175: {  	v56 =	vperm.xlane v39, v13;
	[tilespmem:s17+$0xFFFFFDF0] =	vst v8;
	v8 =	vld [tilespmem:s6+$0xD0];
	v7 =	vmul.f32 v7, v54  }
0x176: {  	v58 =	vperm.xlane v36, v13;
	v3 =	vmul.f32 v6, v3;
	v6 =	vld [tilespmem:s6+$0xFFFFFE00];
	[tilespmem:s17+$0x150] =	vst v5  }
0x177: {  	v61 =	vperm.xlane v36, v12;
	v2 =	vmul.f32 v60, v2;
	v54 =	vld [tilespmem:s6+$0x160];
	[tilespmem:s17+$0xFFFFFE90] =	vst v7  }
0x178: {  	v59 =	vperm.xlane v40, v13;
	[tilespmem:s17+$0x200] =	vst v3;
	v1 =	vmul.f32 v9, v1;
	v9 =	vld [tilespmem:s6+$0xFFFFFEA0]  }
0x179: {  	v51 =	vperm.xlane v41, v13;
	v7 =	vld [tilespmem:s6+$0x210];
	[tilespmem:s17+$0xFFFFFF20] =	vst v2;
	v10 =	vmul.f32 v63, v10  }
0x17a: {  	s16 =	sadd.s32 $0x8, s16;
	v62 =	vperm.xlane v39, v12;
	v5 =	vperm.xlane v35, v12;
	v2 =	vld [tilespmem:s6+$0xFFFFFF30];
	[tilespmem:s17+$0xFFFFFFB0] =	vst v1  }
0x17b: {  	p0 =	slt.u32 s16, $0x20;
	v60 =	vperm.xlane v40, v12;
	v1 =	vmul.f32 v8, v11;
	v3 =	vld [tilespmem:s6+$0xFFFFFFC0];
	[tilespmem:s17+$0x40] =	vst v10  }
.Ltmp0:
0x17c: {  	v13 =	vmov v16;
	v8 =	vperm.xlane v33, v12;
	v6 =	vmul.f32 v6, v0;
	v0 =	vld [tilespmem:s6+$0x50];
	(pc) =	sbr.rel @p0 .LBB2_3-.Ltmp0, $4  }
0x17d: {  	[tilespmem:s17+$0xD0] =	vst v1;
	v16 =	vmul.f32 v54, v4;
	v54 =	vperm.xlane v41, v12;
	v12 =	vmovc v19;
	v19 =	vmov v22;
	v22 =	vld [tilespmem:$0x1FF60]  }
0x17e: {  	v48 =	vmul.f32 v48, v42;
	v1 =	vld [tilespmem:s6+$0xE0]  }
0x17f: {  	s31 =	smov.u32 s0;
	s0 =	smov.u32 s6;
	v63 =	vmul.f32 v49, v26;
	v26 =	vmov v53;
	[tilespmem:s17+$0xFFFFFE00] =	vst v6;
	v53 =	vmul.f32 v9, v52;
	v9 =	vld [tilespmem:$0x1FF70]  }
0x180: {  	v42 =	vmovc v5;
	v11 =	vmovc v18;
	v18 =	vmov v23;
	v10 =	vmov v17;
	s6 =	sadd.s32 $0x480, s6;
	v4 =	vmul.f32 v7, v8;
	v49 =	vld [tilespmem:s0+$0xFFFFFE10];
	[tilespmem:s17+$0x160] =	vst v16  }
0x181: {  	_ = 	snop  }
0x182: {  	[tilespmem:s17+$0x210] =	vst v4  }
0x183: {  	v2 =	vmul.f32 v2, v57;
	[tilespmem:s17+$0xFFFFFEA0] =	vst v53;
	v4 =	vld [tilespmem:s0+$0x220]  }
0x184: {  	v0 =	vmul.f32 v0, v56;
	[tilespmem:s1+$0xFFFFFE20] =	vst v45  }
0x185: {  	v3 =	vmul.f32 v3, v58;
	v56 =	vimm.s32 $0x7;
	[tilespmem:s17+$0xFFFFFF30] =	vst v2  }
0x186: {  	v1 =	vmul.f32 v1, v59;
	[tilespmem:s17+$0x50] =	vst v0;
	v0 =	vperm.xlane v33, v56  }
0x187: {  	[tilespmem:s17+$0xFFFFFFC0] =	vst v3;
	v2 =	vmul.f32 v49, v55  }
0x188: {  	[tilespmem:s17+$0xE0] =	vst v1;
	v0 =	vmul.f32 v4, v0  }
0x189: {  	[tilespmem:s17+$0xFFFFFE10] =	vst v2  }
0x18a: {  	[tilespmem:s17+$0x220] =	vst v0  }
0x18b: {  	v0 =	vld [tilespmem:$0x1FFA0];
	[tilespmem:s1+$0xFFFFFEB0] =	vst v63  }
0x18c: {  	v1 =	vld [tilespmem:$0x1FFB0];
	[tilespmem:s1+$0xFFFFFF40] =	vst v48  }
0x18d: {  	v2 =	vld [tilespmem:$0x1FFC0];
	_ =	sdelay $0x2  }
0x18e: {  	v0 =	vmul.f32 v34, v0  }
0x18f: {  	v1 =	vmul.f32 v37, v1  }
0x190: {  	v2 =	vmul.f32 v38, v2;
	[tilespmem:s1+$0xFFFFFFD0] =	vst v0  }
0x191: {  	v0 =	vmul.f32 v44, v22;
	[tilespmem:s1+$0x60] =	vst v1  }
0x192: {  	v1 =	vmul.f32 v28, v13;
	[tilespmem:s1+$0xF0] =	vst v2  }
0x193: {  	v2 =	vmul.f32 v29, v9;
	[tilespmem:s1+$0x180] =	vst v0  }
0x194: {  	v0 =	vld [tilespmem:s0+$0x170];
	[tilespmem:s30+$0xFFFFFE30] =	vst v1  }
0x195: {  	v3 =	vmul.f32 v30, v10;
	v1 =	vld [tilespmem:$0x1FF90];
	[tilespmem:s30+$0xFFFFFEC0] =	vst v2  }
0x196: {  	v4 =	vmul.f32 v31, v12;
	v2 =	vld [tilespmem:s0+$0xFFFFFE20]  }
0x197: {  	v5 =	vmul.f32 v47, v14;
	[tilespmem:s30+$0xFFFFFF50] =	vst v3;
	v3 =	vld [tilespmem:s0+$0xFFFFFEB0]  }
0x198: {  	v6 =	vmul.f32 v46, v11;
	[tilespmem:s30+$0x70] =	vst v4;
	v4 =	vld [tilespmem:s0+$0xFFFFFFD0]  }
0x199: {  	[tilespmem:s30+$0x100] =	vst v5;
	v5 =	vld [tilespmem:s0+$0x60];
	v0 =	vmul.f32 v0, v51  }
0x19a: {  	v7 =	vld [tilespmem:s0+$0xF0];
	[tilespmem:s30+$0x190] =	vst v6;
	v1 =	vmul.f32 v32, v1  }
0x19b: {  	v6 =	vld [tilespmem:s31+$0xFFFFFE30];
	[tilespmem:s17+$0x170] =	vst v0;
	v0 =	vmul.f32 v2, v50  }
0x19c: {  	v3 =	vmul.f32 v3, v26;
	[tilespmem:s30+$0xFFFFFFE0] =	vst v1;
	v1 =	vld [tilespmem:s0+$0xFFFFFF40]  }
0x19d: {  	v2 =	vld [tilespmem:s0+$0x180];
	v4 =	vmul.f32 v4, v61;
	[tilespmem:s17+$0xFFFFFE20] =	vst v0  }
0x19e: {  	v5 =	vmul.f32 v5, v62;
	v0 =	vld [tilespmem:s31+$0xFFFFFEC0];
	[tilespmem:s17+$0xFFFFFEB0] =	vst v3  }
0x19f: {  	v7 =	vmul.f32 v7, v60;
	v3 =	vld [tilespmem:s31+$0xFFFFFF50];
	[tilespmem:s17+$0xFFFFFFD0] =	vst v4  }
0x1a0: {  	v6 =	vmul.f32 v6, v15;
	v4 =	vld [tilespmem:s31+$0x70];
	[tilespmem:s17+$0x60] =	vst v5  }
0x1a1: {  	v5 =	vld [tilespmem:s31+$0x100];
	[tilespmem:s17+$0xF0] =	vst v7;
	v1 =	vmul.f32 v1, v42  }
0x1a2: {  	v7 =	vld [tilespmem:s31+$0x190];
	[tilespmem:s1+$0xFFFFFE30] =	vst v6;
	v2 =	vmul.f32 v2, v54  }
0x1a3: {  	v0 =	vmul.f32 v0, v18;
	[tilespmem:s17+$0xFFFFFF40] =	vst v1;
	v1 =	vld [tilespmem:s31+$0xFFFFFFE0]  }
0x1a4: {  	[tilespmem:s17+$0x180] =	vst v2;
	v2 =	vmul.f32 v3, v20;
	v3 =	vld [tilespmem:s0+$0xFFFFFE30]  }
0x1a5: {  	v4 =	vmul.f32 v4, v24;
	[tilespmem:s1+$0xFFFFFEC0] =	vst v0;
	v0 =	vld [tilespmem:s0+$0xFFFFFEC0]  }
0x1a6: {  	v5 =	vmul.f32 v5, v25;
	[tilespmem:s1+$0xFFFFFF50] =	vst v2;
	v2 =	vld [tilespmem:s0+$0xFFFFFF50]  }
0x1a7: {  	v6 =	vperm.xlane v43, v56;
	v7 =	vmul.f32 v7, v21;
	[tilespmem:s1+$0x70] =	vst v4;
	v4 =	vld [tilespmem:s0+$0x70]  }
0x1a8: {  	v8 =	vperm.xlane v27, v56;
	[tilespmem:s1+$0x100] =	vst v5;
	v5 =	vld [tilespmem:s0+$0x100];
	v1 =	vmul.f32 v1, v19  }
0x1a9: {  	v9 =	vperm.xlane v35, v56;
	[tilespmem:s1+$0x190] =	vst v7;
	v7 =	vld [tilespmem:s0+$0x190];
	v3 =	vmul.f32 v3, v6  }
0x1aa: {  	v0 =	vmul.f32 v0, v8;
	v8 =	vperm.xlane v39, v56;
	[tilespmem:s1+$0xFFFFFFE0] =	vst v1;
	v1 =	vld [tilespmem:s0+$0xFFFFFFE0]  }
0x1ab: {  	v2 =	vmul.f32 v2, v9;
	[tilespmem:s17+$0xFFFFFE30] =	vst v3;
	v3 =	vperm.xlane v40, v56  }
0x1ac: {  	[tilespmem:s17+$0xFFFFFEC0] =	vst v0;
	v0 =	vperm.xlane v41, v56;
	v4 =	vmul.f32 v4, v8  }
0x1ad: {  	v6 =	vperm.xlane v36, v56;
	[tilespmem:s17+$0xFFFFFF50] =	vst v2;
	v2 =	vmul.f32 v5, v3  }
0x1ae: {  	s16 =	smul.u32 $0x140, s26;
	v0 =	vmul.f32 v7, v0;
	[tilespmem:s17+$0x70] =	vst v4  }
0x1af: {  	[tilespmem:s17+$0x100] =	vst v2;
	v1 =	vmul.f32 v1, v6  }
0x1b0: {  	s0 =	sshra.s32 s16, $0x2;
	[tilespmem:s17+$0x190] =	vst v0  }
0x1b1: {  	s0 =	sadd.s32 $0x2710, s0;
	[tilespmem:s17+$0xFFFFFFE0] =	vst v1  }
0x1b2: {  	[spmem:s2] =	stream.indirect.scatter.add.f32 [tilespmem:s22], [sflag:$0x5], $0x90, s0, s15, $0xb8;
	[tilespmem:$0x1FA20] =	vst v63  }
0x1b3: {  	_ =	swait.ge [sflag:s13], $0x1680  }
0x1b4: {  	[sflag:s13] =	ssyncset.done $0x0  }
0x1b5: {  	[sflag:s13] =	ssyncadd.s32 $0xFFFFE980  }
0x1b6: {  	_ =	swait.ge [sflag:s23], $0x1680  }
0x1b7: {  	[sflag:s23] =	ssyncset.done $0x0  }
0x1b8: {  	[sflag:s23] =	ssyncadd.s32 $0xFFFFE980  }
0x1b9: {  	p0 =	seq.s32 s26, $0x7C;
	_ =	swait.ge [sflag:s24], $0x280  }
0x1ba: {  	s6 =	simm.s32 @!p0 $0x4E20;
	[sflag:s24] =	ssyncset.done $0x0  }
0x1bb: {  	s1 =	simm.s32 @!p0 $0x28;
	s0 =	sadd.s32 @!p0 $0x50, s29;
	[sflag:s24] =	ssyncadd.s32 $0xFFFFFD80  }
0x1bc: {  	[tilespmem:s6], [sflag:$0x1] =	stream.indirect.gather @!p0 [hbm4b:s4+s1], $0x90, s0, s1, $0xb8;
	[tilespmem:$0x1FA20] =	vst v63  }
0x1bd: {  	s16 =	simm.s32 $0x66E0;
	s0 =	sadd.s32 @!p0 $0x2760, s29;
	s6 =	simm.s32 @!p0 $0x7B20  }
0x1be: {  	[tilespmem:s6], [sflag:$0x3] =	stream.indirect.gather @!p0 [hbm4b:s5+s1], $0x10, s0, s1, $0xb8;
	[tilespmem:$0x1FA20] =	vst v63  }
0x1bf: {  	s17 =	simm.s32 $0x7DE0;
	v0 =	vld [tilespmem:s16+$0x230]  }
0x1c0: {  	v1 =	vld [tilespmem:s17+$0x30]  }
0x1c1: {  	v2 =	vld [tilespmem:s17+$0xFFFFFFC0]  }
0x1c2: {  	v3 =	vld [tilespmem:s16+$0xFFFFFED0]  }
0x1c3: {  	v4 =	vld [tilespmem:s17+$0xFFFFFFD0]  }
0x1c4: {  	v5 =	vld [tilespmem:s16+$0xFFFFFF60]  }
0x1c5: {  	v6 =	vld [tilespmem:s17+$0xFFFFFFE0]  }
0x1c6: {  	v7 =	vld [tilespmem:s17+$0xFFFFFFF0];
	v0 =	vadd.f32 v1, v0  }
0x1c7: {  	v9 =	vld [tilespmem:s16+$0x80]  }
0x1c8: {  	v10 =	vld [tilespmem:s17+$0x0];
	v3 =	vadd.f32 v4, v3;
	v8 =	vmul.f32 $2.000000030e-01, v0  }
0x1c9: {  	v1 =	vld [tilespmem:s16+$0xFFFFFFF0];
	vm0 =	vge.f32 v0, $0.0e+00  }
0x1ca: {  	v4 =	vld [tilespmem:s16+$0x110];
	v11 =	vmul.f32 $2.000000030e-01, v3;
	v0 =	vsel vm0, v0, v8  }
0x1cb: {  	vm6 =	vge.f32 v3, $0.0e+00;
	v8 =	vld [tilespmem:s17+$0x10];
	v0 =	vmul.f32 $1.442695020e+00, v0  }
0x1cc: {  	v3 =	vsel vm6, v3, v11;
	v11 =	vld [tilespmem:s16+$0xFFFFFE40]  }
0x1cd: {  	v5 =	vadd.f32 v6, v5;
	v9 =	vadd.f32 v10, v9;
	(erf) = vpow2.f32 v0  }
0x1ce: {  	v6 =	vld [tilespmem:s16+$0x1A0];
	v3 =	vmul.f32 $1.442695020e+00, v3;
	v0 =	vadd.f32 v7, v1  }
0x1cf: {  	vm7 =	vge.f32 v5, $0.0e+00;
	vm8 =	vge.f32 v9, $0.0e+00;
	v1 =	vld [tilespmem:s17+$0x20];
	v7 =	vmul.f32 $2.000000030e-01, v5  }
0x1d0: {  	(erf) = vpow2.f32 v3;
	vm1 =	vge.f32 v0, $0.0e+00;
	v12 =	vmul.f32 $2.000000030e-01, v0  }
0x1d1: {  	v5 =	vsel vm7, v5, v7;
	v4 =	vadd.f32 v8, v4;
	v2 =	vadd.f32 v2, v11  }
0x1d2: {  	v7 =	vmul.f32 $2.000000030e-01, v9;
	v5 =	vmul.f32 $1.442695020e+00, v5;
	v0 =	vsel vm1, v0, v12  }
0x1d3: {  	v3 =	vmul.f32 $2.000000030e-01, v4;
	vm9 =	vge.f32 v4, $0.0e+00;
	vm11 =	vge.f32 v2, $0.0e+00  }
0x1d4: {  	v1 =	vadd.f32 v1, v6;
	v0 =	vmul.f32 $1.442695020e+00, v0;
	v6 =	vsel vm8, v9, v7  }
0x1d5: {  	v7 =	vmul.f32 $2.000000030e-01, v2;
	v3 =	vsel vm9, v4, v3;
	v6 =	vmul.f32 $1.442695020e+00, v6  }
0x1d6: {  	s29 =	simm.s32 $0x8260;
	vm10 =	vge.f32 v1, $0.0e+00;
	v4 =	vmul.f32 $2.000000030e-01, v1;
	v8 =	vpop (erf);
	(erf) = vpow2.f32 v5  }
0x1d7: {  	v3 =	vmul.f32 $1.442695020e+00, v3;
	v2 =	vsel vm11, v2, v7;
	[tilespmem:s29+$0x230] =	vst v8;
	(erf) = vpow2.f32 v0  }
0x1d8: {  	s31 =	simm.s32 $0x7E60;
	v0 =	vsel vm10, v1, v4;
	v1 =	vmul.f32 $1.442695020e+00, v2;
	v5 =	vld [tilespmem:s16+$0x1B0];
	(erf) = vpow2.f32 v6  }
0x1d9: {  	s30 =	simm.s32 $0x6B60;
	v25 =	vld [tilespmem:s31+$0xFFFFFFC0];
	v0 =	vmul.f32 $1.442695020e+00, v0;
	(erf) = vpow2.f32 v3  }
0x1da: {  	v62 =	vimm.s32 $0x0;
	v28 =	vld [tilespmem:s30+$0xFFFFFED0];
	(erf) = vpow2.f32 v1  }
0x1db: {  	v31 =	vld [tilespmem:s31+$0xFFFFFFD0];
	v2 =	vperm.xlane v8, v62;
	(erf) = vpow2.f32 v0  }
0x1dc: {  	v44 =	vld [tilespmem:s30+$0xFFFFFF60]  }
0x1dd: {  	v45 =	vld [tilespmem:s31+$0xFFFFFFE0];
	v10 =	vpop (erf);
	v0 =	vmul.f32 v5, v2  }
0x1de: {  	v46 =	vld [tilespmem:s30+$0xFFFFFFF0];
	[tilespmem:s29+$0xFFFFFED0] =	vst v10  }
0x1df: {  	v1 =	vld [tilespmem:s16+$0xFFFFFE50];
	[tilespmem:s29+$0x1B0] =	vst v0;
	v12 =	vpop (erf)  }
0x1e0: {  	v0 =	vld [tilespmem:s16+$0x1C0];
	[tilespmem:s29+$0xFFFFFF60] =	vst v12;
	v11 =	vpop (erf)  }
0x1e1: {  	v2 =	vld [tilespmem:s16+$0xFFFFFEE0];
	[tilespmem:s29+$0xFFFFFFF0] =	vst v11;
	v59 =	vpop (erf)  }
0x1e2: {  	v14 =	vimm.s32 $0x1;
	v5 =	vperm.xlane v10, v62;
	v3 =	vld [tilespmem:s16+$0xFFFFFF70];
	[tilespmem:s29+$0x80] =	vst v59;
	v19 =	vpop (erf)  }
0x1e3: {  	v4 =	vperm.xlane v8, v14;
	v6 =	vld [tilespmem:s16+$0x0];
	[tilespmem:s29+$0x110] =	vst v19;
	v9 =	vpop (erf)  }
0x1e4: {  	v1 =	vmul.f32 v1, v5;
	v7 =	vperm.xlane v12, v62;
	[tilespmem:s29+$0xFFFFFE40] =	vst v9;
	v13 =	vld [tilespmem:s16+$0x90];
	v20 =	vpop (erf)  }
0x1e5: {  	v0 =	vmul.f32 v0, v4;
	v4 =	vperm.xlane v11, v62;
	v5 =	vld [tilespmem:s16+$0xFFFFFDC0];
	[tilespmem:s29+$0x1A0] =	vst v20  }
0x1e6: {  	[tilespmem:s29+$0xFFFFFE50] =	vst v1;
	v15 =	vperm.xlane v59, v62;
	v2 =	vmul.f32 v2, v7;
	v7 =	vld [tilespmem:s16+$0x120]  }
0x1e7: {  	v16 =	vld [tilespmem:s16+$0xFFFFFE60];
	[tilespmem:s29+$0x1C0] =	vst v0;
	v0 =	vperm.xlane v19, v62;
	v1 =	vmul.f32 v3, v4  }
0x1e8: {  	v4 =	vperm.xlane v9, v62;
	v3 =	vld [tilespmem:s16+$0x1D0];
	[tilespmem:s29+$0xFFFFFEE0] =	vst v2;
	v2 =	vmul.f32 v6, v15  }
0x1e9: {  	v6 =	vperm.xlane v20, v62;
	v15 =	vld [tilespmem:s16+$0xFFFFFEF0];
	[tilespmem:s29+$0xFFFFFF70] =	vst v1;
	v0 =	vmul.f32 v13, v0  }
0x1ea: {  	v60 =	vimm.s32 $0x2;
	v1 =	vmul.f32 v5, v4;
	v4 =	vld [tilespmem:s16+$0xFFFFFF80];
	[tilespmem:s29+$0x0] =	vst v2;
	v5 =	vperm.xlane v10, v14  }
0x1eb: {  	v2 =	vperm.xlane v8, v60;
	v13 =	vld [tilespmem:s16+$0x10];
	[tilespmem:s29+$0x90] =	vst v0;
	v0 =	vmul.f32 v7, v6  }
0x1ec: {  	v6 =	vperm.xlane v12, v14;
	[tilespmem:s29+$0xFFFFFDC0] =	vst v1;
	v1 =	vld [tilespmem:s16+$0xA0];
	v5 =	vmul.f32 v16, v5  }
0x1ed: {  	v2 =	vmul.f32 v3, v2;
	v3 =	vperm.xlane v11, v14;
	v7 =	vld [tilespmem:s16+$0xFFFFFDD0];
	[tilespmem:s29+$0x120] =	vst v0  }
0x1ee: {  	v0 =	vperm.xlane v59, v14;
	v6 =	vmul.f32 v15, v6;
	v15 =	vld [tilespmem:s16+$0x130];
	[tilespmem:s29+$0xFFFFFE60] =	vst v5  }
0x1ef: {  	[tilespmem:s29+$0x1D0] =	vst v2;
	v2 =	vperm.xlane v19, v14;
	v3 =	vmul.f32 v4, v3;
	v16 =	vld [tilespmem:s16+$0xFFFFFE70]  }
0x1f0: {  	v5 =	vperm.xlane v9, v14;
	v4 =	vld [tilespmem:s16+$0x1E0];
	[tilespmem:s29+$0xFFFFFEF0] =	vst v6;
	v0 =	vmul.f32 v13, v0  }
0x1f1: {  	v6 =	vperm.xlane v20, v14;
	v13 =	vld [tilespmem:s16+$0xFFFFFF00];
	[tilespmem:s29+$0xFFFFFF80] =	vst v3;
	v1 =	vmul.f32 v1, v2  }
0x1f2: {  	v61 =	vimm.s32 $0x3;
	v2 =	vmul.f32 v7, v5;
	v3 =	vld [tilespmem:s16+$0xFFFFFF90];
	[tilespmem:s29+$0x10] =	vst v0;
	v5 =	vperm.xlane v10, v60  }
0x1f3: {  	v0 =	vperm.xlane v8, v61;
	v7 =	vld [tilespmem:s16+$0x20];
	[tilespmem:s29+$0xA0] =	vst v1;
	v1 =	vmul.f32 v15, v6  }
0x1f4: {  	v6 =	vperm.xlane v12, v60;
	[tilespmem:s29+$0xFFFFFDD0] =	vst v2;
	v2 =	vld [tilespmem:s16+$0xB0];
	v5 =	vmul.f32 v16, v5  }
0x1f5: {  	v0 =	vmul.f32 v4, v0;
	v4 =	vperm.xlane v11, v60;
	v15 =	vld [tilespmem:s16+$0xFFFFFDE0];
	[tilespmem:s29+$0x130] =	vst v1  }
0x1f6: {  	v1 =	vperm.xlane v59, v60;
	v6 =	vmul.f32 v13, v6;
	v13 =	vld [tilespmem:s16+$0x140];
	[tilespmem:s29+$0xFFFFFE70] =	vst v5  }
0x1f7: {  	[tilespmem:s29+$0x1E0] =	vst v0;
	v0 =	vperm.xlane v19, v60;
	v3 =	vmul.f32 v3, v4;
	v16 =	vld [tilespmem:s16+$0xFFFFFE80]  }
0x1f8: {  	v5 =	vperm.xlane v9, v60;
	v4 =	vld [tilespmem:s16+$0x1F0];
	[tilespmem:s29+$0xFFFFFF00] =	vst v6;
	v1 =	vmul.f32 v7, v1  }
0x1f9: {  	v6 =	vperm.xlane v20, v60;
	v7 =	vld [tilespmem:s16+$0xFFFFFF10];
	[tilespmem:s29+$0xFFFFFF90] =	vst v3;
	v0 =	vmul.f32 v2, v0  }
0x1fa: {  	v63 =	vimm.s32 $0x4;
	v2 =	vmul.f32 v15, v5;
	v3 =	vld [tilespmem:s16+$0xFFFFFFA0];
	[tilespmem:s29+$0x20] =	vst v1;
	v5 =	vperm.xlane v10, v61  }
0x1fb: {  	v1 =	vperm.xlane v8, v63;
	v15 =	vld [tilespmem:s16+$0x30];
	[tilespmem:s29+$0xB0] =	vst v0;
	v0 =	vmul.f32 v13, v6  }
0x1fc: {  	v6 =	vperm.xlane v12, v61;
	[tilespmem:s29+$0xFFFFFDE0] =	vst v2;
	v2 =	vld [tilespmem:s16+$0xC0];
	v5 =	vmul.f32 v16, v5  }
0x1fd: {  	v1 =	vmul.f32 v4, v1;
	v4 =	vperm.xlane v11, v61;
	v13 =	vld [tilespmem:s16+$0xFFFFFDF0];
	[tilespmem:s29+$0x140] =	vst v0  }
0x1fe: {  	v0 =	vperm.xlane v59, v61;
	v6 =	vmul.f32 v7, v6;
	v7 =	vld [tilespmem:s16+$0x150];
	[tilespmem:s29+$0xFFFFFE80] =	vst v5  }
0x1ff: {  	[tilespmem:s29+$0x1F0] =	vst v1;
	v1 =	vperm.xlane v19, v61;
	v3 =	vmul.f32 v3, v4;
	v16 =	vld [tilespmem:s16+$0xFFFFFE90]  }
0x200: {  	v5 =	vperm.xlane v9, v61;
	v4 =	vld [tilespmem:s16+$0x200];
	[tilespmem:s29+$0xFFFFFF10] =	vst v6;
	v0 =	vmul.f32 v15, v0  }
0x201: {  	v15 =	vld [tilespmem:s16+$0xFFFFFF20];
	[tilespmem:s29+$0xFFFFFFA0] =	vst v3;
	v1 =	vmul.f32 v2, v1  }
0x202: {  	v6 =	vperm.xlane v20, v61;
	v2 =	vmul.f32 v13, v5;
	v3 =	vld [tilespmem:s16+$0xFFFFFFB0];
	[tilespmem:s29+$0x30] =	vst v0  }
0x203: {  	v49 =	vimm.s32 $0x5;
	v5 =	vperm.xlane v10, v63;
	v13 =	vld [tilespmem:s16+$0x40];
	[tilespmem:s29+$0xC0] =	vst v1  }
0x204: {  	v0 =	vperm.xlane v8, v49;
	v1 =	vmul.f32 v7, v6;
	[tilespmem:s29+$0xFFFFFDF0] =	vst v2;
	v2 =	vld [tilespmem:s16+$0xD0]  }
0x205: {  	v6 =	vperm.xlane v12, v63;
	v5 =	vmul.f32 v16, v5;
	v7 =	vld [tilespmem:s16+$0xFFFFFE00]  }
0x206: {  	v47 =	vld [tilespmem:s31+$0xFFFFFFF0];
	v0 =	vmul.f32 v4, v0;
	v4 =	vperm.xlane v11, v63;
	[tilespmem:s29+$0x150] =	vst v1  }
0x207: {  	v1 =	vperm.xlane v59, v63;
	v6 =	vmul.f32 v15, v6;
	v22 =	vld [tilespmem:s16+$0x160];
	[tilespmem:s29+$0xFFFFFE90] =	vst v5  }
0x208: {  	v5 =	vperm.xlane v9, v63;
	[tilespmem:s29+$0x200] =	vst v0;
	v0 =	vperm.xlane v19, v63;
	v23 =	vld [tilespmem:s16+$0xFFFFFEA0]  }
0x209: {  	v3 =	vmul.f32 v3, v4;
	v1 =	vmul.f32 v13, v1;
	v13 =	vld [tilespmem:s31+$0x30]  }
0x20a: {  	v0 =	vmul.f32 v2, v0;
	v2 =	vmul.f32 v7, v5;
	v5 =	vld [tilespmem:s30+$0x230]  }
0x20b: {  	v4 =	vld [tilespmem:s16+$0x210];
	[tilespmem:s29+$0xFFFFFF20] =	vst v6  }
0x20c: {  	v6 =	vld [tilespmem:s16+$0xFFFFFF30];
	[tilespmem:s29+$0xFFFFFFB0] =	vst v3  }
0x20d: {  	v24 =	vperm.xlane v20, v63;
	v3 =	vld [tilespmem:s16+$0xFFFFFFC0];
	[tilespmem:s29+$0x40] =	vst v1  }
0x20e: {  	v27 =	vperm.xlane v12, v49;
	v1 =	vld [tilespmem:s16+$0x50]  }
0x20f: {  	v22 =	vmul.f32 v22, v24;
	v24 =	vadd.f32 v31, v28;
	v28 =	vld [tilespmem:s31+$0x10];
	v5 =	vadd.f32 v13, v5  }
0x210: {  	v29 =	vperm.xlane v11, v49;
	v7 =	vperm.xlane v10, v49;
	[tilespmem:s29+$0xD0] =	vst v0;
	v31 =	vld [tilespmem:s30+$0x1A0]  }
0x211: {  	v48 =	vimm.s32 $0x6;
	v30 =	vperm.xlane v59, v49;
	[tilespmem:s29+$0xFFFFFE00] =	vst v2;
	v0 =	vld [tilespmem:s16+$0xE0];
	v50 =	vmul.f32 $2.000000030e-01, v5  }
0x212: {  	v7 =	vmul.f32 v23, v7;
	v2 =	vld [tilespmem:s16+$0xFFFFFE10];
	v6 =	vmul.f32 v6, v27;
	vm12 =	vge.f32 v5, $0.0e+00  }
0x213: {  	v27 =	vld [tilespmem:s30+$0x110];
	v13 =	vperm.xlane v8, v48;
	v3 =	vmul.f32 v3, v29;
	v5 =	vsel vm12, v5, v50  }
0x214: {  	v23 =	vld [tilespmem:s31+$0x0];
	v29 =	vmul.f32 $2.000000030e-01, v24;
	v5 =	vmul.f32 $1.442695020e+00, v5  }
0x215: {  	v26 =	vperm.xlane v9, v49;
	vm13 =	vge.f32 v24, $0.0e+00;
	v4 =	vmul.f32 v4, v13;
	v13 =	vld [tilespmem:s30+$0x80]  }
0x216: {  	v42 =	vperm.xlane v19, v49;
	v24 =	vsel vm13, v24, v29;
	v29 =	vld [tilespmem:s30+$0xFFFFFE40];
	(erf) = vpow2.f32 v5  }
0x217: {  	v1 =	vmul.f32 v1, v30;
	v30 =	vadd.f32 v45, v44;
	v2 =	vmul.f32 v2, v26;
	v26 =	vld [tilespmem:s31+$0x20]  }
0x218: {  	v43 =	vperm.xlane v20, v49;
	v27 =	vadd.f32 v28, v27  }
0x219: {  	v0 =	vmul.f32 v0, v42;
	v51 =	vmul.f32 $2.000000030e-01, v30;
	vm14 =	vge.f32 v30, $0.0e+00  }
0x21a: {  	vm5 =	vge.f32 v27, $0.0e+00;
	v13 =	vadd.f32 v23, v13;
	v23 =	vmul.f32 $1.442695020e+00, v24  }
0x21b: {  	v5 =	vadd.f32 v47, v46;
	v24 =	vsel vm14, v30, v51;
	v25 =	vadd.f32 v25, v29  }
0x21c: {  	[tilespmem:s29+$0x160] =	vst v22;
	v30 =	vmul.f32 $1.442695020e+00, v24;
	v26 =	vadd.f32 v26, v31;
	(erf) = vpow2.f32 v23  }
0x21d: {  	[tilespmem:s29+$0xFFFFFEA0] =	vst v7;
	vm15 =	vge.f32 v5, $0.0e+00;
	v52 =	vmul.f32 $2.000000030e-01, v5;
	v28 =	vmul.f32 $2.000000030e-01, v13  }
0x21e: {  	[tilespmem:s29+$0xFFFFFF30] =	vst v6;
	vm4 =	vge.f32 v13, $0.0e+00;
	v23 =	vmul.f32 $2.000000030e-01, v27;
	v22 =	vmul.f32 $2.000000030e-01, v25  }
0x21f: {  	s1 =	simm.s32 $0x86E0;
	v33 =	vld [tilespmem:s16+$0xFFFFFEB0];
	[tilespmem:s29+$0x210] =	vst v4;
	vm7 =	vge.f32 v25, $0.0e+00;
	(erf) = vpow2.f32 v30;
	v5 =	vsel vm15, v5, v52;
	v24 =	vpop (erf)  }
0x220: {  	v34 =	vld [tilespmem:s16+$0xFFFFFF40];
	v4 =	vmul.f32 $1.442695020e+00, v5;
	v5 =	vsel vm4, v13, v28;
	v13 =	vsel vm5, v27, v23;
	[tilespmem:s1+$0x230] =	vst v24  }
0x221: {  	[tilespmem:s29+$0xFFFFFE10] =	vst v2;
	v5 =	vmul.f32 $1.442695020e+00, v5;
	v2 =	vmul.f32 $1.442695020e+00, v13;
	v13 =	vsel vm7, v25, v22;
	v25 =	vld [tilespmem:s30+$0x1B0]  }
0x222: {  	[tilespmem:s29+$0xFFFFFFC0] =	vst v3;
	v3 =	vperm.xlane v9, v56;
	v31 =	vld [tilespmem:s16+$0x170];
	(erf) = vpow2.f32 v4  }
0x223: {  	v23 =	vld [tilespmem:s16+$0x220];
	v27 =	vmul.f32 $2.000000030e-01, v26;
	(erf) = vpow2.f32 v5  }
0x224: {  	[tilespmem:s29+$0x50] =	vst v1;
	v35 =	vld [tilespmem:s16+$0xFFFFFFD0];
	vm6 =	vge.f32 v26, $0.0e+00;
	(erf) = vpow2.f32 v2;
	v2 =	vperm.xlane v24, v62  }
0x225: {  	v1 =	vperm.xlane v8, v56;
	[tilespmem:s29+$0xE0] =	vst v0;
	v36 =	vld [tilespmem:s16+$0x60];
	v4 =	vsel vm6, v26, v27;
	v7 =	vmul.f32 $1.442695020e+00, v13;
	v28 =	vpop (erf)  }
0x226: {  	v37 =	vld [tilespmem:s16+$0xF0];
	v4 =	vmul.f32 $1.442695020e+00, v4;
	[tilespmem:s1+$0xFFFFFED0] =	vst v28;
	v0 =	vmul.f32 v25, v2  }
0x227: {  	v22 =	vld [tilespmem:s16+$0xFFFFFE20];
	(erf) = vpow2.f32 v7;
	[tilespmem:$0x1FF00] =	vst v3;
	v2 =	vmul.f32 v31, v43  }
0x228: {  	v27 =	vmul.f32 v23, v1;
	v1 =	vperm.xlane v11, v56;
	[tilespmem:s1+$0x1B0] =	vst v0  }
0x229: {  	(erf) = vpow2.f32 v4;
	v3 =	vld [tilespmem:s30+$0xFFFFFE50];
	[tilespmem:s29+$0x170] =	vst v2  }
0x22a: {  	v0 =	vld [tilespmem:s30+$0x1C0];
	[tilespmem:$0x1FF10] =	vst v1;
	v1 =	vperm.xlane v59, v56;
	_ =	sdelay $0x1  }
0x22b: {  	v32 =	vpop (erf);
	[tilespmem:$0x1FF20] =	vst v1;
	v1 =	vperm.xlane v19, v56  }
0x22c: {  	[tilespmem:s1+$0xFFFFFF60] =	vst v32  }
0x22d: {  	v17 =	vperm.xlane v11, v48;
	v31 =	vpop (erf);
	v38 =	vld [tilespmem:s16+$0x180];
	[tilespmem:$0x1FF30] =	vst v1  }
0x22e: {  	v18 =	vperm.xlane v59, v48;
	v29 =	vperm.xlane v20, v48;
	v23 =	vpop (erf);
	v1 =	vld [tilespmem:s30+$0xFFFFFEE0];
	[tilespmem:s1+$0xFFFFFFF0] =	vst v31  }
0x22f: {  	v30 =	vperm.xlane v19, v48;
	v5 =	vperm.xlane v24, v14;
	v25 =	vpop (erf);
	[tilespmem:s1+$0x80] =	vst v23;
	v4 =	vld [tilespmem:s30+$0xFFFFFF70]  }
0x230: {  	v11 =	vperm.xlane v20, v56;
	v2 =	vperm.xlane v28, v62;
	v39 =	vpop (erf);
	[tilespmem:s1+$0x110] =	vst v25;
	v19 =	vld [tilespmem:s30+$0x0]  }
0x231: {  	v20 =	vperm.xlane v32, v62;
	v26 =	vpop (erf);
	[tilespmem:s1+$0xFFFFFE40] =	vst v39;
	v0 =	vmul.f32 v0, v5;
	v53 =	vld [tilespmem:s30+$0x90]  }
0x232: {  	v2 =	vmul.f32 v3, v2;
	v3 =	vperm.xlane v31, v62;
	[tilespmem:s1+$0x1A0] =	vst v26;
	v5 =	vld [tilespmem:s30+$0xFFFFFDC0]  }
0x233: {  	v54 =	vperm.xlane v23, v62;
	[tilespmem:s1+$0x1C0] =	vst v0;
	v1 =	vmul.f32 v1, v20;
	v20 =	vld [tilespmem:s30+$0x120]  }
0x234: {  	[tilespmem:s1+$0xFFFFFE50] =	vst v2;
	v0 =	vperm.xlane v25, v62;
	v2 =	vmul.f32 v4, v3;
	v3 =	vld [tilespmem:s30+$0x1D0]  }
0x235: {  	v55 =	vld [tilespmem:s30+$0xFFFFFE60];
	v4 =	vperm.xlane v39, v62;
	[tilespmem:s1+$0xFFFFFEE0] =	vst v1;
	v1 =	vmul.f32 v19, v54  }
0x236: {  	v0 =	vmul.f32 v53, v0;
	v19 =	vperm.xlane v26, v62;
	v57 =	vld [tilespmem:s30+$0xFFFFFEF0];
	[tilespmem:s1+$0xFFFFFF70] =	vst v2  }
0x237: {  	v2 =	vmul.f32 v5, v4;
	v4 =	vld [tilespmem:s30+$0xFFFFFF80];
	[tilespmem:s1+$0x0] =	vst v1;
	v1 =	vperm.xlane v24, v60  }
0x238: {  	v6 =	vperm.xlane v28, v14;
	[tilespmem:s1+$0x90] =	vst v0;
	v58 =	vld [tilespmem:s30+$0x10];
	v0 =	vmul.f32 v20, v19  }
0x239: {  	v19 =	vperm.xlane v32, v14;
	[tilespmem:s1+$0xFFFFFDC0] =	vst v2;
	v2 =	vld [tilespmem:s30+$0xA0];
	v1 =	vmul.f32 v3, v1  }
0x23a: {  	v6 =	vmul.f32 v55, v6;
	v3 =	vperm.xlane v31, v14;
	v20 =	vld [tilespmem:s30+$0xFFFFFDD0];
	[tilespmem:s1+$0x120] =	vst v0  }
0x23b: {  	v0 =	vperm.xlane v23, v14;
	v19 =	vmul.f32 v57, v19;
	v59 =	vld [tilespmem:s30+$0x130];
	[tilespmem:s1+$0x1D0] =	vst v1  }
0x23c: {  	[tilespmem:s1+$0xFFFFFE60] =	vst v6;
	v1 =	vperm.xlane v25, v14;
	v3 =	vmul.f32 v4, v3;
	v4 =	vld [tilespmem:s30+$0x1E0]  }
0x23d: {  	v6 =	vperm.xlane v39, v14;
	v45 =	vld [tilespmem:s30+$0xFFFFFE70];
	[tilespmem:s1+$0xFFFFFEF0] =	vst v19;
	v0 =	vmul.f32 v58, v0  }
0x23e: {  	v19 =	vperm.xlane v26, v14;
	v1 =	vmul.f32 v2, v1;
	v46 =	vld [tilespmem:s30+$0xFFFFFF00];
	[tilespmem:s1+$0xFFFFFF80] =	vst v3  }
0x23f: {  	v2 =	vmul.f32 v20, v6;
	v3 =	vld [tilespmem:s30+$0xFFFFFF90];
	[tilespmem:s1+$0x10] =	vst v0;
	v0 =	vperm.xlane v24, v61  }
0x240: {  	v7 =	vperm.xlane v28, v60;
	[tilespmem:s1+$0xA0] =	vst v1;
	v20 =	vld [tilespmem:s30+$0x20];
	v1 =	vmul.f32 v59, v19  }
0x241: {  	v19 =	vperm.xlane v32, v60;
	[tilespmem:s1+$0xFFFFFDD0] =	vst v2;
	v2 =	vld [tilespmem:s30+$0xB0];
	v0 =	vmul.f32 v4, v0  }
0x242: {  	v7 =	vmul.f32 v45, v7;
	v4 =	vperm.xlane v31, v60;
	v47 =	vld [tilespmem:s30+$0xFFFFFDE0];
	[tilespmem:s1+$0x130] =	vst v1  }
0x243: {  	v1 =	vperm.xlane v23, v60;
	v19 =	vmul.f32 v46, v19;
	v50 =	vld [tilespmem:s30+$0x140];
	[tilespmem:s1+$0x1E0] =	vst v0  }
0x244: {  	[tilespmem:s1+$0xFFFFFE70] =	vst v7;
	v0 =	vperm.xlane v25, v60;
	v3 =	vmul.f32 v3, v4;
	v4 =	vld [tilespmem:s30+$0x1F0]  }
0x245: {  	v7 =	vperm.xlane v39, v60;
	v51 =	vld [tilespmem:s30+$0xFFFFFE80];
	[tilespmem:s1+$0xFFFFFF00] =	vst v19;
	v1 =	vmul.f32 v20, v1  }
0x246: {  	v19 =	vperm.xlane v26, v60;
	v0 =	vmul.f32 v2, v0;
	v20 =	vld [tilespmem:s30+$0xFFFFFF10];
	[tilespmem:s1+$0xFFFFFF90] =	vst v3  }
0x247: {  	v2 =	vmul.f32 v47, v7;
	v3 =	vld [tilespmem:s30+$0xFFFFFFA0];
	[tilespmem:s1+$0x20] =	vst v1;
	v1 =	vperm.xlane v24, v63  }
0x248: {  	v5 =	vperm.xlane v28, v61;
	[tilespmem:s1+$0xB0] =	vst v0;
	v52 =	vld [tilespmem:s30+$0x30];
	v0 =	vmul.f32 v50, v19  }
0x249: {  	v19 =	vperm.xlane v32, v61;
	[tilespmem:s1+$0xFFFFFDE0] =	vst v2;
	v2 =	vld [tilespmem:s30+$0xC0];
	v1 =	vmul.f32 v4, v1  }
0x24a: {  	v5 =	vmul.f32 v51, v5;
	v4 =	vperm.xlane v31, v61;
	v53 =	vld [tilespmem:s30+$0xFFFFFDF0];
	[tilespmem:s1+$0x140] =	vst v0  }
0x24b: {  	v0 =	vperm.xlane v23, v61;
	v19 =	vmul.f32 v20, v19;
	v20 =	vld [tilespmem:s30+$0x150];
	[tilespmem:s1+$0x1F0] =	vst v1  }
0x24c: {  	[tilespmem:s1+$0xFFFFFE80] =	vst v5;
	v1 =	vperm.xlane v25, v61;
	v3 =	vmul.f32 v3, v4;
	v4 =	vld [tilespmem:s30+$0x200]  }
0x24d: {  	v5 =	vperm.xlane v39, v61;
	v54 =	vld [tilespmem:s30+$0xFFFFFE90];
	[tilespmem:s1+$0xFFFFFF10] =	vst v19;
	v0 =	vmul.f32 v52, v0  }
0x24e: {  	v19 =	vperm.xlane v26, v61;
	v1 =	vmul.f32 v2, v1;
	v55 =	vld [tilespmem:s30+$0xFFFFFF20];
	[tilespmem:s1+$0xFFFFFFA0] =	vst v3  }
0x24f: {  	v2 =	vmul.f32 v53, v5;
	v3 =	vld [tilespmem:s30+$0xFFFFFFB0];
	[tilespmem:s1+$0x30] =	vst v0;
	v0 =	vperm.xlane v24, v49  }
0x250: {  	s0 =	simm.s32 $0x6FE0;
	v6 =	vperm.xlane v28, v63;
	[tilespmem:s1+$0xC0] =	vst v1;
	v5 =	vld [tilespmem:s30+$0x40];
	v1 =	vmul.f32 v20, v19  }
0x251: {  	v52 =	vld [tilespmem:s0+$0x230];
	v19 =	vperm.xlane v32, v63;
	[tilespmem:s1+$0xFFFFFDF0] =	vst v2;
	v0 =	vmul.f32 v4, v0  }
0x252: {  	v6 =	vmul.f32 v54, v6;
	v2 =	vld [tilespmem:s30+$0xD0];
	v4 =	vperm.xlane v31, v63;
	[tilespmem:s1+$0x150] =	vst v1  }
0x253: {  	v20 =	vld [tilespmem:s30+$0xFFFFFE00];
	v1 =	vperm.xlane v23, v63;
	v19 =	vmul.f32 v55, v19;
	[tilespmem:s1+$0x200] =	vst v0  }
0x254: {  	[tilespmem:s1+$0xFFFFFE90] =	vst v6;
	v3 =	vmul.f32 v3, v4;
	v4 =	vld [tilespmem:s30+$0x210]  }
0x255: {  	v57 =	vld [tilespmem:s30+$0xFFFFFEA0];
	v0 =	vperm.xlane v25, v63;
	[tilespmem:s1+$0xFFFFFF20] =	vst v19;
	v1 =	vmul.f32 v5, v1  }
0x256: {  	v6 =	vperm.xlane v39, v63;
	v41 =	vld [tilespmem:s30+$0x160];
	[tilespmem:s1+$0xFFFFFFB0] =	vst v3  }
0x257: {  	v0 =	vmul.f32 v2, v0;
	v58 =	vld [tilespmem:s30+$0xFFFFFF30];
	[tilespmem:s1+$0x40] =	vst v1;
	v1 =	vperm.xlane v24, v48  }
0x258: {  	v21 =	vperm.xlane v9, v48;
	v2 =	vmul.f32 v20, v6;
	v3 =	vld [tilespmem:s30+$0xFFFFFFC0]  }
0x259: {  	v16 =	vperm.xlane v12, v48;
	[tilespmem:s1+$0xD0] =	vst v0;
	v45 =	vld [tilespmem:s30+$0x50];
	v1 =	vmul.f32 v4, v1  }
0x25a: {  	v15 =	vperm.xlane v10, v48;
	v9 =	vperm.xlane v31, v48;
	[tilespmem:s1+$0xFFFFFE00] =	vst v2;
	v2 =	vld [tilespmem:s30+$0xE0]  }
0x25b: {  	v35 =	vmul.f32 v35, v17;
	v13 =	vperm.xlane v10, v56;
	v47 =	vld [tilespmem:s30+$0xFFFFFE10];
	[tilespmem:s1+$0x210] =	vst v1  }
0x25c: {  	v10 =	vperm.xlane v28, v48;
	v1 =	vld [tilespmem:s30+$0x220];
	[tilespmem:$0x1FF40] =	vst v9;
	v9 =	vperm.xlane v25, v48  }
0x25d: {  	s14 =	simm.s32 $0x7EE0;
	v44 =	vperm.xlane v39, v49;
	v46 =	vperm.xlane v23, v49  }
0x25e: {  	v7 =	vperm.xlane v28, v49;
	v50 =	vperm.xlane v25, v49;
	v59 =	vld [tilespmem:s14+$0x30];
	[tilespmem:$0x1FF50] =	vst v9  }
0x25f: {  	v54 =	vmul.f32 v33, v15;
	v55 =	vmul.f32 v34, v16;
	v33 =	vld [tilespmem:s0+$0xFFFFFED0]  }
0x260: {  	v7 =	vmul.f32 v57, v7;
	v0 =	vperm.xlane v32, v49;
	v16 =	vld [tilespmem:s14+$0xFFFFFFD0]  }
0x261: {  	v5 =	vmul.f32 v22, v21;
	v6 =	vperm.xlane v26, v63;
	v57 =	vld [tilespmem:s0+$0xFFFFFF60]  }
0x262: {  	v20 =	vperm.xlane v28, v56;
	v0 =	vmul.f32 v58, v0;
	v58 =	vld [tilespmem:s14+$0xFFFFFFE0]  }
0x263: {  	v43 =	vmul.f32 v45, v46;
	v46 =	vmul.f32 v37, v30;
	v30 =	vld [tilespmem:s0+$0xFFFFFFF0]  }
0x264: {  	v24 =	vperm.xlane v24, v56;
	v4 =	vperm.xlane v31, v49;
	v42 =	vld [tilespmem:s0+$0x80]  }
0x265: {  	v9 =	vmul.f32 v38, v29;
	v29 =	vmul.f32 v47, v44;
	v44 =	vld [tilespmem:s14+$0x0];
	v17 =	vadd.f32 v59, v52  }
0x266: {  	v6 =	vmul.f32 v41, v6;
	v3 =	vmul.f32 v3, v4;
	v59 =	vld [tilespmem:s14+$0xFFFFFFF0]  }
0x267: {  	v4 =	vmul.f32 v36, v18;
	v18 =	vmul.f32 $2.000000030e-01, v17;
	v28 =	vadd.f32 v16, v33  }
0x268: {  	v2 =	vmul.f32 v2, v50;
	v1 =	vmul.f32 v1, v24;
	vm8 =	vge.f32 v17, $0.0e+00  }
0x269: {  	v41 =	vld [tilespmem:s14+$0xFFFFFFC0];
	v34 =	vadd.f32 v58, v57;
	v17 =	vsel vm8, v17, v18;
	v47 =	vmul.f32 $2.000000030e-01, v28  }
0x26a: {  	v45 =	vld [tilespmem:s0+$0x110];
	v58 =	vadd.f32 v44, v42;
	vm9 =	vge.f32 v28, $0.0e+00;
	v16 =	vmul.f32 $1.442695020e+00, v17  }
0x26b: {  	[tilespmem:s29+$0x220] =	vst v27;
	v24 =	vld [tilespmem:s14+$0x10];
	v27 =	vmul.f32 $2.000000030e-01, v34;
	v30 =	vadd.f32 v59, v30;
	v28 =	vsel vm9, v28, v47  }
0x26c: {  	v50 =	vld [tilespmem:s0+$0x1A0];
	[tilespmem:s1+$0xFFFFFEA0] =	vst v7;
	vm10 =	vge.f32 v34, $0.0e+00;
	(erf) = vpow2.f32 v16;
	v7 =	vmul.f32 $1.442695020e+00, v28  }
0x26d: {  	[tilespmem:s1+$0x160] =	vst v6;
	v57 =	vld [tilespmem:s0+$0xFFFFFE40];
	v17 =	vperm.xlane v31, v56;
	v27 =	vsel vm10, v34, v27;
	v6 =	vmul.f32 $2.000000030e-01, v30  }
0x26e: {  	[tilespmem:s1+$0xFFFFFF30] =	vst v0;
	v31 =	vld [tilespmem:s14+$0x20];
	vm11 =	vge.f32 v30, $0.0e+00;
	v28 =	vmul.f32 $2.000000030e-01, v58;
	(erf) = vpow2.f32 v7  }
0x26f: {  	[tilespmem:s1+$0xFFFFFFC0] =	vst v3;
	vm12 =	vge.f32 v58, $0.0e+00;
	v27 =	vmul.f32 $1.442695020e+00, v27;
	v6 =	vsel vm11, v30, v6  }
0x270: {  	[tilespmem:s1+$0x50] =	vst v43;
	v24 =	vadd.f32 v24, v45;
	v28 =	vsel vm12, v58, v28;
	v6 =	vmul.f32 $1.442695020e+00, v6  }
0x271: {  	[tilespmem:s1+$0xE0] =	vst v2;
	v28 =	vmul.f32 $1.442695020e+00, v28;
	(erf) = vpow2.f32 v27  }
0x272: {  	[tilespmem:s1+$0xFFFFFE10] =	vst v29;
	v29 =	vadd.f32 v41, v57;
	v7 =	vmul.f32 $2.000000030e-01, v24;
	(erf) = vpow2.f32 v6  }
0x273: {  	[tilespmem:s29+$0xFFFFFE20] =	vst v5;
	v53 =	vld [tilespmem:s30+$0xFFFFFEB0];
	vm13 =	vge.f32 v24, $0.0e+00;
	v3 =	vadd.f32 v31, v50;
	(erf) = vpow2.f32 v28  }
0x274: {  	v8 =	vperm.xlane v32, v48;
	[tilespmem:s29+$0xFFFFFEB0] =	vst v54;
	v37 =	vld [tilespmem:s30+$0x60];
	v7 =	vsel vm13, v24, v7;
	v24 =	vmul.f32 $2.000000030e-01, v29  }
0x275: {  	s17 =	simm.s32 $0x8B60;
	v19 =	vperm.xlane v32, v56;
	[tilespmem:s29+$0xFFFFFFD0] =	vst v35;
	v38 =	vld [tilespmem:s30+$0xF0];
	vm15 =	vge.f32 v29, $0.0e+00;
	v2 =	vmul.f32 $2.000000030e-01, v3;
	v33 =	vpop (erf)  }
0x276: {  	v32 =	vld [tilespmem:s16+$0xFFFFFFE0];
	vm14 =	vge.f32 v3, $0.0e+00;
	v5 =	vmul.f32 $1.442695020e+00, v7;
	v7 =	vsel vm15, v29, v24;
	[tilespmem:s17+$0x230] =	vst v33  }
0x277: {  	[tilespmem:s1+$0x220] =	vst v1;
	v1 =	vsel vm14, v3, v2;
	v2 =	vmul.f32 $1.442695020e+00, v7;
	v31 =	vld [tilespmem:s0+$0x1B0];
	v27 =	vpop (erf)  }
0x278: {  	v40 =	vperm.xlane v39, v48;
	v59 =	vld [tilespmem:s30+$0x170];
	(erf) = vpow2.f32 v5;
	[tilespmem:s17+$0xFFFFFED0] =	vst v27  }
0x279: {  	[tilespmem:s29+$0x60] =	vst v4;
	v1 =	vmul.f32 $1.442695020e+00, v1;
	(erf) = vpow2.f32 v2;
	v4 =	vld [tilespmem:s0+$0xFFFFFE50]  }
0x27a: {  	v51 =	vperm.xlane v26, v49;
	[tilespmem:s29+$0x180] =	vst v9;
	v0 =	vld [tilespmem:s30+$0xFFFFFE20];
	v3 =	vperm.xlane v33, v62;
	v35 =	vpop (erf)  }
0x27b: {  	v15 =	vperm.xlane v39, v56;
	[tilespmem:s29+$0xF0] =	vst v46;
	v46 =	vld [tilespmem:s16+$0x190];
	(erf) = vpow2.f32 v1;
	v36 =	vpop (erf)  }
0x27c: {  	[tilespmem:s29+$0xFFFFFF40] =	vst v55;
	v52 =	vld [tilespmem:s30+$0xFFFFFF40];
	v39 =	vpop (erf);
	v1 =	vmul.f32 v31, v3;
	v3 =	vperm.xlane v27, v62  }
0x27d: {  	v12 =	vperm.xlane v12, v56;
	v34 =	vld [tilespmem:s30+$0xFFFFFFD0];
	v2 =	vmul.f32 v59, v51;
	[tilespmem:s17+$0x80] =	vst v39  }
0x27e: {  	v21 =	vperm.xlane v23, v48;
	[tilespmem:s17+$0x1B0] =	vst v1;
	v3 =	vmul.f32 v4, v3;
	v4 =	vld [tilespmem:s0+$0x0]  }
0x27f: {  	v22 =	vperm.xlane v26, v48;
	v25 =	vperm.xlane v25, v56;
	[tilespmem:s1+$0x170] =	vst v2;
	v6 =	vld [tilespmem:s0+$0x1C0]  }
0x280: {  	v45 =	vmul.f32 v0, v40;
	v30 =	vld [tilespmem:s16+$0xFFFFFF50];
	v41 =	vperm.xlane v33, v14;
	[tilespmem:s17+$0xFFFFFFF0] =	vst v36  }
0x281: {  	v24 =	vperm.xlane v23, v56;
	v23 =	vperm.xlane v26, v56;
	[tilespmem:s17+$0xFFFFFF60] =	vst v35;
	v50 =	vld [tilespmem:s0+$0xFFFFFF70];
	v40 =	vpop (erf)  }
0x282: {  	v5 =	vperm.xlane v27, v14;
	v0 =	vld [tilespmem:s0+$0xFFFFFEE0];
	v57 =	vperm.xlane v39, v62;
	[tilespmem:s17+$0x110] =	vst v40;
	v43 =	vpop (erf)  }
0x283: {  	v28 =	vld [tilespmem:s16+$0xFFFFFE30];
	v2 =	vperm.xlane v27, v61;
	v55 =	vperm.xlane v36, v62;
	[tilespmem:s17+$0xFFFFFE40] =	vst v43  }
0x284: {  	v56 =	vld [tilespmem:s0+$0x90];
	[tilespmem:s17+$0xFFFFFE50] =	vst v3;
	v4 =	vmul.f32 v4, v57;
	v6 =	vmul.f32 v6, v41;
	v41 =	vpop (erf)  }
0x285: {  	v47 =	vperm.xlane v27, v63;
	v7 =	vperm.xlane v35, v62;
	v57 =	vld [tilespmem:s0+$0xFFFFFE60];
	[tilespmem:s17+$0x1A0] =	vst v41  }
0x286: {  	v54 =	vperm.xlane v27, v49;
	v42 =	vld [tilespmem:s0+$0xFFFFFDC0];
	v50 =	vmul.f32 v50, v55;
	[tilespmem:s17+$0x0] =	vst v4  }
0x287: {  	v0 =	vmul.f32 v0, v7;
	v7 =	vperm.xlane v40, v62;
	[tilespmem:s17+$0x1C0] =	vst v6;
	v6 =	vld [tilespmem:s0+$0x120]  }
0x288: {  	v26 =	vperm.xlane v27, v48;
	v51 =	vperm.xlane v35, v14;
	[tilespmem:s17+$0xFFFFFF70] =	vst v50;
	v50 =	vld [tilespmem:s0+$0x10]  }
0x289: {  	v3 =	vperm.xlane v43, v62;
	[tilespmem:s17+$0xFFFFFEE0] =	vst v0;
	v7 =	vmul.f32 v56, v7;
	v55 =	vld [tilespmem:s0+$0x1D0]  }
0x28a: {  	v56 =	vld [tilespmem:s0+$0xFFFFFEF0];
	v62 =	vperm.xlane v41, v62;
	v5 =	vmul.f32 v57, v5  }
0x28b: {  	v3 =	vmul.f32 v42, v3;
	v42 =	vld [tilespmem:s0+$0xFFFFFF80];
	[tilespmem:s17+$0x90] =	vst v7;
	v7 =	vperm.xlane v39, v14  }
0x28c: {  	v29 =	vld [tilespmem:s16+$0xFFFFFEC0];
	v58 =	vperm.xlane v36, v14;
	v4 =	vperm.xlane v33, v60;
	[tilespmem:s17+$0xFFFFFE60] =	vst v5  }
0x28d: {  	v6 =	vmul.f32 v6, v62;
	v7 =	vmul.f32 v50, v7;
	v50 =	vld [tilespmem:s0+$0xFFFFFE70]  }
0x28e: {  	v1 =	vperm.xlane v27, v60;
	[tilespmem:s17+$0xFFFFFDC0] =	vst v3;
	v4 =	vmul.f32 v55, v4;
	v55 =	vld [tilespmem:s0+$0xA0]  }
0x28f: {  	v0 =	vperm.xlane v43, v14;
	v51 =	vmul.f32 v56, v51;
	[tilespmem:s17+$0x120] =	vst v6;
	v6 =	vld [tilespmem:s0+$0xFFFFFDD0]  }
0x290: {  	v3 =	vperm.xlane v40, v14;
	v58 =	vmul.f32 v42, v58;
	[tilespmem:s17+$0x1D0] =	vst v4;
	v4 =	vld [tilespmem:s0+$0x130]  }
0x291: {  	v56 =	vperm.xlane v43, v60;
	v5 =	vperm.xlane v35, v60;
	[tilespmem:s17+$0xFFFFFEF0] =	vst v51;
	v42 =	vld [tilespmem:s0+$0x1E0]  }
0x292: {  	v44 =	vld [tilespmem:s30+$0x180];
	v51 =	vperm.xlane v36, v60;
	v62 =	vperm.xlane v41, v14;
	[tilespmem:s17+$0xFFFFFF80] =	vst v58  }
0x293: {  	[tilespmem:s17+$0x10] =	vst v7;
	v7 =	vperm.xlane v33, v61;
	v3 =	vmul.f32 v55, v3;
	v55 =	vld [tilespmem:s0+$0xFFFFFF00]  }
0x294: {  	v1 =	vmul.f32 v50, v1;
	v0 =	vmul.f32 v6, v0;
	v6 =	vld [tilespmem:s0+$0xFFFFFF90]  }
0x295: {  	v58 =	vperm.xlane v39, v60;
	[tilespmem:s17+$0xA0] =	vst v3;
	v4 =	vmul.f32 v4, v62;
	v62 =	vld [tilespmem:s0+$0x20]  }
0x296: {  	v50 =	vperm.xlane v43, v61;
	[tilespmem:s17+$0xFFFFFE70] =	vst v1;
	v7 =	vmul.f32 v42, v7;
	v42 =	vld [tilespmem:s0+$0xB0]  }
0x297: {  	v3 =	vperm.xlane v40, v60;
	[tilespmem:s17+$0xFFFFFDD0] =	vst v0;
	v0 =	vperm.xlane v41, v60;
	v60 =	vld [tilespmem:s0+$0xFFFFFE80]  }
0x298: {  	v1 =	vperm.xlane v36, v61;
	[tilespmem:s17+$0x130] =	vst v4;
	v4 =	vld [tilespmem:s0+$0xFFFFFDE0];
	v5 =	vmul.f32 v55, v5  }
0x299: {  	v55 =	vperm.xlane v35, v61;
	[tilespmem:s17+$0x1E0] =	vst v7;
	v7 =	vld [tilespmem:s0+$0x140];
	v6 =	vmul.f32 v6, v51  }
0x29a: {  	v51 =	vld [tilespmem:s0+$0x1F0];
	[tilespmem:s17+$0xFFFFFF00] =	vst v5;
	v5 =	vperm.xlane v39, v61;
	v57 =	vmul.f32 v62, v58  }
0x29b: {  	v31 =	vld [tilespmem:s16+$0x70];
	v62 =	vperm.xlane v33, v63;
	[tilespmem:s17+$0xFFFFFF90] =	vst v6;
	v3 =	vmul.f32 v42, v3  }
0x29c: {  	v58 =	vperm.xlane v36, v49;
	v59 =	vld [tilespmem:s0+$0xFFFFFF10];
	v2 =	vmul.f32 v60, v2;
	[tilespmem:s17+$0x20] =	vst v57  }
0x29d: {  	v6 =	vperm.xlane v40, v61;
	v4 =	vmul.f32 v4, v56;
	v56 =	vld [tilespmem:s0+$0xFFFFFFA0];
	[tilespmem:s17+$0xB0] =	vst v3  }
0x29e: {  	v42 =	vperm.xlane v43, v63;
	v0 =	vmul.f32 v7, v0;
	v7 =	vld [tilespmem:s0+$0x30];
	[tilespmem:s17+$0xFFFFFE80] =	vst v2  }
0x29f: {  	v60 =	vperm.xlane v35, v63;
	[tilespmem:s17+$0xFFFFFDE0] =	vst v4;
	v51 =	vmul.f32 v51, v62;
	v57 =	vld [tilespmem:s0+$0xC0]  }
0x2a0: {  	v3 =	vperm.xlane v41, v61;
	v61 =	vperm.xlane v36, v63;
	[tilespmem:s17+$0x140] =	vst v0;
	v0 =	vld [tilespmem:s0+$0xFFFFFDF0]  }
0x2a1: {  	v2 =	vperm.xlane v39, v63;
	v55 =	vmul.f32 v59, v55;
	[tilespmem:s17+$0x1F0] =	vst v51;
	v51 =	vld [tilespmem:s0+$0x150]  }
0x2a2: {  	v62 =	vperm.xlane v40, v63;
	v1 =	vmul.f32 v56, v1;
	v56 =	vld [tilespmem:s0+$0x200]  }
0x2a3: {  	v4 =	vperm.xlane v41, v63;
	[tilespmem:s17+$0xFFFFFF10] =	vst v55;
	v5 =	vmul.f32 v7, v5;
	v7 =	vld [tilespmem:s0+$0xFFFFFE90]  }
0x2a4: {  	v59 =	vperm.xlane v40, v49;
	[tilespmem:s17+$0xFFFFFFA0] =	vst v1;
	v6 =	vmul.f32 v57, v6;
	v63 =	vld [tilespmem:s0+$0xFFFFFF20]  }
0x2a5: {  	v0 =	vmul.f32 v0, v50;
	v50 =	vld [tilespmem:s0+$0xFFFFFFB0];
	[tilespmem:s17+$0x30] =	vst v5;
	v5 =	vperm.xlane v33, v49  }
0x2a6: {  	v55 =	vperm.xlane v43, v49;
	[tilespmem:s17+$0xC0] =	vst v6;
	v3 =	vmul.f32 v51, v3;
	v6 =	vld [tilespmem:s0+$0x40]  }
0x2a7: {  	v57 =	vperm.xlane v35, v49;
	[tilespmem:s17+$0xFFFFFDF0] =	vst v0;
	v0 =	vmul.f32 v56, v5;
	v5 =	vld [tilespmem:s0+$0xD0]  }
0x2a8: {  	v51 =	vperm.xlane v41, v49;
	v7 =	vmul.f32 v7, v47;
	[tilespmem:s17+$0x150] =	vst v3;
	v3 =	vld [tilespmem:s0+$0xFFFFFE00]  }
0x2a9: {  	v56 =	vperm.xlane v39, v49;
	v60 =	vmul.f32 v63, v60;
	[tilespmem:s17+$0x200] =	vst v0;
	v0 =	vld [tilespmem:s0+$0x160]  }
0x2aa: {  	v61 =	vmul.f32 v50, v61;
	v63 =	vld [tilespmem:s0+$0x210];
	[tilespmem:s17+$0xFFFFFE90] =	vst v7;
	v50 =	vperm.xlane v43, v48  }
0x2ab: {  	v6 =	vmul.f32 v6, v2;
	v1 =	vld [tilespmem:s0+$0xFFFFFEA0];
	[tilespmem:s17+$0xFFFFFF20] =	vst v60;
	v60 =	vperm.xlane v40, v48  }
0x2ac: {  	v47 =	vld [tilespmem:s16+$0x100];
	v5 =	vmul.f32 v5, v62;
	[tilespmem:s17+$0xFFFFFFB0] =	vst v61;
	v61 =	vperm.xlane v36, v48  }
0x2ad: {  	v2 =	vld [tilespmem:s0+$0xFFFFFF30];
	v49 =	vmul.f32 v3, v42;
	v3 =	vperm.xlane v33, v48;
	[tilespmem:s17+$0x40] =	vst v6  }
0x2ae: {  	v62 =	vperm.xlane v39, v48;
	v7 =	vmul.f32 v0, v4;
	v0 =	vld [tilespmem:s0+$0x50]  }
0x2af: {  	v42 =	vperm.xlane v35, v48;
	[tilespmem:s17+$0xD0] =	vst v5;
	v4 =	vmul.f32 v63, v3;
	v3 =	vld [tilespmem:s0+$0xFFFFFFC0]  }
0x2b0: {  	v63 =	vmul.f32 v53, v10;
	[tilespmem:s17+$0xFFFFFE00] =	vst v49;
	v53 =	vmul.f32 v1, v54;
	v1 =	vld [tilespmem:s0+$0xE0]  }
0x2b1: {  	s6 =	simm.s32 $0x7460;
	s16 =	simm.s32 $0x10;
	[tilespmem:s17+$0x160] =	vst v7;
	v54 =	vperm.xlane v41, v48;
	v48 =	vmul.f32 v52, v8;
	v49 =	vld [tilespmem:s0+$0xFFFFFE10]  }
.LBB2_5:
0x2b2: {  	v5 =	vld [tilespmem:s6+$0x230]  }
0x2b3: {  	[tilespmem:s17+$0x210] =	vst v4;
	v4 =	vld [tilespmem:$0x1FF40];
	v6 =	vmov v61  }
0x2b4: {  	s14 =	sadd.s32 $0x80, s14;
	[tilespmem:$0x1FF40] =	vst v6;
	v6 =	vld [tilespmem:s0+$0x220];
	v2 =	vmul.f32 v2, v57  }
0x2b5: {  	[tilespmem:s17+$0xFFFFFEA0] =	vst v53;
	v53 =	vld [tilespmem:s14+$0x30];
	v3 =	vmul.f32 v3, v58  }
0x2b6: {  	v8 =	vmov v60;
	v7 =	vmul.f32 v37, v21;
	v0 =	vmul.f32 v0, v56;
	v37 =	vld [tilespmem:s14+$0xFFFFFFC0];
	[tilespmem:s17+$0xFFFFFF30] =	vst v2  }
0x2b7: {  	v1 =	vmul.f32 v1, v59;
	v57 =	vmul.f32 v49, v55;
	v2 =	vld [tilespmem:$0x1FF50];
	[tilespmem:$0x1FF50] =	vst v8;
	v8 =	vimm.s32 $0x7  }
0x2b8: {  	v56 =	vld [tilespmem:s6+$0xFFFFFED0];
	[tilespmem:s17+$0x50] =	vst v0;
	v0 =	vperm.xlane v33, v8;
	v43 =	vperm.xlane v43, v8  }
0x2b9: {  	v58 =	vld [tilespmem:s14+$0xFFFFFFD0];
	[tilespmem:s1+$0xFFFFFEB0] =	vst v63;
	v27 =	vperm.xlane v27, v8;
	v35 =	vperm.xlane v35, v8  }
0x2ba: {  	[tilespmem:s17+$0xE0] =	vst v1;
	v1 =	vld [tilespmem:s6+$0xFFFFFF60];
	v59 =	vperm.xlane v36, v8;
	v60 =	vperm.xlane v39, v8  }
0x2bb: {  	[tilespmem:s17+$0xFFFFFE10] =	vst v57;
	v40 =	vperm.xlane v40, v8;
	v41 =	vperm.xlane v41, v8;
	v8 =	vld [tilespmem:$0x1FF00]  }
0x2bc: {  	[tilespmem:s1+$0xFFFFFE20] =	vst v45;
	v45 =	vld [tilespmem:s6+$0x80]  }
0x2bd: {  	[tilespmem:s17+$0xFFFFFFC0] =	vst v3;
	v3 =	vmul.f32 v44, v22;
	v49 =	vld [tilespmem:s14+$0x0]  }
0x2be: {  	v5 =	vadd.f32 v53, v5;
	[tilespmem:s1+$0x60] =	vst v7;
	v53 =	vld [tilespmem:s6+$0x1A0]  }
0x2bf: {  	[tilespmem:s1+$0x180] =	vst v3;
	v0 =	vmul.f32 v6, v0;
	v6 =	vld [tilespmem:s14+$0xFFFFFFE0]  }
0x2c0: {  	v4 =	vmul.f32 v34, v4;
	v61 =	vld [tilespmem:s6+$0xFFFFFFF0];
	[tilespmem:s1+$0xFFFFFF40] =	vst v48  }
0x2c1: {  	v29 =	vmul.f32 v29, v13;
	v9 =	vmov v62;
	v7 =	vld [tilespmem:s14+$0x10];
	v62 =	vmul.f32 $2.000000030e-01, v5;
	[tilespmem:s17+$0x220] =	vst v0  }
0x2c2: {  	v33 =	vadd.f32 v58, v56;
	vm0 =	vge.f32 v5, $0.0e+00;
	v0 =	vld [tilespmem:s14+$0xFFFFFFF0];
	[tilespmem:s1+$0xFFFFFFD0] =	vst v4;
	v28 =	vmul.f32 v28, v8;
	v8 =	vmovc v15  }
0x2c3: {  	v3 =	vmov v17;
	v2 =	vmul.f32 v38, v2;
	v5 =	vsel vm0, v5, v62;
	[tilespmem:$0x1FF00] =	vst v8;
	v8 =	vld [tilespmem:$0x1FF10]  }
0x2c4: {  	v52 =	vmul.f32 $2.000000030e-01, v33;
	v5 =	vmul.f32 $1.442695020e+00, v5;
	[tilespmem:$0x1FF10] =	vst v3;
	v1 =	vadd.f32 v6, v1;
	v6 =	vld [tilespmem:s6+$0x110]  }
0x2c5: {  	v4 =	vmul.f32 v30, v12;
	vm10 =	vge.f32 v33, $0.0e+00;
	v56 =	vadd.f32 v49, v45;
	[tilespmem:s1+$0xF0] =	vst v2;
	v2 =	vld [tilespmem:$0x1FF20]  }
0x2c6: {  	v3 =	vsel vm10, v33, v52;
	(erf) = vpow2.f32 v5;
	v5 =	vld [tilespmem:s14+$0x20];
	[tilespmem:s29+$0xFFFFFE30] =	vst v28;
	v28 =	vmul.f32 v46, v11  }
0x2c7: {  	v22 =	vmov v54;
	[tilespmem:s29+$0xFFFFFF50] =	vst v4;
	v3 =	vmul.f32 $1.442695020e+00, v3;
	v4 =	vmul.f32 $2.000000030e-01, v56;
	v54 =	vld [tilespmem:s6+$0xFFFFFE40]  }
0x2c8: {  	[tilespmem:s29+$0xFFFFFEC0] =	vst v29;
	vm12 =	vge.f32 v56, $0.0e+00;
	v0 =	vadd.f32 v0, v61;
	v30 =	vmul.f32 v32, v8;
	v8 =	vld [tilespmem:$0x1FF30]  }
0x2c9: {  	v29 =	vld [tilespmem:s30+$0xFFFFFEC0];
	vm11 =	vge.f32 v1, $0.0e+00;
	(erf) = vpow2.f32 v3;
	v4 =	vsel vm12, v56, v4  }
0x2ca: {  	v49 =	vld [tilespmem:s0+$0xFFFFFEB0];
	v4 =	vmul.f32 $1.442695020e+00, v4;
	vm1 =	vge.f32 v0, $0.0e+00;
	v55 =	vmul.f32 $2.000000030e-01, v0  }
0x2cb: {  	v48 =	vld [tilespmem:s0+$0xFFFFFF40];
	v2 =	vmul.f32 v31, v2;
	v31 =	vmul.f32 $2.000000030e-01, v1;
	v6 =	vadd.f32 v7, v6  }
0x2cc: {  	v7 =	vld [tilespmem:s0+$0xFFFFFE20];
	v3 =	vadd.f32 v5, v53;
	[tilespmem:s29+$0xFFFFFFE0] =	vst v30;
	v0 =	vsel vm1, v0, v55;
	v5 =	vadd.f32 v37, v54  }
0x2cd: {  	v21 =	vmovc v27;
	v30 =	vld [tilespmem:s30+$0xFFFFFF50];
	v1 =	vsel vm11, v1, v31;
	[tilespmem:s29+$0x70] =	vst v2;
	v2 =	vmul.f32 $2.000000030e-01, v6;
	v27 =	vmul.f32 v47, v8  }
0x2ce: {  	v31 =	vld [tilespmem:s0+$0x170];
	vm13 =	vge.f32 v6, $0.0e+00;
	v0 =	vmul.f32 $1.442695020e+00, v0;
	[tilespmem:s29+$0x190] =	vst v28;
	v1 =	vmul.f32 $1.442695020e+00, v1  }
0x2cf: {  	v34 =	vld [tilespmem:s0+$0xFFFFFFD0];
	vm14 =	vge.f32 v3, $0.0e+00;
	vm15 =	vge.f32 v5, $0.0e+00;
	v33 =	vpop (erf);
	[tilespmem:s29+$0x100] =	vst v27;
	s29 =	smov.u32 s1;
	s1 =	smov.u32 s17;
	v27 =	vmul.f32 $2.000000030e-01, v5;
	s17 =	sadd.s32 $0x480, s17  }
0x2d0: {  	v28 =	vld [tilespmem:s30+$0xFFFFFE30];
	v2 =	vsel vm13, v6, v2;
	v6 =	vmul.f32 $2.000000030e-01, v3;
	(erf) = vpow2.f32 v1;
	[tilespmem:s17+$0x230] =	vst v33  }
0x2d1: {  	v2 =	vmul.f32 $1.442695020e+00, v2;
	(erf) = vpow2.f32 v0;
	v1 =	vsel vm15, v5, v27;
	v5 =	vld [tilespmem:s6+$0x1B0]  }
0x2d2: {  	v32 =	vld [tilespmem:s30+$0xFFFFFFE0];
	v8 =	vmovc v25;
	v3 =	vsel vm14, v3, v6;
	(erf) = vpow2.f32 v4;
	v0 =	vmul.f32 $1.442695020e+00, v1  }
0x2d3: {  	v37 =	vld [tilespmem:s0+$0x60];
	[tilespmem:$0x1FF30] =	vst v8;
	v8 =	vimm.s32 $0x0;
	v3 =	vmul.f32 $1.442695020e+00, v3;
	(erf) = vpow2.f32 v2  }
0x2d4: {  	v10 =	vimm.s32 $0x2;
	[tilespmem:$0x1FEF0] =	vst v9;
	v38 =	vld [tilespmem:s0+$0xF0];
	v2 =	vperm.xlane v33, v8;
	v27 =	vpop (erf);
	(erf) = vpow2.f32 v0  }
0x2d5: {  	v14 =	vimm.s32 $0x4;
	v9 =	vmovc v24;
	v47 =	vld [tilespmem:s30+$0x100];
	v1 =	vmul.f32 v31, v51;
	[tilespmem:s17+$0xFFFFFED0] =	vst v27;
	(erf) = vpow2.f32 v3  }
0x2d6: {  	[tilespmem:$0x1FF20] =	vst v9;
	v9 =	vimm.s32 $0x1;
	v48 =	vmul.f32 v48, v42;
	v3 =	vld [tilespmem:s6+$0xFFFFFE50];
	v2 =	vmul.f32 v5, v2  }
0x2d7: {  	v12 =	vimm.s32 $0x5;
	v45 =	vmul.f32 v7, v50;
	v61 =	vperm.xlane v33, v9;
	v31 =	vld [tilespmem:s30+$0x70];
	[tilespmem:s1+$0x170] =	vst v1  }
0x2d8: {  	v15 =	vmovc v20;
	v11 =	vimm.s32 $0x3;
	v0 =	vperm.xlane v27, v8;
	v4 =	vperm.xlane v27, v9;
	v44 =	vld [tilespmem:s0+$0x180];
	[tilespmem:s17+$0x1B0] =	vst v2  }
0x2d9: {  	v20 =	vmov v35;
	v1 =	vperm.xlane v27, v10;
	v51 =	vperm.xlane v27, v11;
	v35 =	vpop (erf);
	v2 =	vld [tilespmem:s6+$0x1C0]  }
0x2da: {  	v18 =	vmov v43;
	v54 =	vperm.xlane v27, v14;
	v52 =	vperm.xlane v27, v12;
	v46 =	vld [tilespmem:s30+$0x190];
	[tilespmem:s17+$0xFFFFFF60] =	vst v35;
	v36 =	vpop (erf)  }
0x2db: {  	v24 =	vmov v60;
	v5 =	vperm.xlane v35, v8;
	[tilespmem:s17+$0xFFFFFFF0] =	vst v36;
	v39 =	vpop (erf);
	v0 =	vmul.f32 v3, v0;
	v3 =	vld [tilespmem:s6+$0xFFFFFEE0]  }
0x2dc: {  	v25 =	vmov v40;
	v6 =	vperm.xlane v35, v9;
	v7 =	vperm.xlane v36, v8;
	v50 =	vld [tilespmem:s6+$0xFFFFFF70];
	[tilespmem:s17+$0x80] =	vst v39;
	v40 =	vpop (erf)  }
0x2dd: {  	v17 =	vmov v23;
	v56 =	vperm.xlane v36, v9;
	v55 =	vperm.xlane v39, v8;
	v57 =	vld [tilespmem:s6+$0x0];
	[tilespmem:s17+$0x110] =	vst v40;
	v43 =	vpop (erf)  }
0x2de: {  	v23 =	vmov v41;
	v58 =	vperm.xlane v40, v8;
	v60 =	vld [tilespmem:s6+$0x90];
	[tilespmem:s17+$0xFFFFFE40] =	vst v43;
	v2 =	vmul.f32 v2, v61;
	v41 =	vpop (erf)  }
0x2df: {  	v16 =	vmovc v19;
	v19 =	vmov v59;
	v59 =	vperm.xlane v43, v8;
	v62 =	vperm.xlane v43, v9;
	v61 =	vld [tilespmem:s6+$0xFFFFFDC0];
	[tilespmem:s17+$0x1A0] =	vst v41  }
0x2e0: {  	v63 =	vperm.xlane v41, v8;
	v3 =	vmul.f32 v3, v5;
	v8 =	vld [tilespmem:s6+$0x120];
	[tilespmem:s17+$0x1C0] =	vst v2  }
0x2e1: {  	[tilespmem:s17+$0xFFFFFE50] =	vst v0;
	v5 =	vperm.xlane v39, v9;
	v0 =	vmul.f32 v50, v7;
	v7 =	vld [tilespmem:s6+$0x1D0]  }
0x2e2: {  	v50 =	vld [tilespmem:s6+$0xFFFFFE60];
	v2 =	vperm.xlane v40, v9;
	[tilespmem:s17+$0xFFFFFEE0] =	vst v3;
	v3 =	vmul.f32 v57, v55  }
0x2e3: {  	v55 =	vperm.xlane v41, v9;
	[tilespmem:s17+$0xFFFFFF70] =	vst v0;
	v0 =	vmul.f32 v60, v58;
	v9 =	vld [tilespmem:s6+$0xFFFFFEF0]  }
0x2e4: {  	v13 =	vimm.s32 $0x6;
	[tilespmem:s17+$0x0] =	vst v3;
	v3 =	vperm.xlane v33, v10;
	v58 =	vmul.f32 v61, v59;
	v59 =	vld [tilespmem:s6+$0xFFFFFF80]  }
0x2e5: {  	v53 =	vperm.xlane v27, v13;
	[tilespmem:s17+$0x90] =	vst v0;
	v61 =	vld [tilespmem:s6+$0x10];
	v0 =	vmul.f32 v8, v63  }
0x2e6: {  	v57 =	vperm.xlane v43, v10;
	[tilespmem:s17+$0xFFFFFDC0] =	vst v58;
	v58 =	vld [tilespmem:s6+$0xA0];
	v3 =	vmul.f32 v7, v3  }
0x2e7: {  	v60 =	vperm.xlane v35, v10;
	v4 =	vmul.f32 v50, v4;
	v7 =	vld [tilespmem:s6+$0xFFFFFDD0];
	[tilespmem:s17+$0x120] =	vst v0  }
0x2e8: {  	v50 =	vperm.xlane v39, v10;
	v0 =	vmul.f32 v9, v6;
	v9 =	vld [tilespmem:s6+$0x130];
	[tilespmem:s17+$0x1D0] =	vst v3  }
0x2e9: {  	v8 =	vperm.xlane v36, v10;
	[tilespmem:s17+$0xFFFFFE60] =	vst v4;
	v3 =	vmul.f32 v59, v56;
	v56 =	vld [tilespmem:s6+$0x1E0]  }
0x2ea: {  	v4 =	vperm.xlane v41, v10;
	v63 =	vld [tilespmem:s6+$0xFFFFFE70];
	[tilespmem:s17+$0xFFFFFEF0] =	vst v0;
	v0 =	vmul.f32 v61, v5  }
0x2eb: {  	v6 =	vperm.xlane v40, v10;
	v5 =	vld [tilespmem:s6+$0xFFFFFF00];
	[tilespmem:s17+$0xFFFFFF80] =	vst v3;
	v2 =	vmul.f32 v58, v2  }
0x2ec: {  	[tilespmem:s17+$0x10] =	vst v0;
	v0 =	vperm.xlane v33, v11;
	v3 =	vmul.f32 v7, v62;
	v7 =	vld [tilespmem:s6+$0xFFFFFF90]  }
0x2ed: {  	v59 =	vperm.xlane v43, v11;
	v62 =	vld [tilespmem:s6+$0x20];
	[tilespmem:s17+$0xA0] =	vst v2;
	v2 =	vmul.f32 v9, v55  }
0x2ee: {  	v61 =	vperm.xlane v35, v11;
	[tilespmem:s17+$0xFFFFFDD0] =	vst v3;
	v9 =	vld [tilespmem:s6+$0xB0];
	v0 =	vmul.f32 v56, v0  }
0x2ef: {  	v58 =	vperm.xlane v36, v11;
	v1 =	vmul.f32 v63, v1;
	v55 =	vld [tilespmem:s6+$0xFFFFFDE0];
	[tilespmem:s17+$0x130] =	vst v2  }
0x2f0: {  	v63 =	vperm.xlane v40, v11;
	v2 =	vmul.f32 v5, v60;
	v5 =	vld [tilespmem:s6+$0x140];
	[tilespmem:s17+$0x1E0] =	vst v0  }
0x2f1: {  	v3 =	vperm.xlane v39, v11;
	[tilespmem:s17+$0xFFFFFE70] =	vst v1;
	v1 =	vmul.f32 v7, v8;
	v7 =	vld [tilespmem:s6+$0x1F0]  }
0x2f2: {  	v60 =	vperm.xlane v41, v11;
	v8 =	vld [tilespmem:s6+$0xFFFFFE80];
	[tilespmem:s17+$0xFFFFFF00] =	vst v2;
	v50 =	vmul.f32 v62, v50  }
0x2f3: {  	v11 =	vperm.xlane v39, v14;
	v56 =	vld [tilespmem:s6+$0xFFFFFF10];
	[tilespmem:s17+$0xFFFFFF90] =	vst v1;
	v6 =	vmul.f32 v9, v6  }
0x2f4: {  	[tilespmem:s17+$0x20] =	vst v50;
	v9 =	vmul.f32 v55, v57;
	v62 =	vld [tilespmem:s6+$0xFFFFFFA0];
	v57 =	vperm.xlane v33, v14  }
0x2f5: {  	v0 =	vperm.xlane v43, v14;
	v10 =	vld [tilespmem:s6+$0x30];
	[tilespmem:s17+$0xB0] =	vst v6;
	v4 =	vmul.f32 v5, v4  }
0x2f6: {  	v2 =	vperm.xlane v35, v14;
	[tilespmem:s17+$0xFFFFFDE0] =	vst v9;
	v5 =	vld [tilespmem:s6+$0xC0];
	v7 =	vmul.f32 v7, v57  }
0x2f7: {  	v1 =	vperm.xlane v36, v14;
	v8 =	vmul.f32 v8, v51;
	v9 =	vld [tilespmem:s6+$0xFFFFFDF0];
	[tilespmem:s17+$0x140] =	vst v4  }
0x2f8: {  	v55 =	vperm.xlane v43, v12;
	v50 =	vmul.f32 v56, v61;
	v51 =	vld [tilespmem:s6+$0x150];
	[tilespmem:s17+$0x1F0] =	vst v7  }
0x2f9: {  	v6 =	vperm.xlane v40, v14;
	[tilespmem:s17+$0xFFFFFE80] =	vst v8;
	v7 =	vmul.f32 v62, v58;
	v8 =	vld [tilespmem:s6+$0x200]  }
0x2fa: {  	v57 =	vperm.xlane v35, v12;
	v61 =	vld [tilespmem:s6+$0xFFFFFE90];
	[tilespmem:s17+$0xFFFFFF10] =	vst v50;
	v3 =	vmul.f32 v10, v3  }
0x2fb: {  	v4 =	vperm.xlane v41, v14;
	v10 =	vld [tilespmem:s6+$0xFFFFFF20];
	[tilespmem:s17+$0xFFFFFFA0] =	vst v7;
	v5 =	vmul.f32 v5, v63  }
0x2fc: {  	[tilespmem:s17+$0x30] =	vst v3;
	v3 =	vperm.xlane v33, v12;
	v7 =	vmul.f32 v9, v59;
	v9 =	vld [tilespmem:s6+$0xFFFFFFB0]  }
0x2fd: {  	v56 =	vperm.xlane v39, v12;
	v62 =	vld [tilespmem:s6+$0x40];
	[tilespmem:s17+$0xC0] =	vst v5;
	v5 =	vmul.f32 v51, v60  }
0x2fe: {  	v58 =	vperm.xlane v36, v12;
	[tilespmem:s17+$0xFFFFFDF0] =	vst v7;
	v7 =	vld [tilespmem:s6+$0xD0];
	v3 =	vmul.f32 v8, v3  }
0x2ff: {  	v50 =	vperm.xlane v43, v13;
	v54 =	vmul.f32 v61, v54;
	v8 =	vld [tilespmem:s6+$0xFFFFFE00];
	[tilespmem:s17+$0x150] =	vst v5  }
0x300: {  	v63 =	vmul.f32 v49, v26;
	v2 =	vmul.f32 v10, v2;
	v10 =	vld [tilespmem:s6+$0x160];
	[tilespmem:s17+$0x200] =	vst v3  }
0x301: {  	v59 =	vperm.xlane v40, v12;
	[tilespmem:s17+$0xFFFFFE90] =	vst v54;
	v1 =	vmul.f32 v9, v1;
	v9 =	vld [tilespmem:s6+$0x210]  }
0x302: {  	s16 =	sadd.s32 $0x8, s16;
	v51 =	vperm.xlane v41, v12;
	v60 =	vperm.xlane v40, v13;
	v12 =	vld [tilespmem:s6+$0xFFFFFEA0]  }
0x303: {  	p0 =	slt.u32 s16, $0x20;
	[tilespmem:s17+$0xFFFFFF20] =	vst v2;
	v14 =	vmul.f32 v62, v11;
	v11 =	vmovc v17;
	v17 =	vmovc v19;
	v19 =	vmov v20;
	v20 =	vmov v21;
	v21 =	vld [tilespmem:$0x1FEF0]  }
.Ltmp1:
0x304: {  	v61 =	vperm.xlane v36, v13;
	v2 =	vld [tilespmem:s6+$0xFFFFFF30];
	[tilespmem:s17+$0xFFFFFFB0] =	vst v1;
	v1 =	vmul.f32 v7, v6;
	(pc) =	sbr.rel @p0 .LBB2_5-.Ltmp1, $4  }
0x305: {  	v5 =	vperm.xlane v35, v13;
	[tilespmem:s17+$0x40] =	vst v14;
	v6 =	vmul.f32 v8, v0;
	v3 =	vld [tilespmem:s6+$0xFFFFFFC0]  }
0x306: {  	v26 =	vmov v53;
	v7 =	vperm.xlane v33, v13;
	v0 =	vld [tilespmem:s6+$0x50];
	[tilespmem:s17+$0xD0] =	vst v1;
	v8 =	vmul.f32 v10, v4  }
0x307: {  	s30 =	smov.u32 s0;
	s0 =	smov.u32 s6;
	v54 =	vperm.xlane v41, v13;
	v62 =	vperm.xlane v39, v13;
	v42 =	vmovc v5;
	v13 =	vmov v15;
	[tilespmem:s17+$0xFFFFFE00] =	vst v6;
	v1 =	vld [tilespmem:s6+$0xE0]  }
0x308: {  	v15 =	vmovc v18;
	v4 =	vmul.f32 v9, v7;
	v53 =	vmul.f32 v12, v52;
	v12 =	vmov v16;
	s6 =	sadd.s32 $0x480, s6;
	v49 =	vld [tilespmem:s0+$0xFFFFFE10];
	[tilespmem:s17+$0x160] =	vst v8  }
0x309: {  	_ = 	snop  }
0x30a: {  	[tilespmem:s17+$0x210] =	vst v4  }
0x30b: {  	v2 =	vmul.f32 v2, v57;
	[tilespmem:s1+$0xFFFFFE20] =	vst v45;
	v4 =	vld [tilespmem:s0+$0x220]  }
0x30c: {  	[tilespmem:s17+$0xFFFFFEA0] =	vst v53;
	v3 =	vmul.f32 v3, v58  }
0x30d: {  	v10 =	vimm.s32 $0x7;
	[tilespmem:s17+$0xFFFFFF30] =	vst v2;
	v0 =	vmul.f32 v0, v56  }
0x30e: {  	v33 =	vperm.xlane v33, v10;
	[tilespmem:s17+$0xFFFFFFC0] =	vst v3;
	v1 =	vmul.f32 v1, v59  }
0x30f: {  	v18 =	vmul.f32 v49, v55;
	[tilespmem:s17+$0x50] =	vst v0  }
0x310: {  	[tilespmem:s17+$0xE0] =	vst v1;
	v0 =	vmul.f32 v4, v33  }
0x311: {  	[tilespmem:s17+$0xFFFFFE10] =	vst v18  }
0x312: {  	[tilespmem:s17+$0x220] =	vst v0  }
0x313: {  	v0 =	vld [tilespmem:$0x1FF40];
	_ =	sdelay $0x3  }
0x314: {  	v37 =	vmul.f32 v37, v21;
	[tilespmem:s1+$0xFFFFFEB0] =	vst v63  }
0x315: {  	[tilespmem:s1+$0xFFFFFF40] =	vst v48;
	v0 =	vmul.f32 v34, v0  }
0x316: {  	v2 =	vld [tilespmem:$0x1FF50];
	[tilespmem:s1+$0x60] =	vst v37  }
0x317: {  	[tilespmem:s1+$0xFFFFFFD0] =	vst v0  }
0x318: {  	v1 =	vld [tilespmem:$0x1FF00];
	_ =	sdelay $0x2  }
0x319: {  	v2 =	vmul.f32 v38, v2  }
0x31a: {  	v44 =	vmul.f32 v44, v22  }
0x31b: {  	[tilespmem:s1+$0xF0] =	vst v2;
	v1 =	vmul.f32 v28, v1  }
0x31c: {  	v45 =	vmul.f32 v29, v13;
	v48 =	vld [tilespmem:s0+$0x170];
	[tilespmem:s1+$0x180] =	vst v44  }
0x31d: {  	v3 =	vmul.f32 v30, v12;
	v49 =	vld [tilespmem:s0+$0xFFFFFE20];
	[tilespmem:s29+$0xFFFFFE30] =	vst v1  }
0x31e: {  	v1 =	vld [tilespmem:$0x1FF10];
	[tilespmem:s29+$0xFFFFFEC0] =	vst v45  }
0x31f: {  	v4 =	vld [tilespmem:$0x1FF20];
	[tilespmem:s29+$0xFFFFFF50] =	vst v3  }
0x320: {  	v5 =	vld [tilespmem:$0x1FF30]  }
0x321: {  	v7 =	vld [tilespmem:s0+$0xF0];
	v0 =	vmul.f32 v48, v51  }
0x322: {  	v6 =	vmul.f32 v46, v11;
	v56 =	vld [tilespmem:s30+$0xFFFFFEC0]  }
0x323: {  	v53 =	vmul.f32 v49, v50;
	[tilespmem:s17+$0x170] =	vst v0  }
0x324: {  	v3 =	vld [tilespmem:s0+$0xFFFFFEB0];
	[tilespmem:s29+$0x190] =	vst v6;
	v4 =	vmul.f32 v31, v4  }
0x325: {  	v52 =	vld [tilespmem:s0+$0xFFFFFF40];
	[tilespmem:s17+$0xFFFFFE20] =	vst v53;
	v5 =	vmul.f32 v47, v5  }
0x326: {  	v7 =	vmul.f32 v7, v60;
	[tilespmem:s29+$0x70] =	vst v4;
	v4 =	vld [tilespmem:s0+$0xFFFFFFD0]  }
0x327: {  	v0 =	vmul.f32 v56, v20;
	[tilespmem:s29+$0x100] =	vst v5;
	v5 =	vld [tilespmem:s0+$0x60]  }
0x328: {  	v6 =	vld [tilespmem:s30+$0xFFFFFE30];
	[tilespmem:s17+$0xF0] =	vst v7;
	v1 =	vmul.f32 v32, v1  }
0x329: {  	v7 =	vld [tilespmem:s30+$0x190];
	[tilespmem:s1+$0xFFFFFEC0] =	vst v0;
	v3 =	vmul.f32 v3, v26  }
0x32a: {  	v55 =	vld [tilespmem:s0+$0x180];
	[tilespmem:s29+$0xFFFFFFE0] =	vst v1;
	v1 =	vmul.f32 v52, v42  }
0x32b: {  	v57 =	vld [tilespmem:s30+$0xFFFFFFE0];
	[tilespmem:s17+$0xFFFFFEB0] =	vst v3;
	v4 =	vmul.f32 v4, v61  }
0x32c: {  	v3 =	vld [tilespmem:s30+$0xFFFFFF50];
	[tilespmem:s17+$0xFFFFFF40] =	vst v1;
	v5 =	vmul.f32 v5, v62  }
0x32d: {  	v6 =	vmul.f32 v6, v15;
	[tilespmem:s17+$0xFFFFFFD0] =	vst v4;
	v4 =	vld [tilespmem:s30+$0x70]  }
0x32e: {  	v7 =	vmul.f32 v7, v23;
	[tilespmem:s17+$0x60] =	vst v5;
	v5 =	vld [tilespmem:s30+$0x100]  }
0x32f: {  	v2 =	vmul.f32 v55, v54;
	[tilespmem:s1+$0xFFFFFE30] =	vst v6;
	v59 =	vld [tilespmem:s0+$0xFFFFFEC0]  }
0x330: {  	v1 =	vmul.f32 v57, v17;
	[tilespmem:s1+$0x190] =	vst v7;
	v60 =	vld [tilespmem:s0+$0xFFFFFF50]  }
0x331: {  	[tilespmem:s17+$0x180] =	vst v2;
	v58 =	vmul.f32 v3, v19;
	v3 =	vld [tilespmem:s0+$0xFFFFFE30]  }
0x332: {  	v8 =	vperm.xlane v27, v10;
	[tilespmem:s1+$0xFFFFFFE0] =	vst v1;
	v7 =	vld [tilespmem:s0+$0x190];
	v4 =	vmul.f32 v4, v24  }
0x333: {  	v9 =	vperm.xlane v35, v10;
	[tilespmem:s1+$0xFFFFFF50] =	vst v58;
	v61 =	vld [tilespmem:s0+$0xFFFFFFE0];
	v5 =	vmul.f32 v5, v25  }
0x334: {  	v6 =	vperm.xlane v43, v10;
	v0 =	vmul.f32 v59, v8;
	[tilespmem:s1+$0x70] =	vst v4;
	v4 =	vld [tilespmem:s0+$0x70]  }
0x335: {  	v62 =	vperm.xlane v41, v10;
	v2 =	vmul.f32 v60, v9;
	[tilespmem:s1+$0x100] =	vst v5;
	v5 =	vld [tilespmem:s0+$0x100]  }
0x336: {  	[tilespmem:s17+$0xFFFFFEC0] =	vst v0;
	v3 =	vmul.f32 v3, v6;
	v6 =	vperm.xlane v36, v10  }
0x337: {  	v8 =	vperm.xlane v39, v10;
	v0 =	vmul.f32 v7, v62;
	[tilespmem:s17+$0xFFFFFF50] =	vst v2  }
0x338: {  	[tilespmem:s17+$0xFFFFFE30] =	vst v3;
	v3 =	vperm.xlane v40, v10;
	v1 =	vmul.f32 v61, v6  }
0x339: {  	[tilespmem:s17+$0x190] =	vst v0;
	v4 =	vmul.f32 v4, v8  }
0x33a: {  	s26 =	sadd.s32 $0x1, s26;
	[tilespmem:s17+$0xFFFFFFE0] =	vst v1;
	v63 =	vmul.f32 v5, v3  }
0x33b: {  	p0 =	sne.s32 s26, $0x7D;
	[tilespmem:s17+$0x70] =	vst v4  }
.Ltmp2:
0x33c: {  	[tilespmem:s17+$0x100] =	vst v63;
	(pc) =	sbr.rel @p0 .LBB2_2-.Ltmp2, $4  }
0x33d: {  	[spmem:s2] =	stream.indirect.scatter.add.f32 [tilespmem:s22], [sflag:$0x5], $0x90, s28, s15, $0xb8;
	[tilespmem:$0x1FA20] =	vst v63  }
0x33e: {  	v22 =	vimm.s32 $0x5;
	v49 =	vimm.s32 $0x4;
	_ =	swait.ge [sflag:s13], $0x1680  }
0x33f: {  	v48 =	vimm.s32 $0x3;
	v26 =	vimm.s32 $0x6;
	v58 =	vimm.s32 $0x7;
	[sflag:s13] =	ssyncset.done $0x0  }
0x340: {  	v7 =	vimm.s32 $0x2;
	v6 =	vimm.s32 $0x1;
	v5 =	vimm.s32 $0x0;
	[sflag:s13] =	ssyncadd.s32 $0xFFFFE980  }
0x341: {  	s25 =	sadd.s32 $0x1, s25  }
0x342: {  	p0 =	sne.s32 s25, s11  }
.Ltmp3:
0x343: {  	[bflag:$0x0] =	sbarrier.arrive $0xFFFF;
	(pc) =	sbr.rel @p0 .LBB2_1-.Ltmp3, $4  }
0x344: {  	[hbm:s10], [sflag:s7] =	dma.local [spmem:s12], $0x2C70  }
0x345: {  	_ =	swait.ge [sflag:s13], $0x2C70  }
0x346: {  	[sflag:s13] =	ssyncset.done $0x0  }
0x347: {  	[sflag:s13] =	ssyncadd.s32 $0xFFFFD390  }
0x348: {  	_ =	sfence.sel $0x180000  }
0x349: {  	[bflag:$0x0] =	sbarrier.arrive $0xFFFF  }
0x34a: {  	_ =	strace $0x90000047  }
0x34b: {  	s0 =	stileid.u32;
	[bflag:$0x2] =	sbarrier.arrive $0xFFFF  }
0x34c: {  	p0 =	sne.s32 s0, $0x0;
	s0 =	rddreg [dreg:$0x2]  }
0x34d: {  	s0 =	sadd.s32 @!p0 $0x100000, s0  }
0x34e: {  	[sflag:s0] =	ssyncadd.tile.s32 @!p0 $0x1;
	_ =	shalt  }
.Lfunc_end2:
_tile_overlayer_lowered:
.L_overlay_start_2:
0x34f: {  	(tag) =	ssettag $0x2  }
0x350: {  	s0 =	rddreg [dreg:$0x0];
	s2 =	stileid.u32  }
0x351: {  	s1 =	rddreg [dreg:$0x1];
	p0 =	sne.s32 s2, $0x0  }
0x352: {  	s3 =	rddreg [dreg:$0x2];
	[bflag:$0x3] =	sbarrier.arrive $0xFFFF;
	s2 =	simm.s32 @!p0 $0x1C05  }
0x353: {  	[timem:s3], [sflag:s2] =	dma.local @!p0 [hbm:s0], s1  }
0x354: {  	s0 =	simm.s32 @!p0 $0x5  }
0x355: {  	_ =	swait.ge @!p0 [sflag:s0], s1  }
0x356: {  	s1 =	ssub.s32 @!p0 $0x0, s1;
	[sflag:s0] =	ssyncset.done @!p0 $0x0  }
0x357: {  	[sflag:s0] =	ssyncadd.s32 @!p0 s1  }
0x358: {  	[bflag:$0x3] =	sbarrier.arrive $0xFFFF  }
0x359: {  	_ =	shalt  }

</sc_bundles>
